<compile_context>
chip_gen: v7x
topology: tpu7x:2x2x1
jax: 0.10.2.dev20260603
libtpu: 0.0.44.dev20260713+nightly
codegen_flags: <defaults>
</compile_context>

<pallas_src>
import jax
import jax.numpy as jnp
import numpy as np
from jax import lax
from jax.experimental import pallas as pl
from jax.experimental.pallas import tpu as pltpu
from jax.experimental.pallas import tpu_sc as plsc

N = 10000
NP = 10112
E = 320000
E2 = E + N
NCH2 = 80
NE = 32 * NCH2 * 128
EPAD = NE - E
RPS = NP // 16
BN = 1000

_ROW_TAIL = ((np.arange(EPAD) * 61) % N).astype(np.int32)
_COL_TAIL = (N + np.arange(EPAD) % (NP - N)).astype(np.int32)
_PK_TAIL = (_ROW_TAIL | (_COL_TAIL << 16)).astype(np.int32)
_DEG_TAIL = (N + np.arange(NE - E) % (NP - N)).astype(np.int32)


def _mesh():
    return plsc.VectorSubcoreMesh(core_axis_name="c", subcore_axis_name="s")


def _fill_zeros(zbuf, width):
    for i in range(8):
        for j in range(width // 16):
            zbuf[i, pl.ds(j * 16, 16)] = jnp.zeros((16,), jnp.float32)


def _zero_rows(zbuf, acc, r0):
    def zstep(r, carry):
        pltpu.sync_copy(zbuf, acc.at[pl.ds(r0 + r * 8, 8)])
        return carry

    lax.fori_loop(0, RPS // 8, zstep, 0)


def _edge_loop(xs, pk_v, rc, buf, acc, sem):
    ba = buf.at[pl.ds(0, 128)]
    bb = buf.at[pl.ds(128, 128)]

    def unp(j, r):
        for k in range(8):
            p = pk_v[j, pl.ds(k * 16, 16)]
            rc[r, pl.ds(k * 16, 16)] = lax.bitwise_and(p, 0xFFFF)
            rc[r + 1, pl.ds(k * 16, 16)] = lax.shift_right_logical(p, 16)

    def pair(g, carry):
        j0 = 2 * g
        j1 = j0 + 1

        @pl.when(g > 0)
        def _():
            pltpu.make_async_copy(ba, acc.at[rc.at[1]], sem).wait()
            pltpu.make_async_copy(bb, acc.at[rc.at[3]], sem).wait()

        unp(j0, 0)
        pltpu.async_copy(xs.at[rc.at[0]], ba, sem)
        unp(j1, 2)
        pltpu.async_copy(xs.at[rc.at[2]], bb, sem)
        pltpu.make_async_copy(xs.at[rc.at[0]], ba, sem).wait()
        pltpu.make_async_copy(xs.at[rc.at[2]], bb, sem).wait()
        pltpu.async_copy(ba, acc.at[rc.at[1]], sem, add=True)
        pltpu.async_copy(bb, acc.at[rc.at[3]], sem, add=True)
        return carry

    lax.fori_loop(0, NCH2 // 2, pair, 0)
    pltpu.make_async_copy(ba, acc.at[rc.at[1]], sem).wait()
    pltpu.make_async_copy(bb, acc.at[rc.at[3]], sem).wait()


def _spmm_es_body(xs, pkt, out, pk_v, rc, buf, zbuf, acc, sem):
    c = lax.axis_index("c")
    s = lax.axis_index("s")
    w = s * 2 + c
    pltpu.sync_copy(pkt.at[w], pk_v)
    r0 = s * RPS
    _fill_zeros(zbuf, 128)
    _zero_rows(zbuf, acc, r0)
    plsc.subcore_barrier()
    _edge_loop(xs, pk_v, rc, buf, acc, sem)
    plsc.subcore_barrier()

    @pl.when(c == 0)
    def _():
        pltpu.sync_copy(acc.at[pl.ds(r0, RPS)], out.at[0, pl.ds(r0, RPS)])

    @pl.when(c == 1)
    def _():
        pltpu.sync_copy(acc.at[pl.ds(r0, RPS)], out.at[1, pl.ds(r0, RPS)])


_SPMM_SCRATCH = [
    pltpu.VMEM((NCH2, 128), jnp.int32),
    pltpu.VMEM((4, 128), jnp.int32),
    pltpu.VMEM((256, 128), jnp.float32),
    pltpu.VMEM((8, 128), jnp.float32),
    pltpu.VMEM_SHARED((NP, 128), jnp.float32),
    pltpu.SemaphoreType.DMA,
]

_spmm_es = pl.kernel(
    _spmm_es_body,
    out_type=jax.ShapeDtypeStruct((2, NP, 128), jnp.float32),
    mesh=_mesh(),
    scratch_types=list(_SPMM_SCRATCH),
)


def _spmm2_body(xsa, xsb, pkt, out, pk_v, rc, buf, zbuf, acc, sem):
    c = lax.axis_index("c")
    s = lax.axis_index("s")
    w = s * 2 + c
    pltpu.sync_copy(pkt.at[w], pk_v)
    r0 = s * RPS
    _fill_zeros(zbuf, 128)

    for ph, xs in ((0, xsa), (1, xsb)):
        _zero_rows(zbuf, acc, r0)
        plsc.subcore_barrier()
        _edge_loop(xs, pk_v, rc, buf, acc, sem)
        plsc.subcore_barrier()

        @pl.when(c == 0)
        def _(ph=ph):
            pltpu.sync_copy(acc.at[pl.ds(r0, RPS)],
                            out.at[ph, 0, pl.ds(r0, RPS)])

        @pl.when(c == 1)
        def _(ph=ph):
            pltpu.sync_copy(acc.at[pl.ds(r0, RPS)],
                            out.at[ph, 1, pl.ds(r0, RPS)])


_spmm2 = pl.kernel(
    _spmm2_body,
    out_type=jax.ShapeDtypeStruct((2, 2, NP, 128), jnp.float32),
    mesh=_mesh(),
    scratch_types=list(_SPMM_SCRATCH),
)


def _deg_body(ones_h, colt, out, col_v, buf, zbuf, acc, sem):
    c = lax.axis_index("c")
    s = lax.axis_index("s")
    w = s * 2 + c
    pltpu.sync_copy(colt.at[w], col_v)
    pltpu.sync_copy(ones_h, buf)
    r0 = s * RPS
    _fill_zeros(zbuf, 128)
    _zero_rows(zbuf, acc, r0)
    plsc.subcore_barrier()

    def step(j, carry):
        @pl.when(j > 1)
        def _():
            pltpu.make_async_copy(buf, acc.at[col_v.at[j]], sem).wait()

        pltpu.async_copy(buf, acc.at[col_v.at[j]], sem, add=True)
        return carry

    lax.fori_loop(0, NCH2, step, 0)
    pltpu.make_async_copy(buf, acc.at[col_v.at[0]], sem).wait()
    pltpu.make_async_copy(buf, acc.at[col_v.at[0]], sem).wait()
    plsc.subcore_barrier()

    @pl.when(c == 0)
    def _():
        pltpu.sync_copy(acc.at[pl.ds(r0, RPS)], out.at[0, pl.ds(r0, RPS)])

    @pl.when(c == 1)
    def _():
        pltpu.sync_copy(acc.at[pl.ds(r0, RPS)], out.at[1, pl.ds(r0, RPS)])


_deg_call = pl.kernel(
    _deg_body,
    out_type=jax.ShapeDtypeStruct((2, NP, 128), jnp.float32),
    mesh=_mesh(),
    scratch_types=[
        pltpu.VMEM((NCH2, 128), jnp.int32),
        pltpu.VMEM((128, 128), jnp.float32),
        pltpu.VMEM((8, 128), jnp.float32),
        pltpu.VMEM_SHARED((NP, 128), jnp.float32),
        pltpu.SemaphoreType.DMA,
    ],
)


def _dinv_of(h_ref):
    deg = h_ref[0, :, 0:1] + h_ref[1, :, 0:1] + 1.0
    return lax.rsqrt(deg)


def _tc0_body(ones_ref):
    ones_ref[...] = jnp.ones((128, 128), jnp.float32)


_tc0 = pl.pallas_call(
    _tc0_body,
    grid=(1,),
    in_specs=[],
    out_specs=[pl.BlockSpec((128, 128), lambda i: (0, 0))],
    out_shape=[jax.ShapeDtypeStruct((128, 128), jnp.float32)],
)


def _tc1_body(h_ref, x_ref, w1_ref, xsa_ref, xsb_ref):
    dinv = _dinv_of(h_ref)
    xw = jnp.dot(x_ref[...], w1_ref[...], preferred_element_type=jnp.float32)
    xs = xw * dinv
    xsa_ref[...] = xs[:, :128]
    xsb_ref[...] = xs[:, 128:]


def _psum(acc_ref):
    return acc_ref[0] + acc_ref[1]


_tc1 = pl.pallas_call(
    _tc1_body,
    grid=(N // BN,),
    in_specs=[
        pl.BlockSpec((2, BN, 128), lambda i: (0, i, 0)),
        pl.BlockSpec((BN, 128), lambda i: (i, 0)),
        pl.BlockSpec((128, 256), lambda i: (0, 0)),
    ],
    out_specs=[pl.BlockSpec((BN, 128), lambda i: (i, 0))] * 2,
    out_shape=[jax.ShapeDtypeStruct((N, 128), jnp.float32)] * 2,
)


def _tc2_body(h_ref, acc1_ref, xsa_ref, xsb_ref, b1_ref, w2_ref, xs2_ref):
    dinv = _dinv_of(h_ref)
    accsum = jnp.concatenate(
        [acc1_ref[0, 0] + acc1_ref[0, 1] + xsa_ref[...],
         acc1_ref[1, 0] + acc1_ref[1, 1] + xsb_ref[...]], axis=1)
    out1 = accsum * dinv + b1_ref[...]
    xr = jnp.maximum(out1, 0.0)
    xs2_ref[...] = jnp.dot(xr, w2_ref[...],
                           preferred_element_type=jnp.float32) * dinv


_tc2 = pl.pallas_call(
    _tc2_body,
    grid=(N // BN,),
    in_specs=[
        pl.BlockSpec((2, BN, 128), lambda i: (0, i, 0)),
        pl.BlockSpec((2, 2, BN, 128), lambda i: (0, 0, i, 0)),
        pl.BlockSpec((BN, 128), lambda i: (i, 0)),
        pl.BlockSpec((BN, 128), lambda i: (i, 0)),
        pl.BlockSpec((1, 256), lambda i: (0, 0)),
        pl.BlockSpec((256, 128), lambda i: (0, 0)),
    ],
    out_specs=[pl.BlockSpec((BN, 128), lambda i: (i, 0))],
    out_shape=[jax.ShapeDtypeStruct((N, 128), jnp.float32)],
)


def _tc3_body(h_ref, acc_ref, xs2_ref, b2_ref, ew1_ref, eb1_ref, ew2_ref,
              eb2_ref, eps_ref, x2_ref, mu_ref, lv_ref, rx_ref):
    dinv = _dinv_of(h_ref)
    x2 = (_psum(acc_ref) + xs2_ref[...]) * dinv + b2_ref[...]
    t = jnp.maximum(
        jnp.dot(x2, ew1_ref[...], preferred_element_type=jnp.float32) + eb1_ref[...],
        0.0)
    hh = jnp.dot(t, ew2_ref[...], preferred_element_type=jnp.float32) + eb2_ref[...]
    mu = hh[:, :128]
    lv = hh[:, 128:]
    x2_ref[...] = x2
    mu_ref[...] = mu
    lv_ref[...] = lv
    rx_ref[...] = mu + eps_ref[...] * jnp.exp(lv * 0.5)


_tc3 = pl.pallas_call(
    _tc3_body,
    grid=(N // BN,),
    in_specs=[
        pl.BlockSpec((2, BN, 128), lambda i: (0, i, 0)),
        pl.BlockSpec((2, BN, 128), lambda i: (0, i, 0)),
        pl.BlockSpec((BN, 128), lambda i: (i, 0)),
        pl.BlockSpec((1, 128), lambda i: (0, 0)),
        pl.BlockSpec((128, 32), lambda i: (0, 0)),
        pl.BlockSpec((1, 32), lambda i: (0, 0)),
        pl.BlockSpec((32, 256), lambda i: (0, 0)),
        pl.BlockSpec((1, 256), lambda i: (0, 0)),
        pl.BlockSpec((BN, 128), lambda i: (i, 0)),
    ],
    out_specs=[pl.BlockSpec((BN, 128), lambda i: (i, 0))] * 4,
    out_shape=[jax.ShapeDtypeStruct((N, 128), jnp.float32)] * 4,
)


def kernel(x, W1, b1, e1w1, e1b1, e1w2, e1b2, W2, b2, e2w1, e2b1, e2w2, e2b2,
           edge_index):
    ei0 = edge_index[0].astype(jnp.int32)
    ei1 = edge_index[1].astype(jnp.int32)

    pkt2 = jnp.concatenate([ei0 | (ei1 << 16), _PK_TAIL]).reshape(
        32, NCH2, 128)

    degcol = jnp.concatenate([ei0, _DEG_TAIL]).reshape(32, NCH2, 128)

    eps = jax.random.normal(jax.random.fold_in(jax.random.key(1), 2), (N, 128),
                            jnp.float32)

    (ones_t,) = _tc0()
    dhist = _deg_call(ones_t, degcol)
    xsa, xsb = _tc1(dhist, x, W1)
    acc1 = _spmm2(xsa, xsb, pkt2)
    (xs2,) = _tc2(dhist, acc1, xsa, xsb, b1.reshape(1, 256), W2)
    acc2 = _spmm_es(xs2, pkt2)
    x2, mu, logvar, rx2 = _tc3(dhist, acc2, xs2, b2.reshape(1, 128), e2w1,
                               e2b1.reshape(1, 32), e2w2, e2b2.reshape(1, 256),
                               eps)
    return (x2, mu, logvar, rx2)

# --- scband reference (transcript-rebuilt; emitter-appended) ---
"""Pipeline reference for scband-gcn-3513283248288 (READ-ONLY COPY).

The authoritative reference and input builder live on the scoring server;
editing this copy changes nothing except your own understanding.
"""

import jax, jax.numpy as jnp
import numpy as np

N = 10000
E = 320000
IN_CH = 128
HID2 = 256  # 2 * hidden_channels (conv1 output)
OUT_CH = 128


def _compute_norm(edge_index, n):
    # add self-loops with fill_value=1 (GCN norm), then symmetric normalization
    loop = jnp.arange(n, dtype=edge_index.dtype)
    row = jnp.concatenate([edge_index[0], loop])
    col = jnp.concatenate([edge_index[1], loop])
    ew = jnp.ones(row.shape[0], dtype=jnp.float32)
    deg = jax.ops.segment_sum(ew, row, num_segments=n)
    dinv = jnp.where(deg > 0, jnp.power(deg, -0.5), 0.0)
    norm = dinv[row] * ew * dinv[col]
    return row, col, norm


def _gcn_conv(x, row, col, norm, n, W, b, ew1, eb1, ew2, eb2, key):
    x = x @ W
    msgs = norm[:, None] * jnp.take(x, row, axis=0)
    out = jax.ops.segment_sum(msgs, col, num_segments=n) + b
    h = jnp.maximum(out @ ew1 + eb1, 0.0) @ ew2 + eb2
    mu, logvar = jnp.split(h, 2, axis=1)
    eps = jax.random.normal(key, mu.shape, mu.dtype)
    recon = mu + eps * jnp.exp(logvar / 2.0)
    return out, mu, logvar, recon


def setup_inputs(seed: int = 0):
    key = jax.random.key(seed)
    ks = jax.random.split(key, 12)

    def glorot(k, fan_in, fan_out):
        s = float(np.sqrt(6.0 / (fan_in + fan_out)))
        return jax.random.uniform(k, (fan_in, fan_out), jnp.float32, -s, s)

    x = jax.random.normal(ks[0], (N, IN_CH), jnp.float32)
    edge_index = jax.random.randint(ks[1], (2, E), 0, N, jnp.int32)

    # conv1: GCNConv(128 -> 256)
    W1 = glorot(ks[2], IN_CH, HID2)
    b1 = jnp.zeros((HID2,), jnp.float32)
    e1w1 = glorot(ks[3], HID2, 32)
    e1b1 = jnp.zeros((32,), jnp.float32)
    e1w2 = glorot(ks[4], 32, 2 * HID2)
    e1b2 = jnp.zeros((2 * HID2,), jnp.float32)

    # conv2: GCNConv(256 -> 128)
    W2 = glorot(ks[5], HID2, OUT_CH)
    b2 = jnp.zeros((OUT_CH,), jnp.float32)
    e2w1 = glorot(ks[6], OUT_CH, 32)
    e2b1 = jnp.zeros((32,), jnp.float32)
    e2w2 = glorot(ks[7], 32, 2 * OUT_CH)
    e2b2 = jnp.zeros((2 * OUT_CH,), jnp.float32)

    return {
        'x': x,
        'W1': W1, 'b1': b1, 'e1w1': e1w1, 'e1b1': e1b1, 'e1w2': e1w2, 'e1b2': e1b2,
        'W2': W2, 'b2': b2, 'e2w1': e2w1, 'e2b1': e2b1, 'e2w2': e2w2, 'e2b2': e2b2,
        'edge_index': edge_index,
    }


def reference(x, W1, b1, e1w1, e1b1, e1w2, e1b2, W2, b2, e2w1, e2b1, e2w2, e2b2, edge_index):
    n = x.shape[0]
    row, col, norm = _compute_norm(edge_index, n)
    kbase = jax.random.key(1)
    # eval mode: dropout is identity
    out1, mu1, lv1, recon1 = _gcn_conv(x, row, col, norm, n, W1, b1, e1w1, e1b1, e1w2, e1b2, jax.random.fold_in(kbase, 0))
    xr = jnp.maximum(out1, 0.0)
    rr = jnp.maximum(recon1, 0.0)
    x1, mu_a, lv_a, rx1 = _gcn_conv(rr, row, col, norm, n, W2, b2, e2w1, e2b1, e2w2, e2b2, jax.random.fold_in(kbase, 1))
    x2, mu, logvar, rx2 = _gcn_conv(xr, row, col, norm, n, W2, b2, e2w1, e2b1, e2w2, e2b2, jax.random.fold_in(kbase, 2))
    out = 0.95 * x2 + 0.05 * x1  # computed in torch but not returned
    return (x2, mu, logvar, rx2)

if __name__ == "__main__":
    import jax
    _d = setup_inputs()
    print(jax.jit(kernel)(*tuple(_d.values())))

</pallas_src>

<mosaic_0001>
#map = affine_map<(d0, d1) -> (0, 0)>
#map1 = affine_map<(d0, d1) -> (0, 0, 0)>
module attributes {stable_mosaic.version = 14 : i64} {
  func.func @_deg_body(%arg0: i32, %arg1: i32, %arg2: memref<128x128xf32, #tpu.memory_space<hbm>>, %arg3: memref<32x80x128xi32, #tpu.memory_space<hbm>>, %arg4: memref<2x10112x128xf32, #tpu.memory_space<hbm>>, %arg5: memref<80x128xi32, #tpu.memory_space<vmem>>, %arg6: memref<128x128xf32, #tpu.memory_space<vmem>>, %arg7: memref<8x128xf32, #tpu.memory_space<vmem>>, %arg8: memref<10112x128xf32, #tpu.memory_space<vmem_shared>>, %arg9: memref<!tpu.dma_semaphore, #tpu.memory_space<semaphore_mem>>) attributes {dimension_semantics = [#tpu.dimension_semantics<core_parallel>, #tpu.dimension_semantics<subcore_parallel>], iteration_bounds = array<i64: 2, 16>, scalar_prefetch = 0 : i64, scratch_operands = 5 : i64, tpu.core_type = #tpu.core_type<sc_vector_subcore>, window_params = [{transform_indices = #map}, {transform_indices = #map1}, {transform_indices = #map1}]} {
    %mul3A = arith.constant 2 : i32
    %mul3A_0 = arith.muli %arg1, %mul3A : i32
    %add3A = arith.addi %mul3A_0, %arg0 : i32
    "tpu.region"() ({
      %run_scoped3A = tpu.sem_alloc : memref<!tpu.dma_semaphore, #tpu.memory_space<semaphore_mem>>
      %dma_start3A = arith.constant 0 : i32
      %dma_start3A_545 = arith.constant 0 : i32
      %dma_start3A_546 = tpu.memref_slice %arg3[%add3A, %dma_start3A, %dma_start3A_545] : memref<32x80x128xi32, #tpu.memory_space<hbm>> -> memref<1x80x128xi32, #tpu.memory_space<hbm>>
      %dma_start3A_547 = tpu.memref_squeeze %dma_start3A_546 : memref<1x80x128xi32, #tpu.memory_space<hbm>> -> memref<80x128xi32, #tpu.memory_space<hbm>>
      %dma_start3A_548 = arith.constant 0 : i32
      %dma_start3A_549 = arith.constant 0 : i32
      %dma_start3A_550 = tpu.memref_slice %arg3[%add3A, %dma_start3A_548, %dma_start3A_549] : memref<32x80x128xi32, #tpu.memory_space<hbm>> -> memref<1x80x128xi32, #tpu.memory_space<hbm>>
      %dma_start3A_551 = tpu.memref_squeeze %dma_start3A_550 : memref<1x80x128xi32, #tpu.memory_space<hbm>> -> memref<80x128xi32, #tpu.memory_space<hbm>>
      tpu.enqueue_dma source(%dma_start3A_551 : memref<80x128xi32, #tpu.memory_space<hbm>>) target(%arg5 : memref<80x128xi32, #tpu.memory_space<vmem>>) target_semaphore(%run_scoped3A : memref<!tpu.dma_semaphore, #tpu.memory_space<semaphore_mem>>)
      %dma_wait3A_552 = arith.constant 0 : i32
      %dma_wait3A_553 = arith.constant 0 : i32
      %dma_wait3A_554 = tpu.memref_slice %arg3[%add3A, %dma_wait3A_552, %dma_wait3A_553] : memref<32x80x128xi32, #tpu.memory_space<hbm>> -> memref<1x80x128xi32, #tpu.memory_space<hbm>>
      %dma_wait3A_555 = tpu.memref_squeeze %dma_wait3A_554 : memref<1x80x128xi32, #tpu.memory_space<hbm>> -> memref<80x128xi32, #tpu.memory_space<hbm>>
      %dma_wait3A_556 = arith.constant 0 : i32
      %dma_wait3A_557 = arith.constant 0 : i32
      %dma_wait3A_558 = tpu.memref_slice %arg3[%add3A, %dma_wait3A_556, %dma_wait3A_557] : memref<32x80x128xi32, #tpu.memory_space<hbm>> -> memref<1x80x128xi32, #tpu.memory_space<hbm>>
      %dma_wait3A_559 = tpu.memref_squeeze %dma_wait3A_558 : memref<1x80x128xi32, #tpu.memory_space<hbm>> -> memref<80x128xi32, #tpu.memory_space<hbm>>
      tpu.wait_dma2 semaphore(%run_scoped3A : memref<!tpu.dma_semaphore, #tpu.memory_space<semaphore_mem>>) src(%dma_wait3A_559 : memref<80x128xi32, #tpu.memory_space<hbm>>) dst(%arg5 : memref<80x128xi32, #tpu.memory_space<vmem>>)
      tpu.yield
    }) : () -> ()
    "tpu.region"() ({
      %run_scoped3A = tpu.sem_alloc : memref<!tpu.dma_semaphore, #tpu.memory_space<semaphore_mem>>
      tpu.enqueue_dma source(%arg2 : memref<128x128xf32, #tpu.memory_space<hbm>>) target(%arg6 : memref<128x128xf32, #tpu.memory_space<vmem>>) target_semaphore(%run_scoped3A : memref<!tpu.dma_semaphore, #tpu.memory_space<semaphore_mem>>)
      tpu.wait_dma2 semaphore(%run_scoped3A : memref<!tpu.dma_semaphore, #tpu.memory_space<semaphore_mem>>) src(%arg2 : memref<128x128xf32, #tpu.memory_space<hbm>>) dst(%arg6 : memref<128x128xf32, #tpu.memory_space<vmem>>)
      tpu.yield
    }) : () -> ()
    %mul3A_1 = arith.constant 632 : i32
    %mul3A_2 = arith.muli %arg1, %mul3A_1 : i32
    %broadcast_in_dim3A = arith.constant 0.000000e+00 : f32
    %broadcast_in_dim3A_3 = vector.broadcast %broadcast_in_dim3A : f32 to vector<16xf32>
    %swap3A = arith.constant 0 : i32
    %swap3A_4 = arith.index_cast %swap3A : i32 to index
    %swap3A_5 = arith.constant 0 : index
    %swap3A_6 = tpu.vector_load %arg7[%swap3A_4, %swap3A_5] {strides = array<i32>} : memref<8x128xf32, #tpu.memory_space<vmem>>, vector<1x16xf32>,
    %swap3A_7 = vector.shape_cast %swap3A_6 : vector<1x16xf32> to vector<16xf32>
    %swap3A_8 = vector.shape_cast %broadcast_in_dim3A_3 : vector<16xf32> to vector<1x16xf32>
    tpu.vector_store %arg7[%swap3A_4, %swap3A_5], %swap3A_8 {strides = array<i32>} : memref<8x128xf32, #tpu.memory_space<vmem>>, vector<1x16xf32>,
    %broadcast_in_dim3A_9 = arith.constant 0.000000e+00 : f32
    %broadcast_in_dim3A_10 = vector.broadcast %broadcast_in_dim3A_9 : f32 to vector<16xf32>
    %swap3A_11 = arith.constant 0 : i32
    %swap3A_12 = arith.index_cast %swap3A_11 : i32 to index
    %swap3A_13 = arith.constant 16 : index
    %swap3A_14 = tpu.vector_load %arg7[%swap3A_12, %swap3A_13] {strides = array<i32>} : memref<8x128xf32, #tpu.memory_space<vmem>>, vector<1x16xf32>,
    %swap3A_15 = vector.shape_cast %swap3A_14 : vector<1x16xf32> to vector<16xf32>
    %swap3A_16 = vector.shape_cast %broadcast_in_dim3A_10 : vector<16xf32> to vector<1x16xf32>
    tpu.vector_store %arg7[%swap3A_12, %swap3A_13], %swap3A_16 {strides = array<i32>} : memref<8x128xf32, #tpu.memory_space<vmem>>, vector<1x16xf32>,
    %broadcast_in_dim3A_17 = arith.constant 0.000000e+00 : f32
    %broadcast_in_dim3A_18 = vector.broadcast %broadcast_in_dim3A_17 : f32 to vector<16xf32>
    %swap3A_19 = arith.constant 0 : i32
    %swap3A_20 = arith.index_cast %swap3A_19 : i32 to index
    %swap3A_21 = arith.constant 32 : index
    %swap3A_22 = tpu.vector_load %arg7[%swap3A_20, %swap3A_21] {strides = array<i32>} : memref<8x128xf32, #tpu.memory_space<vmem>>, vector<1x16xf32>,
    %swap3A_23 = vector.shape_cast %swap3A_22 : vector<1x16xf32> to vector<16xf32>
    %swap3A_24 = vector.shape_cast %broadcast_in_dim3A_18 : vector<16xf32> to vector<1x16xf32>
    tpu.vector_store %arg7[%swap3A_20, %swap3A_21], %swap3A_24 {strides = array<i32>} : memref<8x128xf32, #tpu.memory_space<vmem>>, vector<1x16xf32>,
    %broadcast_in_dim3A_25 = arith.constant 0.000000e+00 : f32
    %broadcast_in_dim3A_26 = vector.broadcast %broadcast_in_dim3A_25 : f32 to vector<16xf32>
    %swap3A_27 = arith.constant 0 : i32
    %swap3A_28 = arith.index_cast %swap3A_27 : i32 to index
    %swap3A_29 = arith.constant 48 : index
    %swap3A_30 = tpu.vector_load %arg7[%swap3A_28, %swap3A_29] {strides = array<i32>} : memref<8x128xf32, #tpu.memory_space<vmem>>, vector<1x16xf32>,
    %swap3A_31 = vector.shape_cast %swap3A_30 : vector<1x16xf32> to vector<16xf32>
    %swap3A_32 = vector.shape_cast %broadcast_in_dim3A_26 : vector<16xf32> to vector<1x16xf32>
    tpu.vector_store %arg7[%swap3A_28, %swap3A_29], %swap3A_32 {strides = array<i32>} : memref<8x128xf32, #tpu.memory_space<vmem>>, vector<1x16xf32>,
    %broadcast_in_dim3A_33 = arith.constant 0.000000e+00 : f32
    %broadcast_in_dim3A_34 = vector.broadcast %broadcast_in_dim3A_33 : f32 to vector<16xf32>
    %swap3A_35 = arith.constant 0 : i32
    %swap3A_36 = arith.index_cast %swap3A_35 : i32 to index
    %swap3A_37 = arith.constant 64 : index
    %swap3A_38 = tpu.vector_load %arg7[%swap3A_36, %swap3A_37] {strides = array<i32>} : memref<8x128xf32, #tpu.memory_space<vmem>>, vector<1x16xf32>,
    %swap3A_39 = vector.shape_cast %swap3A_38 : vector<1x16xf32> to vector<16xf32>
    %swap3A_40 = vector.shape_cast %broadcast_in_dim3A_34 : vector<16xf32> to vector<1x16xf32>
    tpu.vector_store %arg7[%swap3A_36, %swap3A_37], %swap3A_40 {strides = array<i32>} : memref<8x128xf32, #tpu.memory_space<vmem>>, vector<1x16xf32>,
    %broadcast_in_dim3A_41 = arith.constant 0.000000e+00 : f32
    %broadcast_in_dim3A_42 = vector.broadcast %broadcast_in_dim3A_41 : f32 to vector<16xf32>
    %swap3A_43 = arith.constant 0 : i32
    %swap3A_44 = arith.index_cast %swap3A_43 : i32 to index
    %swap3A_45 = arith.constant 80 : index
    %swap3A_46 = tpu.vector_load %arg7[%swap3A_44, %swap3A_45] {strides = array<i32>} : memref<8x128xf32, #tpu.memory_space<vmem>>, vector<1x16xf32>,
    %swap3A_47 = vector.shape_cast %swap3A_46 : vector<1x16xf32> to vector<16xf32>
    %swap3A_48 = vector.shape_cast %broadcast_in_dim3A_42 : vector<16xf32> to vector<1x16xf32>
    tpu.vector_store %arg7[%swap3A_44, %swap3A_45], %swap3A_48 {strides = array<i32>} : memref<8x128xf32, #tpu.memory_space<vmem>>, vector<1x16xf32>,
    %broadcast_in_dim3A_49 = arith.constant 0.000000e+00 : f32
    %broadcast_in_dim3A_50 = vector.broadcast %broadcast_in_dim3A_49 : f32 to vector<16xf32>
    %swap3A_51 = arith.constant 0 : i32
    %swap3A_52 = arith.index_cast %swap3A_51 : i32 to index
    %swap3A_53 = arith.constant 96 : index
    %swap3A_54 = tpu.vector_load %arg7[%swap3A_52, %swap3A_53] {strides = array<i32>} : memref<8x128xf32, #tpu.memory_space<vmem>>, vector<1x16xf32>,
    %swap3A_55 = vector.shape_cast %swap3A_54 : vector<1x16xf32> to vector<16xf32>
    %swap3A_56 = vector.shape_cast %broadcast_in_dim3A_50 : vector<16xf32> to vector<1x16xf32>
    tpu.vector_store %arg7[%swap3A_52, %swap3A_53], %swap3A_56 {strides = array<i32>} : memref<8x128xf32, #tpu.memory_space<vmem>>, vector<1x16xf32>,
    %broadcast_in_dim3A_57 = arith.constant 0.000000e+00 : f32
    %broadcast_in_dim3A_58 = vector.broadcast %broadcast_in_dim3A_57 : f32 to vector<16xf32>
    %swap3A_59 = arith.constant 0 : i32
    %swap3A_60 = arith.index_cast %swap3A_59 : i32 to index
    %swap3A_61 = arith.constant 112 : index
    %swap3A_62 = tpu.vector_load %arg7[%swap3A_60, %swap3A_61] {strides = array<i32>} : memref<8x128xf32, #tpu.memory_space<vmem>>, vector<1x16xf32>,
    %swap3A_63 = vector.shape_cast %swap3A_62 : vector<1x16xf32> to vector<16xf32>
    %swap3A_64 = vector.shape_cast %broadcast_in_dim3A_58 : vector<16xf32> to vector<1x16xf32>
    tpu.vector_store %arg7[%swap3A_60, %swap3A_61], %swap3A_64 {strides = array<i32>} : memref<8x128xf32, #tpu.memory_space<vmem>>, vector<1x16xf32>,
    %broadcast_in_dim3A_65 = arith.constant 0.000000e+00 : f32
    %broadcast_in_dim3A_66 = vector.broadcast %broadcast_in_dim3A_65 : f32 to vector<16xf32>
    %swap3A_67 = arith.constant 1 : i32
    %swap3A_68 = arith.index_cast %swap3A_67 : i32 to index
    %swap3A_69 = arith.constant 0 : index
    %swap3A_70 = tpu.vector_load %arg7[%swap3A_68, %swap3A_69] {strides = array<i32>} : memref<8x128xf32, #tpu.memory_space<vmem>>, vector<1x16xf32>,
    %swap3A_71 = vector.shape_cast %swap3A_70 : vector<1x16xf32> to vector<16xf32>
    %swap3A_72 = vector.shape_cast %broadcast_in_dim3A_66 : vector<16xf32> to vector<1x16xf32>
    tpu.vector_store %arg7[%swap3A_68, %swap3A_69], %swap3A_72 {strides = array<i32>} : memref<8x128xf32, #tpu.memory_space<vmem>>, vector<1x16xf32>,
    %broadcast_in_dim3A_73 = arith.constant 0.000000e+00 : f32
    %broadcast_in_dim3A_74 = vector.broadcast %broadcast_in_dim3A_73 : f32 to vector<16xf32>
    %swap3A_75 = arith.constant 1 : i32
    %swap3A_76 = arith.index_cast %swap3A_75 : i32 to index
    %swap3A_77 = arith.constant 16 : index
    %swap3A_78 = tpu.vector_load %arg7[%swap3A_76, %swap3A_77] {strides = array<i32>} : memref<8x128xf32, #tpu.memory_space<vmem>>, vector<1x16xf32>,
    %swap3A_79 = vector.shape_cast %swap3A_78 : vector<1x16xf32> to vector<16xf32>
    %swap3A_80 = vector.shape_cast %broadcast_in_dim3A_74 : vector<16xf32> to vector<1x16xf32>
    tpu.vector_store %arg7[%swap3A_76, %swap3A_77], %swap3A_80 {strides = array<i32>} : memref<8x128xf32, #tpu.memory_space<vmem>>, vector<1x16xf32>,
    %broadcast_in_dim3A_81 = arith.constant 0.000000e+00 : f32
    %broadcast_in_dim3A_82 = vector.broadcast %broadcast_in_dim3A_81 : f32 to vector<16xf32>
    %swap3A_83 = arith.constant 1 : i32
    %swap3A_84 = arith.index_cast %swap3A_83 : i32 to index
    %swap3A_85 = arith.constant 32 : index
    %swap3A_86 = tpu.vector_load %arg7[%swap3A_84, %swap3A_85] {strides = array<i32>} : memref<8x128xf32, #tpu.memory_space<vmem>>, vector<1x16xf32>,
    %swap3A_87 = vector.shape_cast %swap3A_86 : vector<1x16xf32> to vector<16xf32>
    %swap3A_88 = vector.shape_cast %broadcast_in_dim3A_82 : vector<16xf32> to vector<1x16xf32>
    tpu.vector_store %arg7[%swap3A_84, %swap3A_85], %swap3A_88 {strides = array<i32>} : memref<8x128xf32, #tpu.memory_space<vmem>>, vector<1x16xf32>,
    %broadcast_in_dim3A_89 = arith.constant 0.000000e+00 : f32
    %broadcast_in_dim3A_90 = vector.broadcast %broadcast_in_dim3A_89 : f32 to vector<16xf32>
    %swap3A_91 = arith.constant 1 : i32
    %swap3A_92 = arith.index_cast %swap3A_91 : i32 to index
    %swap3A_93 = arith.constant 48 : index
    %swap3A_94 = tpu.vector_load %arg7[%swap3A_92, %swap3A_93] {strides = array<i32>} : memref<8x128xf32, #tpu.memory_space<vmem>>, vector<1x16xf32>,
    %swap3A_95 = vector.shape_cast %swap3A_94 : vector<1x16xf32> to vector<16xf32>
    %swap3A_96 = vector.shape_cast %broadcast_in_dim3A_90 : vector<16xf32> to vector<1x16xf32>
    tpu.vector_store %arg7[%swap3A_92, %swap3A_93], %swap3A_96 {strides = array<i32>} : memref<8x128xf32, #tpu.memory_space<vmem>>, vector<1x16xf32>,
    %broadcast_in_dim3A_97 = arith.constant 0.000000e+00 : f32
    %broadcast_in_dim3A_98 = vector.broadcast %broadcast_in_dim3A_97 : f32 to vector<16xf32>
    %swap3A_99 = arith.constant 1 : i32
    %swap3A_100 = arith.index_cast %swap3A_99 : i32 to index
    %swap3A_101 = arith.constant 64 : index
    %swap3A_102 = tpu.vector_load %arg7[%swap3A_100, %swap3A_101] {strides = array<i32>} : memref<8x128xf32, #tpu.memory_space<vmem>>, vector<1x16xf32>,
    %swap3A_103 = vector.shape_cast %swap3A_102 : vector<1x16xf32> to vector<16xf32>
    %swap3A_104 = vector.shape_cast %broadcast_in_dim3A_98 : vector<16xf32> to vector<1x16xf32>
    tpu.vector_store %arg7[%swap3A_100, %swap3A_101], %swap3A_104 {strides = array<i32>} : memref<8x128xf32, #tpu.memory_space<vmem>>, vector<1x16xf32>,
    %broadcast_in_dim3A_105 = arith.constant 0.000000e+00 : f32
    %broadcast_in_dim3A_106 = vector.broadcast %broadcast_in_dim3A_105 : f32 to vector<16xf32>
    %swap3A_107 = arith.constant 1 : i32
    %swap3A_108 = arith.index_cast %swap3A_107 : i32 to index
    %swap3A_109 = arith.constant 80 : index
    %swap3A_110 = tpu.vector_load %arg7[%swap3A_108, %swap3A_109] {strides = array<i32>} : memref<8x128xf32, #tpu.memory_space<vmem>>, vector<1x16xf32>,
    %swap3A_111 = vector.shape_cast %swap3A_110 : vector<1x16xf32> to vector<16xf32>
    %swap3A_112 = vector.shape_cast %broadcast_in_dim3A_106 : vector<16xf32> to vector<1x16xf32>
    tpu.vector_store %arg7[%swap3A_108, %swap3A_109], %swap3A_112 {strides = array<i32>} : memref<8x128xf32, #tpu.memory_space<vmem>>, vector<1x16xf32>,
    %broadcast_in_dim3A_113 = arith.constant 0.000000e+00 : f32
    %broadcast_in_dim3A_114 = vector.broadcast %broadcast_in_dim3A_113 : f32 to vector<16xf32>
    %swap3A_115 = arith.constant 1 : i32
    %swap3A_116 = arith.index_cast %swap3A_115 : i32 to index
    %swap3A_117 = arith.constant 96 : index
    %swap3A_118 = tpu.vector_load %arg7[%swap3A_116, %swap3A_117] {strides = array<i32>} : memref<8x128xf32, #tpu.memory_space<vmem>>, vector<1x16xf32>,
    %swap3A_119 = vector.shape_cast %swap3A_118 : vector<1x16xf32> to vector<16xf32>
    %swap3A_120 = vector.shape_cast %broadcast_in_dim3A_114 : vector<16xf32> to vector<1x16xf32>
    tpu.vector_store %arg7[%swap3A_116, %swap3A_117], %swap3A_120 {strides = array<i32>} : memref<8x128xf32, #tpu.memory_space<vmem>>, vector<1x16xf32>,
    %broadcast_in_dim3A_121 = arith.constant 0.000000e+00 : f32
    %broadcast_in_dim3A_122 = vector.broadcast %broadcast_in_dim3A_121 : f32 to vector<16xf32>
    %swap3A_123 = arith.constant 1 : i32
    %swap3A_124 = arith.index_cast %swap3A_123 : i32 to index
    %swap3A_125 = arith.constant 112 : index
    %swap3A_126 = tpu.vector_load %arg7[%swap3A_124, %swap3A_125] {strides = array<i32>} : memref<8x128xf32, #tpu.memory_space<vmem>>, vector<1x16xf32>,
    %swap3A_127 = vector.shape_cast %swap3A_126 : vector<1x16xf32> to vector<16xf32>
    %swap3A_128 = vector.shape_cast %broadcast_in_dim3A_122 : vector<16xf32> to vector<1x16xf32>
    tpu.vector_store %arg7[%swap3A_124, %swap3A_125], %swap3A_128 {strides = array<i32>} : memref<8x128xf32, #tpu.memory_space<vmem>>, vector<1x16xf32>,
    %broadcast_in_dim3A_129 = arith.constant 0.000000e+00 : f32
    %broadcast_in_dim3A_130 = vector.broadcast %broadcast_in_dim3A_129 : f32 to vector<16xf32>
    %swap3A_131 = arith.constant 2 : i32
    %swap3A_132 = arith.index_cast %swap3A_131 : i32 to index
    %swap3A_133 = arith.constant 0 : index
    %swap3A_134 = tpu.vector_load %arg7[%swap3A_132, %swap3A_133] {strides = array<i32>} : memref<8x128xf32, #tpu.memory_space<vmem>>, vector<1x16xf32>,
    %swap3A_135 = vector.shape_cast %swap3A_134 : vector<1x16xf32> to vector<16xf32>
    %swap3A_136 = vector.shape_cast %broadcast_in_dim3A_130 : vector<16xf32> to vector<1x16xf32>
    tpu.vector_store %arg7[%swap3A_132, %swap3A_133], %swap3A_136 {strides = array<i32>} : memref<8x128xf32, #tpu.memory_space<vmem>>, vector<1x16xf32>,
    %broadcast_in_dim3A_137 = arith.constant 0.000000e+00 : f32
    %broadcast_in_dim3A_138 = vector.broadcast %broadcast_in_dim3A_137 : f32 to vector<16xf32>
    %swap3A_139 = arith.constant 2 : i32
    %swap3A_140 = arith.index_cast %swap3A_139 : i32 to index
    %swap3A_141 = arith.constant 16 : index
    %swap3A_142 = tpu.vector_load %arg7[%swap3A_140, %swap3A_141] {strides = array<i32>} : memref<8x128xf32, #tpu.memory_space<vmem>>, vector<1x16xf32>,
    %swap3A_143 = vector.shape_cast %swap3A_142 : vector<1x16xf32> to vector<16xf32>
    %swap3A_144 = vector.shape_cast %broadcast_in_dim3A_138 : vector<16xf32> to vector<1x16xf32>
    tpu.vector_store %arg7[%swap3A_140, %swap3A_141], %swap3A_144 {strides = array<i32>} : memref<8x128xf32, #tpu.memory_space<vmem>>, vector<1x16xf32>,
    %broadcast_in_dim3A_145 = arith.constant 0.000000e+00 : f32
    %broadcast_in_dim3A_146 = vector.broadcast %broadcast_in_dim3A_145 : f32 to vector<16xf32>
    %swap3A_147 = arith.constant 2 : i32
    %swap3A_148 = arith.index_cast %swap3A_147 : i32 to index
    %swap3A_149 = arith.constant 32 : index
    %swap3A_150 = tpu.vector_load %arg7[%swap3A_148, %swap3A_149] {strides = array<i32>} : memref<8x128xf32, #tpu.memory_space<vmem>>, vector<1x16xf32>,
    %swap3A_151 = vector.shape_cast %swap3A_150 : vector<1x16xf32> to vector<16xf32>
    %swap3A_152 = vector.shape_cast %broadcast_in_dim3A_146 : vector<16xf32> to vector<1x16xf32>
    tpu.vector_store %arg7[%swap3A_148, %swap3A_149], %swap3A_152 {strides = array<i32>} : memref<8x128xf32, #tpu.memory_space<vmem>>, vector<1x16xf32>,
    %broadcast_in_dim3A_153 = arith.constant 0.000000e+00 : f32
    %broadcast_in_dim3A_154 = vector.broadcast %broadcast_in_dim3A_153 : f32 to vector<16xf32>
    %swap3A_155 = arith.constant 2 : i32
    %swap3A_156 = arith.index_cast %swap3A_155 : i32 to index
    %swap3A_157 = arith.constant 48 : index
    %swap3A_158 = tpu.vector_load %arg7[%swap3A_156, %swap3A_157] {strides = array<i32>} : memref<8x128xf32, #tpu.memory_space<vmem>>, vector<1x16xf32>,
    %swap3A_159 = vector.shape_cast %swap3A_158 : vector<1x16xf32> to vector<16xf32>
    %swap3A_160 = vector.shape_cast %broadcast_in_dim3A_154 : vector<16xf32> to vector<1x16xf32>
    tpu.vector_store %arg7[%swap3A_156, %swap3A_157], %swap3A_160 {strides = array<i32>} : memref<8x128xf32, #tpu.memory_space<vmem>>, vector<1x16xf32>,
    %broadcast_in_dim3A_161 = arith.constant 0.000000e+00 : f32
    %broadcast_in_dim3A_162 = vector.broadcast %broadcast_in_dim3A_161 : f32 to vector<16xf32>
    %swap3A_163 = arith.constant 2 : i32
    %swap3A_164 = arith.index_cast %swap3A_163 : i32 to index
    %swap3A_165 = arith.constant 64 : index
    %swap3A_166 = tpu.vector_load %arg7[%swap3A_164, %swap3A_165] {strides = array<i32>} : memref<8x128xf32, #tpu.memory_space<vmem>>, vector<1x16xf32>,
    %swap3A_167 = vector.shape_cast %swap3A_166 : vector<1x16xf32> to vector<16xf32>
    %swap3A_168 = vector.shape_cast %broadcast_in_dim3A_162 : vector<16xf32> to vector<1x16xf32>
    tpu.vector_store %arg7[%swap3A_164, %swap3A_165], %swap3A_168 {strides = array<i32>} : memref<8x128xf32, #tpu.memory_space<vmem>>, vector<1x16xf32>,
    %broadcast_in_dim3A_169 = arith.constant 0.000000e+00 : f32
    %broadcast_in_dim3A_170 = vector.broadcast %broadcast_in_dim3A_169 : f32 to vector<16xf32>
    %swap3A_171 = arith.constant 2 : i32
    %swap3A_172 = arith.index_cast %swap3A_171 : i32 to index
    %swap3A_173 = arith.constant 80 : index
    %swap3A_174 = tpu.vector_load %arg7[%swap3A_172, %swap3A_173] {strides = array<i32>} : memref<8x128xf32, #tpu.memory_space<vmem>>, vector<1x16xf32>,
    %swap3A_175 = vector.shape_cast %swap3A_174 : vector<1x16xf32> to vector<16xf32>
    %swap3A_176 = vector.shape_cast %broadcast_in_dim3A_170 : vector<16xf32> to vector<1x16xf32>
    tpu.vector_store %arg7[%swap3A_172, %swap3A_173], %swap3A_176 {strides = array<i32>} : memref<8x128xf32, #tpu.memory_space<vmem>>, vector<1x16xf32>,
    %broadcast_in_dim3A_177 = arith.constant 0.000000e+00 : f32
    %broadcast_in_dim3A_178 = vector.broadcast %broadcast_in_dim3A_177 : f32 to vector<16xf32>
    %swap3A_179 = arith.constant 2 : i32
    %swap3A_180 = arith.index_cast %swap3A_179 : i32 to index
    %swap3A_181 = arith.constant 96 : index
    %swap3A_182 = tpu.vector_load %arg7[%swap3A_180, %swap3A_181] {strides = array<i32>} : memref<8x128xf32, #tpu.memory_space<vmem>>, vector<1x16xf32>,
    %swap3A_183 = vector.shape_cast %swap3A_182 : vector<1x16xf32> to vector<16xf32>
    %swap3A_184 = vector.shape_cast %broadcast_in_dim3A_178 : vector<16xf32> to vector<1x16xf32>
    tpu.vector_store %arg7[%swap3A_180, %swap3A_181], %swap3A_184 {strides = array<i32>} : memref<8x128xf32, #tpu.memory_space<vmem>>, vector<1x16xf32>,
    %broadcast_in_dim3A_185 = arith.constant 0.000000e+00 : f32
    %broadcast_in_dim3A_186 = vector.broadcast %broadcast_in_dim3A_185 : f32 to vector<16xf32>
    %swap3A_187 = arith.constant 2 : i32
    %swap3A_188 = arith.index_cast %swap3A_187 : i32 to index
    %swap3A_189 = arith.constant 112 : index
    %swap3A_190 = tpu.vector_load %arg7[%swap3A_188, %swap3A_189] {strides = array<i32>} : memref<8x128xf32, #tpu.memory_space<vmem>>, vector<1x16xf32>,
    %swap3A_191 = vector.shape_cast %swap3A_190 : vector<1x16xf32> to vector<16xf32>
    %swap3A_192 = vector.shape_cast %broadcast_in_dim3A_186 : vector<16xf32> to vector<1x16xf32>
    tpu.vector_store %arg7[%swap3A_188, %swap3A_189], %swap3A_192 {strides = array<i32>} : memref<8x128xf32, #tpu.memory_space<vmem>>, vector<1x16xf32>,
    %broadcast_in_dim3A_193 = arith.constant 0.000000e+00 : f32
    %broadcast_in_dim3A_194 = vector.broadcast %broadcast_in_dim3A_193 : f32 to vector<16xf32>
    %swap3A_195 = arith.constant 3 : i32
    %swap3A_196 = arith.index_cast %swap3A_195 : i32 to index
    %swap3A_197 = arith.constant 0 : index
    %swap3A_198 = tpu.vector_load %arg7[%swap3A_196, %swap3A_197] {strides = array<i32>} : memref<8x128xf32, #tpu.memory_space<vmem>>, vector<1x16xf32>,
    %swap3A_199 = vector.shape_cast %swap3A_198 : vector<1x16xf32> to vector<16xf32>
    %swap3A_200 = vector.shape_cast %broadcast_in_dim3A_194 : vector<16xf32> to vector<1x16xf32>
    tpu.vector_store %arg7[%swap3A_196, %swap3A_197], %swap3A_200 {strides = array<i32>} : memref<8x128xf32, #tpu.memory_space<vmem>>, vector<1x16xf32>,
    %broadcast_in_dim3A_201 = arith.constant 0.000000e+00 : f32
    %broadcast_in_dim3A_202 = vector.broadcast %broadcast_in_dim3A_201 : f32 to vector<16xf32>
    %swap3A_203 = arith.constant 3 : i32
    %swap3A_204 = arith.index_cast %swap3A_203 : i32 to index
    %swap3A_205 = arith.constant 16 : index
    %swap3A_206 = tpu.vector_load %arg7[%swap3A_204, %swap3A_205] {strides = array<i32>} : memref<8x128xf32, #tpu.memory_space<vmem>>, vector<1x16xf32>,
    %swap3A_207 = vector.shape_cast %swap3A_206 : vector<1x16xf32> to vector<16xf32>
    %swap3A_208 = vector.shape_cast %broadcast_in_dim3A_202 : vector<16xf32> to vector<1x16xf32>
    tpu.vector_store %arg7[%swap3A_204, %swap3A_205], %swap3A_208 {strides = array<i32>} : memref<8x128xf32, #tpu.memory_space<vmem>>, vector<1x16xf32>,
    %broadcast_in_dim3A_209 = arith.constant 0.000000e+00 : f32
    %broadcast_in_dim3A_210 = vector.broadcast %broadcast_in_dim3A_209 : f32 to vector<16xf32>
    %swap3A_211 = arith.constant 3 : i32
    %swap3A_212 = arith.index_cast %swap3A_211 : i32 to index
    %swap3A_213 = arith.constant 32 : index
    %swap3A_214 = tpu.vector_load %arg7[%swap3A_212, %swap3A_213] {strides = array<i32>} : memref<8x128xf32, #tpu.memory_space<vmem>>, vector<1x16xf32>,
    %swap3A_215 = vector.shape_cast %swap3A_214 : vector<1x16xf32> to vector<16xf32>
    %swap3A_216 = vector.shape_cast %broadcast_in_dim3A_210 : vector<16xf32> to vector<1x16xf32>
    tpu.vector_store %arg7[%swap3A_212, %swap3A_213], %swap3A_216 {strides = array<i32>} : memref<8x128xf32, #tpu.memory_space<vmem>>, vector<1x16xf32>,
    %broadcast_in_dim3A_217 = arith.constant 0.000000e+00 : f32
    %broadcast_in_dim3A_218 = vector.broadcast %broadcast_in_dim3A_217 : f32 to vector<16xf32>
    %swap3A_219 = arith.constant 3 : i32
    %swap3A_220 = arith.index_cast %swap3A_219 : i32 to index
    %swap3A_221 = arith.constant 48 : index
    %swap3A_222 = tpu.vector_load %arg7[%swap3A_220, %swap3A_221] {strides = array<i32>} : memref<8x128xf32, #tpu.memory_space<vmem>>, vector<1x16xf32>,
    %swap3A_223 = vector.shape_cast %swap3A_222 : vector<1x16xf32> to vector<16xf32>
    %swap3A_224 = vector.shape_cast %broadcast_in_dim3A_218 : vector<16xf32> to vector<1x16xf32>
    tpu.vector_store %arg7[%swap3A_220, %swap3A_221], %swap3A_224 {strides = array<i32>} : memref<8x128xf32, #tpu.memory_space<vmem>>, vector<1x16xf32>,
    %broadcast_in_dim3A_225 = arith.constant 0.000000e+00 : f32
    %broadcast_in_dim3A_226 = vector.broadcast %broadcast_in_dim3A_225 : f32 to vector<16xf32>
    %swap3A_227 = arith.constant 3 : i32
    %swap3A_228 = arith.index_cast %swap3A_227 : i32 to index
    %swap3A_229 = arith.constant 64 : index
    %swap3A_230 = tpu.vector_load %arg7[%swap3A_228, %swap3A_229] {strides = array<i32>} : memref<8x128xf32, #tpu.memory_space<vmem>>, vector<1x16xf32>,
    %swap3A_231 = vector.shape_cast %swap3A_230 : vector<1x16xf32> to vector<16xf32>
    %swap3A_232 = vector.shape_cast %broadcast_in_dim3A_226 : vector<16xf32> to vector<1x16xf32>
    tpu.vector_store %arg7[%swap3A_228, %swap3A_229], %swap3A_232 {strides = array<i32>} : memref<8x128xf32, #tpu.memory_space<vmem>>, vector<1x16xf32>,
    %broadcast_in_dim3A_233 = arith.constant 0.000000e+00 : f32
    %broadcast_in_dim3A_234 = vector.broadcast %broadcast_in_dim3A_233 : f32 to vector<16xf32>
    %swap3A_235 = arith.constant 3 : i32
    %swap3A_236 = arith.index_cast %swap3A_235 : i32 to index
    %swap3A_237 = arith.constant 80 : index
    %swap3A_238 = tpu.vector_load %arg7[%swap3A_236, %swap3A_237] {strides = array<i32>} : memref<8x128xf32, #tpu.memory_space<vmem>>, vector<1x16xf32>,
    %swap3A_239 = vector.shape_cast %swap3A_238 : vector<1x16xf32> to vector<16xf32>
    %swap3A_240 = vector.shape_cast %broadcast_in_dim3A_234 : vector<16xf32> to vector<1x16xf32>
    tpu.vector_store %arg7[%swap3A_236, %swap3A_237], %swap3A_240 {strides = array<i32>} : memref<8x128xf32, #tpu.memory_space<vmem>>, vector<1x16xf32>,
    %broadcast_in_dim3A_241 = arith.constant 0.000000e+00 : f32
    %broadcast_in_dim3A_242 = vector.broadcast %broadcast_in_dim3A_241 : f32 to vector<16xf32>
    %swap3A_243 = arith.constant 3 : i32
    %swap3A_244 = arith.index_cast %swap3A_243 : i32 to index
    %swap3A_245 = arith.constant 96 : index
    %swap3A_246 = tpu.vector_load %arg7[%swap3A_244, %swap3A_245] {strides = array<i32>} : memref<8x128xf32, #tpu.memory_space<vmem>>, vector<1x16xf32>,
    %swap3A_247 = vector.shape_cast %swap3A_246 : vector<1x16xf32> to vector<16xf32>
    %swap3A_248 = vector.shape_cast %broadcast_in_dim3A_242 : vector<16xf32> to vector<1x16xf32>
    tpu.vector_store %arg7[%swap3A_244, %swap3A_245], %swap3A_248 {strides = array<i32>} : memref<8x128xf32, #tpu.memory_space<vmem>>, vector<1x16xf32>,
    %broadcast_in_dim3A_249 = arith.constant 0.000000e+00 : f32
    %broadcast_in_dim3A_250 = vector.broadcast %broadcast_in_dim3A_249 : f32 to vector<16xf32>
    %swap3A_251 = arith.constant 3 : i32
    %swap3A_252 = arith.index_cast %swap3A_251 : i32 to index
    %swap3A_253 = arith.constant 112 : index
    %swap3A_254 = tpu.vector_load %arg7[%swap3A_252, %swap3A_253] {strides = array<i32>} : memref<8x128xf32, #tpu.memory_space<vmem>>, vector<1x16xf32>,
    %swap3A_255 = vector.shape_cast %swap3A_254 : vector<1x16xf32> to vector<16xf32>
    %swap3A_256 = vector.shape_cast %broadcast_in_dim3A_250 : vector<16xf32> to vector<1x16xf32>
    tpu.vector_store %arg7[%swap3A_252, %swap3A_253], %swap3A_256 {strides = array<i32>} : memref<8x128xf32, #tpu.memory_space<vmem>>, vector<1x16xf32>,
    %broadcast_in_dim3A_257 = arith.constant 0.000000e+00 : f32
    %broadcast_in_dim3A_258 = vector.broadcast %broadcast_in_dim3A_257 : f32 to vector<16xf32>
    %swap3A_259 = arith.constant 4 : i32
    %swap3A_260 = arith.index_cast %swap3A_259 : i32 to index
    %swap3A_261 = arith.constant 0 : index
    %swap3A_262 = tpu.vector_load %arg7[%swap3A_260, %swap3A_261] {strides = array<i32>} : memref<8x128xf32, #tpu.memory_space<vmem>>, vector<1x16xf32>,
    %swap3A_263 = vector.shape_cast %swap3A_262 : vector<1x16xf32> to vector<16xf32>
    %swap3A_264 = vector.shape_cast %broadcast_in_dim3A_258 : vector<16xf32> to vector<1x16xf32>
    tpu.vector_store %arg7[%swap3A_260, %swap3A_261], %swap3A_264 {strides = array<i32>} : memref<8x128xf32, #tpu.memory_space<vmem>>, vector<1x16xf32>,
    %broadcast_in_dim3A_265 = arith.constant 0.000000e+00 : f32
    %broadcast_in_dim3A_266 = vector.broadcast %broadcast_in_dim3A_265 : f32 to vector<16xf32>
    %swap3A_267 = arith.constant 4 : i32
    %swap3A_268 = arith.index_cast %swap3A_267 : i32 to index
    %swap3A_269 = arith.constant 16 : index
    %swap3A_270 = tpu.vector_load %arg7[%swap3A_268, %swap3A_269] {strides = array<i32>} : memref<8x128xf32, #tpu.memory_space<vmem>>, vector<1x16xf32>,
    %swap3A_271 = vector.shape_cast %swap3A_270 : vector<1x16xf32> to vector<16xf32>
    %swap3A_272 = vector.shape_cast %broadcast_in_dim3A_266 : vector<16xf32> to vector<1x16xf32>
    tpu.vector_store %arg7[%swap3A_268, %swap3A_269], %swap3A_272 {strides = array<i32>} : memref<8x128xf32, #tpu.memory_space<vmem>>, vector<1x16xf32>,
    %broadcast_in_dim3A_273 = arith.constant 0.000000e+00 : f32
    %broadcast_in_dim3A_274 = vector.broadcast %broadcast_in_dim3A_273 : f32 to vector<16xf32>
    %swap3A_275 = arith.constant 4 : i32
    %swap3A_276 = arith.index_cast %swap3A_275 : i32 to index
    %swap3A_277 = arith.constant 32 : index
    %swap3A_278 = tpu.vector_load %arg7[%swap3A_276, %swap3A_277] {strides = array<i32>} : memref<8x128xf32, #tpu.memory_space<vmem>>, vector<1x16xf32>,
    %swap3A_279 = vector.shape_cast %swap3A_278 : vector<1x16xf32> to vector<16xf32>
    %swap3A_280 = vector.shape_cast %broadcast_in_dim3A_274 : vector<16xf32> to vector<1x16xf32>
    tpu.vector_store %arg7[%swap3A_276, %swap3A_277], %swap3A_280 {strides = array<i32>} : memref<8x128xf32, #tpu.memory_space<vmem>>, vector<1x16xf32>,
    %broadcast_in_dim3A_281 = arith.constant 0.000000e+00 : f32
    %broadcast_in_dim3A_282 = vector.broadcast %broadcast_in_dim3A_281 : f32 to vector<16xf32>
    %swap3A_283 = arith.constant 4 : i32
    %swap3A_284 = arith.index_cast %swap3A_283 : i32 to index
    %swap3A_285 = arith.constant 48 : index
    %swap3A_286 = tpu.vector_load %arg7[%swap3A_284, %swap3A_285] {strides = array<i32>} : memref<8x128xf32, #tpu.memory_space<vmem>>, vector<1x16xf32>,
    %swap3A_287 = vector.shape_cast %swap3A_286 : vector<1x16xf32> to vector<16xf32>
    %swap3A_288 = vector.shape_cast %broadcast_in_dim3A_282 : vector<16xf32> to vector<1x16xf32>
    tpu.vector_store %arg7[%swap3A_284, %swap3A_285], %swap3A_288 {strides = array<i32>} : memref<8x128xf32, #tpu.memory_space<vmem>>, vector<1x16xf32>,
    %broadcast_in_dim3A_289 = arith.constant 0.000000e+00 : f32
    %broadcast_in_dim3A_290 = vector.broadcast %broadcast_in_dim3A_289 : f32 to vector<16xf32>
    %swap3A_291 = arith.constant 4 : i32
    %swap3A_292 = arith.index_cast %swap3A_291 : i32 to index
    %swap3A_293 = arith.constant 64 : index
    %swap3A_294 = tpu.vector_load %arg7[%swap3A_292, %swap3A_293] {strides = array<i32>} : memref<8x128xf32, #tpu.memory_space<vmem>>, vector<1x16xf32>,
    %swap3A_295 = vector.shape_cast %swap3A_294 : vector<1x16xf32> to vector<16xf32>
    %swap3A_296 = vector.shape_cast %broadcast_in_dim3A_290 : vector<16xf32> to vector<1x16xf32>
    tpu.vector_store %arg7[%swap3A_292, %swap3A_293], %swap3A_296 {strides = array<i32>} : memref<8x128xf32, #tpu.memory_space<vmem>>, vector<1x16xf32>,
    %broadcast_in_dim3A_297 = arith.constant 0.000000e+00 : f32
    %broadcast_in_dim3A_298 = vector.broadcast %broadcast_in_dim3A_297 : f32 to vector<16xf32>
    %swap3A_299 = arith.constant 4 : i32
    %swap3A_300 = arith.index_cast %swap3A_299 : i32 to index
    %swap3A_301 = arith.constant 80 : index
    %swap3A_302 = tpu.vector_load %arg7[%swap3A_300, %swap3A_301] {strides = array<i32>} : memref<8x128xf32, #tpu.memory_space<vmem>>, vector<1x16xf32>,
    %swap3A_303 = vector.shape_cast %swap3A_302 : vector<1x16xf32> to vector<16xf32>
    %swap3A_304 = vector.shape_cast %broadcast_in_dim3A_298 : vector<16xf32> to vector<1x16xf32>
    tpu.vector_store %arg7[%swap3A_300, %swap3A_301], %swap3A_304 {strides = array<i32>} : memref<8x128xf32, #tpu.memory_space<vmem>>, vector<1x16xf32>,
    %broadcast_in_dim3A_305 = arith.constant 0.000000e+00 : f32
    %broadcast_in_dim3A_306 = vector.broadcast %broadcast_in_dim3A_305 : f32 to vector<16xf32>
    %swap3A_307 = arith.constant 4 : i32
    %swap3A_308 = arith.index_cast %swap3A_307 : i32 to index
    %swap3A_309 = arith.constant 96 : index
    %swap3A_310 = tpu.vector_load %arg7[%swap3A_308, %swap3A_309] {strides = array<i32>} : memref<8x128xf32, #tpu.memory_space<vmem>>, vector<1x16xf32>,
    %swap3A_311 = vector.shape_cast %swap3A_310 : vector<1x16xf32> to vector<16xf32>
    %swap3A_312 = vector.shape_cast %broadcast_in_dim3A_306 : vector<16xf32> to vector<1x16xf32>
    tpu.vector_store %arg7[%swap3A_308, %swap3A_309], %swap3A_312 {strides = array<i32>} : memref<8x128xf32, #tpu.memory_space<vmem>>, vector<1x16xf32>,
    %broadcast_in_dim3A_313 = arith.constant 0.000000e+00 : f32
    %broadcast_in_dim3A_314 = vector.broadcast %broadcast_in_dim3A_313 : f32 to vector<16xf32>
    %swap3A_315 = arith.constant 4 : i32
    %swap3A_316 = arith.index_cast %swap3A_315 : i32 to index
    %swap3A_317 = arith.constant 112 : index
    %swap3A_318 = tpu.vector_load %arg7[%swap3A_316, %swap3A_317] {strides = array<i32>} : memref<8x128xf32, #tpu.memory_space<vmem>>, vector<1x16xf32>,
    %swap3A_319 = vector.shape_cast %swap3A_318 : vector<1x16xf32> to vector<16xf32>
    %swap3A_320 = vector.shape_cast %broadcast_in_dim3A_314 : vector<16xf32> to vector<1x16xf32>
    tpu.vector_store %arg7[%swap3A_316, %swap3A_317], %swap3A_320 {strides = array<i32>} : memref<8x128xf32, #tpu.memory_space<vmem>>, vector<1x16xf32>,
    %broadcast_in_dim3A_321 = arith.constant 0.000000e+00 : f32
    %broadcast_in_dim3A_322 = vector.broadcast %broadcast_in_dim3A_321 : f32 to vector<16xf32>
    %swap3A_323 = arith.constant 5 : i32
    %swap3A_324 = arith.index_cast %swap3A_323 : i32 to index
    %swap3A_325 = arith.constant 0 : index
    %swap3A_326 = tpu.vector_load %arg7[%swap3A_324, %swap3A_325] {strides = array<i32>} : memref<8x128xf32, #tpu.memory_space<vmem>>, vector<1x16xf32>,
    %swap3A_327 = vector.shape_cast %swap3A_326 : vector<1x16xf32> to vector<16xf32>
    %swap3A_328 = vector.shape_cast %broadcast_in_dim3A_322 : vector<16xf32> to vector<1x16xf32>
    tpu.vector_store %arg7[%swap3A_324, %swap3A_325], %swap3A_328 {strides = array<i32>} : memref<8x128xf32, #tpu.memory_space<vmem>>, vector<1x16xf32>,
    %broadcast_in_dim3A_329 = arith.constant 0.000000e+00 : f32
    %broadcast_in_dim3A_330 = vector.broadcast %broadcast_in_dim3A_329 : f32 to vector<16xf32>
    %swap3A_331 = arith.constant 5 : i32
    %swap3A_332 = arith.index_cast %swap3A_331 : i32 to index
    %swap3A_333 = arith.constant 16 : index
    %swap3A_334 = tpu.vector_load %arg7[%swap3A_332, %swap3A_333] {strides = array<i32>} : memref<8x128xf32, #tpu.memory_space<vmem>>, vector<1x16xf32>,
    %swap3A_335 = vector.shape_cast %swap3A_334 : vector<1x16xf32> to vector<16xf32>
    %swap3A_336 = vector.shape_cast %broadcast_in_dim3A_330 : vector<16xf32> to vector<1x16xf32>
    tpu.vector_store %arg7[%swap3A_332, %swap3A_333], %swap3A_336 {strides = array<i32>} : memref<8x128xf32, #tpu.memory_space<vmem>>, vector<1x16xf32>,
    %broadcast_in_dim3A_337 = arith.constant 0.000000e+00 : f32
    %broadcast_in_dim3A_338 = vector.broadcast %broadcast_in_dim3A_337 : f32 to vector<16xf32>
    %swap3A_339 = arith.constant 5 : i32
    %swap3A_340 = arith.index_cast %swap3A_339 : i32 to index
    %swap3A_341 = arith.constant 32 : index
    %swap3A_342 = tpu.vector_load %arg7[%swap3A_340, %swap3A_341] {strides = array<i32>} : memref<8x128xf32, #tpu.memory_space<vmem>>, vector<1x16xf32>,
    %swap3A_343 = vector.shape_cast %swap3A_342 : vector<1x16xf32> to vector<16xf32>
    %swap3A_344 = vector.shape_cast %broadcast_in_dim3A_338 : vector<16xf32> to vector<1x16xf32>
    tpu.vector_store %arg7[%swap3A_340, %swap3A_341], %swap3A_344 {strides = array<i32>} : memref<8x128xf32, #tpu.memory_space<vmem>>, vector<1x16xf32>,
    %broadcast_in_dim3A_345 = arith.constant 0.000000e+00 : f32
    %broadcast_in_dim3A_346 = vector.broadcast %broadcast_in_dim3A_345 : f32 to vector<16xf32>
    %swap3A_347 = arith.constant 5 : i32
    %swap3A_348 = arith.index_cast %swap3A_347 : i32 to index
    %swap3A_349 = arith.constant 48 : index
    %swap3A_350 = tpu.vector_load %arg7[%swap3A_348, %swap3A_349] {strides = array<i32>} : memref<8x128xf32, #tpu.memory_space<vmem>>, vector<1x16xf32>,
    %swap3A_351 = vector.shape_cast %swap3A_350 : vector<1x16xf32> to vector<16xf32>
    %swap3A_352 = vector.shape_cast %broadcast_in_dim3A_346 : vector<16xf32> to vector<1x16xf32>
    tpu.vector_store %arg7[%swap3A_348, %swap3A_349], %swap3A_352 {strides = array<i32>} : memref<8x128xf32, #tpu.memory_space<vmem>>, vector<1x16xf32>,
    %broadcast_in_dim3A_353 = arith.constant 0.000000e+00 : f32
    %broadcast_in_dim3A_354 = vector.broadcast %broadcast_in_dim3A_353 : f32 to vector<16xf32>
    %swap3A_355 = arith.constant 5 : i32
    %swap3A_356 = arith.index_cast %swap3A_355 : i32 to index
    %swap3A_357 = arith.constant 64 : index
    %swap3A_358 = tpu.vector_load %arg7[%swap3A_356, %swap3A_357] {strides = array<i32>} : memref<8x128xf32, #tpu.memory_space<vmem>>, vector<1x16xf32>,
    %swap3A_359 = vector.shape_cast %swap3A_358 : vector<1x16xf32> to vector<16xf32>
    %swap3A_360 = vector.shape_cast %broadcast_in_dim3A_354 : vector<16xf32> to vector<1x16xf32>
    tpu.vector_store %arg7[%swap3A_356, %swap3A_357], %swap3A_360 {strides = array<i32>} : memref<8x128xf32, #tpu.memory_space<vmem>>, vector<1x16xf32>,
    %broadcast_in_dim3A_361 = arith.constant 0.000000e+00 : f32
    %broadcast_in_dim3A_362 = vector.broadcast %broadcast_in_dim3A_361 : f32 to vector<16xf32>
    %swap3A_363 = arith.constant 5 : i32
    %swap3A_364 = arith.index_cast %swap3A_363 : i32 to index
    %swap3A_365 = arith.constant 80 : index
    %swap3A_366 = tpu.vector_load %arg7[%swap3A_364, %swap3A_365] {strides = array<i32>} : memref<8x128xf32, #tpu.memory_space<vmem>>, vector<1x16xf32>,
    %swap3A_367 = vector.shape_cast %swap3A_366 : vector<1x16xf32> to vector<16xf32>
    %swap3A_368 = vector.shape_cast %broadcast_in_dim3A_362 : vector<16xf32> to vector<1x16xf32>
    tpu.vector_store %arg7[%swap3A_364, %swap3A_365], %swap3A_368 {strides = array<i32>} : memref<8x128xf32, #tpu.memory_space<vmem>>, vector<1x16xf32>,
    %broadcast_in_dim3A_369 = arith.constant 0.000000e+00 : f32
    %broadcast_in_dim3A_370 = vector.broadcast %broadcast_in_dim3A_369 : f32 to vector<16xf32>
    %swap3A_371 = arith.constant 5 : i32
    %swap3A_372 = arith.index_cast %swap3A_371 : i32 to index
    %swap3A_373 = arith.constant 96 : index
    %swap3A_374 = tpu.vector_load %arg7[%swap3A_372, %swap3A_373] {strides = array<i32>} : memref<8x128xf32, #tpu.memory_space<vmem>>, vector<1x16xf32>,
    %swap3A_375 = vector.shape_cast %swap3A_374 : vector<1x16xf32> to vector<16xf32>
    %swap3A_376 = vector.shape_cast %broadcast_in_dim3A_370 : vector<16xf32> to vector<1x16xf32>
    tpu.vector_store %arg7[%swap3A_372, %swap3A_373], %swap3A_376 {strides = array<i32>} : memref<8x128xf32, #tpu.memory_space<vmem>>, vector<1x16xf32>,
    %broadcast_in_dim3A_377 = arith.constant 0.000000e+00 : f32
    %broadcast_in_dim3A_378 = vector.broadcast %broadcast_in_dim3A_377 : f32 to vector<16xf32>
    %swap3A_379 = arith.constant 5 : i32
    %swap3A_380 = arith.index_cast %swap3A_379 : i32 to index
    %swap3A_381 = arith.constant 112 : index
    %swap3A_382 = tpu.vector_load %arg7[%swap3A_380, %swap3A_381] {strides = array<i32>} : memref<8x128xf32, #tpu.memory_space<vmem>>, vector<1x16xf32>,
    %swap3A_383 = vector.shape_cast %swap3A_382 : vector<1x16xf32> to vector<16xf32>
    %swap3A_384 = vector.shape_cast %broadcast_in_dim3A_378 : vector<16xf32> to vector<1x16xf32>
    tpu.vector_store %arg7[%swap3A_380, %swap3A_381], %swap3A_384 {strides = array<i32>} : memref<8x128xf32, #tpu.memory_space<vmem>>, vector<1x16xf32>,
    %broadcast_in_dim3A_385 = arith.constant 0.000000e+00 : f32
    %broadcast_in_dim3A_386 = vector.broadcast %broadcast_in_dim3A_385 : f32 to vector<16xf32>
    %swap3A_387 = arith.constant 6 : i32
    %swap3A_388 = arith.index_cast %swap3A_387 : i32 to index
    %swap3A_389 = arith.constant 0 : index
    %swap3A_390 = tpu.vector_load %arg7[%swap3A_388, %swap3A_389] {strides = array<i32>} : memref<8x128xf32, #tpu.memory_space<vmem>>, vector<1x16xf32>,
    %swap3A_391 = vector.shape_cast %swap3A_390 : vector<1x16xf32> to vector<16xf32>
    %swap3A_392 = vector.shape_cast %broadcast_in_dim3A_386 : vector<16xf32> to vector<1x16xf32>
    tpu.vector_store %arg7[%swap3A_388, %swap3A_389], %swap3A_392 {strides = array<i32>} : memref<8x128xf32, #tpu.memory_space<vmem>>, vector<1x16xf32>,
    %broadcast_in_dim3A_393 = arith.constant 0.000000e+00 : f32
    %broadcast_in_dim3A_394 = vector.broadcast %broadcast_in_dim3A_393 : f32 to vector<16xf32>
    %swap3A_395 = arith.constant 6 : i32
    %swap3A_396 = arith.index_cast %swap3A_395 : i32 to index
    %swap3A_397 = arith.constant 16 : index
    %swap3A_398 = tpu.vector_load %arg7[%swap3A_396, %swap3A_397] {strides = array<i32>} : memref<8x128xf32, #tpu.memory_space<vmem>>, vector<1x16xf32>,
    %swap3A_399 = vector.shape_cast %swap3A_398 : vector<1x16xf32> to vector<16xf32>
    %swap3A_400 = vector.shape_cast %broadcast_in_dim3A_394 : vector<16xf32> to vector<1x16xf32>
    tpu.vector_store %arg7[%swap3A_396, %swap3A_397], %swap3A_400 {strides = array<i32>} : memref<8x128xf32, #tpu.memory_space<vmem>>, vector<1x16xf32>,
    %broadcast_in_dim3A_401 = arith.constant 0.000000e+00 : f32
    %broadcast_in_dim3A_402 = vector.broadcast %broadcast_in_dim3A_401 : f32 to vector<16xf32>
    %swap3A_403 = arith.constant 6 : i32
    %swap3A_404 = arith.index_cast %swap3A_403 : i32 to index
    %swap3A_405 = arith.constant 32 : index
    %swap3A_406 = tpu.vector_load %arg7[%swap3A_404, %swap3A_405] {strides = array<i32>} : memref<8x128xf32, #tpu.memory_space<vmem>>, vector<1x16xf32>,
    %swap3A_407 = vector.shape_cast %swap3A_406 : vector<1x16xf32> to vector<16xf32>
    %swap3A_408 = vector.shape_cast %broadcast_in_dim3A_402 : vector<16xf32> to vector<1x16xf32>
    tpu.vector_store %arg7[%swap3A_404, %swap3A_405], %swap3A_408 {strides = array<i32>} : memref<8x128xf32, #tpu.memory_space<vmem>>, vector<1x16xf32>,
    %broadcast_in_dim3A_409 = arith.constant 0.000000e+00 : f32
    %broadcast_in_dim3A_410 = vector.broadcast %broadcast_in_dim3A_409 : f32 to vector<16xf32>
    %swap3A_411 = arith.constant 6 : i32
    %swap3A_412 = arith.index_cast %swap3A_411 : i32 to index
    %swap3A_413 = arith.constant 48 : index
    %swap3A_414 = tpu.vector_load %arg7[%swap3A_412, %swap3A_413] {strides = array<i32>} : memref<8x128xf32, #tpu.memory_space<vmem>>, vector<1x16xf32>,
    %swap3A_415 = vector.shape_cast %swap3A_414 : vector<1x16xf32> to vector<16xf32>
    %swap3A_416 = vector.shape_cast %broadcast_in_dim3A_410 : vector<16xf32> to vector<1x16xf32>
    tpu.vector_store %arg7[%swap3A_412, %swap3A_413], %swap3A_416 {strides = array<i32>} : memref<8x128xf32, #tpu.memory_space<vmem>>, vector<1x16xf32>,
    %broadcast_in_dim3A_417 = arith.constant 0.000000e+00 : f32
    %broadcast_in_dim3A_418 = vector.broadcast %broadcast_in_dim3A_417 : f32 to vector<16xf32>
    %swap3A_419 = arith.constant 6 : i32
    %swap3A_420 = arith.index_cast %swap3A_419 : i32 to index
    %swap3A_421 = arith.constant 64 : index
    %swap3A_422 = tpu.vector_load %arg7[%swap3A_420, %swap3A_421] {strides = array<i32>} : memref<8x128xf32, #tpu.memory_space<vmem>>, vector<1x16xf32>,
    %swap3A_423 = vector.shape_cast %swap3A_422 : vector<1x16xf32> to vector<16xf32>
    %swap3A_424 = vector.shape_cast %broadcast_in_dim3A_418 : vector<16xf32> to vector<1x16xf32>
    tpu.vector_store %arg7[%swap3A_420, %swap3A_421], %swap3A_424 {strides = array<i32>} : memref<8x128xf32, #tpu.memory_space<vmem>>, vector<1x16xf32>,
    %broadcast_in_dim3A_425 = arith.constant 0.000000e+00 : f32
    %broadcast_in_dim3A_426 = vector.broadcast %broadcast_in_dim3A_425 : f32 to vector<16xf32>
    %swap3A_427 = arith.constant 6 : i32
    %swap3A_428 = arith.index_cast %swap3A_427 : i32 to index
    %swap3A_429 = arith.constant 80 : index
    %swap3A_430 = tpu.vector_load %arg7[%swap3A_428, %swap3A_429] {strides = array<i32>} : memref<8x128xf32, #tpu.memory_space<vmem>>, vector<1x16xf32>,
    %swap3A_431 = vector.shape_cast %swap3A_430 : vector<1x16xf32> to vector<16xf32>
    %swap3A_432 = vector.shape_cast %broadcast_in_dim3A_426 : vector<16xf32> to vector<1x16xf32>
    tpu.vector_store %arg7[%swap3A_428, %swap3A_429], %swap3A_432 {strides = array<i32>} : memref<8x128xf32, #tpu.memory_space<vmem>>, vector<1x16xf32>,
    %broadcast_in_dim3A_433 = arith.constant 0.000000e+00 : f32
    %broadcast_in_dim3A_434 = vector.broadcast %broadcast_in_dim3A_433 : f32 to vector<16xf32>
    %swap3A_435 = arith.constant 6 : i32
    %swap3A_436 = arith.index_cast %swap3A_435 : i32 to index
    %swap3A_437 = arith.constant 96 : index
    %swap3A_438 = tpu.vector_load %arg7[%swap3A_436, %swap3A_437] {strides = array<i32>} : memref<8x128xf32, #tpu.memory_space<vmem>>, vector<1x16xf32>,
    %swap3A_439 = vector.shape_cast %swap3A_438 : vector<1x16xf32> to vector<16xf32>
    %swap3A_440 = vector.shape_cast %broadcast_in_dim3A_434 : vector<16xf32> to vector<1x16xf32>
    tpu.vector_store %arg7[%swap3A_436, %swap3A_437], %swap3A_440 {strides = array<i32>} : memref<8x128xf32, #tpu.memory_space<vmem>>, vector<1x16xf32>,
    %broadcast_in_dim3A_441 = arith.constant 0.000000e+00 : f32
    %broadcast_in_dim3A_442 = vector.broadcast %broadcast_in_dim3A_441 : f32 to vector<16xf32>
    %swap3A_443 = arith.constant 6 : i32
    %swap3A_444 = arith.index_cast %swap3A_443 : i32 to index
    %swap3A_445 = arith.constant 112 : index
    %swap3A_446 = tpu.vector_load %arg7[%swap3A_444, %swap3A_445] {strides = array<i32>} : memref<8x128xf32, #tpu.memory_space<vmem>>, vector<1x16xf32>,
    %swap3A_447 = vector.shape_cast %swap3A_446 : vector<1x16xf32> to vector<16xf32>
    %swap3A_448 = vector.shape_cast %broadcast_in_dim3A_442 : vector<16xf32> to vector<1x16xf32>
    tpu.vector_store %arg7[%swap3A_444, %swap3A_445], %swap3A_448 {strides = array<i32>} : memref<8x128xf32, #tpu.memory_space<vmem>>, vector<1x16xf32>,
    %broadcast_in_dim3A_449 = arith.constant 0.000000e+00 : f32
    %broadcast_in_dim3A_450 = vector.broadcast %broadcast_in_dim3A_449 : f32 to vector<16xf32>
    %swap3A_451 = arith.constant 7 : i32
    %swap3A_452 = arith.index_cast %swap3A_451 : i32 to index
    %swap3A_453 = arith.constant 0 : index
    %swap3A_454 = tpu.vector_load %arg7[%swap3A_452, %swap3A_453] {strides = array<i32>} : memref<8x128xf32, #tpu.memory_space<vmem>>, vector<1x16xf32>,
    %swap3A_455 = vector.shape_cast %swap3A_454 : vector<1x16xf32> to vector<16xf32>
    %swap3A_456 = vector.shape_cast %broadcast_in_dim3A_450 : vector<16xf32> to vector<1x16xf32>
    tpu.vector_store %arg7[%swap3A_452, %swap3A_453], %swap3A_456 {strides = array<i32>} : memref<8x128xf32, #tpu.memory_space<vmem>>, vector<1x16xf32>,
    %broadcast_in_dim3A_457 = arith.constant 0.000000e+00 : f32
    %broadcast_in_dim3A_458 = vector.broadcast %broadcast_in_dim3A_457 : f32 to vector<16xf32>
    %swap3A_459 = arith.constant 7 : i32
    %swap3A_460 = arith.index_cast %swap3A_459 : i32 to index
    %swap3A_461 = arith.constant 16 : index
    %swap3A_462 = tpu.vector_load %arg7[%swap3A_460, %swap3A_461] {strides = array<i32>} : memref<8x128xf32, #tpu.memory_space<vmem>>, vector<1x16xf32>,
    %swap3A_463 = vector.shape_cast %swap3A_462 : vector<1x16xf32> to vector<16xf32>
    %swap3A_464 = vector.shape_cast %broadcast_in_dim3A_458 : vector<16xf32> to vector<1x16xf32>
    tpu.vector_store %arg7[%swap3A_460, %swap3A_461], %swap3A_464 {strides = array<i32>} : memref<8x128xf32, #tpu.memory_space<vmem>>, vector<1x16xf32>,
    %broadcast_in_dim3A_465 = arith.constant 0.000000e+00 : f32
    %broadcast_in_dim3A_466 = vector.broadcast %broadcast_in_dim3A_465 : f32 to vector<16xf32>
    %swap3A_467 = arith.constant 7 : i32
    %swap3A_468 = arith.index_cast %swap3A_467 : i32 to index
    %swap3A_469 = arith.constant 32 : index
    %swap3A_470 = tpu.vector_load %arg7[%swap3A_468, %swap3A_469] {strides = array<i32>} : memref<8x128xf32, #tpu.memory_space<vmem>>, vector<1x16xf32>,
    %swap3A_471 = vector.shape_cast %swap3A_470 : vector<1x16xf32> to vector<16xf32>
    %swap3A_472 = vector.shape_cast %broadcast_in_dim3A_466 : vector<16xf32> to vector<1x16xf32>
    tpu.vector_store %arg7[%swap3A_468, %swap3A_469], %swap3A_472 {strides = array<i32>} : memref<8x128xf32, #tpu.memory_space<vmem>>, vector<1x16xf32>,
    %broadcast_in_dim3A_473 = arith.constant 0.000000e+00 : f32
    %broadcast_in_dim3A_474 = vector.broadcast %broadcast_in_dim3A_473 : f32 to vector<16xf32>
    %swap3A_475 = arith.constant 7 : i32
    %swap3A_476 = arith.index_cast %swap3A_475 : i32 to index
    %swap3A_477 = arith.constant 48 : index
    %swap3A_478 = tpu.vector_load %arg7[%swap3A_476, %swap3A_477] {strides = array<i32>} : memref<8x128xf32, #tpu.memory_space<vmem>>, vector<1x16xf32>,
    %swap3A_479 = vector.shape_cast %swap3A_478 : vector<1x16xf32> to vector<16xf32>
    %swap3A_480 = vector.shape_cast %broadcast_in_dim3A_474 : vector<16xf32> to vector<1x16xf32>
    tpu.vector_store %arg7[%swap3A_476, %swap3A_477], %swap3A_480 {strides = array<i32>} : memref<8x128xf32, #tpu.memory_space<vmem>>, vector<1x16xf32>,
    %broadcast_in_dim3A_481 = arith.constant 0.000000e+00 : f32
    %broadcast_in_dim3A_482 = vector.broadcast %broadcast_in_dim3A_481 : f32 to vector<16xf32>
    %swap3A_483 = arith.constant 7 : i32
    %swap3A_484 = arith.index_cast %swap3A_483 : i32 to index
    %swap3A_485 = arith.constant 64 : index
    %swap3A_486 = tpu.vector_load %arg7[%swap3A_484, %swap3A_485] {strides = array<i32>} : memref<8x128xf32, #tpu.memory_space<vmem>>, vector<1x16xf32>,
    %swap3A_487 = vector.shape_cast %swap3A_486 : vector<1x16xf32> to vector<16xf32>
    %swap3A_488 = vector.shape_cast %broadcast_in_dim3A_482 : vector<16xf32> to vector<1x16xf32>
    tpu.vector_store %arg7[%swap3A_484, %swap3A_485], %swap3A_488 {strides = array<i32>} : memref<8x128xf32, #tpu.memory_space<vmem>>, vector<1x16xf32>,
    %broadcast_in_dim3A_489 = arith.constant 0.000000e+00 : f32
    %broadcast_in_dim3A_490 = vector.broadcast %broadcast_in_dim3A_489 : f32 to vector<16xf32>
    %swap3A_491 = arith.constant 7 : i32
    %swap3A_492 = arith.index_cast %swap3A_491 : i32 to index
    %swap3A_493 = arith.constant 80 : index
    %swap3A_494 = tpu.vector_load %arg7[%swap3A_492, %swap3A_493] {strides = array<i32>} : memref<8x128xf32, #tpu.memory_space<vmem>>, vector<1x16xf32>,
    %swap3A_495 = vector.shape_cast %swap3A_494 : vector<1x16xf32> to vector<16xf32>
    %swap3A_496 = vector.shape_cast %broadcast_in_dim3A_490 : vector<16xf32> to vector<1x16xf32>
    tpu.vector_store %arg7[%swap3A_492, %swap3A_493], %swap3A_496 {strides = array<i32>} : memref<8x128xf32, #tpu.memory_space<vmem>>, vector<1x16xf32>,
    %broadcast_in_dim3A_497 = arith.constant 0.000000e+00 : f32
    %broadcast_in_dim3A_498 = vector.broadcast %broadcast_in_dim3A_497 : f32 to vector<16xf32>
    %swap3A_499 = arith.constant 7 : i32
    %swap3A_500 = arith.index_cast %swap3A_499 : i32 to index
    %swap3A_501 = arith.constant 96 : index
    %swap3A_502 = tpu.vector_load %arg7[%swap3A_500, %swap3A_501] {strides = array<i32>} : memref<8x128xf32, #tpu.memory_space<vmem>>, vector<1x16xf32>,
    %swap3A_503 = vector.shape_cast %swap3A_502 : vector<1x16xf32> to vector<16xf32>
    %swap3A_504 = vector.shape_cast %broadcast_in_dim3A_498 : vector<16xf32> to vector<1x16xf32>
    tpu.vector_store %arg7[%swap3A_500, %swap3A_501], %swap3A_504 {strides = array<i32>} : memref<8x128xf32, #tpu.memory_space<vmem>>, vector<1x16xf32>,
    %broadcast_in_dim3A_505 = arith.constant 0.000000e+00 : f32
    %broadcast_in_dim3A_506 = vector.broadcast %broadcast_in_dim3A_505 : f32 to vector<16xf32>
    %swap3A_507 = arith.constant 7 : i32
    %swap3A_508 = arith.index_cast %swap3A_507 : i32 to index
    %swap3A_509 = arith.constant 112 : index
    %swap3A_510 = tpu.vector_load %arg7[%swap3A_508, %swap3A_509] {strides = array<i32>} : memref<8x128xf32, #tpu.memory_space<vmem>>, vector<1x16xf32>,
    %swap3A_511 = vector.shape_cast %swap3A_510 : vector<1x16xf32> to vector<16xf32>
    %swap3A_512 = vector.shape_cast %broadcast_in_dim3A_506 : vector<16xf32> to vector<1x16xf32>
    tpu.vector_store %arg7[%swap3A_508, %swap3A_509], %swap3A_512 {strides = array<i32>} : memref<8x128xf32, #tpu.memory_space<vmem>>, vector<1x16xf32>,
    %scan3A = arith.constant 0 : i32
    %scan3A_513 = arith.constant 0 : i32
    %scan3A_514 = arith.constant 79 : i32
    %scan3A_515 = arith.addi %scan3A_513, %scan3A_514 : i32
    %scan3A_516 = arith.constant 1 : i32
    scf.for %scan3A_545 = %scan3A_513 to %scan3A_515 step %scan3A_516  : i32 {
      %mul3A_546 = arith.constant 8 : i32
      %mul3A_547 = arith.muli %scan3A_545, %mul3A_546 : i32
      %add3A_548 = arith.addi %mul3A_2, %mul3A_547 : i32
      "tpu.region"() ({
        %run_scoped3A = tpu.sem_alloc : memref<!tpu.dma_semaphore, #tpu.memory_space<semaphore_mem>>
        %dma_start3A = arith.constant 0 : i32
        %dma_start3A_549 = tpu.memref_slice %arg8[%add3A_548, %dma_start3A] : memref<10112x128xf32, #tpu.memory_space<vmem_shared>> -> memref<8x128xf32, #tpu.memory_space<vmem_shared>>
        %dma_start3A_550 = arith.constant 0 : i32
        %dma_start3A_551 = tpu.memref_slice %arg8[%add3A_548, %dma_start3A_550] : memref<10112x128xf32, #tpu.memory_space<vmem_shared>> -> memref<8x128xf32, #tpu.memory_space<vmem_shared>>
        tpu.enqueue_dma source(%arg7 : memref<8x128xf32, #tpu.memory_space<vmem>>) target(%dma_start3A_551 : memref<8x128xf32, #tpu.memory_space<vmem_shared>>) target_semaphore(%run_scoped3A : memref<!tpu.dma_semaphore, #tpu.memory_space<semaphore_mem>>)
        %dma_wait3A_552 = arith.constant 0 : i32
        %dma_wait3A_553 = tpu.memref_slice %arg8[%add3A_548, %dma_wait3A_552] : memref<10112x128xf32, #tpu.memory_space<vmem_shared>> -> memref<8x128xf32, #tpu.memory_space<vmem_shared>>
        %dma_wait3A_554 = arith.constant 0 : i32
        %dma_wait3A_555 = tpu.memref_slice %arg8[%add3A_548, %dma_wait3A_554] : memref<10112x128xf32, #tpu.memory_space<vmem_shared>> -> memref<8x128xf32, #tpu.memory_space<vmem_shared>>
        tpu.wait_dma2 semaphore(%run_scoped3A : memref<!tpu.dma_semaphore, #tpu.memory_space<semaphore_mem>>) src(%arg7 : memref<8x128xf32, #tpu.memory_space<vmem>>) dst(%dma_wait3A_555 : memref<8x128xf32, #tpu.memory_space<vmem_shared>>)
        tpu.yield
      }) : () -> ()
    }
    %scan3A_517 = arith.constant 79 : i32
    %barrier3A = arith.constant 0 : index
    tpu.barrier barrier_id(%barrier3A)
    %scan3A_518 = arith.constant 0 : i32
    %scan3A_519 = arith.constant 0 : i32
    %scan3A_520 = arith.constant 80 : i32
    %scan3A_521 = arith.addi %scan3A_519, %scan3A_520 : i32
    %scan3A_522 = arith.constant 1 : i32
    scf.for %scan3A_545 = %scan3A_519 to %scan3A_521 step %scan3A_522  : i32 {
      %gt3A = arith.constant 1 : i32
      %gt3A_546 = arith.cmpi sgt, %scan3A_545, %gt3A : i32
      %convert_element_type3A_547 = arith.extui %gt3A_546 : i1 to i32
      %cond3A_548 = arith.constant 0 : i32
      %cond3A_549 = arith.cmpi ne, %convert_element_type3A_547, %cond3A_548 : i32
      scf.if %cond3A_549 {
        %dma_wait3A_555 = arith.constant 0 : i32
        %dma_wait3A_556 = tpu.memref_slice %arg5[%scan3A_545, %dma_wait3A_555] : memref<80x128xi32, #tpu.memory_space<vmem>> -> memref<1x128xi32, #tpu.memory_space<vmem>>
        %dma_wait3A_557 = tpu.memref_squeeze %dma_wait3A_556 : memref<1x128xi32, #tpu.memory_space<vmem>> -> memref<128xi32, #tpu.memory_space<vmem>>
        %dma_wait3A_558 = arith.constant 0 : i32
        %dma_wait3A_559 = arith.constant 0 : i32
        %dma_wait3A_560 = tpu.memref_slice %arg8[%dma_wait3A_558, %dma_wait3A_559] : memref<10112x128xf32, #tpu.memory_space<vmem_shared>> -> memref<10112x128xf32, #tpu.memory_space<vmem_shared>>
        tpu.wait_indirect_dma semaphore(%arg9 : memref<!tpu.dma_semaphore, #tpu.memory_space<semaphore_mem>>) src(%arg6 : memref<128x128xf32, #tpu.memory_space<vmem>>) dst(%dma_wait3A_560 : memref<10112x128xf32, #tpu.memory_space<vmem_shared>>)
      } else {
      }
      %dma_start3A = arith.constant 0 : i32
      %dma_start3A_550 = tpu.memref_slice %arg5[%scan3A_545, %dma_start3A] : memref<80x128xi32, #tpu.memory_space<vmem>> -> memref<1x128xi32, #tpu.memory_space<vmem>>
      %dma_start3A_551 = tpu.memref_squeeze %dma_start3A_550 : memref<1x128xi32, #tpu.memory_space<vmem>> -> memref<128xi32, #tpu.memory_space<vmem>>
      %dma_start3A_552 = arith.constant 0 : i32
      %dma_start3A_553 = arith.constant 0 : i32
      %dma_start3A_554 = tpu.memref_slice %arg8[%dma_start3A_552, %dma_start3A_553] : memref<10112x128xf32, #tpu.memory_space<vmem_shared>> -> memref<10112x128xf32, #tpu.memory_space<vmem_shared>>
      tpu.enqueue_indirect_dma source(%arg6 : memref<128x128xf32, #tpu.memory_space<vmem>>) target(%dma_start3A_554 : memref<10112x128xf32, #tpu.memory_space<vmem_shared>>) offsets(%dma_start3A_551 : memref<128xi32, #tpu.memory_space<vmem>>) semaphore(%arg9 : memref<!tpu.dma_semaphore, #tpu.memory_space<semaphore_mem>>) {add = true}
    }
    %scan3A_523 = arith.constant 80 : i32
    %dma_wait3A = arith.constant 0 : i32
    %dma_wait3A_524 = arith.constant 0 : i32
    %dma_wait3A_525 = tpu.memref_slice %arg5[%dma_wait3A, %dma_wait3A_524] : memref<80x128xi32, #tpu.memory_space<vmem>> -> memref<1x128xi32, #tpu.memory_space<vmem>>
    %dma_wait3A_526 = tpu.memref_squeeze %dma_wait3A_525 : memref<1x128xi32, #tpu.memory_space<vmem>> -> memref<128xi32, #tpu.memory_space<vmem>>
    %dma_wait3A_527 = arith.constant 0 : i32
    %dma_wait3A_528 = arith.constant 0 : i32
    %dma_wait3A_529 = tpu.memref_slice %arg8[%dma_wait3A_527, %dma_wait3A_528] : memref<10112x128xf32, #tpu.memory_space<vmem_shared>> -> memref<10112x128xf32, #tpu.memory_space<vmem_shared>>
    tpu.wait_indirect_dma semaphore(%arg9 : memref<!tpu.dma_semaphore, #tpu.memory_space<semaphore_mem>>) src(%arg6 : memref<128x128xf32, #tpu.memory_space<vmem>>) dst(%dma_wait3A_529 : memref<10112x128xf32, #tpu.memory_space<vmem_shared>>)
    %dma_wait3A_530 = arith.constant 0 : i32
    %dma_wait3A_531 = arith.constant 0 : i32
    %dma_wait3A_532 = tpu.memref_slice %arg5[%dma_wait3A_530, %dma_wait3A_531] : memref<80x128xi32, #tpu.memory_space<vmem>> -> memref<1x128xi32, #tpu.memory_space<vmem>>
    %dma_wait3A_533 = tpu.memref_squeeze %dma_wait3A_532 : memref<1x128xi32, #tpu.memory_space<vmem>> -> memref<128xi32, #tpu.memory_space<vmem>>
    %dma_wait3A_534 = arith.constant 0 : i32
    %dma_wait3A_535 = arith.constant 0 : i32
    %dma_wait3A_536 = tpu.memref_slice %arg8[%dma_wait3A_534, %dma_wait3A_535] : memref<10112x128xf32, #tpu.memory_space<vmem_shared>> -> memref<10112x128xf32, #tpu.memory_space<vmem_shared>>
    tpu.wait_indirect_dma semaphore(%arg9 : memref<!tpu.dma_semaphore, #tpu.memory_space<semaphore_mem>>) src(%arg6 : memref<128x128xf32, #tpu.memory_space<vmem>>) dst(%dma_wait3A_536 : memref<10112x128xf32, #tpu.memory_space<vmem_shared>>)
    %barrier3A_537 = arith.constant 0 : index
    tpu.barrier barrier_id(%barrier3A_537)
    %eq3A = arith.constant 0 : i32
    %eq3A_538 = arith.cmpi eq, %arg0, %eq3A : i32
    %convert_element_type3A = arith.extui %eq3A_538 : i1 to i32
    %cond3A = arith.constant 0 : i32
    %cond3A_539 = arith.cmpi ne, %convert_element_type3A, %cond3A : i32
    scf.if %cond3A_539 {
      %run_scoped3A = arith.constant 0 : i32
      "tpu.region"() ({
        %run_scoped3A_545 = tpu.sem_alloc : memref<!tpu.dma_semaphore, #tpu.memory_space<semaphore_mem>>
        %dma_start3A = arith.constant 0 : i32
        %dma_start3A_546 = tpu.memref_slice %arg4[%run_scoped3A, %mul3A_2, %dma_start3A] : memref<2x10112x128xf32, #tpu.memory_space<hbm>> -> memref<1x632x128xf32, #tpu.memory_space<hbm>>
        %dma_start3A_547 = tpu.memref_squeeze %dma_start3A_546 : memref<1x632x128xf32, #tpu.memory_space<hbm>> -> memref<632x128xf32, #tpu.memory_space<hbm>>
        %dma_start3A_548 = arith.constant 0 : i32
        %dma_start3A_549 = tpu.memref_slice %arg8[%mul3A_2, %dma_start3A_548] : memref<10112x128xf32, #tpu.memory_space<vmem_shared>> -> memref<632x128xf32, #tpu.memory_space<vmem_shared>>
        tpu.enqueue_dma source(%dma_start3A_549 : memref<632x128xf32, #tpu.memory_space<vmem_shared>>) target(%dma_start3A_547 : memref<632x128xf32, #tpu.memory_space<hbm>>) target_semaphore(%run_scoped3A_545 : memref<!tpu.dma_semaphore, #tpu.memory_space<semaphore_mem>>)
        %dma_wait3A_550 = arith.constant 0 : i32
        %dma_wait3A_551 = tpu.memref_slice %arg4[%run_scoped3A, %mul3A_2, %dma_wait3A_550] : memref<2x10112x128xf32, #tpu.memory_space<hbm>> -> memref<1x632x128xf32, #tpu.memory_space<hbm>>
        %dma_wait3A_552 = tpu.memref_squeeze %dma_wait3A_551 : memref<1x632x128xf32, #tpu.memory_space<hbm>> -> memref<632x128xf32, #tpu.memory_space<hbm>>
        %dma_wait3A_553 = arith.constant 0 : i32
        %dma_wait3A_554 = tpu.memref_slice %arg8[%mul3A_2, %dma_wait3A_553] : memref<10112x128xf32, #tpu.memory_space<vmem_shared>> -> memref<632x128xf32, #tpu.memory_space<vmem_shared>>
        tpu.wait_dma2 semaphore(%run_scoped3A_545 : memref<!tpu.dma_semaphore, #tpu.memory_space<semaphore_mem>>) src(%dma_wait3A_554 : memref<632x128xf32, #tpu.memory_space<vmem_shared>>) dst(%dma_wait3A_552 : memref<632x128xf32, #tpu.memory_space<hbm>>)
        tpu.yield
      }) : () -> ()
    } else {
    }
    %eq3A_540 = arith.constant 1 : i32
    %eq3A_541 = arith.cmpi eq, %arg0, %eq3A_540 : i32
    %convert_element_type3A_542 = arith.extui %eq3A_541 : i1 to i32
    %cond3A_543 = arith.constant 0 : i32
    %cond3A_544 = arith.cmpi ne, %convert_element_type3A_542, %cond3A_543 : i32
    scf.if %cond3A_544 {
      %run_scoped3A = arith.constant 1 : i32
      "tpu.region"() ({
        %run_scoped3A_545 = tpu.sem_alloc : memref<!tpu.dma_semaphore, #tpu.memory_space<semaphore_mem>>
        %dma_start3A = arith.constant 0 : i32
        %dma_start3A_546 = tpu.memref_slice %arg4[%run_scoped3A, %mul3A_2, %dma_start3A] : memref<2x10112x128xf32, #tpu.memory_space<hbm>> -> memref<1x632x128xf32, #tpu.memory_space<hbm>>
        %dma_start3A_547 = tpu.memref_squeeze %dma_start3A_546 : memref<1x632x128xf32, #tpu.memory_space<hbm>> -> memref<632x128xf32, #tpu.memory_space<hbm>>
        %dma_start3A_548 = arith.constant 0 : i32
        %dma_start3A_549 = tpu.memref_slice %arg8[%mul3A_2, %dma_start3A_548] : memref<10112x128xf32, #tpu.memory_space<vmem_shared>> -> memref<632x128xf32, #tpu.memory_space<vmem_shared>>
        tpu.enqueue_dma source(%dma_start3A_549 : memref<632x128xf32, #tpu.memory_space<vmem_shared>>) target(%dma_start3A_547 : memref<632x128xf32, #tpu.memory_space<hbm>>) target_semaphore(%run_scoped3A_545 : memref<!tpu.dma_semaphore, #tpu.memory_space<semaphore_mem>>)
        %dma_wait3A_550 = arith.constant 0 : i32
        %dma_wait3A_551 = tpu.memref_slice %arg4[%run_scoped3A, %mul3A_2, %dma_wait3A_550] : memref<2x10112x128xf32, #tpu.memory_space<hbm>> -> memref<1x632x128xf32, #tpu.memory_space<hbm>>
        %dma_wait3A_552 = tpu.memref_squeeze %dma_wait3A_551 : memref<1x632x128xf32, #tpu.memory_space<hbm>> -> memref<632x128xf32, #tpu.memory_space<hbm>>
        %dma_wait3A_553 = arith.constant 0 : i32
        %dma_wait3A_554 = tpu.memref_slice %arg8[%mul3A_2, %dma_wait3A_553] : memref<10112x128xf32, #tpu.memory_space<vmem_shared>> -> memref<632x128xf32, #tpu.memory_space<vmem_shared>>
        tpu.wait_dma2 semaphore(%run_scoped3A_545 : memref<!tpu.dma_semaphore, #tpu.memory_space<semaphore_mem>>) src(%dma_wait3A_554 : memref<632x128xf32, #tpu.memory_space<vmem_shared>>) dst(%dma_wait3A_552 : memref<632x128xf32, #tpu.memory_space<hbm>>)
        tpu.yield
      }) : () -> ()
    } else {
    }
    return
  }
}

#map = affine_map<(d0, d1) -> (0, 0)>
#map1 = affine_map<(d0, d1) -> (0, 0, 0)>
#map2 = affine_map<(d0, d1) -> (0, 0, 0, 0)>
module attributes {stable_mosaic.version = 14 : i64} {
  func.func @_spmm2_body(%arg0: i32, %arg1: i32, %arg2: memref<10000x128xf32, #tpu.memory_space<hbm>>, %arg3: memref<10000x128xf32, #tpu.memory_space<hbm>>, %arg4: memref<32x80x128xi32, #tpu.memory_space<hbm>>, %arg5: memref<2x2x10112x128xf32, #tpu.memory_space<hbm>>, %arg6: memref<80x128xi32, #tpu.memory_space<vmem>>, %arg7: memref<4x128xi32, #tpu.memory_space<vmem>>, %arg8: memref<256x128xf32, #tpu.memory_space<vmem>>, %arg9: memref<8x128xf32, #tpu.memory_space<vmem>>, %arg10: memref<10112x128xf32, #tpu.memory_space<vmem_shared>>, %arg11: memref<!tpu.dma_semaphore, #tpu.memory_space<semaphore_mem>>) attributes {dimension_semantics = [#tpu.dimension_semantics<core_parallel>, #tpu.dimension_semantics<subcore_parallel>], iteration_bounds = array<i64: 2, 16>, scalar_prefetch = 0 : i64, scratch_operands = 6 : i64, tpu.core_type = #tpu.core_type<sc_vector_subcore>, window_params = [{transform_indices = #map}, {transform_indices = #map}, {transform_indices = #map1}, {transform_indices = #map2}]} {
    %mul3A = arith.constant 2 : i32
    %mul3A_0 = arith.muli %arg1, %mul3A : i32
    %add3A = arith.addi %mul3A_0, %arg0 : i32
    "tpu.region"() ({
      %run_scoped3A = tpu.sem_alloc : memref<!tpu.dma_semaphore, #tpu.memory_space<semaphore_mem>>
      %dma_start3A = arith.constant 0 : i32
      %dma_start3A_595 = arith.constant 0 : i32
      %dma_start3A_596 = tpu.memref_slice %arg4[%add3A, %dma_start3A, %dma_start3A_595] : memref<32x80x128xi32, #tpu.memory_space<hbm>> -> memref<1x80x128xi32, #tpu.memory_space<hbm>>
      %dma_start3A_597 = tpu.memref_squeeze %dma_start3A_596 : memref<1x80x128xi32, #tpu.memory_space<hbm>> -> memref<80x128xi32, #tpu.memory_space<hbm>>
      %dma_start3A_598 = arith.constant 0 : i32
      %dma_start3A_599 = arith.constant 0 : i32
      %dma_start3A_600 = tpu.memref_slice %arg4[%add3A, %dma_start3A_598, %dma_start3A_599] : memref<32x80x128xi32, #tpu.memory_space<hbm>> -> memref<1x80x128xi32, #tpu.memory_space<hbm>>
      %dma_start3A_601 = tpu.memref_squeeze %dma_start3A_600 : memref<1x80x128xi32, #tpu.memory_space<hbm>> -> memref<80x128xi32, #tpu.memory_space<hbm>>
      tpu.enqueue_dma source(%dma_start3A_601 : memref<80x128xi32, #tpu.memory_space<hbm>>) target(%arg6 : memref<80x128xi32, #tpu.memory_space<vmem>>) target_semaphore(%run_scoped3A : memref<!tpu.dma_semaphore, #tpu.memory_space<semaphore_mem>>)
      %dma_wait3A_602 = arith.constant 0 : i32
      %dma_wait3A_603 = arith.constant 0 : i32
      %dma_wait3A_604 = tpu.memref_slice %arg4[%add3A, %dma_wait3A_602, %dma_wait3A_603] : memref<32x80x128xi32, #tpu.memory_space<hbm>> -> memref<1x80x128xi32, #tpu.memory_space<hbm>>
      %dma_wait3A_605 = tpu.memref_squeeze %dma_wait3A_604 : memref<1x80x128xi32, #tpu.memory_space<hbm>> -> memref<80x128xi32, #tpu.memory_space<hbm>>
      %dma_wait3A_606 = arith.constant 0 : i32
      %dma_wait3A_607 = arith.constant 0 : i32
      %dma_wait3A_608 = tpu.memref_slice %arg4[%add3A, %dma_wait3A_606, %dma_wait3A_607] : memref<32x80x128xi32, #tpu.memory_space<hbm>> -> memref<1x80x128xi32, #tpu.memory_space<hbm>>
      %dma_wait3A_609 = tpu.memref_squeeze %dma_wait3A_608 : memref<1x80x128xi32, #tpu.memory_space<hbm>> -> memref<80x128xi32, #tpu.memory_space<hbm>>
      tpu.wait_dma2 semaphore(%run_scoped3A : memref<!tpu.dma_semaphore, #tpu.memory_space<semaphore_mem>>) src(%dma_wait3A_609 : memref<80x128xi32, #tpu.memory_space<hbm>>) dst(%arg6 : memref<80x128xi32, #tpu.memory_space<vmem>>)
      tpu.yield
    }) : () -> ()
    %mul3A_1 = arith.constant 632 : i32
    %mul3A_2 = arith.muli %arg1, %mul3A_1 : i32
    %broadcast_in_dim3A = arith.constant 0.000000e+00 : f32
    %broadcast_in_dim3A_3 = vector.broadcast %broadcast_in_dim3A : f32 to vector<16xf32>
    %swap3A = arith.constant 0 : i32
    %swap3A_4 = arith.index_cast %swap3A : i32 to index
    %swap3A_5 = arith.constant 0 : index
    %swap3A_6 = tpu.vector_load %arg9[%swap3A_4, %swap3A_5] {strides = array<i32>} : memref<8x128xf32, #tpu.memory_space<vmem>>, vector<1x16xf32>,
    %swap3A_7 = vector.shape_cast %swap3A_6 : vector<1x16xf32> to vector<16xf32>
    %swap3A_8 = vector.shape_cast %broadcast_in_dim3A_3 : vector<16xf32> to vector<1x16xf32>
    tpu.vector_store %arg9[%swap3A_4, %swap3A_5], %swap3A_8 {strides = array<i32>} : memref<8x128xf32, #tpu.memory_space<vmem>>, vector<1x16xf32>,
    %broadcast_in_dim3A_9 = arith.constant 0.000000e+00 : f32
    %broadcast_in_dim3A_10 = vector.broadcast %broadcast_in_dim3A_9 : f32 to vector<16xf32>
    %swap3A_11 = arith.constant 0 : i32
    %swap3A_12 = arith.index_cast %swap3A_11 : i32 to index
    %swap3A_13 = arith.constant 16 : index
    %swap3A_14 = tpu.vector_load %arg9[%swap3A_12, %swap3A_13] {strides = array<i32>} : memref<8x128xf32, #tpu.memory_space<vmem>>, vector<1x16xf32>,
    %swap3A_15 = vector.shape_cast %swap3A_14 : vector<1x16xf32> to vector<16xf32>
    %swap3A_16 = vector.shape_cast %broadcast_in_dim3A_10 : vector<16xf32> to vector<1x16xf32>
    tpu.vector_store %arg9[%swap3A_12, %swap3A_13], %swap3A_16 {strides = array<i32>} : memref<8x128xf32, #tpu.memory_space<vmem>>, vector<1x16xf32>,
    %broadcast_in_dim3A_17 = arith.constant 0.000000e+00 : f32
    %broadcast_in_dim3A_18 = vector.broadcast %broadcast_in_dim3A_17 : f32 to vector<16xf32>
    %swap3A_19 = arith.constant 0 : i32
    %swap3A_20 = arith.index_cast %swap3A_19 : i32 to index
    %swap3A_21 = arith.constant 32 : index
    %swap3A_22 = tpu.vector_load %arg9[%swap3A_20, %swap3A_21] {strides = array<i32>} : memref<8x128xf32, #tpu.memory_space<vmem>>, vector<1x16xf32>,
    %swap3A_23 = vector.shape_cast %swap3A_22 : vector<1x16xf32> to vector<16xf32>
    %swap3A_24 = vector.shape_cast %broadcast_in_dim3A_18 : vector<16xf32> to vector<1x16xf32>
    tpu.vector_store %arg9[%swap3A_20, %swap3A_21], %swap3A_24 {strides = array<i32>} : memref<8x128xf32, #tpu.memory_space<vmem>>, vector<1x16xf32>,
    %broadcast_in_dim3A_25 = arith.constant 0.000000e+00 : f32
    %broadcast_in_dim3A_26 = vector.broadcast %broadcast_in_dim3A_25 : f32 to vector<16xf32>
    %swap3A_27 = arith.constant 0 : i32
    %swap3A_28 = arith.index_cast %swap3A_27 : i32 to index
    %swap3A_29 = arith.constant 48 : index
    %swap3A_30 = tpu.vector_load %arg9[%swap3A_28, %swap3A_29] {strides = array<i32>} : memref<8x128xf32, #tpu.memory_space<vmem>>, vector<1x16xf32>,
    %swap3A_31 = vector.shape_cast %swap3A_30 : vector<1x16xf32> to vector<16xf32>
    %swap3A_32 = vector.shape_cast %broadcast_in_dim3A_26 : vector<16xf32> to vector<1x16xf32>
    tpu.vector_store %arg9[%swap3A_28, %swap3A_29], %swap3A_32 {strides = array<i32>} : memref<8x128xf32, #tpu.memory_space<vmem>>, vector<1x16xf32>,
    %broadcast_in_dim3A_33 = arith.constant 0.000000e+00 : f32
    %broadcast_in_dim3A_34 = vector.broadcast %broadcast_in_dim3A_33 : f32 to vector<16xf32>
    %swap3A_35 = arith.constant 0 : i32
    %swap3A_36 = arith.index_cast %swap3A_35 : i32 to index
    %swap3A_37 = arith.constant 64 : index
    %swap3A_38 = tpu.vector_load %arg9[%swap3A_36, %swap3A_37] {strides = array<i32>} : memref<8x128xf32, #tpu.memory_space<vmem>>, vector<1x16xf32>,
    %swap3A_39 = vector.shape_cast %swap3A_38 : vector<1x16xf32> to vector<16xf32>
    %swap3A_40 = vector.shape_cast %broadcast_in_dim3A_34 : vector<16xf32> to vector<1x16xf32>
    tpu.vector_store %arg9[%swap3A_36, %swap3A_37], %swap3A_40 {strides = array<i32>} : memref<8x128xf32, #tpu.memory_space<vmem>>, vector<1x16xf32>,
    %broadcast_in_dim3A_41 = arith.constant 0.000000e+00 : f32
    %broadcast_in_dim3A_42 = vector.broadcast %broadcast_in_dim3A_41 : f32 to vector<16xf32>
    %swap3A_43 = arith.constant 0 : i32
    %swap3A_44 = arith.index_cast %swap3A_43 : i32 to index
    %swap3A_45 = arith.constant 80 : index
    %swap3A_46 = tpu.vector_load %arg9[%swap3A_44, %swap3A_45] {strides = array<i32>} : memref<8x128xf32, #tpu.memory_space<vmem>>, vector<1x16xf32>,
    %swap3A_47 = vector.shape_cast %swap3A_46 : vector<1x16xf32> to vector<16xf32>
    %swap3A_48 = vector.shape_cast %broadcast_in_dim3A_42 : vector<16xf32> to vector<1x16xf32>
    tpu.vector_store %arg9[%swap3A_44, %swap3A_45], %swap3A_48 {strides = array<i32>} : memref<8x128xf32, #tpu.memory_space<vmem>>, vector<1x16xf32>,
    %broadcast_in_dim3A_49 = arith.constant 0.000000e+00 : f32
    %broadcast_in_dim3A_50 = vector.broadcast %broadcast_in_dim3A_49 : f32 to vector<16xf32>
    %swap3A_51 = arith.constant 0 : i32
    %swap3A_52 = arith.index_cast %swap3A_51 : i32 to index
    %swap3A_53 = arith.constant 96 : index
    %swap3A_54 = tpu.vector_load %arg9[%swap3A_52, %swap3A_53] {strides = array<i32>} : memref<8x128xf32, #tpu.memory_space<vmem>>, vector<1x16xf32>,
    %swap3A_55 = vector.shape_cast %swap3A_54 : vector<1x16xf32> to vector<16xf32>
    %swap3A_56 = vector.shape_cast %broadcast_in_dim3A_50 : vector<16xf32> to vector<1x16xf32>
    tpu.vector_store %arg9[%swap3A_52, %swap3A_53], %swap3A_56 {strides = array<i32>} : memref<8x128xf32, #tpu.memory_space<vmem>>, vector<1x16xf32>,
    %broadcast_in_dim3A_57 = arith.constant 0.000000e+00 : f32
    %broadcast_in_dim3A_58 = vector.broadcast %broadcast_in_dim3A_57 : f32 to vector<16xf32>
    %swap3A_59 = arith.constant 0 : i32
    %swap3A_60 = arith.index_cast %swap3A_59 : i32 to index
    %swap3A_61 = arith.constant 112 : index
    %swap3A_62 = tpu.vector_load %arg9[%swap3A_60, %swap3A_61] {strides = array<i32>} : memref<8x128xf32, #tpu.memory_space<vmem>>, vector<1x16xf32>,
    %swap3A_63 = vector.shape_cast %swap3A_62 : vector<1x16xf32> to vector<16xf32>
    %swap3A_64 = vector.shape_cast %broadcast_in_dim3A_58 : vector<16xf32> to vector<1x16xf32>
    tpu.vector_store %arg9[%swap3A_60, %swap3A_61], %swap3A_64 {strides = array<i32>} : memref<8x128xf32, #tpu.memory_space<vmem>>, vector<1x16xf32>,
    %broadcast_in_dim3A_65 = arith.constant 0.000000e+00 : f32
    %broadcast_in_dim3A_66 = vector.broadcast %broadcast_in_dim3A_65 : f32 to vector<16xf32>
    %swap3A_67 = arith.constant 1 : i32
    %swap3A_68 = arith.index_cast %swap3A_67 : i32 to index
    %swap3A_69 = arith.constant 0 : index
    %swap3A_70 = tpu.vector_load %arg9[%swap3A_68, %swap3A_69] {strides = array<i32>} : memref<8x128xf32, #tpu.memory_space<vmem>>, vector<1x16xf32>,
    %swap3A_71 = vector.shape_cast %swap3A_70 : vector<1x16xf32> to vector<16xf32>
    %swap3A_72 = vector.shape_cast %broadcast_in_dim3A_66 : vector<16xf32> to vector<1x16xf32>
    tpu.vector_store %arg9[%swap3A_68, %swap3A_69], %swap3A_72 {strides = array<i32>} : memref<8x128xf32, #tpu.memory_space<vmem>>, vector<1x16xf32>,
    %broadcast_in_dim3A_73 = arith.constant 0.000000e+00 : f32
    %broadcast_in_dim3A_74 = vector.broadcast %broadcast_in_dim3A_73 : f32 to vector<16xf32>
    %swap3A_75 = arith.constant 1 : i32
    %swap3A_76 = arith.index_cast %swap3A_75 : i32 to index
    %swap3A_77 = arith.constant 16 : index
    %swap3A_78 = tpu.vector_load %arg9[%swap3A_76, %swap3A_77] {strides = array<i32>} : memref<8x128xf32, #tpu.memory_space<vmem>>, vector<1x16xf32>,
    %swap3A_79 = vector.shape_cast %swap3A_78 : vector<1x16xf32> to vector<16xf32>
    %swap3A_80 = vector.shape_cast %broadcast_in_dim3A_74 : vector<16xf32> to vector<1x16xf32>
    tpu.vector_store %arg9[%swap3A_76, %swap3A_77], %swap3A_80 {strides = array<i32>} : memref<8x128xf32, #tpu.memory_space<vmem>>, vector<1x16xf32>,
    %broadcast_in_dim3A_81 = arith.constant 0.000000e+00 : f32
    %broadcast_in_dim3A_82 = vector.broadcast %broadcast_in_dim3A_81 : f32 to vector<16xf32>
    %swap3A_83 = arith.constant 1 : i32
    %swap3A_84 = arith.index_cast %swap3A_83 : i32 to index
    %swap3A_85 = arith.constant 32 : index
    %swap3A_86 = tpu.vector_load %arg9[%swap3A_84, %swap3A_85] {strides = array<i32>} : memref<8x128xf32, #tpu.memory_space<vmem>>, vector<1x16xf32>,
    %swap3A_87 = vector.shape_cast %swap3A_86 : vector<1x16xf32> to vector<16xf32>
    %swap3A_88 = vector.shape_cast %broadcast_in_dim3A_82 : vector<16xf32> to vector<1x16xf32>
    tpu.vector_store %arg9[%swap3A_84, %swap3A_85], %swap3A_88 {strides = array<i32>} : memref<8x128xf32, #tpu.memory_space<vmem>>, vector<1x16xf32>,
    %broadcast_in_dim3A_89 = arith.constant 0.000000e+00 : f32
    %broadcast_in_dim3A_90 = vector.broadcast %broadcast_in_dim3A_89 : f32 to vector<16xf32>
    %swap3A_91 = arith.constant 1 : i32
    %swap3A_92 = arith.index_cast %swap3A_91 : i32 to index
    %swap3A_93 = arith.constant 48 : index
    %swap3A_94 = tpu.vector_load %arg9[%swap3A_92, %swap3A_93] {strides = array<i32>} : memref<8x128xf32, #tpu.memory_space<vmem>>, vector<1x16xf32>,
    %swap3A_95 = vector.shape_cast %swap3A_94 : vector<1x16xf32> to vector<16xf32>
    %swap3A_96 = vector.shape_cast %broadcast_in_dim3A_90 : vector<16xf32> to vector<1x16xf32>
    tpu.vector_store %arg9[%swap3A_92, %swap3A_93], %swap3A_96 {strides = array<i32>} : memref<8x128xf32, #tpu.memory_space<vmem>>, vector<1x16xf32>,
    %broadcast_in_dim3A_97 = arith.constant 0.000000e+00 : f32
    %broadcast_in_dim3A_98 = vector.broadcast %broadcast_in_dim3A_97 : f32 to vector<16xf32>
    %swap3A_99 = arith.constant 1 : i32
    %swap3A_100 = arith.index_cast %swap3A_99 : i32 to index
    %swap3A_101 = arith.constant 64 : index
    %swap3A_102 = tpu.vector_load %arg9[%swap3A_100, %swap3A_101] {strides = array<i32>} : memref<8x128xf32, #tpu.memory_space<vmem>>, vector<1x16xf32>,
    %swap3A_103 = vector.shape_cast %swap3A_102 : vector<1x16xf32> to vector<16xf32>
    %swap3A_104 = vector.shape_cast %broadcast_in_dim3A_98 : vector<16xf32> to vector<1x16xf32>
    tpu.vector_store %arg9[%swap3A_100, %swap3A_101], %swap3A_104 {strides = array<i32>} : memref<8x128xf32, #tpu.memory_space<vmem>>, vector<1x16xf32>,
    %broadcast_in_dim3A_105 = arith.constant 0.000000e+00 : f32
    %broadcast_in_dim3A_106 = vector.broadcast %broadcast_in_dim3A_105 : f32 to vector<16xf32>
    %swap3A_107 = arith.constant 1 : i32
    %swap3A_108 = arith.index_cast %swap3A_107 : i32 to index
    %swap3A_109 = arith.constant 80 : index
    %swap3A_110 = tpu.vector_load %arg9[%swap3A_108, %swap3A_109] {strides = array<i32>} : memref<8x128xf32, #tpu.memory_space<vmem>>, vector<1x16xf32>,
    %swap3A_111 = vector.shape_cast %swap3A_110 : vector<1x16xf32> to vector<16xf32>
    %swap3A_112 = vector.shape_cast %broadcast_in_dim3A_106 : vector<16xf32> to vector<1x16xf32>
    tpu.vector_store %arg9[%swap3A_108, %swap3A_109], %swap3A_112 {strides = array<i32>} : memref<8x128xf32, #tpu.memory_space<vmem>>, vector<1x16xf32>,
    %broadcast_in_dim3A_113 = arith.constant 0.000000e+00 : f32
    %broadcast_in_dim3A_114 = vector.broadcast %broadcast_in_dim3A_113 : f32 to vector<16xf32>
    %swap3A_115 = arith.constant 1 : i32
    %swap3A_116 = arith.index_cast %swap3A_115 : i32 to index
    %swap3A_117 = arith.constant 96 : index
    %swap3A_118 = tpu.vector_load %arg9[%swap3A_116, %swap3A_117] {strides = array<i32>} : memref<8x128xf32, #tpu.memory_space<vmem>>, vector<1x16xf32>,
    %swap3A_119 = vector.shape_cast %swap3A_118 : vector<1x16xf32> to vector<16xf32>
    %swap3A_120 = vector.shape_cast %broadcast_in_dim3A_114 : vector<16xf32> to vector<1x16xf32>
    tpu.vector_store %arg9[%swap3A_116, %swap3A_117], %swap3A_120 {strides = array<i32>} : memref<8x128xf32, #tpu.memory_space<vmem>>, vector<1x16xf32>,
    %broadcast_in_dim3A_121 = arith.constant 0.000000e+00 : f32
    %broadcast_in_dim3A_122 = vector.broadcast %broadcast_in_dim3A_121 : f32 to vector<16xf32>
    %swap3A_123 = arith.constant 1 : i32
    %swap3A_124 = arith.index_cast %swap3A_123 : i32 to index
    %swap3A_125 = arith.constant 112 : index
    %swap3A_126 = tpu.vector_load %arg9[%swap3A_124, %swap3A_125] {strides = array<i32>} : memref<8x128xf32, #tpu.memory_space<vmem>>, vector<1x16xf32>,
    %swap3A_127 = vector.shape_cast %swap3A_126 : vector<1x16xf32> to vector<16xf32>
    %swap3A_128 = vector.shape_cast %broadcast_in_dim3A_122 : vector<16xf32> to vector<1x16xf32>
    tpu.vector_store %arg9[%swap3A_124, %swap3A_125], %swap3A_128 {strides = array<i32>} : memref<8x128xf32, #tpu.memory_space<vmem>>, vector<1x16xf32>,
    %broadcast_in_dim3A_129 = arith.constant 0.000000e+00 : f32
    %broadcast_in_dim3A_130 = vector.broadcast %broadcast_in_dim3A_129 : f32 to vector<16xf32>
    %swap3A_131 = arith.constant 2 : i32
    %swap3A_132 = arith.index_cast %swap3A_131 : i32 to index
    %swap3A_133 = arith.constant 0 : index
    %swap3A_134 = tpu.vector_load %arg9[%swap3A_132, %swap3A_133] {strides = array<i32>} : memref<8x128xf32, #tpu.memory_space<vmem>>, vector<1x16xf32>,
    %swap3A_135 = vector.shape_cast %swap3A_134 : vector<1x16xf32> to vector<16xf32>
    %swap3A_136 = vector.shape_cast %broadcast_in_dim3A_130 : vector<16xf32> to vector<1x16xf32>
    tpu.vector_store %arg9[%swap3A_132, %swap3A_133], %swap3A_136 {strides = array<i32>} : memref<8x128xf32, #tpu.memory_space<vmem>>, vector<1x16xf32>,
    %broadcast_in_dim3A_137 = arith.constant 0.000000e+00 : f32
    %broadcast_in_dim3A_138 = vector.broadcast %broadcast_in_dim3A_137 : f32 to vector<16xf32>
    %swap3A_139 = arith.constant 2 : i32
    %swap3A_140 = arith.index_cast %swap3A_139 : i32 to index
    %swap3A_141 = arith.constant 16 : index
    %swap3A_142 = tpu.vector_load %arg9[%swap3A_140, %swap3A_141] {strides = array<i32>} : memref<8x128xf32, #tpu.memory_space<vmem>>, vector<1x16xf32>,
    %swap3A_143 = vector.shape_cast %swap3A_142 : vector<1x16xf32> to vector<16xf32>
    %swap3A_144 = vector.shape_cast %broadcast_in_dim3A_138 : vector<16xf32> to vector<1x16xf32>
    tpu.vector_store %arg9[%swap3A_140, %swap3A_141], %swap3A_144 {strides = array<i32>} : memref<8x128xf32, #tpu.memory_space<vmem>>, vector<1x16xf32>,
    %broadcast_in_dim3A_145 = arith.constant 0.000000e+00 : f32
    %broadcast_in_dim3A_146 = vector.broadcast %broadcast_in_dim3A_145 : f32 to vector<16xf32>
    %swap3A_147 = arith.constant 2 : i32
    %swap3A_148 = arith.index_cast %swap3A_147 : i32 to index
    %swap3A_149 = arith.constant 32 : index
    %swap3A_150 = tpu.vector_load %arg9[%swap3A_148, %swap3A_149] {strides = array<i32>} : memref<8x128xf32, #tpu.memory_space<vmem>>, vector<1x16xf32>,
    %swap3A_151 = vector.shape_cast %swap3A_150 : vector<1x16xf32> to vector<16xf32>
    %swap3A_152 = vector.shape_cast %broadcast_in_dim3A_146 : vector<16xf32> to vector<1x16xf32>
    tpu.vector_store %arg9[%swap3A_148, %swap3A_149], %swap3A_152 {strides = array<i32>} : memref<8x128xf32, #tpu.memory_space<vmem>>, vector<1x16xf32>,
    %broadcast_in_dim3A_153 = arith.constant 0.000000e+00 : f32
    %broadcast_in_dim3A_154 = vector.broadcast %broadcast_in_dim3A_153 : f32 to vector<16xf32>
    %swap3A_155 = arith.constant 2 : i32
    %swap3A_156 = arith.index_cast %swap3A_155 : i32 to index
    %swap3A_157 = arith.constant 48 : index
    %swap3A_158 = tpu.vector_load %arg9[%swap3A_156, %swap3A_157] {strides = array<i32>} : memref<8x128xf32, #tpu.memory_space<vmem>>, vector<1x16xf32>,
    %swap3A_159 = vector.shape_cast %swap3A_158 : vector<1x16xf32> to vector<16xf32>
    %swap3A_160 = vector.shape_cast %broadcast_in_dim3A_154 : vector<16xf32> to vector<1x16xf32>
    tpu.vector_store %arg9[%swap3A_156, %swap3A_157], %swap3A_160 {strides = array<i32>} : memref<8x128xf32, #tpu.memory_space<vmem>>, vector<1x16xf32>,
    %broadcast_in_dim3A_161 = arith.constant 0.000000e+00 : f32
    %broadcast_in_dim3A_162 = vector.broadcast %broadcast_in_dim3A_161 : f32 to vector<16xf32>
    %swap3A_163 = arith.constant 2 : i32
    %swap3A_164 = arith.index_cast %swap3A_163 : i32 to index
    %swap3A_165 = arith.constant 64 : index
    %swap3A_166 = tpu.vector_load %arg9[%swap3A_164, %swap3A_165] {strides = array<i32>} : memref<8x128xf32, #tpu.memory_space<vmem>>, vector<1x16xf32>,
    %swap3A_167 = vector.shape_cast %swap3A_166 : vector<1x16xf32> to vector<16xf32>
    %swap3A_168 = vector.shape_cast %broadcast_in_dim3A_162 : vector<16xf32> to vector<1x16xf32>
    tpu.vector_store %arg9[%swap3A_164, %swap3A_165], %swap3A_168 {strides = array<i32>} : memref<8x128xf32, #tpu.memory_space<vmem>>, vector<1x16xf32>,
    %broadcast_in_dim3A_169 = arith.constant 0.000000e+00 : f32
    %broadcast_in_dim3A_170 = vector.broadcast %broadcast_in_dim3A_169 : f32 to vector<16xf32>
    %swap3A_171 = arith.constant 2 : i32
    %swap3A_172 = arith.index_cast %swap3A_171 : i32 to index
    %swap3A_173 = arith.constant 80 : index
    %swap3A_174 = tpu.vector_load %arg9[%swap3A_172, %swap3A_173] {strides = array<i32>} : memref<8x128xf32, #tpu.memory_space<vmem>>, vector<1x16xf32>,
    %swap3A_175 = vector.shape_cast %swap3A_174 : vector<1x16xf32> to vector<16xf32>
    %swap3A_176 = vector.shape_cast %broadcast_in_dim3A_170 : vector<16xf32> to vector<1x16xf32>
    tpu.vector_store %arg9[%swap3A_172, %swap3A_173], %swap3A_176 {strides = array<i32>} : memref<8x128xf32, #tpu.memory_space<vmem>>, vector<1x16xf32>,
    %broadcast_in_dim3A_177 = arith.constant 0.000000e+00 : f32
    %broadcast_in_dim3A_178 = vector.broadcast %broadcast_in_dim3A_177 : f32 to vector<16xf32>
    %swap3A_179 = arith.constant 2 : i32
    %swap3A_180 = arith.index_cast %swap3A_179 : i32 to index
    %swap3A_181 = arith.constant 96 : index
    %swap3A_182 = tpu.vector_load %arg9[%swap3A_180, %swap3A_181] {strides = array<i32>} : memref<8x128xf32, #tpu.memory_space<vmem>>, vector<1x16xf32>,
    %swap3A_183 = vector.shape_cast %swap3A_182 : vector<1x16xf32> to vector<16xf32>
    %swap3A_184 = vector.shape_cast %broadcast_in_dim3A_178 : vector<16xf32> to vector<1x16xf32>
    tpu.vector_store %arg9[%swap3A_180, %swap3A_181], %swap3A_184 {strides = array<i32>} : memref<8x128xf32, #tpu.memory_space<vmem>>, vector<1x16xf32>,
    %broadcast_in_dim3A_185 = arith.constant 0.000000e+00 : f32
    %broadcast_in_dim3A_186 = vector.broadcast %broadcast_in_dim3A_185 : f32 to vector<16xf32>
    %swap3A_187 = arith.constant 2 : i32
    %swap3A_188 = arith.index_cast %swap3A_187 : i32 to index
    %swap3A_189 = arith.constant 112 : index
    %swap3A_190 = tpu.vector_load %arg9[%swap3A_188, %swap3A_189] {strides = array<i32>} : memref<8x128xf32, #tpu.memory_space<vmem>>, vector<1x16xf32>,
    %swap3A_191 = vector.shape_cast %swap3A_190 : vector<1x16xf32> to vector<16xf32>
    %swap3A_192 = vector.shape_cast %broadcast_in_dim3A_186 : vector<16xf32> to vector<1x16xf32>
    tpu.vector_store %arg9[%swap3A_188, %swap3A_189], %swap3A_192 {strides = array<i32>} : memref<8x128xf32, #tpu.memory_space<vmem>>, vector<1x16xf32>,
    %broadcast_in_dim3A_193 = arith.constant 0.000000e+00 : f32
    %broadcast_in_dim3A_194 = vector.broadcast %broadcast_in_dim3A_193 : f32 to vector<16xf32>
    %swap3A_195 = arith.constant 3 : i32
    %swap3A_196 = arith.index_cast %swap3A_195 : i32 to index
    %swap3A_197 = arith.constant 0 : index
    %swap3A_198 = tpu.vector_load %arg9[%swap3A_196, %swap3A_197] {strides = array<i32>} : memref<8x128xf32, #tpu.memory_space<vmem>>, vector<1x16xf32>,
    %swap3A_199 = vector.shape_cast %swap3A_198 : vector<1x16xf32> to vector<16xf32>
    %swap3A_200 = vector.shape_cast %broadcast_in_dim3A_194 : vector<16xf32> to vector<1x16xf32>
    tpu.vector_store %arg9[%swap3A_196, %swap3A_197], %swap3A_200 {strides = array<i32>} : memref<8x128xf32, #tpu.memory_space<vmem>>, vector<1x16xf32>,
    %broadcast_in_dim3A_201 = arith.constant 0.000000e+00 : f32
    %broadcast_in_dim3A_202 = vector.broadcast %broadcast_in_dim3A_201 : f32 to vector<16xf32>
    %swap3A_203 = arith.constant 3 : i32
    %swap3A_204 = arith.index_cast %swap3A_203 : i32 to index
    %swap3A_205 = arith.constant 16 : index
    %swap3A_206 = tpu.vector_load %arg9[%swap3A_204, %swap3A_205] {strides = array<i32>} : memref<8x128xf32, #tpu.memory_space<vmem>>, vector<1x16xf32>,
    %swap3A_207 = vector.shape_cast %swap3A_206 : vector<1x16xf32> to vector<16xf32>
    %swap3A_208 = vector.shape_cast %broadcast_in_dim3A_202 : vector<16xf32> to vector<1x16xf32>
    tpu.vector_store %arg9[%swap3A_204, %swap3A_205], %swap3A_208 {strides = array<i32>} : memref<8x128xf32, #tpu.memory_space<vmem>>, vector<1x16xf32>,
    %broadcast_in_dim3A_209 = arith.constant 0.000000e+00 : f32
    %broadcast_in_dim3A_210 = vector.broadcast %broadcast_in_dim3A_209 : f32 to vector<16xf32>
    %swap3A_211 = arith.constant 3 : i32
    %swap3A_212 = arith.index_cast %swap3A_211 : i32 to index
    %swap3A_213 = arith.constant 32 : index
    %swap3A_214 = tpu.vector_load %arg9[%swap3A_212, %swap3A_213] {strides = array<i32>} : memref<8x128xf32, #tpu.memory_space<vmem>>, vector<1x16xf32>,
    %swap3A_215 = vector.shape_cast %swap3A_214 : vector<1x16xf32> to vector<16xf32>
    %swap3A_216 = vector.shape_cast %broadcast_in_dim3A_210 : vector<16xf32> to vector<1x16xf32>
    tpu.vector_store %arg9[%swap3A_212, %swap3A_213], %swap3A_216 {strides = array<i32>} : memref<8x128xf32, #tpu.memory_space<vmem>>, vector<1x16xf32>,
    %broadcast_in_dim3A_217 = arith.constant 0.000000e+00 : f32
    %broadcast_in_dim3A_218 = vector.broadcast %broadcast_in_dim3A_217 : f32 to vector<16xf32>
    %swap3A_219 = arith.constant 3 : i32
    %swap3A_220 = arith.index_cast %swap3A_219 : i32 to index
    %swap3A_221 = arith.constant 48 : index
    %swap3A_222 = tpu.vector_load %arg9[%swap3A_220, %swap3A_221] {strides = array<i32>} : memref<8x128xf32, #tpu.memory_space<vmem>>, vector<1x16xf32>,
    %swap3A_223 = vector.shape_cast %swap3A_222 : vector<1x16xf32> to vector<16xf32>
    %swap3A_224 = vector.shape_cast %broadcast_in_dim3A_218 : vector<16xf32> to vector<1x16xf32>
    tpu.vector_store %arg9[%swap3A_220, %swap3A_221], %swap3A_224 {strides = array<i32>} : memref<8x128xf32, #tpu.memory_space<vmem>>, vector<1x16xf32>,
    %broadcast_in_dim3A_225 = arith.constant 0.000000e+00 : f32
    %broadcast_in_dim3A_226 = vector.broadcast %broadcast_in_dim3A_225 : f32 to vector<16xf32>
    %swap3A_227 = arith.constant 3 : i32
    %swap3A_228 = arith.index_cast %swap3A_227 : i32 to index
    %swap3A_229 = arith.constant 64 : index
    %swap3A_230 = tpu.vector_load %arg9[%swap3A_228, %swap3A_229] {strides = array<i32>} : memref<8x128xf32, #tpu.memory_space<vmem>>, vector<1x16xf32>,
    %swap3A_231 = vector.shape_cast %swap3A_230 : vector<1x16xf32> to vector<16xf32>
    %swap3A_232 = vector.shape_cast %broadcast_in_dim3A_226 : vector<16xf32> to vector<1x16xf32>
    tpu.vector_store %arg9[%swap3A_228, %swap3A_229], %swap3A_232 {strides = array<i32>} : memref<8x128xf32, #tpu.memory_space<vmem>>, vector<1x16xf32>,
    %broadcast_in_dim3A_233 = arith.constant 0.000000e+00 : f32
    %broadcast_in_dim3A_234 = vector.broadcast %broadcast_in_dim3A_233 : f32 to vector<16xf32>
    %swap3A_235 = arith.constant 3 : i32
    %swap3A_236 = arith.index_cast %swap3A_235 : i32 to index
    %swap3A_237 = arith.constant 80 : index
    %swap3A_238 = tpu.vector_load %arg9[%swap3A_236, %swap3A_237] {strides = array<i32>} : memref<8x128xf32, #tpu.memory_space<vmem>>, vector<1x16xf32>,
    %swap3A_239 = vector.shape_cast %swap3A_238 : vector<1x16xf32> to vector<16xf32>
    %swap3A_240 = vector.shape_cast %broadcast_in_dim3A_234 : vector<16xf32> to vector<1x16xf32>
    tpu.vector_store %arg9[%swap3A_236, %swap3A_237], %swap3A_240 {strides = array<i32>} : memref<8x128xf32, #tpu.memory_space<vmem>>, vector<1x16xf32>,
    %broadcast_in_dim3A_241 = arith.constant 0.000000e+00 : f32
    %broadcast_in_dim3A_242 = vector.broadcast %broadcast_in_dim3A_241 : f32 to vector<16xf32>
    %swap3A_243 = arith.constant 3 : i32
    %swap3A_244 = arith.index_cast %swap3A_243 : i32 to index
    %swap3A_245 = arith.constant 96 : index
    %swap3A_246 = tpu.vector_load %arg9[%swap3A_244, %swap3A_245] {strides = array<i32>} : memref<8x128xf32, #tpu.memory_space<vmem>>, vector<1x16xf32>,
    %swap3A_247 = vector.shape_cast %swap3A_246 : vector<1x16xf32> to vector<16xf32>
    %swap3A_248 = vector.shape_cast %broadcast_in_dim3A_242 : vector<16xf32> to vector<1x16xf32>
    tpu.vector_store %arg9[%swap3A_244, %swap3A_245], %swap3A_248 {strides = array<i32>} : memref<8x128xf32, #tpu.memory_space<vmem>>, vector<1x16xf32>,
    %broadcast_in_dim3A_249 = arith.constant 0.000000e+00 : f32
    %broadcast_in_dim3A_250 = vector.broadcast %broadcast_in_dim3A_249 : f32 to vector<16xf32>
    %swap3A_251 = arith.constant 3 : i32
    %swap3A_252 = arith.index_cast %swap3A_251 : i32 to index
    %swap3A_253 = arith.constant 112 : index
    %swap3A_254 = tpu.vector_load %arg9[%swap3A_252, %swap3A_253] {strides = array<i32>} : memref<8x128xf32, #tpu.memory_space<vmem>>, vector<1x16xf32>,
    %swap3A_255 = vector.shape_cast %swap3A_254 : vector<1x16xf32> to vector<16xf32>
    %swap3A_256 = vector.shape_cast %broadcast_in_dim3A_250 : vector<16xf32> to vector<1x16xf32>
    tpu.vector_store %arg9[%swap3A_252, %swap3A_253], %swap3A_256 {strides = array<i32>} : memref<8x128xf32, #tpu.memory_space<vmem>>, vector<1x16xf32>,
    %broadcast_in_dim3A_257 = arith.constant 0.000000e+00 : f32
    %broadcast_in_dim3A_258 = vector.broadcast %broadcast_in_dim3A_257 : f32 to vector<16xf32>
    %swap3A_259 = arith.constant 4 : i32
    %swap3A_260 = arith.index_cast %swap3A_259 : i32 to index
    %swap3A_261 = arith.constant 0 : index
    %swap3A_262 = tpu.vector_load %arg9[%swap3A_260, %swap3A_261] {strides = array<i32>} : memref<8x128xf32, #tpu.memory_space<vmem>>, vector<1x16xf32>,
    %swap3A_263 = vector.shape_cast %swap3A_262 : vector<1x16xf32> to vector<16xf32>
    %swap3A_264 = vector.shape_cast %broadcast_in_dim3A_258 : vector<16xf32> to vector<1x16xf32>
    tpu.vector_store %arg9[%swap3A_260, %swap3A_261], %swap3A_264 {strides = array<i32>} : memref<8x128xf32, #tpu.memory_space<vmem>>, vector<1x16xf32>,
    %broadcast_in_dim3A_265 = arith.constant 0.000000e+00 : f32
    %broadcast_in_dim3A_266 = vector.broadcast %broadcast_in_dim3A_265 : f32 to vector<16xf32>
    %swap3A_267 = arith.constant 4 : i32
    %swap3A_268 = arith.index_cast %swap3A_267 : i32 to index
    %swap3A_269 = arith.constant 16 : index
    %swap3A_270 = tpu.vector_load %arg9[%swap3A_268, %swap3A_269] {strides = array<i32>} : memref<8x128xf32, #tpu.memory_space<vmem>>, vector<1x16xf32>,
    %swap3A_271 = vector.shape_cast %swap3A_270 : vector<1x16xf32> to vector<16xf32>
    %swap3A_272 = vector.shape_cast %broadcast_in_dim3A_266 : vector<16xf32> to vector<1x16xf32>
    tpu.vector_store %arg9[%swap3A_268, %swap3A_269], %swap3A_272 {strides = array<i32>} : memref<8x128xf32, #tpu.memory_space<vmem>>, vector<1x16xf32>,
    %broadcast_in_dim3A_273 = arith.constant 0.000000e+00 : f32
    %broadcast_in_dim3A_274 = vector.broadcast %broadcast_in_dim3A_273 : f32 to vector<16xf32>
    %swap3A_275 = arith.constant 4 : i32
    %swap3A_276 = arith.index_cast %swap3A_275 : i32 to index
    %swap3A_277 = arith.constant 32 : index
    %swap3A_278 = tpu.vector_load %arg9[%swap3A_276, %swap3A_277] {strides = array<i32>} : memref<8x128xf32, #tpu.memory_space<vmem>>, vector<1x16xf32>,
    %swap3A_279 = vector.shape_cast %swap3A_278 : vector<1x16xf32> to vector<16xf32>
    %swap3A_280 = vector.shape_cast %broadcast_in_dim3A_274 : vector<16xf32> to vector<1x16xf32>
    tpu.vector_store %arg9[%swap3A_276, %swap3A_277], %swap3A_280 {strides = array<i32>} : memref<8x128xf32, #tpu.memory_space<vmem>>, vector<1x16xf32>,
    %broadcast_in_dim3A_281 = arith.constant 0.000000e+00 : f32
    %broadcast_in_dim3A_282 = vector.broadcast %broadcast_in_dim3A_281 : f32 to vector<16xf32>
    %swap3A_283 = arith.constant 4 : i32
    %swap3A_284 = arith.index_cast %swap3A_283 : i32 to index
    %swap3A_285 = arith.constant 48 : index
    %swap3A_286 = tpu.vector_load %arg9[%swap3A_284, %swap3A_285] {strides = array<i32>} : memref<8x128xf32, #tpu.memory_space<vmem>>, vector<1x16xf32>,
    %swap3A_287 = vector.shape_cast %swap3A_286 : vector<1x16xf32> to vector<16xf32>
    %swap3A_288 = vector.shape_cast %broadcast_in_dim3A_282 : vector<16xf32> to vector<1x16xf32>
    tpu.vector_store %arg9[%swap3A_284, %swap3A_285], %swap3A_288 {strides = array<i32>} : memref<8x128xf32, #tpu.memory_space<vmem>>, vector<1x16xf32>,
    %broadcast_in_dim3A_289 = arith.constant 0.000000e+00 : f32
    %broadcast_in_dim3A_290 = vector.broadcast %broadcast_in_dim3A_289 : f32 to vector<16xf32>
    %swap3A_291 = arith.constant 4 : i32
    %swap3A_292 = arith.index_cast %swap3A_291 : i32 to index
    %swap3A_293 = arith.constant 64 : index
    %swap3A_294 = tpu.vector_load %arg9[%swap3A_292, %swap3A_293] {strides = array<i32>} : memref<8x128xf32, #tpu.memory_space<vmem>>, vector<1x16xf32>,
    %swap3A_295 = vector.shape_cast %swap3A_294 : vector<1x16xf32> to vector<16xf32>
    %swap3A_296 = vector.shape_cast %broadcast_in_dim3A_290 : vector<16xf32> to vector<1x16xf32>
    tpu.vector_store %arg9[%swap3A_292, %swap3A_293], %swap3A_296 {strides = array<i32>} : memref<8x128xf32, #tpu.memory_space<vmem>>, vector<1x16xf32>,
    %broadcast_in_dim3A_297 = arith.constant 0.000000e+00 : f32
    %broadcast_in_dim3A_298 = vector.broadcast %broadcast_in_dim3A_297 : f32 to vector<16xf32>
    %swap3A_299 = arith.constant 4 : i32
    %swap3A_300 = arith.index_cast %swap3A_299 : i32 to index
    %swap3A_301 = arith.constant 80 : index
    %swap3A_302 = tpu.vector_load %arg9[%swap3A_300, %swap3A_301] {strides = array<i32>} : memref<8x128xf32, #tpu.memory_space<vmem>>, vector<1x16xf32>,
    %swap3A_303 = vector.shape_cast %swap3A_302 : vector<1x16xf32> to vector<16xf32>
    %swap3A_304 = vector.shape_cast %broadcast_in_dim3A_298 : vector<16xf32> to vector<1x16xf32>
    tpu.vector_store %arg9[%swap3A_300, %swap3A_301], %swap3A_304 {strides = array<i32>} : memref<8x128xf32, #tpu.memory_space<vmem>>, vector<1x16xf32>,
    %broadcast_in_dim3A_305 = arith.constant 0.000000e+00 : f32
    %broadcast_in_dim3A_306 = vector.broadcast %broadcast_in_dim3A_305 : f32 to vector<16xf32>
    %swap3A_307 = arith.constant 4 : i32
    %swap3A_308 = arith.index_cast %swap3A_307 : i32 to index
    %swap3A_309 = arith.constant 96 : index
    %swap3A_310 = tpu.vector_load %arg9[%swap3A_308, %swap3A_309] {strides = array<i32>} : memref<8x128xf32, #tpu.memory_space<vmem>>, vector<1x16xf32>,
    %swap3A_311 = vector.shape_cast %swap3A_310 : vector<1x16xf32> to vector<16xf32>
    %swap3A_312 = vector.shape_cast %broadcast_in_dim3A_306 : vector<16xf32> to vector<1x16xf32>
    tpu.vector_store %arg9[%swap3A_308, %swap3A_309], %swap3A_312 {strides = array<i32>} : memref<8x128xf32, #tpu.memory_space<vmem>>, vector<1x16xf32>,
    %broadcast_in_dim3A_313 = arith.constant 0.000000e+00 : f32
    %broadcast_in_dim3A_314 = vector.broadcast %broadcast_in_dim3A_313 : f32 to vector<16xf32>
    %swap3A_315 = arith.constant 4 : i32
    %swap3A_316 = arith.index_cast %swap3A_315 : i32 to index
    %swap3A_317 = arith.constant 112 : index
    %swap3A_318 = tpu.vector_load %arg9[%swap3A_316, %swap3A_317] {strides = array<i32>} : memref<8x128xf32, #tpu.memory_space<vmem>>, vector<1x16xf32>,
    %swap3A_319 = vector.shape_cast %swap3A_318 : vector<1x16xf32> to vector<16xf32>
    %swap3A_320 = vector.shape_cast %broadcast_in_dim3A_314 : vector<16xf32> to vector<1x16xf32>
    tpu.vector_store %arg9[%swap3A_316, %swap3A_317], %swap3A_320 {strides = array<i32>} : memref<8x128xf32, #tpu.memory_space<vmem>>, vector<1x16xf32>,
    %broadcast_in_dim3A_321 = arith.constant 0.000000e+00 : f32
    %broadcast_in_dim3A_322 = vector.broadcast %broadcast_in_dim3A_321 : f32 to vector<16xf32>
    %swap3A_323 = arith.constant 5 : i32
    %swap3A_324 = arith.index_cast %swap3A_323 : i32 to index
    %swap3A_325 = arith.constant 0 : index
    %swap3A_326 = tpu.vector_load %arg9[%swap3A_324, %swap3A_325] {strides = array<i32>} : memref<8x128xf32, #tpu.memory_space<vmem>>, vector<1x16xf32>,
    %swap3A_327 = vector.shape_cast %swap3A_326 : vector<1x16xf32> to vector<16xf32>
    %swap3A_328 = vector.shape_cast %broadcast_in_dim3A_322 : vector<16xf32> to vector<1x16xf32>
    tpu.vector_store %arg9[%swap3A_324, %swap3A_325], %swap3A_328 {strides = array<i32>} : memref<8x128xf32, #tpu.memory_space<vmem>>, vector<1x16xf32>,
    %broadcast_in_dim3A_329 = arith.constant 0.000000e+00 : f32
    %broadcast_in_dim3A_330 = vector.broadcast %broadcast_in_dim3A_329 : f32 to vector<16xf32>
    %swap3A_331 = arith.constant 5 : i32
    %swap3A_332 = arith.index_cast %swap3A_331 : i32 to index
    %swap3A_333 = arith.constant 16 : index
    %swap3A_334 = tpu.vector_load %arg9[%swap3A_332, %swap3A_333] {strides = array<i32>} : memref<8x128xf32, #tpu.memory_space<vmem>>, vector<1x16xf32>,
    %swap3A_335 = vector.shape_cast %swap3A_334 : vector<1x16xf32> to vector<16xf32>
    %swap3A_336 = vector.shape_cast %broadcast_in_dim3A_330 : vector<16xf32> to vector<1x16xf32>
    tpu.vector_store %arg9[%swap3A_332, %swap3A_333], %swap3A_336 {strides = array<i32>} : memref<8x128xf32, #tpu.memory_space<vmem>>, vector<1x16xf32>,
    %broadcast_in_dim3A_337 = arith.constant 0.000000e+00 : f32
    %broadcast_in_dim3A_338 = vector.broadcast %broadcast_in_dim3A_337 : f32 to vector<16xf32>
    %swap3A_339 = arith.constant 5 : i32
    %swap3A_340 = arith.index_cast %swap3A_339 : i32 to index
    %swap3A_341 = arith.constant 32 : index
    %swap3A_342 = tpu.vector_load %arg9[%swap3A_340, %swap3A_341] {strides = array<i32>} : memref<8x128xf32, #tpu.memory_space<vmem>>, vector<1x16xf32>,
    %swap3A_343 = vector.shape_cast %swap3A_342 : vector<1x16xf32> to vector<16xf32>
    %swap3A_344 = vector.shape_cast %broadcast_in_dim3A_338 : vector<16xf32> to vector<1x16xf32>
    tpu.vector_store %arg9[%swap3A_340, %swap3A_341], %swap3A_344 {strides = array<i32>} : memref<8x128xf32, #tpu.memory_space<vmem>>, vector<1x16xf32>,
    %broadcast_in_dim3A_345 = arith.constant 0.000000e+00 : f32
    %broadcast_in_dim3A_346 = vector.broadcast %broadcast_in_dim3A_345 : f32 to vector<16xf32>
    %swap3A_347 = arith.constant 5 : i32
    %swap3A_348 = arith.index_cast %swap3A_347 : i32 to index
    %swap3A_349 = arith.constant 48 : index
    %swap3A_350 = tpu.vector_load %arg9[%swap3A_348, %swap3A_349] {strides = array<i32>} : memref<8x128xf32, #tpu.memory_space<vmem>>, vector<1x16xf32>,
    %swap3A_351 = vector.shape_cast %swap3A_350 : vector<1x16xf32> to vector<16xf32>
    %swap3A_352 = vector.shape_cast %broadcast_in_dim3A_346 : vector<16xf32> to vector<1x16xf32>
    tpu.vector_store %arg9[%swap3A_348, %swap3A_349], %swap3A_352 {strides = array<i32>} : memref<8x128xf32, #tpu.memory_space<vmem>>, vector<1x16xf32>,
    %broadcast_in_dim3A_353 = arith.constant 0.000000e+00 : f32
    %broadcast_in_dim3A_354 = vector.broadcast %broadcast_in_dim3A_353 : f32 to vector<16xf32>
    %swap3A_355 = arith.constant 5 : i32
    %swap3A_356 = arith.index_cast %swap3A_355 : i32 to index
    %swap3A_357 = arith.constant 64 : index
    %swap3A_358 = tpu.vector_load %arg9[%swap3A_356, %swap3A_357] {strides = array<i32>} : memref<8x128xf32, #tpu.memory_space<vmem>>, vector<1x16xf32>,
    %swap3A_359 = vector.shape_cast %swap3A_358 : vector<1x16xf32> to vector<16xf32>
    %swap3A_360 = vector.shape_cast %broadcast_in_dim3A_354 : vector<16xf32> to vector<1x16xf32>
    tpu.vector_store %arg9[%swap3A_356, %swap3A_357], %swap3A_360 {strides = array<i32>} : memref<8x128xf32, #tpu.memory_space<vmem>>, vector<1x16xf32>,
    %broadcast_in_dim3A_361 = arith.constant 0.000000e+00 : f32
    %broadcast_in_dim3A_362 = vector.broadcast %broadcast_in_dim3A_361 : f32 to vector<16xf32>
    %swap3A_363 = arith.constant 5 : i32
    %swap3A_364 = arith.index_cast %swap3A_363 : i32 to index
    %swap3A_365 = arith.constant 80 : index
    %swap3A_366 = tpu.vector_load %arg9[%swap3A_364, %swap3A_365] {strides = array<i32>} : memref<8x128xf32, #tpu.memory_space<vmem>>, vector<1x16xf32>,
    %swap3A_367 = vector.shape_cast %swap3A_366 : vector<1x16xf32> to vector<16xf32>
    %swap3A_368 = vector.shape_cast %broadcast_in_dim3A_362 : vector<16xf32> to vector<1x16xf32>
    tpu.vector_store %arg9[%swap3A_364, %swap3A_365], %swap3A_368 {strides = array<i32>} : memref<8x128xf32, #tpu.memory_space<vmem>>, vector<1x16xf32>,
    %broadcast_in_dim3A_369 = arith.constant 0.000000e+00 : f32
    %broadcast_in_dim3A_370 = vector.broadcast %broadcast_in_dim3A_369 : f32 to vector<16xf32>
    %swap3A_371 = arith.constant 5 : i32
    %swap3A_372 = arith.index_cast %swap3A_371 : i32 to index
    %swap3A_373 = arith.constant 96 : index
    %swap3A_374 = tpu.vector_load %arg9[%swap3A_372, %swap3A_373] {strides = array<i32>} : memref<8x128xf32, #tpu.memory_space<vmem>>, vector<1x16xf32>,
    %swap3A_375 = vector.shape_cast %swap3A_374 : vector<1x16xf32> to vector<16xf32>
    %swap3A_376 = vector.shape_cast %broadcast_in_dim3A_370 : vector<16xf32> to vector<1x16xf32>
    tpu.vector_store %arg9[%swap3A_372, %swap3A_373], %swap3A_376 {strides = array<i32>} : memref<8x128xf32, #tpu.memory_space<vmem>>, vector<1x16xf32>,
    %broadcast_in_dim3A_377 = arith.constant 0.000000e+00 : f32
    %broadcast_in_dim3A_378 = vector.broadcast %broadcast_in_dim3A_377 : f32 to vector<16xf32>
    %swap3A_379 = arith.constant 5 : i32
    %swap3A_380 = arith.index_cast %swap3A_379 : i32 to index
    %swap3A_381 = arith.constant 112 : index
    %swap3A_382 = tpu.vector_load %arg9[%swap3A_380, %swap3A_381] {strides = array<i32>} : memref<8x128xf32, #tpu.memory_space<vmem>>, vector<1x16xf32>,
    %swap3A_383 = vector.shape_cast %swap3A_382 : vector<1x16xf32> to vector<16xf32>
    %swap3A_384 = vector.shape_cast %broadcast_in_dim3A_378 : vector<16xf32> to vector<1x16xf32>
    tpu.vector_store %arg9[%swap3A_380, %swap3A_381], %swap3A_384 {strides = array<i32>} : memref<8x128xf32, #tpu.memory_space<vmem>>, vector<1x16xf32>,
    %broadcast_in_dim3A_385 = arith.constant 0.000000e+00 : f32
    %broadcast_in_dim3A_386 = vector.broadcast %broadcast_in_dim3A_385 : f32 to vector<16xf32>
    %swap3A_387 = arith.constant 6 : i32
    %swap3A_388 = arith.index_cast %swap3A_387 : i32 to index
    %swap3A_389 = arith.constant 0 : index
    %swap3A_390 = tpu.vector_load %arg9[%swap3A_388, %swap3A_389] {strides = array<i32>} : memref<8x128xf32, #tpu.memory_space<vmem>>, vector<1x16xf32>,
    %swap3A_391 = vector.shape_cast %swap3A_390 : vector<1x16xf32> to vector<16xf32>
    %swap3A_392 = vector.shape_cast %broadcast_in_dim3A_386 : vector<16xf32> to vector<1x16xf32>
    tpu.vector_store %arg9[%swap3A_388, %swap3A_389], %swap3A_392 {strides = array<i32>} : memref<8x128xf32, #tpu.memory_space<vmem>>, vector<1x16xf32>,
    %broadcast_in_dim3A_393 = arith.constant 0.000000e+00 : f32
    %broadcast_in_dim3A_394 = vector.broadcast %broadcast_in_dim3A_393 : f32 to vector<16xf32>
    %swap3A_395 = arith.constant 6 : i32
    %swap3A_396 = arith.index_cast %swap3A_395 : i32 to index
    %swap3A_397 = arith.constant 16 : index
    %swap3A_398 = tpu.vector_load %arg9[%swap3A_396, %swap3A_397] {strides = array<i32>} : memref<8x128xf32, #tpu.memory_space<vmem>>, vector<1x16xf32>,
    %swap3A_399 = vector.shape_cast %swap3A_398 : vector<1x16xf32> to vector<16xf32>
    %swap3A_400 = vector.shape_cast %broadcast_in_dim3A_394 : vector<16xf32> to vector<1x16xf32>
    tpu.vector_store %arg9[%swap3A_396, %swap3A_397], %swap3A_400 {strides = array<i32>} : memref<8x128xf32, #tpu.memory_space<vmem>>, vector<1x16xf32>,
    %broadcast_in_dim3A_401 = arith.constant 0.000000e+00 : f32
    %broadcast_in_dim3A_402 = vector.broadcast %broadcast_in_dim3A_401 : f32 to vector<16xf32>
    %swap3A_403 = arith.constant 6 : i32
    %swap3A_404 = arith.index_cast %swap3A_403 : i32 to index
    %swap3A_405 = arith.constant 32 : index
    %swap3A_406 = tpu.vector_load %arg9[%swap3A_404, %swap3A_405] {strides = array<i32>} : memref<8x128xf32, #tpu.memory_space<vmem>>, vector<1x16xf32>,
    %swap3A_407 = vector.shape_cast %swap3A_406 : vector<1x16xf32> to vector<16xf32>
    %swap3A_408 = vector.shape_cast %broadcast_in_dim3A_402 : vector<16xf32> to vector<1x16xf32>
    tpu.vector_store %arg9[%swap3A_404, %swap3A_405], %swap3A_408 {strides = array<i32>} : memref<8x128xf32, #tpu.memory_space<vmem>>, vector<1x16xf32>,
    %broadcast_in_dim3A_409 = arith.constant 0.000000e+00 : f32
    %broadcast_in_dim3A_410 = vector.broadcast %broadcast_in_dim3A_409 : f32 to vector<16xf32>
    %swap3A_411 = arith.constant 6 : i32
    %swap3A_412 = arith.index_cast %swap3A_411 : i32 to index
    %swap3A_413 = arith.constant 48 : index
    %swap3A_414 = tpu.vector_load %arg9[%swap3A_412, %swap3A_413] {strides = array<i32>} : memref<8x128xf32, #tpu.memory_space<vmem>>, vector<1x16xf32>,
    %swap3A_415 = vector.shape_cast %swap3A_414 : vector<1x16xf32> to vector<16xf32>
    %swap3A_416 = vector.shape_cast %broadcast_in_dim3A_410 : vector<16xf32> to vector<1x16xf32>
    tpu.vector_store %arg9[%swap3A_412, %swap3A_413], %swap3A_416 {strides = array<i32>} : memref<8x128xf32, #tpu.memory_space<vmem>>, vector<1x16xf32>,
    %broadcast_in_dim3A_417 = arith.constant 0.000000e+00 : f32
    %broadcast_in_dim3A_418 = vector.broadcast %broadcast_in_dim3A_417 : f32 to vector<16xf32>
    %swap3A_419 = arith.constant 6 : i32
    %swap3A_420 = arith.index_cast %swap3A_419 : i32 to index
    %swap3A_421 = arith.constant 64 : index
    %swap3A_422 = tpu.vector_load %arg9[%swap3A_420, %swap3A_421] {strides = array<i32>} : memref<8x128xf32, #tpu.memory_space<vmem>>, vector<1x16xf32>,
    %swap3A_423 = vector.shape_cast %swap3A_422 : vector<1x16xf32> to vector<16xf32>
    %swap3A_424 = vector.shape_cast %broadcast_in_dim3A_418 : vector<16xf32> to vector<1x16xf32>
    tpu.vector_store %arg9[%swap3A_420, %swap3A_421], %swap3A_424 {strides = array<i32>} : memref<8x128xf32, #tpu.memory_space<vmem>>, vector<1x16xf32>,
    %broadcast_in_dim3A_425 = arith.constant 0.000000e+00 : f32
    %broadcast_in_dim3A_426 = vector.broadcast %broadcast_in_dim3A_425 : f32 to vector<16xf32>
    %swap3A_427 = arith.constant 6 : i32
    %swap3A_428 = arith.index_cast %swap3A_427 : i32 to index
    %swap3A_429 = arith.constant 80 : index
    %swap3A_430 = tpu.vector_load %arg9[%swap3A_428, %swap3A_429] {strides = array<i32>} : memref<8x128xf32, #tpu.memory_space<vmem>>, vector<1x16xf32>,
    %swap3A_431 = vector.shape_cast %swap3A_430 : vector<1x16xf32> to vector<16xf32>
    %swap3A_432 = vector.shape_cast %broadcast_in_dim3A_426 : vector<16xf32> to vector<1x16xf32>
    tpu.vector_store %arg9[%swap3A_428, %swap3A_429], %swap3A_432 {strides = array<i32>} : memref<8x128xf32, #tpu.memory_space<vmem>>, vector<1x16xf32>,
    %broadcast_in_dim3A_433 = arith.constant 0.000000e+00 : f32
    %broadcast_in_dim3A_434 = vector.broadcast %broadcast_in_dim3A_433 : f32 to vector<16xf32>
    %swap3A_435 = arith.constant 6 : i32
    %swap3A_436 = arith.index_cast %swap3A_435 : i32 to index
    %swap3A_437 = arith.constant 96 : index
    %swap3A_438 = tpu.vector_load %arg9[%swap3A_436, %swap3A_437] {strides = array<i32>} : memref<8x128xf32, #tpu.memory_space<vmem>>, vector<1x16xf32>,
    %swap3A_439 = vector.shape_cast %swap3A_438 : vector<1x16xf32> to vector<16xf32>
    %swap3A_440 = vector.shape_cast %broadcast_in_dim3A_434 : vector<16xf32> to vector<1x16xf32>
    tpu.vector_store %arg9[%swap3A_436, %swap3A_437], %swap3A_440 {strides = array<i32>} : memref<8x128xf32, #tpu.memory_space<vmem>>, vector<1x16xf32>,
    %broadcast_in_dim3A_441 = arith.constant 0.000000e+00 : f32
    %broadcast_in_dim3A_442 = vector.broadcast %broadcast_in_dim3A_441 : f32 to vector<16xf32>
    %swap3A_443 = arith.constant 6 : i32
    %swap3A_444 = arith.index_cast %swap3A_443 : i32 to index
    %swap3A_445 = arith.constant 112 : index
    %swap3A_446 = tpu.vector_load %arg9[%swap3A_444, %swap3A_445] {strides = array<i32>} : memref<8x128xf32, #tpu.memory_space<vmem>>, vector<1x16xf32>,
    %swap3A_447 = vector.shape_cast %swap3A_446 : vector<1x16xf32> to vector<16xf32>
    %swap3A_448 = vector.shape_cast %broadcast_in_dim3A_442 : vector<16xf32> to vector<1x16xf32>
    tpu.vector_store %arg9[%swap3A_444, %swap3A_445], %swap3A_448 {strides = array<i32>} : memref<8x128xf32, #tpu.memory_space<vmem>>, vector<1x16xf32>,
    %broadcast_in_dim3A_449 = arith.constant 0.000000e+00 : f32
    %broadcast_in_dim3A_450 = vector.broadcast %broadcast_in_dim3A_449 : f32 to vector<16xf32>
    %swap3A_451 = arith.constant 7 : i32
    %swap3A_452 = arith.index_cast %swap3A_451 : i32 to index
    %swap3A_453 = arith.constant 0 : index
    %swap3A_454 = tpu.vector_load %arg9[%swap3A_452, %swap3A_453] {strides = array<i32>} : memref<8x128xf32, #tpu.memory_space<vmem>>, vector<1x16xf32>,
    %swap3A_455 = vector.shape_cast %swap3A_454 : vector<1x16xf32> to vector<16xf32>
    %swap3A_456 = vector.shape_cast %broadcast_in_dim3A_450 : vector<16xf32> to vector<1x16xf32>
    tpu.vector_store %arg9[%swap3A_452, %swap3A_453], %swap3A_456 {strides = array<i32>} : memref<8x128xf32, #tpu.memory_space<vmem>>, vector<1x16xf32>,
    %broadcast_in_dim3A_457 = arith.constant 0.000000e+00 : f32
    %broadcast_in_dim3A_458 = vector.broadcast %broadcast_in_dim3A_457 : f32 to vector<16xf32>
    %swap3A_459 = arith.constant 7 : i32
    %swap3A_460 = arith.index_cast %swap3A_459 : i32 to index
    %swap3A_461 = arith.constant 16 : index
    %swap3A_462 = tpu.vector_load %arg9[%swap3A_460, %swap3A_461] {strides = array<i32>} : memref<8x128xf32, #tpu.memory_space<vmem>>, vector<1x16xf32>,
    %swap3A_463 = vector.shape_cast %swap3A_462 : vector<1x16xf32> to vector<16xf32>
    %swap3A_464 = vector.shape_cast %broadcast_in_dim3A_458 : vector<16xf32> to vector<1x16xf32>
    tpu.vector_store %arg9[%swap3A_460, %swap3A_461], %swap3A_464 {strides = array<i32>} : memref<8x128xf32, #tpu.memory_space<vmem>>, vector<1x16xf32>,
    %broadcast_in_dim3A_465 = arith.constant 0.000000e+00 : f32
    %broadcast_in_dim3A_466 = vector.broadcast %broadcast_in_dim3A_465 : f32 to vector<16xf32>
    %swap3A_467 = arith.constant 7 : i32
    %swap3A_468 = arith.index_cast %swap3A_467 : i32 to index
    %swap3A_469 = arith.constant 32 : index
    %swap3A_470 = tpu.vector_load %arg9[%swap3A_468, %swap3A_469] {strides = array<i32>} : memref<8x128xf32, #tpu.memory_space<vmem>>, vector<1x16xf32>,
    %swap3A_471 = vector.shape_cast %swap3A_470 : vector<1x16xf32> to vector<16xf32>
    %swap3A_472 = vector.shape_cast %broadcast_in_dim3A_466 : vector<16xf32> to vector<1x16xf32>
    tpu.vector_store %arg9[%swap3A_468, %swap3A_469], %swap3A_472 {strides = array<i32>} : memref<8x128xf32, #tpu.memory_space<vmem>>, vector<1x16xf32>,
    %broadcast_in_dim3A_473 = arith.constant 0.000000e+00 : f32
    %broadcast_in_dim3A_474 = vector.broadcast %broadcast_in_dim3A_473 : f32 to vector<16xf32>
    %swap3A_475 = arith.constant 7 : i32
    %swap3A_476 = arith.index_cast %swap3A_475 : i32 to index
    %swap3A_477 = arith.constant 48 : index
    %swap3A_478 = tpu.vector_load %arg9[%swap3A_476, %swap3A_477] {strides = array<i32>} : memref<8x128xf32, #tpu.memory_space<vmem>>, vector<1x16xf32>,
    %swap3A_479 = vector.shape_cast %swap3A_478 : vector<1x16xf32> to vector<16xf32>
    %swap3A_480 = vector.shape_cast %broadcast_in_dim3A_474 : vector<16xf32> to vector<1x16xf32>
    tpu.vector_store %arg9[%swap3A_476, %swap3A_477], %swap3A_480 {strides = array<i32>} : memref<8x128xf32, #tpu.memory_space<vmem>>, vector<1x16xf32>,
    %broadcast_in_dim3A_481 = arith.constant 0.000000e+00 : f32
    %broadcast_in_dim3A_482 = vector.broadcast %broadcast_in_dim3A_481 : f32 to vector<16xf32>
    %swap3A_483 = arith.constant 7 : i32
    %swap3A_484 = arith.index_cast %swap3A_483 : i32 to index
    %swap3A_485 = arith.constant 64 : index
    %swap3A_486 = tpu.vector_load %arg9[%swap3A_484, %swap3A_485] {strides = array<i32>} : memref<8x128xf32, #tpu.memory_space<vmem>>, vector<1x16xf32>,
    %swap3A_487 = vector.shape_cast %swap3A_486 : vector<1x16xf32> to vector<16xf32>
    %swap3A_488 = vector.shape_cast %broadcast_in_dim3A_482 : vector<16xf32> to vector<1x16xf32>
    tpu.vector_store %arg9[%swap3A_484, %swap3A_485], %swap3A_488 {strides = array<i32>} : memref<8x128xf32, #tpu.memory_space<vmem>>, vector<1x16xf32>,
    %broadcast_in_dim3A_489 = arith.constant 0.000000e+00 : f32
    %broadcast_in_dim3A_490 = vector.broadcast %broadcast_in_dim3A_489 : f32 to vector<16xf32>
    %swap3A_491 = arith.constant 7 : i32
    %swap3A_492 = arith.index_cast %swap3A_491 : i32 to index
    %swap3A_493 = arith.constant 80 : index
    %swap3A_494 = tpu.vector_load %arg9[%swap3A_492, %swap3A_493] {strides = array<i32>} : memref<8x128xf32, #tpu.memory_space<vmem>>, vector<1x16xf32>,
    %swap3A_495 = vector.shape_cast %swap3A_494 : vector<1x16xf32> to vector<16xf32>
    %swap3A_496 = vector.shape_cast %broadcast_in_dim3A_490 : vector<16xf32> to vector<1x16xf32>
    tpu.vector_store %arg9[%swap3A_492, %swap3A_493], %swap3A_496 {strides = array<i32>} : memref<8x128xf32, #tpu.memory_space<vmem>>, vector<1x16xf32>,
    %broadcast_in_dim3A_497 = arith.constant 0.000000e+00 : f32
    %broadcast_in_dim3A_498 = vector.broadcast %broadcast_in_dim3A_497 : f32 to vector<16xf32>
    %swap3A_499 = arith.constant 7 : i32
    %swap3A_500 = arith.index_cast %swap3A_499 : i32 to index
    %swap3A_501 = arith.constant 96 : index
    %swap3A_502 = tpu.vector_load %arg9[%swap3A_500, %swap3A_501] {strides = array<i32>} : memref<8x128xf32, #tpu.memory_space<vmem>>, vector<1x16xf32>,
    %swap3A_503 = vector.shape_cast %swap3A_502 : vector<1x16xf32> to vector<16xf32>
    %swap3A_504 = vector.shape_cast %broadcast_in_dim3A_498 : vector<16xf32> to vector<1x16xf32>
    tpu.vector_store %arg9[%swap3A_500, %swap3A_501], %swap3A_504 {strides = array<i32>} : memref<8x128xf32, #tpu.memory_space<vmem>>, vector<1x16xf32>,
    %broadcast_in_dim3A_505 = arith.constant 0.000000e+00 : f32
    %broadcast_in_dim3A_506 = vector.broadcast %broadcast_in_dim3A_505 : f32 to vector<16xf32>
    %swap3A_507 = arith.constant 7 : i32
    %swap3A_508 = arith.index_cast %swap3A_507 : i32 to index
    %swap3A_509 = arith.constant 112 : index
    %swap3A_510 = tpu.vector_load %arg9[%swap3A_508, %swap3A_509] {strides = array<i32>} : memref<8x128xf32, #tpu.memory_space<vmem>>, vector<1x16xf32>,
    %swap3A_511 = vector.shape_cast %swap3A_510 : vector<1x16xf32> to vector<16xf32>
    %swap3A_512 = vector.shape_cast %broadcast_in_dim3A_506 : vector<16xf32> to vector<1x16xf32>
    tpu.vector_store %arg9[%swap3A_508, %swap3A_509], %swap3A_512 {strides = array<i32>} : memref<8x128xf32, #tpu.memory_space<vmem>>, vector<1x16xf32>,
    %scan3A = arith.constant 0 : i32
    %scan3A_513 = arith.constant 0 : i32
    %scan3A_514 = arith.constant 79 : i32
    %scan3A_515 = arith.addi %scan3A_513, %scan3A_514 : i32
    %scan3A_516 = arith.constant 1 : i32
    scf.for %scan3A_595 = %scan3A_513 to %scan3A_515 step %scan3A_516  : i32 {
      %mul3A_596 = arith.constant 8 : i32
      %mul3A_597 = arith.muli %scan3A_595, %mul3A_596 : i32
      %add3A_598 = arith.addi %mul3A_2, %mul3A_597 : i32
      "tpu.region"() ({
        %run_scoped3A = tpu.sem_alloc : memref<!tpu.dma_semaphore, #tpu.memory_space<semaphore_mem>>
        %dma_start3A = arith.constant 0 : i32
        %dma_start3A_599 = tpu.memref_slice %arg10[%add3A_598, %dma_start3A] : memref<10112x128xf32, #tpu.memory_space<vmem_shared>> -> memref<8x128xf32, #tpu.memory_space<vmem_shared>>
        %dma_start3A_600 = arith.constant 0 : i32
        %dma_start3A_601 = tpu.memref_slice %arg10[%add3A_598, %dma_start3A_600] : memref<10112x128xf32, #tpu.memory_space<vmem_shared>> -> memref<8x128xf32, #tpu.memory_space<vmem_shared>>
        tpu.enqueue_dma source(%arg9 : memref<8x128xf32, #tpu.memory_space<vmem>>) target(%dma_start3A_601 : memref<8x128xf32, #tpu.memory_space<vmem_shared>>) target_semaphore(%run_scoped3A : memref<!tpu.dma_semaphore, #tpu.memory_space<semaphore_mem>>)
        %dma_wait3A_602 = arith.constant 0 : i32
        %dma_wait3A_603 = tpu.memref_slice %arg10[%add3A_598, %dma_wait3A_602] : memref<10112x128xf32, #tpu.memory_space<vmem_shared>> -> memref<8x128xf32, #tpu.memory_space<vmem_shared>>
        %dma_wait3A_604 = arith.constant 0 : i32
        %dma_wait3A_605 = tpu.memref_slice %arg10[%add3A_598, %dma_wait3A_604] : memref<10112x128xf32, #tpu.memory_space<vmem_shared>> -> memref<8x128xf32, #tpu.memory_space<vmem_shared>>
        tpu.wait_dma2 semaphore(%run_scoped3A : memref<!tpu.dma_semaphore, #tpu.memory_space<semaphore_mem>>) src(%arg9 : memref<8x128xf32, #tpu.memory_space<vmem>>) dst(%dma_wait3A_605 : memref<8x128xf32, #tpu.memory_space<vmem_shared>>)
        tpu.yield
      }) : () -> ()
    }
    %scan3A_517 = arith.constant 79 : i32
    %barrier3A = arith.constant 0 : index
    tpu.barrier barrier_id(%barrier3A)
    %scan3A_518 = arith.constant 0 : i32
    %scan3A_519 = arith.constant 0 : i32
    %scan3A_520 = arith.constant 40 : i32
    %scan3A_521 = arith.addi %scan3A_519, %scan3A_520 : i32
    %scan3A_522 = arith.constant 1 : i32
    scf.for %scan3A_595 = %scan3A_519 to %scan3A_521 step %scan3A_522  : i32 {
      %mul3A_596 = arith.constant 2 : i32
      %mul3A_597 = arith.muli %mul3A_596, %scan3A_595 : i32
      %add3A_598 = arith.constant 1 : i32
      %add3A_599 = arith.addi %mul3A_597, %add3A_598 : i32
      %gt3A = arith.constant 0 : i32
      %gt3A_600 = arith.cmpi sgt, %scan3A_595, %gt3A : i32
      %convert_element_type3A_601 = arith.extui %gt3A_600 : i1 to i32
      %cond3A_602 = arith.constant 0 : i32
      %cond3A_603 = arith.cmpi ne, %convert_element_type3A_601, %cond3A_602 : i32
      scf.if %cond3A_603 {
        %dma_wait3A_1012 = arith.constant 1 : i32
        %dma_wait3A_1013 = arith.constant 0 : i32
        %dma_wait3A_1014 = arith.constant 0 : i32
        %dma_wait3A_1015 = tpu.memref_slice %arg8[%dma_wait3A_1013, %dma_wait3A_1014] : memref<256x128xf32, #tpu.memory_space<vmem>> -> memref<128x128xf32, #tpu.memory_space<vmem>>
        %dma_wait3A_1016 = arith.constant 0 : i32
        %dma_wait3A_1017 = tpu.memref_slice %arg7[%dma_wait3A_1012, %dma_wait3A_1016] : memref<4x128xi32, #tpu.memory_space<vmem>> -> memref<1x128xi32, #tpu.memory_space<vmem>>
        %dma_wait3A_1018 = tpu.memref_squeeze %dma_wait3A_1017 : memref<1x128xi32, #tpu.memory_space<vmem>> -> memref<128xi32, #tpu.memory_space<vmem>>
        %dma_wait3A_1019 = arith.constant 0 : i32
        %dma_wait3A_1020 = arith.constant 0 : i32
        %dma_wait3A_1021 = tpu.memref_slice %arg10[%dma_wait3A_1019, %dma_wait3A_1020] : memref<10112x128xf32, #tpu.memory_space<vmem_shared>> -> memref<10112x128xf32, #tpu.memory_space<vmem_shared>>
        tpu.wait_indirect_dma semaphore(%arg11 : memref<!tpu.dma_semaphore, #tpu.memory_space<semaphore_mem>>) src(%dma_wait3A_1015 : memref<128x128xf32, #tpu.memory_space<vmem>>) dst(%dma_wait3A_1021 : memref<10112x128xf32, #tpu.memory_space<vmem_shared>>)
        %dma_wait3A_1022 = arith.constant 3 : i32
        %dma_wait3A_1023 = arith.constant 128 : i32
        %dma_wait3A_1024 = arith.constant 0 : i32
        %dma_wait3A_1025 = tpu.memref_slice %arg8[%dma_wait3A_1023, %dma_wait3A_1024] : memref<256x128xf32, #tpu.memory_space<vmem>> -> memref<128x128xf32, #tpu.memory_space<vmem>>
        %dma_wait3A_1026 = arith.constant 0 : i32
        %dma_wait3A_1027 = tpu.memref_slice %arg7[%dma_wait3A_1022, %dma_wait3A_1026] : memref<4x128xi32, #tpu.memory_space<vmem>> -> memref<1x128xi32, #tpu.memory_space<vmem>>
        %dma_wait3A_1028 = tpu.memref_squeeze %dma_wait3A_1027 : memref<1x128xi32, #tpu.memory_space<vmem>> -> memref<128xi32, #tpu.memory_space<vmem>>
        %dma_wait3A_1029 = arith.constant 0 : i32
        %dma_wait3A_1030 = arith.constant 0 : i32
        %dma_wait3A_1031 = tpu.memref_slice %arg10[%dma_wait3A_1029, %dma_wait3A_1030] : memref<10112x128xf32, #tpu.memory_space<vmem_shared>> -> memref<10112x128xf32, #tpu.memory_space<vmem_shared>>
        tpu.wait_indirect_dma semaphore(%arg11 : memref<!tpu.dma_semaphore, #tpu.memory_space<semaphore_mem>>) src(%dma_wait3A_1025 : memref<128x128xf32, #tpu.memory_space<vmem>>) dst(%dma_wait3A_1031 : memref<10112x128xf32, #tpu.memory_space<vmem_shared>>)
      } else {
      }
      %get3A = arith.index_cast %mul3A_597 : i32 to index
      %get3A_604 = arith.constant 0 : index
      %get3A_605 = tpu.vector_load %arg6[%get3A, %get3A_604] {strides = array<i32>} : memref<80x128xi32, #tpu.memory_space<vmem>>, vector<1x16xi32>,
      %get3A_606 = vector.shape_cast %get3A_605 : vector<1x16xi32> to vector<16xi32>
      %and3A = arith.constant 65535 : i32
      %and3A_607 = vector.broadcast %and3A : i32 to vector<16xi32>
      %and3A_608 = arith.andi %get3A_606, %and3A_607 : vector<16xi32>
      %swap3A_609 = arith.constant 0 : i32
      %swap3A_610 = arith.index_cast %swap3A_609 : i32 to index
      %swap3A_611 = arith.constant 0 : index
      %swap3A_612 = tpu.vector_load %arg7[%swap3A_610, %swap3A_611] {strides = array<i32>} : memref<4x128xi32, #tpu.memory_space<vmem>>, vector<1x16xi32>,
      %swap3A_613 = vector.shape_cast %swap3A_612 : vector<1x16xi32> to vector<16xi32>
      %swap3A_614 = vector.shape_cast %and3A_608 : vector<16xi32> to vector<1x16xi32>
      tpu.vector_store %arg7[%swap3A_610, %swap3A_611], %swap3A_614 {strides = array<i32>} : memref<4x128xi32, #tpu.memory_space<vmem>>, vector<1x16xi32>,
      %shift_right_logical3A = arith.constant 16 : i32
      %shift_right_logical3A_615 = vector.broadcast %shift_right_logical3A : i32 to vector<16xi32>
      %shift_right_logical3A_616 = arith.shrui %get3A_606, %shift_right_logical3A_615 : vector<16xi32>
      %swap3A_617 = arith.constant 1 : i32
      %swap3A_618 = arith.index_cast %swap3A_617 : i32 to index
      %swap3A_619 = arith.constant 0 : index
      %swap3A_620 = tpu.vector_load %arg7[%swap3A_618, %swap3A_619] {strides = array<i32>} : memref<4x128xi32, #tpu.memory_space<vmem>>, vector<1x16xi32>,
      %swap3A_621 = vector.shape_cast %swap3A_620 : vector<1x16xi32> to vector<16xi32>
      %swap3A_622 = vector.shape_cast %shift_right_logical3A_616 : vector<16xi32> to vector<1x16xi32>
      tpu.vector_store %arg7[%swap3A_618, %swap3A_619], %swap3A_622 {strides = array<i32>} : memref<4x128xi32, #tpu.memory_space<vmem>>, vector<1x16xi32>,
      %get3A_623 = arith.index_cast %mul3A_597 : i32 to index
      %get3A_624 = arith.constant 16 : index
      %get3A_625 = tpu.vector_load %arg6[%get3A_623, %get3A_624] {strides = array<i32>} : memref<80x128xi32, #tpu.memory_space<vmem>>, vector<1x16xi32>,
      %get3A_626 = vector.shape_cast %get3A_625 : vector<1x16xi32> to vector<16xi32>
      %and3A_627 = arith.constant 65535 : i32
      %and3A_628 = vector.broadcast %and3A_627 : i32 to vector<16xi32>
      %and3A_629 = arith.andi %get3A_626, %and3A_628 : vector<16xi32>
      %swap3A_630 = arith.constant 0 : i32
      %swap3A_631 = arith.index_cast %swap3A_630 : i32 to index
      %swap3A_632 = arith.constant 16 : index
      %swap3A_633 = tpu.vector_load %arg7[%swap3A_631, %swap3A_632] {strides = array<i32>} : memref<4x128xi32, #tpu.memory_space<vmem>>, vector<1x16xi32>,
      %swap3A_634 = vector.shape_cast %swap3A_633 : vector<1x16xi32> to vector<16xi32>
      %swap3A_635 = vector.shape_cast %and3A_629 : vector<16xi32> to vector<1x16xi32>
      tpu.vector_store %arg7[%swap3A_631, %swap3A_632], %swap3A_635 {strides = array<i32>} : memref<4x128xi32, #tpu.memory_space<vmem>>, vector<1x16xi32>,
      %shift_right_logical3A_636 = arith.constant 16 : i32
      %shift_right_logical3A_637 = vector.broadcast %shift_right_logical3A_636 : i32 to vector<16xi32>
      %shift_right_logical3A_638 = arith.shrui %get3A_626, %shift_right_logical3A_637 : vector<16xi32>
      %swap3A_639 = arith.constant 1 : i32
      %swap3A_640 = arith.index_cast %swap3A_639 : i32 to index
      %swap3A_641 = arith.constant 16 : index
      %swap3A_642 = tpu.vector_load %arg7[%swap3A_640, %swap3A_641] {strides = array<i32>} : memref<4x128xi32, #tpu.memory_space<vmem>>, vector<1x16xi32>,
      %swap3A_643 = vector.shape_cast %swap3A_642 : vector<1x16xi32> to vector<16xi32>
      %swap3A_644 = vector.shape_cast %shift_right_logical3A_638 : vector<16xi32> to vector<1x16xi32>
      tpu.vector_store %arg7[%swap3A_640, %swap3A_641], %swap3A_644 {strides = array<i32>} : memref<4x128xi32, #tpu.memory_space<vmem>>, vector<1x16xi32>,
      %get3A_645 = arith.index_cast %mul3A_597 : i32 to index
      %get3A_646 = arith.constant 32 : index
      %get3A_647 = tpu.vector_load %arg6[%get3A_645, %get3A_646] {strides = array<i32>} : memref<80x128xi32, #tpu.memory_space<vmem>>, vector<1x16xi32>,
      %get3A_648 = vector.shape_cast %get3A_647 : vector<1x16xi32> to vector<16xi32>
      %and3A_649 = arith.constant 65535 : i32
      %and3A_650 = vector.broadcast %and3A_649 : i32 to vector<16xi32>
      %and3A_651 = arith.andi %get3A_648, %and3A_650 : vector<16xi32>
      %swap3A_652 = arith.constant 0 : i32
      %swap3A_653 = arith.index_cast %swap3A_652 : i32 to index
      %swap3A_654 = arith.constant 32 : index
      %swap3A_655 = tpu.vector_load %arg7[%swap3A_653, %swap3A_654] {strides = array<i32>} : memref<4x128xi32, #tpu.memory_space<vmem>>, vector<1x16xi32>,
      %swap3A_656 = vector.shape_cast %swap3A_655 : vector<1x16xi32> to vector<16xi32>
      %swap3A_657 = vector.shape_cast %and3A_651 : vector<16xi32> to vector<1x16xi32>
      tpu.vector_store %arg7[%swap3A_653, %swap3A_654], %swap3A_657 {strides = array<i32>} : memref<4x128xi32, #tpu.memory_space<vmem>>, vector<1x16xi32>,
      %shift_right_logical3A_658 = arith.constant 16 : i32
      %shift_right_logical3A_659 = vector.broadcast %shift_right_logical3A_658 : i32 to vector<16xi32>
      %shift_right_logical3A_660 = arith.shrui %get3A_648, %shift_right_logical3A_659 : vector<16xi32>
      %swap3A_661 = arith.constant 1 : i32
      %swap3A_662 = arith.index_cast %swap3A_661 : i32 to index
      %swap3A_663 = arith.constant 32 : index
      %swap3A_664 = tpu.vector_load %arg7[%swap3A_662, %swap3A_663] {strides = array<i32>} : memref<4x128xi32, #tpu.memory_space<vmem>>, vector<1x16xi32>,
      %swap3A_665 = vector.shape_cast %swap3A_664 : vector<1x16xi32> to vector<16xi32>
      %swap3A_666 = vector.shape_cast %shift_right_logical3A_660 : vector<16xi32> to vector<1x16xi32>
      tpu.vector_store %arg7[%swap3A_662, %swap3A_663], %swap3A_666 {strides = array<i32>} : memref<4x128xi32, #tpu.memory_space<vmem>>, vector<1x16xi32>,
      %get3A_667 = arith.index_cast %mul3A_597 : i32 to index
      %get3A_668 = arith.constant 48 : index
      %get3A_669 = tpu.vector_load %arg6[%get3A_667, %get3A_668] {strides = array<i32>} : memref<80x128xi32, #tpu.memory_space<vmem>>, vector<1x16xi32>,
      %get3A_670 = vector.shape_cast %get3A_669 : vector<1x16xi32> to vector<16xi32>
      %and3A_671 = arith.constant 65535 : i32
      %and3A_672 = vector.broadcast %and3A_671 : i32 to vector<16xi32>
      %and3A_673 = arith.andi %get3A_670, %and3A_672 : vector<16xi32>
      %swap3A_674 = arith.constant 0 : i32
      %swap3A_675 = arith.index_cast %swap3A_674 : i32 to index
      %swap3A_676 = arith.constant 48 : index
      %swap3A_677 = tpu.vector_load %arg7[%swap3A_675, %swap3A_676] {strides = array<i32>} : memref<4x128xi32, #tpu.memory_space<vmem>>, vector<1x16xi32>,
      %swap3A_678 = vector.shape_cast %swap3A_677 : vector<1x16xi32> to vector<16xi32>
      %swap3A_679 = vector.shape_cast %and3A_673 : vector<16xi32> to vector<1x16xi32>
      tpu.vector_store %arg7[%swap3A_675, %swap3A_676], %swap3A_679 {strides = array<i32>} : memref<4x128xi32, #tpu.memory_space<vmem>>, vector<1x16xi32>,
      %shift_right_logical3A_680 = arith.constant 16 : i32
      %shift_right_logical3A_681 = vector.broadcast %shift_right_logical3A_680 : i32 to vector<16xi32>
      %shift_right_logical3A_682 = arith.shrui %get3A_670, %shift_right_logical3A_681 : vector<16xi32>
      %swap3A_683 = arith.constant 1 : i32
      %swap3A_684 = arith.index_cast %swap3A_683 : i32 to index
      %swap3A_685 = arith.constant 48 : index
      %swap3A_686 = tpu.vector_load %arg7[%swap3A_684, %swap3A_685] {strides = array<i32>} : memref<4x128xi32, #tpu.memory_space<vmem>>, vector<1x16xi32>,
      %swap3A_687 = vector.shape_cast %swap3A_686 : vector<1x16xi32> to vector<16xi32>
      %swap3A_688 = vector.shape_cast %shift_right_logical3A_682 : vector<16xi32> to vector<1x16xi32>
      tpu.vector_store %arg7[%swap3A_684, %swap3A_685], %swap3A_688 {strides = array<i32>} : memref<4x128xi32, #tpu.memory_space<vmem>>, vector<1x16xi32>,
      %get3A_689 = arith.index_cast %mul3A_597 : i32 to index
      %get3A_690 = arith.constant 64 : index
      %get3A_691 = tpu.vector_load %arg6[%get3A_689, %get3A_690] {strides = array<i32>} : memref<80x128xi32, #tpu.memory_space<vmem>>, vector<1x16xi32>,
      %get3A_692 = vector.shape_cast %get3A_691 : vector<1x16xi32> to vector<16xi32>
      %and3A_693 = arith.constant 65535 : i32
      %and3A_694 = vector.broadcast %and3A_693 : i32 to vector<16xi32>
      %and3A_695 = arith.andi %get3A_692, %and3A_694 : vector<16xi32>
      %swap3A_696 = arith.constant 0 : i32
      %swap3A_697 = arith.index_cast %swap3A_696 : i32 to index
      %swap3A_698 = arith.constant 64 : index
      %swap3A_699 = tpu.vector_load %arg7[%swap3A_697, %swap3A_698] {strides = array<i32>} : memref<4x128xi32, #tpu.memory_space<vmem>>, vector<1x16xi32>,
      %swap3A_700 = vector.shape_cast %swap3A_699 : vector<1x16xi32> to vector<16xi32>
      %swap3A_701 = vector.shape_cast %and3A_695 : vector<16xi32> to vector<1x16xi32>
      tpu.vector_store %arg7[%swap3A_697, %swap3A_698], %swap3A_701 {strides = array<i32>} : memref<4x128xi32, #tpu.memory_space<vmem>>, vector<1x16xi32>,
      %shift_right_logical3A_702 = arith.constant 16 : i32
      %shift_right_logical3A_703 = vector.broadcast %shift_right_logical3A_702 : i32 to vector<16xi32>
      %shift_right_logical3A_704 = arith.shrui %get3A_692, %shift_right_logical3A_703 : vector<16xi32>
      %swap3A_705 = arith.constant 1 : i32
      %swap3A_706 = arith.index_cast %swap3A_705 : i32 to index
      %swap3A_707 = arith.constant 64 : index
      %swap3A_708 = tpu.vector_load %arg7[%swap3A_706, %swap3A_707] {strides = array<i32>} : memref<4x128xi32, #tpu.memory_space<vmem>>, vector<1x16xi32>,
      %swap3A_709 = vector.shape_cast %swap3A_708 : vector<1x16xi32> to vector<16xi32>
      %swap3A_710 = vector.shape_cast %shift_right_logical3A_704 : vector<16xi32> to vector<1x16xi32>
      tpu.vector_store %arg7[%swap3A_706, %swap3A_707], %swap3A_710 {strides = array<i32>} : memref<4x128xi32, #tpu.memory_space<vmem>>, vector<1x16xi32>,
      %get3A_711 = arith.index_cast %mul3A_597 : i32 to index
      %get3A_712 = arith.constant 80 : index
      %get3A_713 = tpu.vector_load %arg6[%get3A_711, %get3A_712] {strides = array<i32>} : memref<80x128xi32, #tpu.memory_space<vmem>>, vector<1x16xi32>,
      %get3A_714 = vector.shape_cast %get3A_713 : vector<1x16xi32> to vector<16xi32>
      %and3A_715 = arith.constant 65535 : i32
      %and3A_716 = vector.broadcast %and3A_715 : i32 to vector<16xi32>
      %and3A_717 = arith.andi %get3A_714, %and3A_716 : vector<16xi32>
      %swap3A_718 = arith.constant 0 : i32
      %swap3A_719 = arith.index_cast %swap3A_718 : i32 to index
      %swap3A_720 = arith.constant 80 : index
      %swap3A_721 = tpu.vector_load %arg7[%swap3A_719, %swap3A_720] {strides = array<i32>} : memref<4x128xi32, #tpu.memory_space<vmem>>, vector<1x16xi32>,
      %swap3A_722 = vector.shape_cast %swap3A_721 : vector<1x16xi32> to vector<16xi32>
      %swap3A_723 = vector.shape_cast %and3A_717 : vector<16xi32> to vector<1x16xi32>
      tpu.vector_store %arg7[%swap3A_719, %swap3A_720], %swap3A_723 {strides = array<i32>} : memref<4x128xi32, #tpu.memory_space<vmem>>, vector<1x16xi32>,
      %shift_right_logical3A_724 = arith.constant 16 : i32
      %shift_right_logical3A_725 = vector.broadcast %shift_right_logical3A_724 : i32 to vector<16xi32>
      %shift_right_logical3A_726 = arith.shrui %get3A_714, %shift_right_logical3A_725 : vector<16xi32>
      %swap3A_727 = arith.constant 1 : i32
      %swap3A_728 = arith.index_cast %swap3A_727 : i32 to index
      %swap3A_729 = arith.constant 80 : index
      %swap3A_730 = tpu.vector_load %arg7[%swap3A_728, %swap3A_729] {strides = array<i32>} : memref<4x128xi32, #tpu.memory_space<vmem>>, vector<1x16xi32>,
      %swap3A_731 = vector.shape_cast %swap3A_730 : vector<1x16xi32> to vector<16xi32>
      %swap3A_732 = vector.shape_cast %shift_right_logical3A_726 : vector<16xi32> to vector<1x16xi32>
      tpu.vector_store %arg7[%swap3A_728, %swap3A_729], %swap3A_732 {strides = array<i32>} : memref<4x128xi32, #tpu.memory_space<vmem>>, vector<1x16xi32>,
      %get3A_733 = arith.index_cast %mul3A_597 : i32 to index
      %get3A_734 = arith.constant 96 : index
      %get3A_735 = tpu.vector_load %arg6[%get3A_733, %get3A_734] {strides = array<i32>} : memref<80x128xi32, #tpu.memory_space<vmem>>, vector<1x16xi32>,
      %get3A_736 = vector.shape_cast %get3A_735 : vector<1x16xi32> to vector<16xi32>
      %and3A_737 = arith.constant 65535 : i32
      %and3A_738 = vector.broadcast %and3A_737 : i32 to vector<16xi32>
      %and3A_739 = arith.andi %get3A_736, %and3A_738 : vector<16xi32>
      %swap3A_740 = arith.constant 0 : i32
      %swap3A_741 = arith.index_cast %swap3A_740 : i32 to index
      %swap3A_742 = arith.constant 96 : index
      %swap3A_743 = tpu.vector_load %arg7[%swap3A_741, %swap3A_742] {strides = array<i32>} : memref<4x128xi32, #tpu.memory_space<vmem>>, vector<1x16xi32>,
      %swap3A_744 = vector.shape_cast %swap3A_743 : vector<1x16xi32> to vector<16xi32>
      %swap3A_745 = vector.shape_cast %and3A_739 : vector<16xi32> to vector<1x16xi32>
      tpu.vector_store %arg7[%swap3A_741, %swap3A_742], %swap3A_745 {strides = array<i32>} : memref<4x128xi32, #tpu.memory_space<vmem>>, vector<1x16xi32>,
      %shift_right_logical3A_746 = arith.constant 16 : i32
      %shift_right_logical3A_747 = vector.broadcast %shift_right_logical3A_746 : i32 to vector<16xi32>
      %shift_right_logical3A_748 = arith.shrui %get3A_736, %shift_right_logical3A_747 : vector<16xi32>
      %swap3A_749 = arith.constant 1 : i32
      %swap3A_750 = arith.index_cast %swap3A_749 : i32 to index
      %swap3A_751 = arith.constant 96 : index
      %swap3A_752 = tpu.vector_load %arg7[%swap3A_750, %swap3A_751] {strides = array<i32>} : memref<4x128xi32, #tpu.memory_space<vmem>>, vector<1x16xi32>,
      %swap3A_753 = vector.shape_cast %swap3A_752 : vector<1x16xi32> to vector<16xi32>
      %swap3A_754 = vector.shape_cast %shift_right_logical3A_748 : vector<16xi32> to vector<1x16xi32>
      tpu.vector_store %arg7[%swap3A_750, %swap3A_751], %swap3A_754 {strides = array<i32>} : memref<4x128xi32, #tpu.memory_space<vmem>>, vector<1x16xi32>,
      %get3A_755 = arith.index_cast %mul3A_597 : i32 to index
      %get3A_756 = arith.constant 112 : index
      %get3A_757 = tpu.vector_load %arg6[%get3A_755, %get3A_756] {strides = array<i32>} : memref<80x128xi32, #tpu.memory_space<vmem>>, vector<1x16xi32>,
      %get3A_758 = vector.shape_cast %get3A_757 : vector<1x16xi32> to vector<16xi32>
      %and3A_759 = arith.constant 65535 : i32
      %and3A_760 = vector.broadcast %and3A_759 : i32 to vector<16xi32>
      %and3A_761 = arith.andi %get3A_758, %and3A_760 : vector<16xi32>
      %swap3A_762 = arith.constant 0 : i32
      %swap3A_763 = arith.index_cast %swap3A_762 : i32 to index
      %swap3A_764 = arith.constant 112 : index
      %swap3A_765 = tpu.vector_load %arg7[%swap3A_763, %swap3A_764] {strides = array<i32>} : memref<4x128xi32, #tpu.memory_space<vmem>>, vector<1x16xi32>,
      %swap3A_766 = vector.shape_cast %swap3A_765 : vector<1x16xi32> to vector<16xi32>
      %swap3A_767 = vector.shape_cast %and3A_761 : vector<16xi32> to vector<1x16xi32>
      tpu.vector_store %arg7[%swap3A_763, %swap3A_764], %swap3A_767 {strides = array<i32>} : memref<4x128xi32, #tpu.memory_space<vmem>>, vector<1x16xi32>,
      %shift_right_logical3A_768 = arith.constant 16 : i32
      %shift_right_logical3A_769 = vector.broadcast %shift_right_logical3A_768 : i32 to vector<16xi32>
      %shift_right_logical3A_770 = arith.shrui %get3A_758, %shift_right_logical3A_769 : vector<16xi32>
      %swap3A_771 = arith.constant 1 : i32
      %swap3A_772 = arith.index_cast %swap3A_771 : i32 to index
      %swap3A_773 = arith.constant 112 : index
      %swap3A_774 = tpu.vector_load %arg7[%swap3A_772, %swap3A_773] {strides = array<i32>} : memref<4x128xi32, #tpu.memory_space<vmem>>, vector<1x16xi32>,
      %swap3A_775 = vector.shape_cast %swap3A_774 : vector<1x16xi32> to vector<16xi32>
      %swap3A_776 = vector.shape_cast %shift_right_logical3A_770 : vector<16xi32> to vector<1x16xi32>
      tpu.vector_store %arg7[%swap3A_772, %swap3A_773], %swap3A_776 {strides = array<i32>} : memref<4x128xi32, #tpu.memory_space<vmem>>, vector<1x16xi32>,
      %dma_start3A = arith.constant 0 : i32
      %dma_start3A_777 = arith.constant 0 : i32
      %dma_start3A_778 = arith.constant 0 : i32
      %dma_start3A_779 = tpu.memref_slice %arg8[%dma_start3A_777, %dma_start3A_778] : memref<256x128xf32, #tpu.memory_space<vmem>> -> memref<128x128xf32, #tpu.memory_space<vmem>>
      %dma_start3A_780 = arith.constant 0 : i32
      %dma_start3A_781 = tpu.memref_slice %arg7[%dma_start3A, %dma_start3A_780] : memref<4x128xi32, #tpu.memory_space<vmem>> -> memref<1x128xi32, #tpu.memory_space<vmem>>
      %dma_start3A_782 = tpu.memref_squeeze %dma_start3A_781 : memref<1x128xi32, #tpu.memory_space<vmem>> -> memref<128xi32, #tpu.memory_space<vmem>>
      %dma_start3A_783 = arith.constant 0 : i32
      %dma_start3A_784 = arith.constant 0 : i32
      %dma_start3A_785 = tpu.memref_slice %arg2[%dma_start3A_783, %dma_start3A_784] : memref<10000x128xf32, #tpu.memory_space<hbm>> -> memref<10000x128xf32, #tpu.memory_space<hbm>>
      tpu.enqueue_indirect_dma source(%dma_start3A_785 : memref<10000x128xf32, #tpu.memory_space<hbm>>) target(%dma_start3A_779 : memref<128x128xf32, #tpu.memory_space<vmem>>) offsets(%dma_start3A_782 : memref<128xi32, #tpu.memory_space<vmem>>) semaphore(%arg11 : memref<!tpu.dma_semaphore, #tpu.memory_space<semaphore_mem>>)
      %get3A_786 = arith.index_cast %add3A_599 : i32 to index
      %get3A_787 = arith.constant 0 : index
      %get3A_788 = tpu.vector_load %arg6[%get3A_786, %get3A_787] {strides = array<i32>} : memref<80x128xi32, #tpu.memory_space<vmem>>, vector<1x16xi32>,
      %get3A_789 = vector.shape_cast %get3A_788 : vector<1x16xi32> to vector<16xi32>
      %and3A_790 = arith.constant 65535 : i32
      %and3A_791 = vector.broadcast %and3A_790 : i32 to vector<16xi32>
      %and3A_792 = arith.andi %get3A_789, %and3A_791 : vector<16xi32>
      %swap3A_793 = arith.constant 2 : i32
      %swap3A_794 = arith.index_cast %swap3A_793 : i32 to index
      %swap3A_795 = arith.constant 0 : index
      %swap3A_796 = tpu.vector_load %arg7[%swap3A_794, %swap3A_795] {strides = array<i32>} : memref<4x128xi32, #tpu.memory_space<vmem>>, vector<1x16xi32>,
      %swap3A_797 = vector.shape_cast %swap3A_796 : vector<1x16xi32> to vector<16xi32>
      %swap3A_798 = vector.shape_cast %and3A_792 : vector<16xi32> to vector<1x16xi32>
      tpu.vector_store %arg7[%swap3A_794, %swap3A_795], %swap3A_798 {strides = array<i32>} : memref<4x128xi32, #tpu.memory_space<vmem>>, vector<1x16xi32>,
      %shift_right_logical3A_799 = arith.constant 16 : i32
      %shift_right_logical3A_800 = vector.broadcast %shift_right_logical3A_799 : i32 to vector<16xi32>
      %shift_right_logical3A_801 = arith.shrui %get3A_789, %shift_right_logical3A_800 : vector<16xi32>
      %swap3A_802 = arith.constant 3 : i32
      %swap3A_803 = arith.index_cast %swap3A_802 : i32 to index
      %swap3A_804 = arith.constant 0 : index
      %swap3A_805 = tpu.vector_load %arg7[%swap3A_803, %swap3A_804] {strides = array<i32>} : memref<4x128xi32, #tpu.memory_space<vmem>>, vector<1x16xi32>,
      %swap3A_806 = vector.shape_cast %swap3A_805 : vector<1x16xi32> to vector<16xi32>
      %swap3A_807 = vector.shape_cast %shift_right_logical3A_801 : vector<16xi32> to vector<1x16xi32>
      tpu.vector_store %arg7[%swap3A_803, %swap3A_804], %swap3A_807 {strides = array<i32>} : memref<4x128xi32, #tpu.memory_space<vmem>>, vector<1x16xi32>,
      %get3A_808 = arith.index_cast %add3A_599 : i32 to index
      %get3A_809 = arith.constant 16 : index
      %get3A_810 = tpu.vector_load %arg6[%get3A_808, %get3A_809] {strides = array<i32>} : memref<80x128xi32, #tpu.memory_space<vmem>>, vector<1x16xi32>,
      %get3A_811 = vector.shape_cast %get3A_810 : vector<1x16xi32> to vector<16xi32>
      %and3A_812 = arith.constant 65535 : i32
      %and3A_813 = vector.broadcast %and3A_812 : i32 to vector<16xi32>
      %and3A_814 = arith.andi %get3A_811, %and3A_813 : vector<16xi32>
      %swap3A_815 = arith.constant 2 : i32
      %swap3A_816 = arith.index_cast %swap3A_815 : i32 to index
      %swap3A_817 = arith.constant 16 : index
      %swap3A_818 = tpu.vector_load %arg7[%swap3A_816, %swap3A_817] {strides = array<i32>} : memref<4x128xi32, #tpu.memory_space<vmem>>, vector<1x16xi32>,
      %swap3A_819 = vector.shape_cast %swap3A_818 : vector<1x16xi32> to vector<16xi32>
      %swap3A_820 = vector.shape_cast %and3A_814 : vector<16xi32> to vector<1x16xi32>
      tpu.vector_store %arg7[%swap3A_816, %swap3A_817], %swap3A_820 {strides = array<i32>} : memref<4x128xi32, #tpu.memory_space<vmem>>, vector<1x16xi32>,
      %shift_right_logical3A_821 = arith.constant 16 : i32
      %shift_right_logical3A_822 = vector.broadcast %shift_right_logical3A_821 : i32 to vector<16xi32>
      %shift_right_logical3A_823 = arith.shrui %get3A_811, %shift_right_logical3A_822 : vector<16xi32>
      %swap3A_824 = arith.constant 3 : i32
      %swap3A_825 = arith.index_cast %swap3A_824 : i32 to index
      %swap3A_826 = arith.constant 16 : index
      %swap3A_827 = tpu.vector_load %arg7[%swap3A_825, %swap3A_826] {strides = array<i32>} : memref<4x128xi32, #tpu.memory_space<vmem>>, vector<1x16xi32>,
      %swap3A_828 = vector.shape_cast %swap3A_827 : vector<1x16xi32> to vector<16xi32>
      %swap3A_829 = vector.shape_cast %shift_right_logical3A_823 : vector<16xi32> to vector<1x16xi32>
      tpu.vector_store %arg7[%swap3A_825, %swap3A_826], %swap3A_829 {strides = array<i32>} : memref<4x128xi32, #tpu.memory_space<vmem>>, vector<1x16xi32>,
      %get3A_830 = arith.index_cast %add3A_599 : i32 to index
      %get3A_831 = arith.constant 32 : index
      %get3A_832 = tpu.vector_load %arg6[%get3A_830, %get3A_831] {strides = array<i32>} : memref<80x128xi32, #tpu.memory_space<vmem>>, vector<1x16xi32>,
      %get3A_833 = vector.shape_cast %get3A_832 : vector<1x16xi32> to vector<16xi32>
      %and3A_834 = arith.constant 65535 : i32
      %and3A_835 = vector.broadcast %and3A_834 : i32 to vector<16xi32>
      %and3A_836 = arith.andi %get3A_833, %and3A_835 : vector<16xi32>
      %swap3A_837 = arith.constant 2 : i32
      %swap3A_838 = arith.index_cast %swap3A_837 : i32 to index
      %swap3A_839 = arith.constant 32 : index
      %swap3A_840 = tpu.vector_load %arg7[%swap3A_838, %swap3A_839] {strides = array<i32>} : memref<4x128xi32, #tpu.memory_space<vmem>>, vector<1x16xi32>,
      %swap3A_841 = vector.shape_cast %swap3A_840 : vector<1x16xi32> to vector<16xi32>
      %swap3A_842 = vector.shape_cast %and3A_836 : vector<16xi32> to vector<1x16xi32>
      tpu.vector_store %arg7[%swap3A_838, %swap3A_839], %swap3A_842 {strides = array<i32>} : memref<4x128xi32, #tpu.memory_space<vmem>>, vector<1x16xi32>,
      %shift_right_logical3A_843 = arith.constant 16 : i32
      %shift_right_logical3A_844 = vector.broadcast %shift_right_logical3A_843 : i32 to vector<16xi32>
      %shift_right_logical3A_845 = arith.shrui %get3A_833, %shift_right_logical3A_844 : vector<16xi32>
      %swap3A_846 = arith.constant 3 : i32
      %swap3A_847 = arith.index_cast %swap3A_846 : i32 to index
      %swap3A_848 = arith.constant 32 : index
      %swap3A_849 = tpu.vector_load %arg7[%swap3A_847, %swap3A_848] {strides = array<i32>} : memref<4x128xi32, #tpu.memory_space<vmem>>, vector<1x16xi32>,
      %swap3A_850 = vector.shape_cast %swap3A_849 : vector<1x16xi32> to vector<16xi32>
      %swap3A_851 = vector.shape_cast %shift_right_logical3A_845 : vector<16xi32> to vector<1x16xi32>
      tpu.vector_store %arg7[%swap3A_847, %swap3A_848], %swap3A_851 {strides = array<i32>} : memref<4x128xi32, #tpu.memory_space<vmem>>, vector<1x16xi32>,
      %get3A_852 = arith.index_cast %add3A_599 : i32 to index
      %get3A_853 = arith.constant 48 : index
      %get3A_854 = tpu.vector_load %arg6[%get3A_852, %get3A_853] {strides = array<i32>} : memref<80x128xi32, #tpu.memory_space<vmem>>, vector<1x16xi32>,
      %get3A_855 = vector.shape_cast %get3A_854 : vector<1x16xi32> to vector<16xi32>
      %and3A_856 = arith.constant 65535 : i32
      %and3A_857 = vector.broadcast %and3A_856 : i32 to vector<16xi32>
      %and3A_858 = arith.andi %get3A_855, %and3A_857 : vector<16xi32>
      %swap3A_859 = arith.constant 2 : i32
      %swap3A_860 = arith.index_cast %swap3A_859 : i32 to index
      %swap3A_861 = arith.constant 48 : index
      %swap3A_862 = tpu.vector_load %arg7[%swap3A_860, %swap3A_861] {strides = array<i32>} : memref<4x128xi32, #tpu.memory_space<vmem>>, vector<1x16xi32>,
      %swap3A_863 = vector.shape_cast %swap3A_862 : vector<1x16xi32> to vector<16xi32>
      %swap3A_864 = vector.shape_cast %and3A_858 : vector<16xi32> to vector<1x16xi32>
      tpu.vector_store %arg7[%swap3A_860, %swap3A_861], %swap3A_864 {strides = array<i32>} : memref<4x128xi32, #tpu.memory_space<vmem>>, vector<1x16xi32>,
      %shift_right_logical3A_865 = arith.constant 16 : i32
      %shift_right_logical3A_866 = vector.broadcast %shift_right_logical3A_865 : i32 to vector<16xi32>
      %shift_right_logical3A_867 = arith.shrui %get3A_855, %shift_right_logical3A_866 : vector<16xi32>
      %swap3A_868 = arith.constant 3 : i32
      %swap3A_869 = arith.index_cast %swap3A_868 : i32 to index
      %swap3A_870 = arith.constant 48 : index
      %swap3A_871 = tpu.vector_load %arg7[%swap3A_869, %swap3A_870] {strides = array<i32>} : memref<4x128xi32, #tpu.memory_space<vmem>>, vector<1x16xi32>,
      %swap3A_872 = vector.shape_cast %swap3A_871 : vector<1x16xi32> to vector<16xi32>
      %swap3A_873 = vector.shape_cast %shift_right_logical3A_867 : vector<16xi32> to vector<1x16xi32>
      tpu.vector_store %arg7[%swap3A_869, %swap3A_870], %swap3A_873 {strides = array<i32>} : memref<4x128xi32, #tpu.memory_space<vmem>>, vector<1x16xi32>,
      %get3A_874 = arith.index_cast %add3A_599 : i32 to index
      %get3A_875 = arith.constant 64 : index
      %get3A_876 = tpu.vector_load %arg6[%get3A_874, %get3A_875] {strides = array<i32>} : memref<80x128xi32, #tpu.memory_space<vmem>>, vector<1x16xi32>,
      %get3A_877 = vector.shape_cast %get3A_876 : vector<1x16xi32> to vector<16xi32>
      %and3A_878 = arith.constant 65535 : i32
      %and3A_879 = vector.broadcast %and3A_878 : i32 to vector<16xi32>
      %and3A_880 = arith.andi %get3A_877, %and3A_879 : vector<16xi32>
      %swap3A_881 = arith.constant 2 : i32
      %swap3A_882 = arith.index_cast %swap3A_881 : i32 to index
      %swap3A_883 = arith.constant 64 : index
      %swap3A_884 = tpu.vector_load %arg7[%swap3A_882, %swap3A_883] {strides = array<i32>} : memref<4x128xi32, #tpu.memory_space<vmem>>, vector<1x16xi32>,
      %swap3A_885 = vector.shape_cast %swap3A_884 : vector<1x16xi32> to vector<16xi32>
      %swap3A_886 = vector.shape_cast %and3A_880 : vector<16xi32> to vector<1x16xi32>
      tpu.vector_store %arg7[%swap3A_882, %swap3A_883], %swap3A_886 {strides = array<i32>} : memref<4x128xi32, #tpu.memory_space<vmem>>, vector<1x16xi32>,
      %shift_right_logical3A_887 = arith.constant 16 : i32
      %shift_right_logical3A_888 = vector.broadcast %shift_right_logical3A_887 : i32 to vector<16xi32>
      %shift_right_logical3A_889 = arith.shrui %get3A_877, %shift_right_logical3A_888 : vector<16xi32>
      %swap3A_890 = arith.constant 3 : i32
      %swap3A_891 = arith.index_cast %swap3A_890 : i32 to index
      %swap3A_892 = arith.constant 64 : index
      %swap3A_893 = tpu.vector_load %arg7[%swap3A_891, %swap3A_892] {strides = array<i32>} : memref<4x128xi32, #tpu.memory_space<vmem>>, vector<1x16xi32>,
      %swap3A_894 = vector.shape_cast %swap3A_893 : vector<1x16xi32> to vector<16xi32>
      %swap3A_895 = vector.shape_cast %shift_right_logical3A_889 : vector<16xi32> to vector<1x16xi32>
      tpu.vector_store %arg7[%swap3A_891, %swap3A_892], %swap3A_895 {strides = array<i32>} : memref<4x128xi32, #tpu.memory_space<vmem>>, vector<1x16xi32>,
      %get3A_896 = arith.index_cast %add3A_599 : i32 to index
      %get3A_897 = arith.constant 80 : index
      %get3A_898 = tpu.vector_load %arg6[%get3A_896, %get3A_897] {strides = array<i32>} : memref<80x128xi32, #tpu.memory_space<vmem>>, vector<1x16xi32>,
      %get3A_899 = vector.shape_cast %get3A_898 : vector<1x16xi32> to vector<16xi32>
      %and3A_900 = arith.constant 65535 : i32
      %and3A_901 = vector.broadcast %and3A_900 : i32 to vector<16xi32>
      %and3A_902 = arith.andi %get3A_899, %and3A_901 : vector<16xi32>
      %swap3A_903 = arith.constant 2 : i32
      %swap3A_904 = arith.index_cast %swap3A_903 : i32 to index
      %swap3A_905 = arith.constant 80 : index
      %swap3A_906 = tpu.vector_load %arg7[%swap3A_904, %swap3A_905] {strides = array<i32>} : memref<4x128xi32, #tpu.memory_space<vmem>>, vector<1x16xi32>,
      %swap3A_907 = vector.shape_cast %swap3A_906 : vector<1x16xi32> to vector<16xi32>
      %swap3A_908 = vector.shape_cast %and3A_902 : vector<16xi32> to vector<1x16xi32>
      tpu.vector_store %arg7[%swap3A_904, %swap3A_905], %swap3A_908 {strides = array<i32>} : memref<4x128xi32, #tpu.memory_space<vmem>>, vector<1x16xi32>,
      %shift_right_logical3A_909 = arith.constant 16 : i32
      %shift_right_logical3A_910 = vector.broadcast %shift_right_logical3A_909 : i32 to vector<16xi32>
      %shift_right_logical3A_911 = arith.shrui %get3A_899, %shift_right_logical3A_910 : vector<16xi32>
      %swap3A_912 = arith.constant 3 : i32
      %swap3A_913 = arith.index_cast %swap3A_912 : i32 to index
      %swap3A_914 = arith.constant 80 : index
      %swap3A_915 = tpu.vector_load %arg7[%swap3A_913, %swap3A_914] {strides = array<i32>} : memref<4x128xi32, #tpu.memory_space<vmem>>, vector<1x16xi32>,
      %swap3A_916 = vector.shape_cast %swap3A_915 : vector<1x16xi32> to vector<16xi32>
      %swap3A_917 = vector.shape_cast %shift_right_logical3A_911 : vector<16xi32> to vector<1x16xi32>
      tpu.vector_store %arg7[%swap3A_913, %swap3A_914], %swap3A_917 {strides = array<i32>} : memref<4x128xi32, #tpu.memory_space<vmem>>, vector<1x16xi32>,
      %get3A_918 = arith.index_cast %add3A_599 : i32 to index
      %get3A_919 = arith.constant 96 : index
      %get3A_920 = tpu.vector_load %arg6[%get3A_918, %get3A_919] {strides = array<i32>} : memref<80x128xi32, #tpu.memory_space<vmem>>, vector<1x16xi32>,
      %get3A_921 = vector.shape_cast %get3A_920 : vector<1x16xi32> to vector<16xi32>
      %and3A_922 = arith.constant 65535 : i32
      %and3A_923 = vector.broadcast %and3A_922 : i32 to vector<16xi32>
      %and3A_924 = arith.andi %get3A_921, %and3A_923 : vector<16xi32>
      %swap3A_925 = arith.constant 2 : i32
      %swap3A_926 = arith.index_cast %swap3A_925 : i32 to index
      %swap3A_927 = arith.constant 96 : index
      %swap3A_928 = tpu.vector_load %arg7[%swap3A_926, %swap3A_927] {strides = array<i32>} : memref<4x128xi32, #tpu.memory_space<vmem>>, vector<1x16xi32>,
      %swap3A_929 = vector.shape_cast %swap3A_928 : vector<1x16xi32> to vector<16xi32>
      %swap3A_930 = vector.shape_cast %and3A_924 : vector<16xi32> to vector<1x16xi32>
      tpu.vector_store %arg7[%swap3A_926, %swap3A_927], %swap3A_930 {strides = array<i32>} : memref<4x128xi32, #tpu.memory_space<vmem>>, vector<1x16xi32>,
      %shift_right_logical3A_931 = arith.constant 16 : i32
      %shift_right_logical3A_932 = vector.broadcast %shift_right_logical3A_931 : i32 to vector<16xi32>
      %shift_right_logical3A_933 = arith.shrui %get3A_921, %shift_right_logical3A_932 : vector<16xi32>
      %swap3A_934 = arith.constant 3 : i32
      %swap3A_935 = arith.index_cast %swap3A_934 : i32 to index
      %swap3A_936 = arith.constant 96 : index
      %swap3A_937 = tpu.vector_load %arg7[%swap3A_935, %swap3A_936] {strides = array<i32>} : memref<4x128xi32, #tpu.memory_space<vmem>>, vector<1x16xi32>,
      %swap3A_938 = vector.shape_cast %swap3A_937 : vector<1x16xi32> to vector<16xi32>
      %swap3A_939 = vector.shape_cast %shift_right_logical3A_933 : vector<16xi32> to vector<1x16xi32>
      tpu.vector_store %arg7[%swap3A_935, %swap3A_936], %swap3A_939 {strides = array<i32>} : memref<4x128xi32, #tpu.memory_space<vmem>>, vector<1x16xi32>,
      %get3A_940 = arith.index_cast %add3A_599 : i32 to index
      %get3A_941 = arith.constant 112 : index
      %get3A_942 = tpu.vector_load %arg6[%get3A_940, %get3A_941] {strides = array<i32>} : memref<80x128xi32, #tpu.memory_space<vmem>>, vector<1x16xi32>,
      %get3A_943 = vector.shape_cast %get3A_942 : vector<1x16xi32> to vector<16xi32>
      %and3A_944 = arith.constant 65535 : i32
      %and3A_945 = vector.broadcast %and3A_944 : i32 to vector<16xi32>
      %and3A_946 = arith.andi %get3A_943, %and3A_945 : vector<16xi32>
      %swap3A_947 = arith.constant 2 : i32
      %swap3A_948 = arith.index_cast %swap3A_947 : i32 to index
      %swap3A_949 = arith.constant 112 : index
      %swap3A_950 = tpu.vector_load %arg7[%swap3A_948, %swap3A_949] {strides = array<i32>} : memref<4x128xi32, #tpu.memory_space<vmem>>, vector<1x16xi32>,
      %swap3A_951 = vector.shape_cast %swap3A_950 : vector<1x16xi32> to vector<16xi32>
      %swap3A_952 = vector.shape_cast %and3A_946 : vector<16xi32> to vector<1x16xi32>
      tpu.vector_store %arg7[%swap3A_948, %swap3A_949], %swap3A_952 {strides = array<i32>} : memref<4x128xi32, #tpu.memory_space<vmem>>, vector<1x16xi32>,
      %shift_right_logical3A_953 = arith.constant 16 : i32
      %shift_right_logical3A_954 = vector.broadcast %shift_right_logical3A_953 : i32 to vector<16xi32>
      %shift_right_logical3A_955 = arith.shrui %get3A_943, %shift_right_logical3A_954 : vector<16xi32>
      %swap3A_956 = arith.constant 3 : i32
      %swap3A_957 = arith.index_cast %swap3A_956 : i32 to index
      %swap3A_958 = arith.constant 112 : index
      %swap3A_959 = tpu.vector_load %arg7[%swap3A_957, %swap3A_958] {strides = array<i32>} : memref<4x128xi32, #tpu.memory_space<vmem>>, vector<1x16xi32>,
      %swap3A_960 = vector.shape_cast %swap3A_959 : vector<1x16xi32> to vector<16xi32>
      %swap3A_961 = vector.shape_cast %shift_right_logical3A_955 : vector<16xi32> to vector<1x16xi32>
      tpu.vector_store %arg7[%swap3A_957, %swap3A_958], %swap3A_961 {strides = array<i32>} : memref<4x128xi32, #tpu.memory_space<vmem>>, vector<1x16xi32>,
      %dma_start3A_962 = arith.constant 2 : i32
      %dma_start3A_963 = arith.constant 128 : i32
      %dma_start3A_964 = arith.constant 0 : i32
      %dma_start3A_965 = tpu.memref_slice %arg8[%dma_start3A_963, %dma_start3A_964] : memref<256x128xf32, #tpu.memory_space<vmem>> -> memref<128x128xf32, #tpu.memory_space<vmem>>
      %dma_start3A_966 = arith.constant 0 : i32
      %dma_start3A_967 = tpu.memref_slice %arg7[%dma_start3A_962, %dma_start3A_966] : memref<4x128xi32, #tpu.memory_space<vmem>> -> memref<1x128xi32, #tpu.memory_space<vmem>>
      %dma_start3A_968 = tpu.memref_squeeze %dma_start3A_967 : memref<1x128xi32, #tpu.memory_space<vmem>> -> memref<128xi32, #tpu.memory_space<vmem>>
      %dma_start3A_969 = arith.constant 0 : i32
      %dma_start3A_970 = arith.constant 0 : i32
      %dma_start3A_971 = tpu.memref_slice %arg2[%dma_start3A_969, %dma_start3A_970] : memref<10000x128xf32, #tpu.memory_space<hbm>> -> memref<10000x128xf32, #tpu.memory_space<hbm>>
      tpu.enqueue_indirect_dma source(%dma_start3A_971 : memref<10000x128xf32, #tpu.memory_space<hbm>>) target(%dma_start3A_965 : memref<128x128xf32, #tpu.memory_space<vmem>>) offsets(%dma_start3A_968 : memref<128xi32, #tpu.memory_space<vmem>>) semaphore(%arg11 : memref<!tpu.dma_semaphore, #tpu.memory_space<semaphore_mem>>)
      %dma_wait3A_972 = arith.constant 0 : i32
      %dma_wait3A_973 = arith.constant 0 : i32
      %dma_wait3A_974 = arith.constant 0 : i32
      %dma_wait3A_975 = tpu.memref_slice %arg8[%dma_wait3A_973, %dma_wait3A_974] : memref<256x128xf32, #tpu.memory_space<vmem>> -> memref<128x128xf32, #tpu.memory_space<vmem>>
      %dma_wait3A_976 = arith.constant 0 : i32
      %dma_wait3A_977 = tpu.memref_slice %arg7[%dma_wait3A_972, %dma_wait3A_976] : memref<4x128xi32, #tpu.memory_space<vmem>> -> memref<1x128xi32, #tpu.memory_space<vmem>>
      %dma_wait3A_978 = tpu.memref_squeeze %dma_wait3A_977 : memref<1x128xi32, #tpu.memory_space<vmem>> -> memref<128xi32, #tpu.memory_space<vmem>>
      %dma_wait3A_979 = arith.constant 0 : i32
      %dma_wait3A_980 = arith.constant 0 : i32
      %dma_wait3A_981 = tpu.memref_slice %arg2[%dma_wait3A_979, %dma_wait3A_980] : memref<10000x128xf32, #tpu.memory_space<hbm>> -> memref<10000x128xf32, #tpu.memory_space<hbm>>
      tpu.wait_indirect_dma semaphore(%arg11 : memref<!tpu.dma_semaphore, #tpu.memory_space<semaphore_mem>>) src(%dma_wait3A_981 : memref<10000x128xf32, #tpu.memory_space<hbm>>) dst(%dma_wait3A_975 : memref<128x128xf32, #tpu.memory_space<vmem>>)
      %dma_wait3A_982 = arith.constant 2 : i32
      %dma_wait3A_983 = arith.constant 128 : i32
      %dma_wait3A_984 = arith.constant 0 : i32
      %dma_wait3A_985 = tpu.memref_slice %arg8[%dma_wait3A_983, %dma_wait3A_984] : memref<256x128xf32, #tpu.memory_space<vmem>> -> memref<128x128xf32, #tpu.memory_space<vmem>>
      %dma_wait3A_986 = arith.constant 0 : i32
      %dma_wait3A_987 = tpu.memref_slice %arg7[%dma_wait3A_982, %dma_wait3A_986] : memref<4x128xi32, #tpu.memory_space<vmem>> -> memref<1x128xi32, #tpu.memory_space<vmem>>
      %dma_wait3A_988 = tpu.memref_squeeze %dma_wait3A_987 : memref<1x128xi32, #tpu.memory_space<vmem>> -> memref<128xi32, #tpu.memory_space<vmem>>
      %dma_wait3A_989 = arith.constant 0 : i32
      %dma_wait3A_990 = arith.constant 0 : i32
      %dma_wait3A_991 = tpu.memref_slice %arg2[%dma_wait3A_989, %dma_wait3A_990] : memref<10000x128xf32, #tpu.memory_space<hbm>> -> memref<10000x128xf32, #tpu.memory_space<hbm>>
      tpu.wait_indirect_dma semaphore(%arg11 : memref<!tpu.dma_semaphore, #tpu.memory_space<semaphore_mem>>) src(%dma_wait3A_991 : memref<10000x128xf32, #tpu.memory_space<hbm>>) dst(%dma_wait3A_985 : memref<128x128xf32, #tpu.memory_space<vmem>>)
      %dma_start3A_992 = arith.constant 1 : i32
      %dma_start3A_993 = arith.constant 0 : i32
      %dma_start3A_994 = arith.constant 0 : i32
      %dma_start3A_995 = tpu.memref_slice %arg8[%dma_start3A_993, %dma_start3A_994] : memref<256x128xf32, #tpu.memory_space<vmem>> -> memref<128x128xf32, #tpu.memory_space<vmem>>
      %dma_start3A_996 = arith.constant 0 : i32
      %dma_start3A_997 = tpu.memref_slice %arg7[%dma_start3A_992, %dma_start3A_996] : memref<4x128xi32, #tpu.memory_space<vmem>> -> memref<1x128xi32, #tpu.memory_space<vmem>>
      %dma_start3A_998 = tpu.memref_squeeze %dma_start3A_997 : memref<1x128xi32, #tpu.memory_space<vmem>> -> memref<128xi32, #tpu.memory_space<vmem>>
      %dma_start3A_999 = arith.constant 0 : i32
      %dma_start3A_1000 = arith.constant 0 : i32
      %dma_start3A_1001 = tpu.memref_slice %arg10[%dma_start3A_999, %dma_start3A_1000] : memref<10112x128xf32, #tpu.memory_space<vmem_shared>> -> memref<10112x128xf32, #tpu.memory_space<vmem_shared>>
      tpu.enqueue_indirect_dma source(%dma_start3A_995 : memref<128x128xf32, #tpu.memory_space<vmem>>) target(%dma_start3A_1001 : memref<10112x128xf32, #tpu.memory_space<vmem_shared>>) offsets(%dma_start3A_998 : memref<128xi32, #tpu.memory_space<vmem>>) semaphore(%arg11 : memref<!tpu.dma_semaphore, #tpu.memory_space<semaphore_mem>>) {add = true}
      %dma_start3A_1002 = arith.constant 3 : i32
      %dma_start3A_1003 = arith.constant 128 : i32
      %dma_start3A_1004 = arith.constant 0 : i32
      %dma_start3A_1005 = tpu.memref_slice %arg8[%dma_start3A_1003, %dma_start3A_1004] : memref<256x128xf32, #tpu.memory_space<vmem>> -> memref<128x128xf32, #tpu.memory_space<vmem>>
      %dma_start3A_1006 = arith.constant 0 : i32
      %dma_start3A_1007 = tpu.memref_slice %arg7[%dma_start3A_1002, %dma_start3A_1006] : memref<4x128xi32, #tpu.memory_space<vmem>> -> memref<1x128xi32, #tpu.memory_space<vmem>>
      %dma_start3A_1008 = tpu.memref_squeeze %dma_start3A_1007 : memref<1x128xi32, #tpu.memory_space<vmem>> -> memref<128xi32, #tpu.memory_space<vmem>>
      %dma_start3A_1009 = arith.constant 0 : i32
      %dma_start3A_1010 = arith.constant 0 : i32
      %dma_start3A_1011 = tpu.memref_slice %arg10[%dma_start3A_1009, %dma_start3A_1010] : memref<10112x128xf32, #tpu.memory_space<vmem_shared>> -> memref<10112x128xf32, #tpu.memory_space<vmem_shared>>
      tpu.enqueue_indirect_dma source(%dma_start3A_1005 : memref<128x128xf32, #tpu.memory_space<vmem>>) target(%dma_start3A_1011 : memref<10112x128xf32, #tpu.memory_space<vmem_shared>>) offsets(%dma_start3A_1008 : memref<128xi32, #tpu.memory_space<vmem>>) semaphore(%arg11 : memref<!tpu.dma_semaphore, #tpu.memory_space<semaphore_mem>>) {add = true}
    }
    %scan3A_523 = arith.constant 40 : i32
    %dma_wait3A = arith.constant 1 : i32
    %dma_wait3A_524 = arith.constant 0 : i32
    %dma_wait3A_525 = arith.constant 0 : i32
    %dma_wait3A_526 = tpu.memref_slice %arg8[%dma_wait3A_524, %dma_wait3A_525] : memref<256x128xf32, #tpu.memory_space<vmem>> -> memref<128x128xf32, #tpu.memory_space<vmem>>
    %dma_wait3A_527 = arith.constant 0 : i32
    %dma_wait3A_528 = tpu.memref_slice %arg7[%dma_wait3A, %dma_wait3A_527] : memref<4x128xi32, #tpu.memory_space<vmem>> -> memref<1x128xi32, #tpu.memory_space<vmem>>
    %dma_wait3A_529 = tpu.memref_squeeze %dma_wait3A_528 : memref<1x128xi32, #tpu.memory_space<vmem>> -> memref<128xi32, #tpu.memory_space<vmem>>
    %dma_wait3A_530 = arith.constant 0 : i32
    %dma_wait3A_531 = arith.constant 0 : i32
    %dma_wait3A_532 = tpu.memref_slice %arg10[%dma_wait3A_530, %dma_wait3A_531] : memref<10112x128xf32, #tpu.memory_space<vmem_shared>> -> memref<10112x128xf32, #tpu.memory_space<vmem_shared>>
    tpu.wait_indirect_dma semaphore(%arg11 : memref<!tpu.dma_semaphore, #tpu.memory_space<semaphore_mem>>) src(%dma_wait3A_526 : memref<128x128xf32, #tpu.memory_space<vmem>>) dst(%dma_wait3A_532 : memref<10112x128xf32, #tpu.memory_space<vmem_shared>>)
    %dma_wait3A_533 = arith.constant 3 : i32
    %dma_wait3A_534 = arith.constant 128 : i32
    %dma_wait3A_535 = arith.constant 0 : i32
    %dma_wait3A_536 = tpu.memref_slice %arg8[%dma_wait3A_534, %dma_wait3A_535] : memref<256x128xf32, #tpu.memory_space<vmem>> -> memref<128x128xf32, #tpu.memory_space<vmem>>
    %dma_wait3A_537 = arith.constant 0 : i32
    %dma_wait3A_538 = tpu.memref_slice %arg7[%dma_wait3A_533, %dma_wait3A_537] : memref<4x128xi32, #tpu.memory_space<vmem>> -> memref<1x128xi32, #tpu.memory_space<vmem>>
    %dma_wait3A_539 = tpu.memref_squeeze %dma_wait3A_538 : memref<1x128xi32, #tpu.memory_space<vmem>> -> memref<128xi32, #tpu.memory_space<vmem>>
    %dma_wait3A_540 = arith.constant 0 : i32
    %dma_wait3A_541 = arith.constant 0 : i32
    %dma_wait3A_542 = tpu.memref_slice %arg10[%dma_wait3A_540, %dma_wait3A_541] : memref<10112x128xf32, #tpu.memory_space<vmem_shared>> -> memref<10112x128xf32, #tpu.memory_space<vmem_shared>>
    tpu.wait_indirect_dma semaphore(%arg11 : memref<!tpu.dma_semaphore, #tpu.memory_space<semaphore_mem>>) src(%dma_wait3A_536 : memref<128x128xf32, #tpu.memory_space<vmem>>) dst(%dma_wait3A_542 : memref<10112x128xf32, #tpu.memory_space<vmem_shared>>)
    %barrier3A_543 = arith.constant 0 : index
    tpu.barrier barrier_id(%barrier3A_543)
    %eq3A = arith.constant 0 : i32
    %eq3A_544 = arith.cmpi eq, %arg0, %eq3A : i32
    %convert_element_type3A = arith.extui %eq3A_544 : i1 to i32
    %cond3A = arith.constant 0 : i32
    %cond3A_545 = arith.cmpi ne, %convert_element_type3A, %cond3A : i32
    scf.if %cond3A_545 {
      %run_scoped3A = arith.constant 0 : i32
      %run_scoped3A_595 = arith.constant 0 : i32
      "tpu.region"() ({
        %run_scoped3A_596 = tpu.sem_alloc : memref<!tpu.dma_semaphore, #tpu.memory_space<semaphore_mem>>
        %dma_start3A = arith.constant 0 : i32
        %dma_start3A_597 = tpu.memref_slice %arg5[%run_scoped3A, %run_scoped3A_595, %mul3A_2, %dma_start3A] : memref<2x2x10112x128xf32, #tpu.memory_space<hbm>> -> memref<1x1x632x128xf32, #tpu.memory_space<hbm>>
        %dma_start3A_598 = tpu.memref_squeeze %dma_start3A_597 : memref<1x1x632x128xf32, #tpu.memory_space<hbm>> -> memref<632x128xf32, #tpu.memory_space<hbm>>
        %dma_start3A_599 = arith.constant 0 : i32
        %dma_start3A_600 = tpu.memref_slice %arg10[%mul3A_2, %dma_start3A_599] : memref<10112x128xf32, #tpu.memory_space<vmem_shared>> -> memref<632x128xf32, #tpu.memory_space<vmem_shared>>
        tpu.enqueue_dma source(%dma_start3A_600 : memref<632x128xf32, #tpu.memory_space<vmem_shared>>) target(%dma_start3A_598 : memref<632x128xf32, #tpu.memory_space<hbm>>) target_semaphore(%run_scoped3A_596 : memref<!tpu.dma_semaphore, #tpu.memory_space<semaphore_mem>>)
        %dma_wait3A_601 = arith.constant 0 : i32
        %dma_wait3A_602 = tpu.memref_slice %arg5[%run_scoped3A, %run_scoped3A_595, %mul3A_2, %dma_wait3A_601] : memref<2x2x10112x128xf32, #tpu.memory_space<hbm>> -> memref<1x1x632x128xf32, #tpu.memory_space<hbm>>
        %dma_wait3A_603 = tpu.memref_squeeze %dma_wait3A_602 : memref<1x1x632x128xf32, #tpu.memory_space<hbm>> -> memref<632x128xf32, #tpu.memory_space<hbm>>
        %dma_wait3A_604 = arith.constant 0 : i32
        %dma_wait3A_605 = tpu.memref_slice %arg10[%mul3A_2, %dma_wait3A_604] : memref<10112x128xf32, #tpu.memory_space<vmem_shared>> -> memref<632x128xf32, #tpu.memory_space<vmem_shared>>
        tpu.wait_dma2 semaphore(%run_scoped3A_596 : memref<!tpu.dma_semaphore, #tpu.memory_space<semaphore_mem>>) src(%dma_wait3A_605 : memref<632x128xf32, #tpu.memory_space<vmem_shared>>) dst(%dma_wait3A_603 : memref<632x128xf32, #tpu.memory_space<hbm>>)
        tpu.yield
      }) : () -> ()
    } else {
    }
    %eq3A_546 = arith.constant 1 : i32
    %eq3A_547 = arith.cmpi eq, %arg0, %eq3A_546 : i32
    %convert_element_type3A_548 = arith.extui %eq3A_547 : i1 to i32
    %cond3A_549 = arith.constant 0 : i32
    %cond3A_550 = arith.cmpi ne, %convert_element_type3A_548, %cond3A_549 : i32
    scf.if %cond3A_550 {
      %run_scoped3A = arith.constant 0 : i32
      %run_scoped3A_595 = arith.constant 1 : i32
      "tpu.region"() ({
        %run_scoped3A_596 = tpu.sem_alloc : memref<!tpu.dma_semaphore, #tpu.memory_space<semaphore_mem>>
        %dma_start3A = arith.constant 0 : i32
        %dma_start3A_597 = tpu.memref_slice %arg5[%run_scoped3A, %run_scoped3A_595, %mul3A_2, %dma_start3A] : memref<2x2x10112x128xf32, #tpu.memory_space<hbm>> -> memref<1x1x632x128xf32, #tpu.memory_space<hbm>>
        %dma_start3A_598 = tpu.memref_squeeze %dma_start3A_597 : memref<1x1x632x128xf32, #tpu.memory_space<hbm>> -> memref<632x128xf32, #tpu.memory_space<hbm>>
        %dma_start3A_599 = arith.constant 0 : i32
        %dma_start3A_600 = tpu.memref_slice %arg10[%mul3A_2, %dma_start3A_599] : memref<10112x128xf32, #tpu.memory_space<vmem_shared>> -> memref<632x128xf32, #tpu.memory_space<vmem_shared>>
        tpu.enqueue_dma source(%dma_start3A_600 : memref<632x128xf32, #tpu.memory_space<vmem_shared>>) target(%dma_start3A_598 : memref<632x128xf32, #tpu.memory_space<hbm>>) target_semaphore(%run_scoped3A_596 : memref<!tpu.dma_semaphore, #tpu.memory_space<semaphore_mem>>)
        %dma_wait3A_601 = arith.constant 0 : i32
        %dma_wait3A_602 = tpu.memref_slice %arg5[%run_scoped3A, %run_scoped3A_595, %mul3A_2, %dma_wait3A_601] : memref<2x2x10112x128xf32, #tpu.memory_space<hbm>> -> memref<1x1x632x128xf32, #tpu.memory_space<hbm>>
        %dma_wait3A_603 = tpu.memref_squeeze %dma_wait3A_602 : memref<1x1x632x128xf32, #tpu.memory_space<hbm>> -> memref<632x128xf32, #tpu.memory_space<hbm>>
        %dma_wait3A_604 = arith.constant 0 : i32
        %dma_wait3A_605 = tpu.memref_slice %arg10[%mul3A_2, %dma_wait3A_604] : memref<10112x128xf32, #tpu.memory_space<vmem_shared>> -> memref<632x128xf32, #tpu.memory_space<vmem_shared>>
        tpu.wait_dma2 semaphore(%run_scoped3A_596 : memref<!tpu.dma_semaphore, #tpu.memory_space<semaphore_mem>>) src(%dma_wait3A_605 : memref<632x128xf32, #tpu.memory_space<vmem_shared>>) dst(%dma_wait3A_603 : memref<632x128xf32, #tpu.memory_space<hbm>>)
        tpu.yield
      }) : () -> ()
    } else {
    }
    %scan3A_551 = arith.constant 0 : i32
    %scan3A_552 = arith.constant 0 : i32
    %scan3A_553 = arith.constant 79 : i32
    %scan3A_554 = arith.addi %scan3A_552, %scan3A_553 : i32
    %scan3A_555 = arith.constant 1 : i32
    scf.for %scan3A_595 = %scan3A_552 to %scan3A_554 step %scan3A_555  : i32 {
      %mul3A_596 = arith.constant 8 : i32
      %mul3A_597 = arith.muli %scan3A_595, %mul3A_596 : i32
      %add3A_598 = arith.addi %mul3A_2, %mul3A_597 : i32
      "tpu.region"() ({
        %run_scoped3A = tpu.sem_alloc : memref<!tpu.dma_semaphore, #tpu.memory_space<semaphore_mem>>
        %dma_start3A = arith.constant 0 : i32
        %dma_start3A_599 = tpu.memref_slice %arg10[%add3A_598, %dma_start3A] : memref<10112x128xf32, #tpu.memory_space<vmem_shared>> -> memref<8x128xf32, #tpu.memory_space<vmem_shared>>
        %dma_start3A_600 = arith.constant 0 : i32
        %dma_start3A_601 = tpu.memref_slice %arg10[%add3A_598, %dma_start3A_600] : memref<10112x128xf32, #tpu.memory_space<vmem_shared>> -> memref<8x128xf32, #tpu.memory_space<vmem_shared>>
        tpu.enqueue_dma source(%arg9 : memref<8x128xf32, #tpu.memory_space<vmem>>) target(%dma_start3A_601 : memref<8x128xf32, #tpu.memory_space<vmem_shared>>) target_semaphore(%run_scoped3A : memref<!tpu.dma_semaphore, #tpu.memory_space<semaphore_mem>>)
        %dma_wait3A_602 = arith.constant 0 : i32
        %dma_wait3A_603 = tpu.memref_slice %arg10[%add3A_598, %dma_wait3A_602] : memref<10112x128xf32, #tpu.memory_space<vmem_shared>> -> memref<8x128xf32, #tpu.memory_space<vmem_shared>>
        %dma_wait3A_604 = arith.constant 0 : i32
        %dma_wait3A_605 = tpu.memref_slice %arg10[%add3A_598, %dma_wait3A_604] : memref<10112x128xf32, #tpu.memory_space<vmem_shared>> -> memref<8x128xf32, #tpu.memory_space<vmem_shared>>
        tpu.wait_dma2 semaphore(%run_scoped3A : memref<!tpu.dma_semaphore, #tpu.memory_space<semaphore_mem>>) src(%arg9 : memref<8x128xf32, #tpu.memory_space<vmem>>) dst(%dma_wait3A_605 : memref<8x128xf32, #tpu.memory_space<vmem_shared>>)
        tpu.yield
      }) : () -> ()
    }
    %scan3A_556 = arith.constant 79 : i32
    %barrier3A_557 = arith.constant 0 : index
    tpu.barrier barrier_id(%barrier3A_557)
    %scan3A_558 = arith.constant 0 : i32
    %scan3A_559 = arith.constant 0 : i32
    %scan3A_560 = arith.constant 40 : i32
    %scan3A_561 = arith.addi %scan3A_559, %scan3A_560 : i32
    %scan3A_562 = arith.constant 1 : i32
    scf.for %scan3A_595 = %scan3A_559 to %scan3A_561 step %scan3A_562  : i32 {
      %mul3A_596 = arith.constant 2 : i32
      %mul3A_597 = arith.muli %mul3A_596, %scan3A_595 : i32
      %add3A_598 = arith.constant 1 : i32
      %add3A_599 = arith.addi %mul3A_597, %add3A_598 : i32
      %gt3A = arith.constant 0 : i32
      %gt3A_600 = arith.cmpi sgt, %scan3A_595, %gt3A : i32
      %convert_element_type3A_601 = arith.extui %gt3A_600 : i1 to i32
      %cond3A_602 = arith.constant 0 : i32
      %cond3A_603 = arith.cmpi ne, %convert_element_type3A_601, %cond3A_602 : i32
      scf.if %cond3A_603 {
        %dma_wait3A_1012 = arith.constant 1 : i32
        %dma_wait3A_1013 = arith.constant 0 : i32
        %dma_wait3A_1014 = arith.constant 0 : i32
        %dma_wait3A_1015 = tpu.memref_slice %arg8[%dma_wait3A_1013, %dma_wait3A_1014] : memref<256x128xf32, #tpu.memory_space<vmem>> -> memref<128x128xf32, #tpu.memory_space<vmem>>
        %dma_wait3A_1016 = arith.constant 0 : i32
        %dma_wait3A_1017 = tpu.memref_slice %arg7[%dma_wait3A_1012, %dma_wait3A_1016] : memref<4x128xi32, #tpu.memory_space<vmem>> -> memref<1x128xi32, #tpu.memory_space<vmem>>
        %dma_wait3A_1018 = tpu.memref_squeeze %dma_wait3A_1017 : memref<1x128xi32, #tpu.memory_space<vmem>> -> memref<128xi32, #tpu.memory_space<vmem>>
        %dma_wait3A_1019 = arith.constant 0 : i32
        %dma_wait3A_1020 = arith.constant 0 : i32
        %dma_wait3A_1021 = tpu.memref_slice %arg10[%dma_wait3A_1019, %dma_wait3A_1020] : memref<10112x128xf32, #tpu.memory_space<vmem_shared>> -> memref<10112x128xf32, #tpu.memory_space<vmem_shared>>
        tpu.wait_indirect_dma semaphore(%arg11 : memref<!tpu.dma_semaphore, #tpu.memory_space<semaphore_mem>>) src(%dma_wait3A_1015 : memref<128x128xf32, #tpu.memory_space<vmem>>) dst(%dma_wait3A_1021 : memref<10112x128xf32, #tpu.memory_space<vmem_shared>>)
        %dma_wait3A_1022 = arith.constant 3 : i32
        %dma_wait3A_1023 = arith.constant 128 : i32
        %dma_wait3A_1024 = arith.constant 0 : i32
        %dma_wait3A_1025 = tpu.memref_slice %arg8[%dma_wait3A_1023, %dma_wait3A_1024] : memref<256x128xf32, #tpu.memory_space<vmem>> -> memref<128x128xf32, #tpu.memory_space<vmem>>
        %dma_wait3A_1026 = arith.constant 0 : i32
        %dma_wait3A_1027 = tpu.memref_slice %arg7[%dma_wait3A_1022, %dma_wait3A_1026] : memref<4x128xi32, #tpu.memory_space<vmem>> -> memref<1x128xi32, #tpu.memory_space<vmem>>
        %dma_wait3A_1028 = tpu.memref_squeeze %dma_wait3A_1027 : memref<1x128xi32, #tpu.memory_space<vmem>> -> memref<128xi32, #tpu.memory_space<vmem>>
        %dma_wait3A_1029 = arith.constant 0 : i32
        %dma_wait3A_1030 = arith.constant 0 : i32
        %dma_wait3A_1031 = tpu.memref_slice %arg10[%dma_wait3A_1029, %dma_wait3A_1030] : memref<10112x128xf32, #tpu.memory_space<vmem_shared>> -> memref<10112x128xf32, #tpu.memory_space<vmem_shared>>
        tpu.wait_indirect_dma semaphore(%arg11 : memref<!tpu.dma_semaphore, #tpu.memory_space<semaphore_mem>>) src(%dma_wait3A_1025 : memref<128x128xf32, #tpu.memory_space<vmem>>) dst(%dma_wait3A_1031 : memref<10112x128xf32, #tpu.memory_space<vmem_shared>>)
      } else {
      }
      %get3A = arith.index_cast %mul3A_597 : i32 to index
      %get3A_604 = arith.constant 0 : index
      %get3A_605 = tpu.vector_load %arg6[%get3A, %get3A_604] {strides = array<i32>} : memref<80x128xi32, #tpu.memory_space<vmem>>, vector<1x16xi32>,
      %get3A_606 = vector.shape_cast %get3A_605 : vector<1x16xi32> to vector<16xi32>
      %and3A = arith.constant 65535 : i32
      %and3A_607 = vector.broadcast %and3A : i32 to vector<16xi32>
      %and3A_608 = arith.andi %get3A_606, %and3A_607 : vector<16xi32>
      %swap3A_609 = arith.constant 0 : i32
      %swap3A_610 = arith.index_cast %swap3A_609 : i32 to index
      %swap3A_611 = arith.constant 0 : index
      %swap3A_612 = tpu.vector_load %arg7[%swap3A_610, %swap3A_611] {strides = array<i32>} : memref<4x128xi32, #tpu.memory_space<vmem>>, vector<1x16xi32>,
      %swap3A_613 = vector.shape_cast %swap3A_612 : vector<1x16xi32> to vector<16xi32>
      %swap3A_614 = vector.shape_cast %and3A_608 : vector<16xi32> to vector<1x16xi32>
      tpu.vector_store %arg7[%swap3A_610, %swap3A_611], %swap3A_614 {strides = array<i32>} : memref<4x128xi32, #tpu.memory_space<vmem>>, vector<1x16xi32>,
      %shift_right_logical3A = arith.constant 16 : i32
      %shift_right_logical3A_615 = vector.broadcast %shift_right_logical3A : i32 to vector<16xi32>
      %shift_right_logical3A_616 = arith.shrui %get3A_606, %shift_right_logical3A_615 : vector<16xi32>
      %swap3A_617 = arith.constant 1 : i32
      %swap3A_618 = arith.index_cast %swap3A_617 : i32 to index
      %swap3A_619 = arith.constant 0 : index
      %swap3A_620 = tpu.vector_load %arg7[%swap3A_618, %swap3A_619] {strides = array<i32>} : memref<4x128xi32, #tpu.memory_space<vmem>>, vector<1x16xi32>,
      %swap3A_621 = vector.shape_cast %swap3A_620 : vector<1x16xi32> to vector<16xi32>
      %swap3A_622 = vector.shape_cast %shift_right_logical3A_616 : vector<16xi32> to vector<1x16xi32>
      tpu.vector_store %arg7[%swap3A_618, %swap3A_619], %swap3A_622 {strides = array<i32>} : memref<4x128xi32, #tpu.memory_space<vmem>>, vector<1x16xi32>,
      %get3A_623 = arith.index_cast %mul3A_597 : i32 to index
      %get3A_624 = arith.constant 16 : index
      %get3A_625 = tpu.vector_load %arg6[%get3A_623, %get3A_624] {strides = array<i32>} : memref<80x128xi32, #tpu.memory_space<vmem>>, vector<1x16xi32>,
      %get3A_626 = vector.shape_cast %get3A_625 : vector<1x16xi32> to vector<16xi32>
      %and3A_627 = arith.constant 65535 : i32
      %and3A_628 = vector.broadcast %and3A_627 : i32 to vector<16xi32>
      %and3A_629 = arith.andi %get3A_626, %and3A_628 : vector<16xi32>
      %swap3A_630 = arith.constant 0 : i32
      %swap3A_631 = arith.index_cast %swap3A_630 : i32 to index
      %swap3A_632 = arith.constant 16 : index
      %swap3A_633 = tpu.vector_load %arg7[%swap3A_631, %swap3A_632] {strides = array<i32>} : memref<4x128xi32, #tpu.memory_space<vmem>>, vector<1x16xi32>,
      %swap3A_634 = vector.shape_cast %swap3A_633 : vector<1x16xi32> to vector<16xi32>
      %swap3A_635 = vector.shape_cast %and3A_629 : vector<16xi32> to vector<1x16xi32>
      tpu.vector_store %arg7[%swap3A_631, %swap3A_632], %swap3A_635 {strides = array<i32>} : memref<4x128xi32, #tpu.memory_space<vmem>>, vector<1x16xi32>,
      %shift_right_logical3A_636 = arith.constant 16 : i32
      %shift_right_logical3A_637 = vector.broadcast %shift_right_logical3A_636 : i32 to vector<16xi32>
      %shift_right_logical3A_638 = arith.shrui %get3A_626, %shift_right_logical3A_637 : vector<16xi32>
      %swap3A_639 = arith.constant 1 : i32
      %swap3A_640 = arith.index_cast %swap3A_639 : i32 to index
      %swap3A_641 = arith.constant 16 : index
      %swap3A_642 = tpu.vector_load %arg7[%swap3A_640, %swap3A_641] {strides = array<i32>} : memref<4x128xi32, #tpu.memory_space<vmem>>, vector<1x16xi32>,
      %swap3A_643 = vector.shape_cast %swap3A_642 : vector<1x16xi32> to vector<16xi32>
      %swap3A_644 = vector.shape_cast %shift_right_logical3A_638 : vector<16xi32> to vector<1x16xi32>
      tpu.vector_store %arg7[%swap3A_640, %swap3A_641], %swap3A_644 {strides = array<i32>} : memref<4x128xi32, #tpu.memory_space<vmem>>, vector<1x16xi32>,
      %get3A_645 = arith.index_cast %mul3A_597 : i32 to index
      %get3A_646 = arith.constant 32 : index
      %get3A_647 = tpu.vector_load %arg6[%get3A_645, %get3A_646] {strides = array<i32>} : memref<80x128xi32, #tpu.memory_space<vmem>>, vector<1x16xi32>,
      %get3A_648 = vector.shape_cast %get3A_647 : vector<1x16xi32> to vector<16xi32>
      %and3A_649 = arith.constant 65535 : i32
      %and3A_650 = vector.broadcast %and3A_649 : i32 to vector<16xi32>
      %and3A_651 = arith.andi %get3A_648, %and3A_650 : vector<16xi32>
      %swap3A_652 = arith.constant 0 : i32
      %swap3A_653 = arith.index_cast %swap3A_652 : i32 to index
      %swap3A_654 = arith.constant 32 : index
      %swap3A_655 = tpu.vector_load %arg7[%swap3A_653, %swap3A_654] {strides = array<i32>} : memref<4x128xi32, #tpu.memory_space<vmem>>, vector<1x16xi32>,
      %swap3A_656 = vector.shape_cast %swap3A_655 : vector<1x16xi32> to vector<16xi32>
      %swap3A_657 = vector.shape_cast %and3A_651 : vector<16xi32> to vector<1x16xi32>
      tpu.vector_store %arg7[%swap3A_653, %swap3A_654], %swap3A_657 {strides = array<i32>} : memref<4x128xi32, #tpu.memory_space<vmem>>, vector<1x16xi32>,
      %shift_right_logical3A_658 = arith.constant 16 : i32
      %shift_right_logical3A_659 = vector.broadcast %shift_right_logical3A_658 : i32 to vector<16xi32>
      %shift_right_logical3A_660 = arith.shrui %get3A_648, %shift_right_logical3A_659 : vector<16xi32>
      %swap3A_661 = arith.constant 1 : i32
      %swap3A_662 = arith.index_cast %swap3A_661 : i32 to index
      %swap3A_663 = arith.constant 32 : index
      %swap3A_664 = tpu.vector_load %arg7[%swap3A_662, %swap3A_663] {strides = array<i32>} : memref<4x128xi32, #tpu.memory_space<vmem>>, vector<1x16xi32>,
      %swap3A_665 = vector.shape_cast %swap3A_664 : vector<1x16xi32> to vector<16xi32>
      %swap3A_666 = vector.shape_cast %shift_right_logical3A_660 : vector<16xi32> to vector<1x16xi32>
      tpu.vector_store %arg7[%swap3A_662, %swap3A_663], %swap3A_666 {strides = array<i32>} : memref<4x128xi32, #tpu.memory_space<vmem>>, vector<1x16xi32>,
      %get3A_667 = arith.index_cast %mul3A_597 : i32 to index
      %get3A_668 = arith.constant 48 : index
      %get3A_669 = tpu.vector_load %arg6[%get3A_667, %get3A_668] {strides = array<i32>} : memref<80x128xi32, #tpu.memory_space<vmem>>, vector<1x16xi32>,
      %get3A_670 = vector.shape_cast %get3A_669 : vector<1x16xi32> to vector<16xi32>
      %and3A_671 = arith.constant 65535 : i32
      %and3A_672 = vector.broadcast %and3A_671 : i32 to vector<16xi32>
      %and3A_673 = arith.andi %get3A_670, %and3A_672 : vector<16xi32>
      %swap3A_674 = arith.constant 0 : i32
      %swap3A_675 = arith.index_cast %swap3A_674 : i32 to index
      %swap3A_676 = arith.constant 48 : index
      %swap3A_677 = tpu.vector_load %arg7[%swap3A_675, %swap3A_676] {strides = array<i32>} : memref<4x128xi32, #tpu.memory_space<vmem>>, vector<1x16xi32>,
      %swap3A_678 = vector.shape_cast %swap3A_677 : vector<1x16xi32> to vector<16xi32>
      %swap3A_679 = vector.shape_cast %and3A_673 : vector<16xi32> to vector<1x16xi32>
      tpu.vector_store %arg7[%swap3A_675, %swap3A_676], %swap3A_679 {strides = array<i32>} : memref<4x128xi32, #tpu.memory_space<vmem>>, vector<1x16xi32>,
      %shift_right_logical3A_680 = arith.constant 16 : i32
      %shift_right_logical3A_681 = vector.broadcast %shift_right_logical3A_680 : i32 to vector<16xi32>
      %shift_right_logical3A_682 = arith.shrui %get3A_670, %shift_right_logical3A_681 : vector<16xi32>
      %swap3A_683 = arith.constant 1 : i32
      %swap3A_684 = arith.index_cast %swap3A_683 : i32 to index
      %swap3A_685 = arith.constant 48 : index
      %swap3A_686 = tpu.vector_load %arg7[%swap3A_684, %swap3A_685] {strides = array<i32>} : memref<4x128xi32, #tpu.memory_space<vmem>>, vector<1x16xi32>,
      %swap3A_687 = vector.shape_cast %swap3A_686 : vector<1x16xi32> to vector<16xi32>
      %swap3A_688 = vector.shape_cast %shift_right_logical3A_682 : vector<16xi32> to vector<1x16xi32>
      tpu.vector_store %arg7[%swap3A_684, %swap3A_685], %swap3A_688 {strides = array<i32>} : memref<4x128xi32, #tpu.memory_space<vmem>>, vector<1x16xi32>,
      %get3A_689 = arith.index_cast %mul3A_597 : i32 to index
      %get3A_690 = arith.constant 64 : index
      %get3A_691 = tpu.vector_load %arg6[%get3A_689, %get3A_690] {strides = array<i32>} : memref<80x128xi32, #tpu.memory_space<vmem>>, vector<1x16xi32>,
      %get3A_692 = vector.shape_cast %get3A_691 : vector<1x16xi32> to vector<16xi32>
      %and3A_693 = arith.constant 65535 : i32
      %and3A_694 = vector.broadcast %and3A_693 : i32 to vector<16xi32>
      %and3A_695 = arith.andi %get3A_692, %and3A_694 : vector<16xi32>
      %swap3A_696 = arith.constant 0 : i32
      %swap3A_697 = arith.index_cast %swap3A_696 : i32 to index
      %swap3A_698 = arith.constant 64 : index
      %swap3A_699 = tpu.vector_load %arg7[%swap3A_697, %swap3A_698] {strides = array<i32>} : memref<4x128xi32, #tpu.memory_space<vmem>>, vector<1x16xi32>,
      %swap3A_700 = vector.shape_cast %swap3A_699 : vector<1x16xi32> to vector<16xi32>
      %swap3A_701 = vector.shape_cast %and3A_695 : vector<16xi32> to vector<1x16xi32>
      tpu.vector_store %arg7[%swap3A_697, %swap3A_698], %swap3A_701 {strides = array<i32>} : memref<4x128xi32, #tpu.memory_space<vmem>>, vector<1x16xi32>,
      %shift_right_logical3A_702 = arith.constant 16 : i32
      %shift_right_logical3A_703 = vector.broadcast %shift_right_logical3A_702 : i32 to vector<16xi32>
      %shift_right_logical3A_704 = arith.shrui %get3A_692, %shift_right_logical3A_703 : vector<16xi32>
      %swap3A_705 = arith.constant 1 : i32
      %swap3A_706 = arith.index_cast %swap3A_705 : i32 to index
      %swap3A_707 = arith.constant 64 : index
      %swap3A_708 = tpu.vector_load %arg7[%swap3A_706, %swap3A_707] {strides = array<i32>} : memref<4x128xi32, #tpu.memory_space<vmem>>, vector<1x16xi32>,
      %swap3A_709 = vector.shape_cast %swap3A_708 : vector<1x16xi32> to vector<16xi32>
      %swap3A_710 = vector.shape_cast %shift_right_logical3A_704 : vector<16xi32> to vector<1x16xi32>
      tpu.vector_store %arg7[%swap3A_706, %swap3A_707], %swap3A_710 {strides = array<i32>} : memref<4x128xi32, #tpu.memory_space<vmem>>, vector<1x16xi32>,
      %get3A_711 = arith.index_cast %mul3A_597 : i32 to index
      %get3A_712 = arith.constant 80 : index
      %get3A_713 = tpu.vector_load %arg6[%get3A_711, %get3A_712] {strides = array<i32>} : memref<80x128xi32, #tpu.memory_space<vmem>>, vector<1x16xi32>,
      %get3A_714 = vector.shape_cast %get3A_713 : vector<1x16xi32> to vector<16xi32>
      %and3A_715 = arith.constant 65535 : i32
      %and3A_716 = vector.broadcast %and3A_715 : i32 to vector<16xi32>
      %and3A_717 = arith.andi %get3A_714, %and3A_716 : vector<16xi32>
      %swap3A_718 = arith.constant 0 : i32
      %swap3A_719 = arith.index_cast %swap3A_718 : i32 to index
      %swap3A_720 = arith.constant 80 : index
      %swap3A_721 = tpu.vector_load %arg7[%swap3A_719, %swap3A_720] {strides = array<i32>} : memref<4x128xi32, #tpu.memory_space<vmem>>, vector<1x16xi32>,
      %swap3A_722 = vector.shape_cast %swap3A_721 : vector<1x16xi32> to vector<16xi32>
      %swap3A_723 = vector.shape_cast %and3A_717 : vector<16xi32> to vector<1x16xi32>
      tpu.vector_store %arg7[%swap3A_719, %swap3A_720], %swap3A_723 {strides = array<i32>} : memref<4x128xi32, #tpu.memory_space<vmem>>, vector<1x16xi32>,
      %shift_right_logical3A_724 = arith.constant 16 : i32
      %shift_right_logical3A_725 = vector.broadcast %shift_right_logical3A_724 : i32 to vector<16xi32>
      %shift_right_logical3A_726 = arith.shrui %get3A_714, %shift_right_logical3A_725 : vector<16xi32>
      %swap3A_727 = arith.constant 1 : i32
      %swap3A_728 = arith.index_cast %swap3A_727 : i32 to index
      %swap3A_729 = arith.constant 80 : index
      %swap3A_730 = tpu.vector_load %arg7[%swap3A_728, %swap3A_729] {strides = array<i32>} : memref<4x128xi32, #tpu.memory_space<vmem>>, vector<1x16xi32>,
      %swap3A_731 = vector.shape_cast %swap3A_730 : vector<1x16xi32> to vector<16xi32>
      %swap3A_732 = vector.shape_cast %shift_right_logical3A_726 : vector<16xi32> to vector<1x16xi32>
      tpu.vector_store %arg7[%swap3A_728, %swap3A_729], %swap3A_732 {strides = array<i32>} : memref<4x128xi32, #tpu.memory_space<vmem>>, vector<1x16xi32>,
      %get3A_733 = arith.index_cast %mul3A_597 : i32 to index
      %get3A_734 = arith.constant 96 : index
      %get3A_735 = tpu.vector_load %arg6[%get3A_733, %get3A_734] {strides = array<i32>} : memref<80x128xi32, #tpu.memory_space<vmem>>, vector<1x16xi32>,
      %get3A_736 = vector.shape_cast %get3A_735 : vector<1x16xi32> to vector<16xi32>
      %and3A_737 = arith.constant 65535 : i32
      %and3A_738 = vector.broadcast %and3A_737 : i32 to vector<16xi32>
      %and3A_739 = arith.andi %get3A_736, %and3A_738 : vector<16xi32>
      %swap3A_740 = arith.constant 0 : i32
      %swap3A_741 = arith.index_cast %swap3A_740 : i32 to index
      %swap3A_742 = arith.constant 96 : index
      %swap3A_743 = tpu.vector_load %arg7[%swap3A_741, %swap3A_742] {strides = array<i32>} : memref<4x128xi32, #tpu.memory_space<vmem>>, vector<1x16xi32>,
      %swap3A_744 = vector.shape_cast %swap3A_743 : vector<1x16xi32> to vector<16xi32>
      %swap3A_745 = vector.shape_cast %and3A_739 : vector<16xi32> to vector<1x16xi32>
      tpu.vector_store %arg7[%swap3A_741, %swap3A_742], %swap3A_745 {strides = array<i32>} : memref<4x128xi32, #tpu.memory_space<vmem>>, vector<1x16xi32>,
      %shift_right_logical3A_746 = arith.constant 16 : i32
      %shift_right_logical3A_747 = vector.broadcast %shift_right_logical3A_746 : i32 to vector<16xi32>
      %shift_right_logical3A_748 = arith.shrui %get3A_736, %shift_right_logical3A_747 : vector<16xi32>
      %swap3A_749 = arith.constant 1 : i32
      %swap3A_750 = arith.index_cast %swap3A_749 : i32 to index
      %swap3A_751 = arith.constant 96 : index
      %swap3A_752 = tpu.vector_load %arg7[%swap3A_750, %swap3A_751] {strides = array<i32>} : memref<4x128xi32, #tpu.memory_space<vmem>>, vector<1x16xi32>,
      %swap3A_753 = vector.shape_cast %swap3A_752 : vector<1x16xi32> to vector<16xi32>
      %swap3A_754 = vector.shape_cast %shift_right_logical3A_748 : vector<16xi32> to vector<1x16xi32>
      tpu.vector_store %arg7[%swap3A_750, %swap3A_751], %swap3A_754 {strides = array<i32>} : memref<4x128xi32, #tpu.memory_space<vmem>>, vector<1x16xi32>,
      %get3A_755 = arith.index_cast %mul3A_597 : i32 to index
      %get3A_756 = arith.constant 112 : index
      %get3A_757 = tpu.vector_load %arg6[%get3A_755, %get3A_756] {strides = array<i32>} : memref<80x128xi32, #tpu.memory_space<vmem>>, vector<1x16xi32>,
      %get3A_758 = vector.shape_cast %get3A_757 : vector<1x16xi32> to vector<16xi32>
      %and3A_759 = arith.constant 65535 : i32
      %and3A_760 = vector.broadcast %and3A_759 : i32 to vector<16xi32>
      %and3A_761 = arith.andi %get3A_758, %and3A_760 : vector<16xi32>
      %swap3A_762 = arith.constant 0 : i32
      %swap3A_763 = arith.index_cast %swap3A_762 : i32 to index
      %swap3A_764 = arith.constant 112 : index
      %swap3A_765 = tpu.vector_load %arg7[%swap3A_763, %swap3A_764] {strides = array<i32>} : memref<4x128xi32, #tpu.memory_space<vmem>>, vector<1x16xi32>,
      %swap3A_766 = vector.shape_cast %swap3A_765 : vector<1x16xi32> to vector<16xi32>
      %swap3A_767 = vector.shape_cast %and3A_761 : vector<16xi32> to vector<1x16xi32>
      tpu.vector_store %arg7[%swap3A_763, %swap3A_764], %swap3A_767 {strides = array<i32>} : memref<4x128xi32, #tpu.memory_space<vmem>>, vector<1x16xi32>,
      %shift_right_logical3A_768 = arith.constant 16 : i32
      %shift_right_logical3A_769 = vector.broadcast %shift_right_logical3A_768 : i32 to vector<16xi32>
      %shift_right_logical3A_770 = arith.shrui %get3A_758, %shift_right_logical3A_769 : vector<16xi32>
      %swap3A_771 = arith.constant 1 : i32
      %swap3A_772 = arith.index_cast %swap3A_771 : i32 to index
      %swap3A_773 = arith.constant 112 : index
      %swap3A_774 = tpu.vector_load %arg7[%swap3A_772, %swap3A_773] {strides = array<i32>} : memref<4x128xi32, #tpu.memory_space<vmem>>, vector<1x16xi32>,
      %swap3A_775 = vector.shape_cast %swap3A_774 : vector<1x16xi32> to vector<16xi32>
      %swap3A_776 = vector.shape_cast %shift_right_logical3A_770 : vector<16xi32> to vector<1x16xi32>
      tpu.vector_store %arg7[%swap3A_772, %swap3A_773], %swap3A_776 {strides = array<i32>} : memref<4x128xi32, #tpu.memory_space<vmem>>, vector<1x16xi32>,
      %dma_start3A = arith.constant 0 : i32
      %dma_start3A_777 = arith.constant 0 : i32
      %dma_start3A_778 = arith.constant 0 : i32
      %dma_start3A_779 = tpu.memref_slice %arg8[%dma_start3A_777, %dma_start3A_778] : memref<256x128xf32, #tpu.memory_space<vmem>> -> memref<128x128xf32, #tpu.memory_space<vmem>>
      %dma_start3A_780 = arith.constant 0 : i32
      %dma_start3A_781 = tpu.memref_slice %arg7[%dma_start3A, %dma_start3A_780] : memref<4x128xi32, #tpu.memory_space<vmem>> -> memref<1x128xi32, #tpu.memory_space<vmem>>
      %dma_start3A_782 = tpu.memref_squeeze %dma_start3A_781 : memref<1x128xi32, #tpu.memory_space<vmem>> -> memref<128xi32, #tpu.memory_space<vmem>>
      %dma_start3A_783 = arith.constant 0 : i32
      %dma_start3A_784 = arith.constant 0 : i32
      %dma_start3A_785 = tpu.memref_slice %arg3[%dma_start3A_783, %dma_start3A_784] : memref<10000x128xf32, #tpu.memory_space<hbm>> -> memref<10000x128xf32, #tpu.memory_space<hbm>>
      tpu.enqueue_indirect_dma source(%dma_start3A_785 : memref<10000x128xf32, #tpu.memory_space<hbm>>) target(%dma_start3A_779 : memref<128x128xf32, #tpu.memory_space<vmem>>) offsets(%dma_start3A_782 : memref<128xi32, #tpu.memory_space<vmem>>) semaphore(%arg11 : memref<!tpu.dma_semaphore, #tpu.memory_space<semaphore_mem>>)
      %get3A_786 = arith.index_cast %add3A_599 : i32 to index
      %get3A_787 = arith.constant 0 : index
      %get3A_788 = tpu.vector_load %arg6[%get3A_786, %get3A_787] {strides = array<i32>} : memref<80x128xi32, #tpu.memory_space<vmem>>, vector<1x16xi32>,
      %get3A_789 = vector.shape_cast %get3A_788 : vector<1x16xi32> to vector<16xi32>
      %and3A_790 = arith.constant 65535 : i32
      %and3A_791 = vector.broadcast %and3A_790 : i32 to vector<16xi32>
      %and3A_792 = arith.andi %get3A_789, %and3A_791 : vector<16xi32>
      %swap3A_793 = arith.constant 2 : i32
      %swap3A_794 = arith.index_cast %swap3A_793 : i32 to index
      %swap3A_795 = arith.constant 0 : index
      %swap3A_796 = tpu.vector_load %arg7[%swap3A_794, %swap3A_795] {strides = array<i32>} : memref<4x128xi32, #tpu.memory_space<vmem>>, vector<1x16xi32>,
      %swap3A_797 = vector.shape_cast %swap3A_796 : vector<1x16xi32> to vector<16xi32>
      %swap3A_798 = vector.shape_cast %and3A_792 : vector<16xi32> to vector<1x16xi32>
      tpu.vector_store %arg7[%swap3A_794, %swap3A_795], %swap3A_798 {strides = array<i32>} : memref<4x128xi32, #tpu.memory_space<vmem>>, vector<1x16xi32>,
      %shift_right_logical3A_799 = arith.constant 16 : i32
      %shift_right_logical3A_800 = vector.broadcast %shift_right_logical3A_799 : i32 to vector<16xi32>
      %shift_right_logical3A_801 = arith.shrui %get3A_789, %shift_right_logical3A_800 : vector<16xi32>
      %swap3A_802 = arith.constant 3 : i32
      %swap3A_803 = arith.index_cast %swap3A_802 : i32 to index
      %swap3A_804 = arith.constant 0 : index
      %swap3A_805 = tpu.vector_load %arg7[%swap3A_803, %swap3A_804] {strides = array<i32>} : memref<4x128xi32, #tpu.memory_space<vmem>>, vector<1x16xi32>,
      %swap3A_806 = vector.shape_cast %swap3A_805 : vector<1x16xi32> to vector<16xi32>
      %swap3A_807 = vector.shape_cast %shift_right_logical3A_801 : vector<16xi32> to vector<1x16xi32>
      tpu.vector_store %arg7[%swap3A_803, %swap3A_804], %swap3A_807 {strides = array<i32>} : memref<4x128xi32, #tpu.memory_space<vmem>>, vector<1x16xi32>,
      %get3A_808 = arith.index_cast %add3A_599 : i32 to index
      %get3A_809 = arith.constant 16 : index
      %get3A_810 = tpu.vector_load %arg6[%get3A_808, %get3A_809] {strides = array<i32>} : memref<80x128xi32, #tpu.memory_space<vmem>>, vector<1x16xi32>,
      %get3A_811 = vector.shape_cast %get3A_810 : vector<1x16xi32> to vector<16xi32>
      %and3A_812 = arith.constant 65535 : i32
      %and3A_813 = vector.broadcast %and3A_812 : i32 to vector<16xi32>
      %and3A_814 = arith.andi %get3A_811, %and3A_813 : vector<16xi32>
      %swap3A_815 = arith.constant 2 : i32
      %swap3A_816 = arith.index_cast %swap3A_815 : i32 to index
      %swap3A_817 = arith.constant 16 : index
      %swap3A_818 = tpu.vector_load %arg7[%swap3A_816, %swap3A_817] {strides = array<i32>} : memref<4x128xi32, #tpu.memory_space<vmem>>, vector<1x16xi32>,
      %swap3A_819 = vector.shape_cast %swap3A_818 : vector<1x16xi32> to vector<16xi32>
      %swap3A_820 = vector.shape_cast %and3A_814 : vector<16xi32> to vector<1x16xi32>
      tpu.vector_store %arg7[%swap3A_816, %swap3A_817], %swap3A_820 {strides = array<i32>} : memref<4x128xi32, #tpu.memory_space<vmem>>, vector<1x16xi32>,
      %shift_right_logical3A_821 = arith.constant 16 : i32
      %shift_right_logical3A_822 = vector.broadcast %shift_right_logical3A_821 : i32 to vector<16xi32>
      %shift_right_logical3A_823 = arith.shrui %get3A_811, %shift_right_logical3A_822 : vector<16xi32>
      %swap3A_824 = arith.constant 3 : i32
      %swap3A_825 = arith.index_cast %swap3A_824 : i32 to index
      %swap3A_826 = arith.constant 16 : index
      %swap3A_827 = tpu.vector_load %arg7[%swap3A_825, %swap3A_826] {strides = array<i32>} : memref<4x128xi32, #tpu.memory_space<vmem>>, vector<1x16xi32>,
      %swap3A_828 = vector.shape_cast %swap3A_827 : vector<1x16xi32> to vector<16xi32>
      %swap3A_829 = vector.shape_cast %shift_right_logical3A_823 : vector<16xi32> to vector<1x16xi32>
      tpu.vector_store %arg7[%swap3A_825, %swap3A_826], %swap3A_829 {strides = array<i32>} : memref<4x128xi32, #tpu.memory_space<vmem>>, vector<1x16xi32>,
      %get3A_830 = arith.index_cast %add3A_599 : i32 to index
      %get3A_831 = arith.constant 32 : index
      %get3A_832 = tpu.vector_load %arg6[%get3A_830, %get3A_831] {strides = array<i32>} : memref<80x128xi32, #tpu.memory_space<vmem>>, vector<1x16xi32>,
      %get3A_833 = vector.shape_cast %get3A_832 : vector<1x16xi32> to vector<16xi32>
      %and3A_834 = arith.constant 65535 : i32
      %and3A_835 = vector.broadcast %and3A_834 : i32 to vector<16xi32>
      %and3A_836 = arith.andi %get3A_833, %and3A_835 : vector<16xi32>
      %swap3A_837 = arith.constant 2 : i32
      %swap3A_838 = arith.index_cast %swap3A_837 : i32 to index
      %swap3A_839 = arith.constant 32 : index
      %swap3A_840 = tpu.vector_load %arg7[%swap3A_838, %swap3A_839] {strides = array<i32>} : memref<4x128xi32, #tpu.memory_space<vmem>>, vector<1x16xi32>,
      %swap3A_841 = vector.shape_cast %swap3A_840 : vector<1x16xi32> to vector<16xi32>
      %swap3A_842 = vector.shape_cast %and3A_836 : vector<16xi32> to vector<1x16xi32>
      tpu.vector_store %arg7[%swap3A_838, %swap3A_839], %swap3A_842 {strides = array<i32>} : memref<4x128xi32, #tpu.memory_space<vmem>>, vector<1x16xi32>,
      %shift_right_logical3A_843 = arith.constant 16 : i32
      %shift_right_logical3A_844 = vector.broadcast %shift_right_logical3A_843 : i32 to vector<16xi32>
      %shift_right_logical3A_845 = arith.shrui %get3A_833, %shift_right_logical3A_844 : vector<16xi32>
      %swap3A_846 = arith.constant 3 : i32
      %swap3A_847 = arith.index_cast %swap3A_846 : i32 to index
      %swap3A_848 = arith.constant 32 : index
      %swap3A_849 = tpu.vector_load %arg7[%swap3A_847, %swap3A_848] {strides = array<i32>} : memref<4x128xi32, #tpu.memory_space<vmem>>, vector<1x16xi32>,
      %swap3A_850 = vector.shape_cast %swap3A_849 : vector<1x16xi32> to vector<16xi32>
      %swap3A_851 = vector.shape_cast %shift_right_logical3A_845 : vector<16xi32> to vector<1x16xi32>
      tpu.vector_store %arg7[%swap3A_847, %swap3A_848], %swap3A_851 {strides = array<i32>} : memref<4x128xi32, #tpu.memory_space<vmem>>, vector<1x16xi32>,
      %get3A_852 = arith.index_cast %add3A_599 : i32 to index
      %get3A_853 = arith.constant 48 : index
      %get3A_854 = tpu.vector_load %arg6[%get3A_852, %get3A_853] {strides = array<i32>} : memref<80x128xi32, #tpu.memory_space<vmem>>, vector<1x16xi32>,
      %get3A_855 = vector.shape_cast %get3A_854 : vector<1x16xi32> to vector<16xi32>
      %and3A_856 = arith.constant 65535 : i32
      %and3A_857 = vector.broadcast %and3A_856 : i32 to vector<16xi32>
      %and3A_858 = arith.andi %get3A_855, %and3A_857 : vector<16xi32>
      %swap3A_859 = arith.constant 2 : i32
      %swap3A_860 = arith.index_cast %swap3A_859 : i32 to index
      %swap3A_861 = arith.constant 48 : index
      %swap3A_862 = tpu.vector_load %arg7[%swap3A_860, %swap3A_861] {strides = array<i32>} : memref<4x128xi32, #tpu.memory_space<vmem>>, vector<1x16xi32>,
      %swap3A_863 = vector.shape_cast %swap3A_862 : vector<1x16xi32> to vector<16xi32>
      %swap3A_864 = vector.shape_cast %and3A_858 : vector<16xi32> to vector<1x16xi32>
      tpu.vector_store %arg7[%swap3A_860, %swap3A_861], %swap3A_864 {strides = array<i32>} : memref<4x128xi32, #tpu.memory_space<vmem>>, vector<1x16xi32>,
      %shift_right_logical3A_865 = arith.constant 16 : i32
      %shift_right_logical3A_866 = vector.broadcast %shift_right_logical3A_865 : i32 to vector<16xi32>
      %shift_right_logical3A_867 = arith.shrui %get3A_855, %shift_right_logical3A_866 : vector<16xi32>
      %swap3A_868 = arith.constant 3 : i32
      %swap3A_869 = arith.index_cast %swap3A_868 : i32 to index
      %swap3A_870 = arith.constant 48 : index
      %swap3A_871 = tpu.vector_load %arg7[%swap3A_869, %swap3A_870] {strides = array<i32>} : memref<4x128xi32, #tpu.memory_space<vmem>>, vector<1x16xi32>,
      %swap3A_872 = vector.shape_cast %swap3A_871 : vector<1x16xi32> to vector<16xi32>
      %swap3A_873 = vector.shape_cast %shift_right_logical3A_867 : vector<16xi32> to vector<1x16xi32>
      tpu.vector_store %arg7[%swap3A_869, %swap3A_870], %swap3A_873 {strides = array<i32>} : memref<4x128xi32, #tpu.memory_space<vmem>>, vector<1x16xi32>,
      %get3A_874 = arith.index_cast %add3A_599 : i32 to index
      %get3A_875 = arith.constant 64 : index
      %get3A_876 = tpu.vector_load %arg6[%get3A_874, %get3A_875] {strides = array<i32>} : memref<80x128xi32, #tpu.memory_space<vmem>>, vector<1x16xi32>,
      %get3A_877 = vector.shape_cast %get3A_876 : vector<1x16xi32> to vector<16xi32>
      %and3A_878 = arith.constant 65535 : i32
      %and3A_879 = vector.broadcast %and3A_878 : i32 to vector<16xi32>
      %and3A_880 = arith.andi %get3A_877, %and3A_879 : vector<16xi32>
      %swap3A_881 = arith.constant 2 : i32
      %swap3A_882 = arith.index_cast %swap3A_881 : i32 to index
      %swap3A_883 = arith.constant 64 : index
      %swap3A_884 = tpu.vector_load %arg7[%swap3A_882, %swap3A_883] {strides = array<i32>} : memref<4x128xi32, #tpu.memory_space<vmem>>, vector<1x16xi32>,
      %swap3A_885 = vector.shape_cast %swap3A_884 : vector<1x16xi32> to vector<16xi32>
      %swap3A_886 = vector.shape_cast %and3A_880 : vector<16xi32> to vector<1x16xi32>
      tpu.vector_store %arg7[%swap3A_882, %swap3A_883], %swap3A_886 {strides = array<i32>} : memref<4x128xi32, #tpu.memory_space<vmem>>, vector<1x16xi32>,
      %shift_right_logical3A_887 = arith.constant 16 : i32
      %shift_right_logical3A_888 = vector.broadcast %shift_right_logical3A_887 : i32 to vector<16xi32>
      %shift_right_logical3A_889 = arith.shrui %get3A_877, %shift_right_logical3A_888 : vector<16xi32>
      %swap3A_890 = arith.constant 3 : i32
      %swap3A_891 = arith.index_cast %swap3A_890 : i32 to index
      %swap3A_892 = arith.constant 64 : index
      %swap3A_893 = tpu.vector_load %arg7[%swap3A_891, %swap3A_892] {strides = array<i32>} : memref<4x128xi32, #tpu.memory_space<vmem>>, vector<1x16xi32>,
      %swap3A_894 = vector.shape_cast %swap3A_893 : vector<1x16xi32> to vector<16xi32>
      %swap3A_895 = vector.shape_cast %shift_right_logical3A_889 : vector<16xi32> to vector<1x16xi32>
      tpu.vector_store %arg7[%swap3A_891, %swap3A_892], %swap3A_895 {strides = array<i32>} : memref<4x128xi32, #tpu.memory_space<vmem>>, vector<1x16xi32>,
      %get3A_896 = arith.index_cast %add3A_599 : i32 to index
      %get3A_897 = arith.constant 80 : index
      %get3A_898 = tpu.vector_load %arg6[%get3A_896, %get3A_897] {strides = array<i32>} : memref<80x128xi32, #tpu.memory_space<vmem>>, vector<1x16xi32>,
      %get3A_899 = vector.shape_cast %get3A_898 : vector<1x16xi32> to vector<16xi32>
      %and3A_900 = arith.constant 65535 : i32
      %and3A_901 = vector.broadcast %and3A_900 : i32 to vector<16xi32>
      %and3A_902 = arith.andi %get3A_899, %and3A_901 : vector<16xi32>
      %swap3A_903 = arith.constant 2 : i32
      %swap3A_904 = arith.index_cast %swap3A_903 : i32 to index
      %swap3A_905 = arith.constant 80 : index
      %swap3A_906 = tpu.vector_load %arg7[%swap3A_904, %swap3A_905] {strides = array<i32>} : memref<4x128xi32, #tpu.memory_space<vmem>>, vector<1x16xi32>,
      %swap3A_907 = vector.shape_cast %swap3A_906 : vector<1x16xi32> to vector<16xi32>
      %swap3A_908 = vector.shape_cast %and3A_902 : vector<16xi32> to vector<1x16xi32>
      tpu.vector_store %arg7[%swap3A_904, %swap3A_905], %swap3A_908 {strides = array<i32>} : memref<4x128xi32, #tpu.memory_space<vmem>>, vector<1x16xi32>,
      %shift_right_logical3A_909 = arith.constant 16 : i32
      %shift_right_logical3A_910 = vector.broadcast %shift_right_logical3A_909 : i32 to vector<16xi32>
      %shift_right_logical3A_911 = arith.shrui %get3A_899, %shift_right_logical3A_910 : vector<16xi32>
      %swap3A_912 = arith.constant 3 : i32
      %swap3A_913 = arith.index_cast %swap3A_912 : i32 to index
      %swap3A_914 = arith.constant 80 : index
      %swap3A_915 = tpu.vector_load %arg7[%swap3A_913, %swap3A_914] {strides = array<i32>} : memref<4x128xi32, #tpu.memory_space<vmem>>, vector<1x16xi32>,
      %swap3A_916 = vector.shape_cast %swap3A_915 : vector<1x16xi32> to vector<16xi32>
      %swap3A_917 = vector.shape_cast %shift_right_logical3A_911 : vector<16xi32> to vector<1x16xi32>
      tpu.vector_store %arg7[%swap3A_913, %swap3A_914], %swap3A_917 {strides = array<i32>} : memref<4x128xi32, #tpu.memory_space<vmem>>, vector<1x16xi32>,
      %get3A_918 = arith.index_cast %add3A_599 : i32 to index
      %get3A_919 = arith.constant 96 : index
      %get3A_920 = tpu.vector_load %arg6[%get3A_918, %get3A_919] {strides = array<i32>} : memref<80x128xi32, #tpu.memory_space<vmem>>, vector<1x16xi32>,
      %get3A_921 = vector.shape_cast %get3A_920 : vector<1x16xi32> to vector<16xi32>
      %and3A_922 = arith.constant 65535 : i32
      %and3A_923 = vector.broadcast %and3A_922 : i32 to vector<16xi32>
      %and3A_924 = arith.andi %get3A_921, %and3A_923 : vector<16xi32>
      %swap3A_925 = arith.constant 2 : i32
      %swap3A_926 = arith.index_cast %swap3A_925 : i32 to index
      %swap3A_927 = arith.constant 96 : index
      %swap3A_928 = tpu.vector_load %arg7[%swap3A_926, %swap3A_927] {strides = array<i32>} : memref<4x128xi32, #tpu.memory_space<vmem>>, vector<1x16xi32>,
      %swap3A_929 = vector.shape_cast %swap3A_928 : vector<1x16xi32> to vector<16xi32>
      %swap3A_930 = vector.shape_cast %and3A_924 : vector<16xi32> to vector<1x16xi32>
      tpu.vector_store %arg7[%swap3A_926, %swap3A_927], %swap3A_930 {strides = array<i32>} : memref<4x128xi32, #tpu.memory_space<vmem>>, vector<1x16xi32>,
      %shift_right_logical3A_931 = arith.constant 16 : i32
      %shift_right_logical3A_932 = vector.broadcast %shift_right_logical3A_931 : i32 to vector<16xi32>
      %shift_right_logical3A_933 = arith.shrui %get3A_921, %shift_right_logical3A_932 : vector<16xi32>
      %swap3A_934 = arith.constant 3 : i32
      %swap3A_935 = arith.index_cast %swap3A_934 : i32 to index
      %swap3A_936 = arith.constant 96 : index
      %swap3A_937 = tpu.vector_load %arg7[%swap3A_935, %swap3A_936] {strides = array<i32>} : memref<4x128xi32, #tpu.memory_space<vmem>>, vector<1x16xi32>,
      %swap3A_938 = vector.shape_cast %swap3A_937 : vector<1x16xi32> to vector<16xi32>
      %swap3A_939 = vector.shape_cast %shift_right_logical3A_933 : vector<16xi32> to vector<1x16xi32>
      tpu.vector_store %arg7[%swap3A_935, %swap3A_936], %swap3A_939 {strides = array<i32>} : memref<4x128xi32, #tpu.memory_space<vmem>>, vector<1x16xi32>,
      %get3A_940 = arith.index_cast %add3A_599 : i32 to index
      %get3A_941 = arith.constant 112 : index
      %get3A_942 = tpu.vector_load %arg6[%get3A_940, %get3A_941] {strides = array<i32>} : memref<80x128xi32, #tpu.memory_space<vmem>>, vector<1x16xi32>,
      %get3A_943 = vector.shape_cast %get3A_942 : vector<1x16xi32> to vector<16xi32>
      %and3A_944 = arith.constant 65535 : i32
      %and3A_945 = vector.broadcast %and3A_944 : i32 to vector<16xi32>
      %and3A_946 = arith.andi %get3A_943, %and3A_945 : vector<16xi32>
      %swap3A_947 = arith.constant 2 : i32
      %swap3A_948 = arith.index_cast %swap3A_947 : i32 to index
      %swap3A_949 = arith.constant 112 : index
      %swap3A_950 = tpu.vector_load %arg7[%swap3A_948, %swap3A_949] {strides = array<i32>} : memref<4x128xi32, #tpu.memory_space<vmem>>, vector<1x16xi32>,
      %swap3A_951 = vector.shape_cast %swap3A_950 : vector<1x16xi32> to vector<16xi32>
      %swap3A_952 = vector.shape_cast %and3A_946 : vector<16xi32> to vector<1x16xi32>
      tpu.vector_store %arg7[%swap3A_948, %swap3A_949], %swap3A_952 {strides = array<i32>} : memref<4x128xi32, #tpu.memory_space<vmem>>, vector<1x16xi32>,
      %shift_right_logical3A_953 = arith.constant 16 : i32
      %shift_right_logical3A_954 = vector.broadcast %shift_right_logical3A_953 : i32 to vector<16xi32>
      %shift_right_logical3A_955 = arith.shrui %get3A_943, %shift_right_logical3A_954 : vector<16xi32>
      %swap3A_956 = arith.constant 3 : i32
      %swap3A_957 = arith.index_cast %swap3A_956 : i32 to index
      %swap3A_958 = arith.constant 112 : index
      %swap3A_959 = tpu.vector_load %arg7[%swap3A_957, %swap3A_958] {strides = array<i32>} : memref<4x128xi32, #tpu.memory_space<vmem>>, vector<1x16xi32>,
      %swap3A_960 = vector.shape_cast %swap3A_959 : vector<1x16xi32> to vector<16xi32>
      %swap3A_961 = vector.shape_cast %shift_right_logical3A_955 : vector<16xi32> to vector<1x16xi32>
      tpu.vector_store %arg7[%swap3A_957, %swap3A_958], %swap3A_961 {strides = array<i32>} : memref<4x128xi32, #tpu.memory_space<vmem>>, vector<1x16xi32>,
      %dma_start3A_962 = arith.constant 2 : i32
      %dma_start3A_963 = arith.constant 128 : i32
      %dma_start3A_964 = arith.constant 0 : i32
      %dma_start3A_965 = tpu.memref_slice %arg8[%dma_start3A_963, %dma_start3A_964] : memref<256x128xf32, #tpu.memory_space<vmem>> -> memref<128x128xf32, #tpu.memory_space<vmem>>
      %dma_start3A_966 = arith.constant 0 : i32
      %dma_start3A_967 = tpu.memref_slice %arg7[%dma_start3A_962, %dma_start3A_966] : memref<4x128xi32, #tpu.memory_space<vmem>> -> memref<1x128xi32, #tpu.memory_space<vmem>>
      %dma_start3A_968 = tpu.memref_squeeze %dma_start3A_967 : memref<1x128xi32, #tpu.memory_space<vmem>> -> memref<128xi32, #tpu.memory_space<vmem>>
      %dma_start3A_969 = arith.constant 0 : i32
      %dma_start3A_970 = arith.constant 0 : i32
      %dma_start3A_971 = tpu.memref_slice %arg3[%dma_start3A_969, %dma_start3A_970] : memref<10000x128xf32, #tpu.memory_space<hbm>> -> memref<10000x128xf32, #tpu.memory_space<hbm>>
      tpu.enqueue_indirect_dma source(%dma_start3A_971 : memref<10000x128xf32, #tpu.memory_space<hbm>>) target(%dma_start3A_965 : memref<128x128xf32, #tpu.memory_space<vmem>>) offsets(%dma_start3A_968 : memref<128xi32, #tpu.memory_space<vmem>>) semaphore(%arg11 : memref<!tpu.dma_semaphore, #tpu.memory_space<semaphore_mem>>)
      %dma_wait3A_972 = arith.constant 0 : i32
      %dma_wait3A_973 = arith.constant 0 : i32
      %dma_wait3A_974 = arith.constant 0 : i32
      %dma_wait3A_975 = tpu.memref_slice %arg8[%dma_wait3A_973, %dma_wait3A_974] : memref<256x128xf32, #tpu.memory_space<vmem>> -> memref<128x128xf32, #tpu.memory_space<vmem>>
      %dma_wait3A_976 = arith.constant 0 : i32
      %dma_wait3A_977 = tpu.memref_slice %arg7[%dma_wait3A_972, %dma_wait3A_976] : memref<4x128xi32, #tpu.memory_space<vmem>> -> memref<1x128xi32, #tpu.memory_space<vmem>>
      %dma_wait3A_978 = tpu.memref_squeeze %dma_wait3A_977 : memref<1x128xi32, #tpu.memory_space<vmem>> -> memref<128xi32, #tpu.memory_space<vmem>>
      %dma_wait3A_979 = arith.constant 0 : i32
      %dma_wait3A_980 = arith.constant 0 : i32
      %dma_wait3A_981 = tpu.memref_slice %arg3[%dma_wait3A_979, %dma_wait3A_980] : memref<10000x128xf32, #tpu.memory_space<hbm>> -> memref<10000x128xf32, #tpu.memory_space<hbm>>
      tpu.wait_indirect_dma semaphore(%arg11 : memref<!tpu.dma_semaphore, #tpu.memory_space<semaphore_mem>>) src(%dma_wait3A_981 : memref<10000x128xf32, #tpu.memory_space<hbm>>) dst(%dma_wait3A_975 : memref<128x128xf32, #tpu.memory_space<vmem>>)
      %dma_wait3A_982 = arith.constant 2 : i32
      %dma_wait3A_983 = arith.constant 128 : i32
      %dma_wait3A_984 = arith.constant 0 : i32
      %dma_wait3A_985 = tpu.memref_slice %arg8[%dma_wait3A_983, %dma_wait3A_984] : memref<256x128xf32, #tpu.memory_space<vmem>> -> memref<128x128xf32, #tpu.memory_space<vmem>>
      %dma_wait3A_986 = arith.constant 0 : i32
      %dma_wait3A_987 = tpu.memref_slice %arg7[%dma_wait3A_982, %dma_wait3A_986] : memref<4x128xi32, #tpu.memory_space<vmem>> -> memref<1x128xi32, #tpu.memory_space<vmem>>
      %dma_wait3A_988 = tpu.memref_squeeze %dma_wait3A_987 : memref<1x128xi32, #tpu.memory_space<vmem>> -> memref<128xi32, #tpu.memory_space<vmem>>
      %dma_wait3A_989 = arith.constant 0 : i32
      %dma_wait3A_990 = arith.constant 0 : i32
      %dma_wait3A_991 = tpu.memref_slice %arg3[%dma_wait3A_989, %dma_wait3A_990] : memref<10000x128xf32, #tpu.memory_space<hbm>> -> memref<10000x128xf32, #tpu.memory_space<hbm>>
      tpu.wait_indirect_dma semaphore(%arg11 : memref<!tpu.dma_semaphore, #tpu.memory_space<semaphore_mem>>) src(%dma_wait3A_991 : memref<10000x128xf32, #tpu.memory_space<hbm>>) dst(%dma_wait3A_985 : memref<128x128xf32, #tpu.memory_space<vmem>>)
      %dma_start3A_992 = arith.constant 1 : i32
      %dma_start3A_993 = arith.constant 0 : i32
      %dma_start3A_994 = arith.constant 0 : i32
      %dma_start3A_995 = tpu.memref_slice %arg8[%dma_start3A_993, %dma_start3A_994] : memref<256x128xf32, #tpu.memory_space<vmem>> -> memref<128x128xf32, #tpu.memory_space<vmem>>
      %dma_start3A_996 = arith.constant 0 : i32
      %dma_start3A_997 = tpu.memref_slice %arg7[%dma_start3A_992, %dma_start3A_996] : memref<4x128xi32, #tpu.memory_space<vmem>> -> memref<1x128xi32, #tpu.memory_space<vmem>>
      %dma_start3A_998 = tpu.memref_squeeze %dma_start3A_997 : memref<1x128xi32, #tpu.memory_space<vmem>> -> memref<128xi32, #tpu.memory_space<vmem>>
      %dma_start3A_999 = arith.constant 0 : i32
      %dma_start3A_1000 = arith.constant 0 : i32
      %dma_start3A_1001 = tpu.memref_slice %arg10[%dma_start3A_999, %dma_start3A_1000] : memref<10112x128xf32, #tpu.memory_space<vmem_shared>> -> memref<10112x128xf32, #tpu.memory_space<vmem_shared>>
      tpu.enqueue_indirect_dma source(%dma_start3A_995 : memref<128x128xf32, #tpu.memory_space<vmem>>) target(%dma_start3A_1001 : memref<10112x128xf32, #tpu.memory_space<vmem_shared>>) offsets(%dma_start3A_998 : memref<128xi32, #tpu.memory_space<vmem>>) semaphore(%arg11 : memref<!tpu.dma_semaphore, #tpu.memory_space<semaphore_mem>>) {add = true}
      %dma_start3A_1002 = arith.constant 3 : i32
      %dma_start3A_1003 = arith.constant 128 : i32
      %dma_start3A_1004 = arith.constant 0 : i32
      %dma_start3A_1005 = tpu.memref_slice %arg8[%dma_start3A_1003, %dma_start3A_1004] : memref<256x128xf32, #tpu.memory_space<vmem>> -> memref<128x128xf32, #tpu.memory_space<vmem>>
      %dma_start3A_1006 = arith.constant 0 : i32
      %dma_start3A_1007 = tpu.memref_slice %arg7[%dma_start3A_1002, %dma_start3A_1006] : memref<4x128xi32, #tpu.memory_space<vmem>> -> memref<1x128xi32, #tpu.memory_space<vmem>>
      %dma_start3A_1008 = tpu.memref_squeeze %dma_start3A_1007 : memref<1x128xi32, #tpu.memory_space<vmem>> -> memref<128xi32, #tpu.memory_space<vmem>>
      %dma_start3A_1009 = arith.constant 0 : i32
      %dma_start3A_1010 = arith.constant 0 : i32
      %dma_start3A_1011 = tpu.memref_slice %arg10[%dma_start3A_1009, %dma_start3A_1010] : memref<10112x128xf32, #tpu.memory_space<vmem_shared>> -> memref<10112x128xf32, #tpu.memory_space<vmem_shared>>
      tpu.enqueue_indirect_dma source(%dma_start3A_1005 : memref<128x128xf32, #tpu.memory_space<vmem>>) target(%dma_start3A_1011 : memref<10112x128xf32, #tpu.memory_space<vmem_shared>>) offsets(%dma_start3A_1008 : memref<128xi32, #tpu.memory_space<vmem>>) semaphore(%arg11 : memref<!tpu.dma_semaphore, #tpu.memory_space<semaphore_mem>>) {add = true}
    }
    %scan3A_563 = arith.constant 40 : i32
    %dma_wait3A_564 = arith.constant 1 : i32
    %dma_wait3A_565 = arith.constant 0 : i32
    %dma_wait3A_566 = arith.constant 0 : i32
    %dma_wait3A_567 = tpu.memref_slice %arg8[%dma_wait3A_565, %dma_wait3A_566] : memref<256x128xf32, #tpu.memory_space<vmem>> -> memref<128x128xf32, #tpu.memory_space<vmem>>
    %dma_wait3A_568 = arith.constant 0 : i32
    %dma_wait3A_569 = tpu.memref_slice %arg7[%dma_wait3A_564, %dma_wait3A_568] : memref<4x128xi32, #tpu.memory_space<vmem>> -> memref<1x128xi32, #tpu.memory_space<vmem>>
    %dma_wait3A_570 = tpu.memref_squeeze %dma_wait3A_569 : memref<1x128xi32, #tpu.memory_space<vmem>> -> memref<128xi32, #tpu.memory_space<vmem>>
    %dma_wait3A_571 = arith.constant 0 : i32
    %dma_wait3A_572 = arith.constant 0 : i32
    %dma_wait3A_573 = tpu.memref_slice %arg10[%dma_wait3A_571, %dma_wait3A_572] : memref<10112x128xf32, #tpu.memory_space<vmem_shared>> -> memref<10112x128xf32, #tpu.memory_space<vmem_shared>>
    tpu.wait_indirect_dma semaphore(%arg11 : memref<!tpu.dma_semaphore, #tpu.memory_space<semaphore_mem>>) src(%dma_wait3A_567 : memref<128x128xf32, #tpu.memory_space<vmem>>) dst(%dma_wait3A_573 : memref<10112x128xf32, #tpu.memory_space<vmem_shared>>)
    %dma_wait3A_574 = arith.constant 3 : i32
    %dma_wait3A_575 = arith.constant 128 : i32
    %dma_wait3A_576 = arith.constant 0 : i32
    %dma_wait3A_577 = tpu.memref_slice %arg8[%dma_wait3A_575, %dma_wait3A_576] : memref<256x128xf32, #tpu.memory_space<vmem>> -> memref<128x128xf32, #tpu.memory_space<vmem>>
    %dma_wait3A_578 = arith.constant 0 : i32
    %dma_wait3A_579 = tpu.memref_slice %arg7[%dma_wait3A_574, %dma_wait3A_578] : memref<4x128xi32, #tpu.memory_space<vmem>> -> memref<1x128xi32, #tpu.memory_space<vmem>>
    %dma_wait3A_580 = tpu.memref_squeeze %dma_wait3A_579 : memref<1x128xi32, #tpu.memory_space<vmem>> -> memref<128xi32, #tpu.memory_space<vmem>>
    %dma_wait3A_581 = arith.constant 0 : i32
    %dma_wait3A_582 = arith.constant 0 : i32
    %dma_wait3A_583 = tpu.memref_slice %arg10[%dma_wait3A_581, %dma_wait3A_582] : memref<10112x128xf32, #tpu.memory_space<vmem_shared>> -> memref<10112x128xf32, #tpu.memory_space<vmem_shared>>
    tpu.wait_indirect_dma semaphore(%arg11 : memref<!tpu.dma_semaphore, #tpu.memory_space<semaphore_mem>>) src(%dma_wait3A_577 : memref<128x128xf32, #tpu.memory_space<vmem>>) dst(%dma_wait3A_583 : memref<10112x128xf32, #tpu.memory_space<vmem_shared>>)
    %barrier3A_584 = arith.constant 0 : index
    tpu.barrier barrier_id(%barrier3A_584)
    %eq3A_585 = arith.constant 0 : i32
    %eq3A_586 = arith.cmpi eq, %arg0, %eq3A_585 : i32
    %convert_element_type3A_587 = arith.extui %eq3A_586 : i1 to i32
    %cond3A_588 = arith.constant 0 : i32
    %cond3A_589 = arith.cmpi ne, %convert_element_type3A_587, %cond3A_588 : i32
    scf.if %cond3A_589 {
      %run_scoped3A = arith.constant 1 : i32
      %run_scoped3A_595 = arith.constant 0 : i32
      "tpu.region"() ({
        %run_scoped3A_596 = tpu.sem_alloc : memref<!tpu.dma_semaphore, #tpu.memory_space<semaphore_mem>>
        %dma_start3A = arith.constant 0 : i32
        %dma_start3A_597 = tpu.memref_slice %arg5[%run_scoped3A, %run_scoped3A_595, %mul3A_2, %dma_start3A] : memref<2x2x10112x128xf32, #tpu.memory_space<hbm>> -> memref<1x1x632x128xf32, #tpu.memory_space<hbm>>
        %dma_start3A_598 = tpu.memref_squeeze %dma_start3A_597 : memref<1x1x632x128xf32, #tpu.memory_space<hbm>> -> memref<632x128xf32, #tpu.memory_space<hbm>>
        %dma_start3A_599 = arith.constant 0 : i32
        %dma_start3A_600 = tpu.memref_slice %arg10[%mul3A_2, %dma_start3A_599] : memref<10112x128xf32, #tpu.memory_space<vmem_shared>> -> memref<632x128xf32, #tpu.memory_space<vmem_shared>>
        tpu.enqueue_dma source(%dma_start3A_600 : memref<632x128xf32, #tpu.memory_space<vmem_shared>>) target(%dma_start3A_598 : memref<632x128xf32, #tpu.memory_space<hbm>>) target_semaphore(%run_scoped3A_596 : memref<!tpu.dma_semaphore, #tpu.memory_space<semaphore_mem>>)
        %dma_wait3A_601 = arith.constant 0 : i32
        %dma_wait3A_602 = tpu.memref_slice %arg5[%run_scoped3A, %run_scoped3A_595, %mul3A_2, %dma_wait3A_601] : memref<2x2x10112x128xf32, #tpu.memory_space<hbm>> -> memref<1x1x632x128xf32, #tpu.memory_space<hbm>>
        %dma_wait3A_603 = tpu.memref_squeeze %dma_wait3A_602 : memref<1x1x632x128xf32, #tpu.memory_space<hbm>> -> memref<632x128xf32, #tpu.memory_space<hbm>>
        %dma_wait3A_604 = arith.constant 0 : i32
        %dma_wait3A_605 = tpu.memref_slice %arg10[%mul3A_2, %dma_wait3A_604] : memref<10112x128xf32, #tpu.memory_space<vmem_shared>> -> memref<632x128xf32, #tpu.memory_space<vmem_shared>>
        tpu.wait_dma2 semaphore(%run_scoped3A_596 : memref<!tpu.dma_semaphore, #tpu.memory_space<semaphore_mem>>) src(%dma_wait3A_605 : memref<632x128xf32, #tpu.memory_space<vmem_shared>>) dst(%dma_wait3A_603 : memref<632x128xf32, #tpu.memory_space<hbm>>)
        tpu.yield
      }) : () -> ()
    } else {
    }
    %eq3A_590 = arith.constant 1 : i32
    %eq3A_591 = arith.cmpi eq, %arg0, %eq3A_590 : i32
    %convert_element_type3A_592 = arith.extui %eq3A_591 : i1 to i32
    %cond3A_593 = arith.constant 0 : i32
    %cond3A_594 = arith.cmpi ne, %convert_element_type3A_592, %cond3A_593 : i32
    scf.if %cond3A_594 {
      %run_scoped3A = arith.constant 1 : i32
      %run_scoped3A_595 = arith.constant 1 : i32
      "tpu.region"() ({
        %run_scoped3A_596 = tpu.sem_alloc : memref<!tpu.dma_semaphore, #tpu.memory_space<semaphore_mem>>
        %dma_start3A = arith.constant 0 : i32
        %dma_start3A_597 = tpu.memref_slice %arg5[%run_scoped3A, %run_scoped3A_595, %mul3A_2, %dma_start3A] : memref<2x2x10112x128xf32, #tpu.memory_space<hbm>> -> memref<1x1x632x128xf32, #tpu.memory_space<hbm>>
        %dma_start3A_598 = tpu.memref_squeeze %dma_start3A_597 : memref<1x1x632x128xf32, #tpu.memory_space<hbm>> -> memref<632x128xf32, #tpu.memory_space<hbm>>
        %dma_start3A_599 = arith.constant 0 : i32
        %dma_start3A_600 = tpu.memref_slice %arg10[%mul3A_2, %dma_start3A_599] : memref<10112x128xf32, #tpu.memory_space<vmem_shared>> -> memref<632x128xf32, #tpu.memory_space<vmem_shared>>
        tpu.enqueue_dma source(%dma_start3A_600 : memref<632x128xf32, #tpu.memory_space<vmem_shared>>) target(%dma_start3A_598 : memref<632x128xf32, #tpu.memory_space<hbm>>) target_semaphore(%run_scoped3A_596 : memref<!tpu.dma_semaphore, #tpu.memory_space<semaphore_mem>>)
        %dma_wait3A_601 = arith.constant 0 : i32
        %dma_wait3A_602 = tpu.memref_slice %arg5[%run_scoped3A, %run_scoped3A_595, %mul3A_2, %dma_wait3A_601] : memref<2x2x10112x128xf32, #tpu.memory_space<hbm>> -> memref<1x1x632x128xf32, #tpu.memory_space<hbm>>
        %dma_wait3A_603 = tpu.memref_squeeze %dma_wait3A_602 : memref<1x1x632x128xf32, #tpu.memory_space<hbm>> -> memref<632x128xf32, #tpu.memory_space<hbm>>
        %dma_wait3A_604 = arith.constant 0 : i32
        %dma_wait3A_605 = tpu.memref_slice %arg10[%mul3A_2, %dma_wait3A_604] : memref<10112x128xf32, #tpu.memory_space<vmem_shared>> -> memref<632x128xf32, #tpu.memory_space<vmem_shared>>
        tpu.wait_dma2 semaphore(%run_scoped3A_596 : memref<!tpu.dma_semaphore, #tpu.memory_space<semaphore_mem>>) src(%dma_wait3A_605 : memref<632x128xf32, #tpu.memory_space<vmem_shared>>) dst(%dma_wait3A_603 : memref<632x128xf32, #tpu.memory_space<hbm>>)
        tpu.yield
      }) : () -> ()
    } else {
    }
    return
  }
}

#map = affine_map<(d0, d1) -> (0, 0)>
#map1 = affine_map<(d0, d1) -> (0, 0, 0)>
module attributes {stable_mosaic.version = 14 : i64} {
  func.func @_spmm_es_body(%arg0: i32, %arg1: i32, %arg2: memref<10000x128xf32, #tpu.memory_space<hbm>>, %arg3: memref<32x80x128xi32, #tpu.memory_space<hbm>>, %arg4: memref<2x10112x128xf32, #tpu.memory_space<hbm>>, %arg5: memref<80x128xi32, #tpu.memory_space<vmem>>, %arg6: memref<4x128xi32, #tpu.memory_space<vmem>>, %arg7: memref<256x128xf32, #tpu.memory_space<vmem>>, %arg8: memref<8x128xf32, #tpu.memory_space<vmem>>, %arg9: memref<10112x128xf32, #tpu.memory_space<vmem_shared>>, %arg10: memref<!tpu.dma_semaphore, #tpu.memory_space<semaphore_mem>>) attributes {dimension_semantics = [#tpu.dimension_semantics<core_parallel>, #tpu.dimension_semantics<subcore_parallel>], iteration_bounds = array<i64: 2, 16>, scalar_prefetch = 0 : i64, scratch_operands = 6 : i64, tpu.core_type = #tpu.core_type<sc_vector_subcore>, window_params = [{transform_indices = #map}, {transform_indices = #map1}, {transform_indices = #map1}]} {
    %mul3A = arith.constant 2 : i32
    %mul3A_0 = arith.muli %arg1, %mul3A : i32
    %add3A = arith.addi %mul3A_0, %arg0 : i32
    "tpu.region"() ({
      %run_scoped3A = tpu.sem_alloc : memref<!tpu.dma_semaphore, #tpu.memory_space<semaphore_mem>>
      %dma_start3A = arith.constant 0 : i32
      %dma_start3A_551 = arith.constant 0 : i32
      %dma_start3A_552 = tpu.memref_slice %arg3[%add3A, %dma_start3A, %dma_start3A_551] : memref<32x80x128xi32, #tpu.memory_space<hbm>> -> memref<1x80x128xi32, #tpu.memory_space<hbm>>
      %dma_start3A_553 = tpu.memref_squeeze %dma_start3A_552 : memref<1x80x128xi32, #tpu.memory_space<hbm>> -> memref<80x128xi32, #tpu.memory_space<hbm>>
      %dma_start3A_554 = arith.constant 0 : i32
      %dma_start3A_555 = arith.constant 0 : i32
      %dma_start3A_556 = tpu.memref_slice %arg3[%add3A, %dma_start3A_554, %dma_start3A_555] : memref<32x80x128xi32, #tpu.memory_space<hbm>> -> memref<1x80x128xi32, #tpu.memory_space<hbm>>
      %dma_start3A_557 = tpu.memref_squeeze %dma_start3A_556 : memref<1x80x128xi32, #tpu.memory_space<hbm>> -> memref<80x128xi32, #tpu.memory_space<hbm>>
      tpu.enqueue_dma source(%dma_start3A_557 : memref<80x128xi32, #tpu.memory_space<hbm>>) target(%arg5 : memref<80x128xi32, #tpu.memory_space<vmem>>) target_semaphore(%run_scoped3A : memref<!tpu.dma_semaphore, #tpu.memory_space<semaphore_mem>>)
      %dma_wait3A_558 = arith.constant 0 : i32
      %dma_wait3A_559 = arith.constant 0 : i32
      %dma_wait3A_560 = tpu.memref_slice %arg3[%add3A, %dma_wait3A_558, %dma_wait3A_559] : memref<32x80x128xi32, #tpu.memory_space<hbm>> -> memref<1x80x128xi32, #tpu.memory_space<hbm>>
      %dma_wait3A_561 = tpu.memref_squeeze %dma_wait3A_560 : memref<1x80x128xi32, #tpu.memory_space<hbm>> -> memref<80x128xi32, #tpu.memory_space<hbm>>
      %dma_wait3A_562 = arith.constant 0 : i32
      %dma_wait3A_563 = arith.constant 0 : i32
      %dma_wait3A_564 = tpu.memref_slice %arg3[%add3A, %dma_wait3A_562, %dma_wait3A_563] : memref<32x80x128xi32, #tpu.memory_space<hbm>> -> memref<1x80x128xi32, #tpu.memory_space<hbm>>
      %dma_wait3A_565 = tpu.memref_squeeze %dma_wait3A_564 : memref<1x80x128xi32, #tpu.memory_space<hbm>> -> memref<80x128xi32, #tpu.memory_space<hbm>>
      tpu.wait_dma2 semaphore(%run_scoped3A : memref<!tpu.dma_semaphore, #tpu.memory_space<semaphore_mem>>) src(%dma_wait3A_565 : memref<80x128xi32, #tpu.memory_space<hbm>>) dst(%arg5 : memref<80x128xi32, #tpu.memory_space<vmem>>)
      tpu.yield
    }) : () -> ()
    %mul3A_1 = arith.constant 632 : i32
    %mul3A_2 = arith.muli %arg1, %mul3A_1 : i32
    %broadcast_in_dim3A = arith.constant 0.000000e+00 : f32
    %broadcast_in_dim3A_3 = vector.broadcast %broadcast_in_dim3A : f32 to vector<16xf32>
    %swap3A = arith.constant 0 : i32
    %swap3A_4 = arith.index_cast %swap3A : i32 to index
    %swap3A_5 = arith.constant 0 : index
    %swap3A_6 = tpu.vector_load %arg8[%swap3A_4, %swap3A_5] {strides = array<i32>} : memref<8x128xf32, #tpu.memory_space<vmem>>, vector<1x16xf32>,
    %swap3A_7 = vector.shape_cast %swap3A_6 : vector<1x16xf32> to vector<16xf32>
    %swap3A_8 = vector.shape_cast %broadcast_in_dim3A_3 : vector<16xf32> to vector<1x16xf32>
    tpu.vector_store %arg8[%swap3A_4, %swap3A_5], %swap3A_8 {strides = array<i32>} : memref<8x128xf32, #tpu.memory_space<vmem>>, vector<1x16xf32>,
    %broadcast_in_dim3A_9 = arith.constant 0.000000e+00 : f32
    %broadcast_in_dim3A_10 = vector.broadcast %broadcast_in_dim3A_9 : f32 to vector<16xf32>
    %swap3A_11 = arith.constant 0 : i32
    %swap3A_12 = arith.index_cast %swap3A_11 : i32 to index
    %swap3A_13 = arith.constant 16 : index
    %swap3A_14 = tpu.vector_load %arg8[%swap3A_12, %swap3A_13] {strides = array<i32>} : memref<8x128xf32, #tpu.memory_space<vmem>>, vector<1x16xf32>,
    %swap3A_15 = vector.shape_cast %swap3A_14 : vector<1x16xf32> to vector<16xf32>
    %swap3A_16 = vector.shape_cast %broadcast_in_dim3A_10 : vector<16xf32> to vector<1x16xf32>
    tpu.vector_store %arg8[%swap3A_12, %swap3A_13], %swap3A_16 {strides = array<i32>} : memref<8x128xf32, #tpu.memory_space<vmem>>, vector<1x16xf32>,
    %broadcast_in_dim3A_17 = arith.constant 0.000000e+00 : f32
    %broadcast_in_dim3A_18 = vector.broadcast %broadcast_in_dim3A_17 : f32 to vector<16xf32>
    %swap3A_19 = arith.constant 0 : i32
    %swap3A_20 = arith.index_cast %swap3A_19 : i32 to index
    %swap3A_21 = arith.constant 32 : index
    %swap3A_22 = tpu.vector_load %arg8[%swap3A_20, %swap3A_21] {strides = array<i32>} : memref<8x128xf32, #tpu.memory_space<vmem>>, vector<1x16xf32>,
    %swap3A_23 = vector.shape_cast %swap3A_22 : vector<1x16xf32> to vector<16xf32>
    %swap3A_24 = vector.shape_cast %broadcast_in_dim3A_18 : vector<16xf32> to vector<1x16xf32>
    tpu.vector_store %arg8[%swap3A_20, %swap3A_21], %swap3A_24 {strides = array<i32>} : memref<8x128xf32, #tpu.memory_space<vmem>>, vector<1x16xf32>,
    %broadcast_in_dim3A_25 = arith.constant 0.000000e+00 : f32
    %broadcast_in_dim3A_26 = vector.broadcast %broadcast_in_dim3A_25 : f32 to vector<16xf32>
    %swap3A_27 = arith.constant 0 : i32
    %swap3A_28 = arith.index_cast %swap3A_27 : i32 to index
    %swap3A_29 = arith.constant 48 : index
    %swap3A_30 = tpu.vector_load %arg8[%swap3A_28, %swap3A_29] {strides = array<i32>} : memref<8x128xf32, #tpu.memory_space<vmem>>, vector<1x16xf32>,
    %swap3A_31 = vector.shape_cast %swap3A_30 : vector<1x16xf32> to vector<16xf32>
    %swap3A_32 = vector.shape_cast %broadcast_in_dim3A_26 : vector<16xf32> to vector<1x16xf32>
    tpu.vector_store %arg8[%swap3A_28, %swap3A_29], %swap3A_32 {strides = array<i32>} : memref<8x128xf32, #tpu.memory_space<vmem>>, vector<1x16xf32>,
    %broadcast_in_dim3A_33 = arith.constant 0.000000e+00 : f32
    %broadcast_in_dim3A_34 = vector.broadcast %broadcast_in_dim3A_33 : f32 to vector<16xf32>
    %swap3A_35 = arith.constant 0 : i32
    %swap3A_36 = arith.index_cast %swap3A_35 : i32 to index
    %swap3A_37 = arith.constant 64 : index
    %swap3A_38 = tpu.vector_load %arg8[%swap3A_36, %swap3A_37] {strides = array<i32>} : memref<8x128xf32, #tpu.memory_space<vmem>>, vector<1x16xf32>,
    %swap3A_39 = vector.shape_cast %swap3A_38 : vector<1x16xf32> to vector<16xf32>
    %swap3A_40 = vector.shape_cast %broadcast_in_dim3A_34 : vector<16xf32> to vector<1x16xf32>
    tpu.vector_store %arg8[%swap3A_36, %swap3A_37], %swap3A_40 {strides = array<i32>} : memref<8x128xf32, #tpu.memory_space<vmem>>, vector<1x16xf32>,
    %broadcast_in_dim3A_41 = arith.constant 0.000000e+00 : f32
    %broadcast_in_dim3A_42 = vector.broadcast %broadcast_in_dim3A_41 : f32 to vector<16xf32>
    %swap3A_43 = arith.constant 0 : i32
    %swap3A_44 = arith.index_cast %swap3A_43 : i32 to index
    %swap3A_45 = arith.constant 80 : index
    %swap3A_46 = tpu.vector_load %arg8[%swap3A_44, %swap3A_45] {strides = array<i32>} : memref<8x128xf32, #tpu.memory_space<vmem>>, vector<1x16xf32>,
    %swap3A_47 = vector.shape_cast %swap3A_46 : vector<1x16xf32> to vector<16xf32>
    %swap3A_48 = vector.shape_cast %broadcast_in_dim3A_42 : vector<16xf32> to vector<1x16xf32>
    tpu.vector_store %arg8[%swap3A_44, %swap3A_45], %swap3A_48 {strides = array<i32>} : memref<8x128xf32, #tpu.memory_space<vmem>>, vector<1x16xf32>,
    %broadcast_in_dim3A_49 = arith.constant 0.000000e+00 : f32
    %broadcast_in_dim3A_50 = vector.broadcast %broadcast_in_dim3A_49 : f32 to vector<16xf32>
    %swap3A_51 = arith.constant 0 : i32
    %swap3A_52 = arith.index_cast %swap3A_51 : i32 to index
    %swap3A_53 = arith.constant 96 : index
    %swap3A_54 = tpu.vector_load %arg8[%swap3A_52, %swap3A_53] {strides = array<i32>} : memref<8x128xf32, #tpu.memory_space<vmem>>, vector<1x16xf32>,
    %swap3A_55 = vector.shape_cast %swap3A_54 : vector<1x16xf32> to vector<16xf32>
    %swap3A_56 = vector.shape_cast %broadcast_in_dim3A_50 : vector<16xf32> to vector<1x16xf32>
    tpu.vector_store %arg8[%swap3A_52, %swap3A_53], %swap3A_56 {strides = array<i32>} : memref<8x128xf32, #tpu.memory_space<vmem>>, vector<1x16xf32>,
    %broadcast_in_dim3A_57 = arith.constant 0.000000e+00 : f32
    %broadcast_in_dim3A_58 = vector.broadcast %broadcast_in_dim3A_57 : f32 to vector<16xf32>
    %swap3A_59 = arith.constant 0 : i32
    %swap3A_60 = arith.index_cast %swap3A_59 : i32 to index
    %swap3A_61 = arith.constant 112 : index
    %swap3A_62 = tpu.vector_load %arg8[%swap3A_60, %swap3A_61] {strides = array<i32>} : memref<8x128xf32, #tpu.memory_space<vmem>>, vector<1x16xf32>,
    %swap3A_63 = vector.shape_cast %swap3A_62 : vector<1x16xf32> to vector<16xf32>
    %swap3A_64 = vector.shape_cast %broadcast_in_dim3A_58 : vector<16xf32> to vector<1x16xf32>
    tpu.vector_store %arg8[%swap3A_60, %swap3A_61], %swap3A_64 {strides = array<i32>} : memref<8x128xf32, #tpu.memory_space<vmem>>, vector<1x16xf32>,
    %broadcast_in_dim3A_65 = arith.constant 0.000000e+00 : f32
    %broadcast_in_dim3A_66 = vector.broadcast %broadcast_in_dim3A_65 : f32 to vector<16xf32>
    %swap3A_67 = arith.constant 1 : i32
    %swap3A_68 = arith.index_cast %swap3A_67 : i32 to index
    %swap3A_69 = arith.constant 0 : index
    %swap3A_70 = tpu.vector_load %arg8[%swap3A_68, %swap3A_69] {strides = array<i32>} : memref<8x128xf32, #tpu.memory_space<vmem>>, vector<1x16xf32>,
    %swap3A_71 = vector.shape_cast %swap3A_70 : vector<1x16xf32> to vector<16xf32>
    %swap3A_72 = vector.shape_cast %broadcast_in_dim3A_66 : vector<16xf32> to vector<1x16xf32>
    tpu.vector_store %arg8[%swap3A_68, %swap3A_69], %swap3A_72 {strides = array<i32>} : memref<8x128xf32, #tpu.memory_space<vmem>>, vector<1x16xf32>,
    %broadcast_in_dim3A_73 = arith.constant 0.000000e+00 : f32
    %broadcast_in_dim3A_74 = vector.broadcast %broadcast_in_dim3A_73 : f32 to vector<16xf32>
    %swap3A_75 = arith.constant 1 : i32
    %swap3A_76 = arith.index_cast %swap3A_75 : i32 to index
    %swap3A_77 = arith.constant 16 : index
    %swap3A_78 = tpu.vector_load %arg8[%swap3A_76, %swap3A_77] {strides = array<i32>} : memref<8x128xf32, #tpu.memory_space<vmem>>, vector<1x16xf32>,
    %swap3A_79 = vector.shape_cast %swap3A_78 : vector<1x16xf32> to vector<16xf32>
    %swap3A_80 = vector.shape_cast %broadcast_in_dim3A_74 : vector<16xf32> to vector<1x16xf32>
    tpu.vector_store %arg8[%swap3A_76, %swap3A_77], %swap3A_80 {strides = array<i32>} : memref<8x128xf32, #tpu.memory_space<vmem>>, vector<1x16xf32>,
    %broadcast_in_dim3A_81 = arith.constant 0.000000e+00 : f32
    %broadcast_in_dim3A_82 = vector.broadcast %broadcast_in_dim3A_81 : f32 to vector<16xf32>
    %swap3A_83 = arith.constant 1 : i32
    %swap3A_84 = arith.index_cast %swap3A_83 : i32 to index
    %swap3A_85 = arith.constant 32 : index
    %swap3A_86 = tpu.vector_load %arg8[%swap3A_84, %swap3A_85] {strides = array<i32>} : memref<8x128xf32, #tpu.memory_space<vmem>>, vector<1x16xf32>,
    %swap3A_87 = vector.shape_cast %swap3A_86 : vector<1x16xf32> to vector<16xf32>
    %swap3A_88 = vector.shape_cast %broadcast_in_dim3A_82 : vector<16xf32> to vector<1x16xf32>
    tpu.vector_store %arg8[%swap3A_84, %swap3A_85], %swap3A_88 {strides = array<i32>} : memref<8x128xf32, #tpu.memory_space<vmem>>, vector<1x16xf32>,
    %broadcast_in_dim3A_89 = arith.constant 0.000000e+00 : f32
    %broadcast_in_dim3A_90 = vector.broadcast %broadcast_in_dim3A_89 : f32 to vector<16xf32>
    %swap3A_91 = arith.constant 1 : i32
    %swap3A_92 = arith.index_cast %swap3A_91 : i32 to index
    %swap3A_93 = arith.constant 48 : index
    %swap3A_94 = tpu.vector_load %arg8[%swap3A_92, %swap3A_93] {strides = array<i32>} : memref<8x128xf32, #tpu.memory_space<vmem>>, vector<1x16xf32>,
    %swap3A_95 = vector.shape_cast %swap3A_94 : vector<1x16xf32> to vector<16xf32>
    %swap3A_96 = vector.shape_cast %broadcast_in_dim3A_90 : vector<16xf32> to vector<1x16xf32>
    tpu.vector_store %arg8[%swap3A_92, %swap3A_93], %swap3A_96 {strides = array<i32>} : memref<8x128xf32, #tpu.memory_space<vmem>>, vector<1x16xf32>,
    %broadcast_in_dim3A_97 = arith.constant 0.000000e+00 : f32
    %broadcast_in_dim3A_98 = vector.broadcast %broadcast_in_dim3A_97 : f32 to vector<16xf32>
    %swap3A_99 = arith.constant 1 : i32
    %swap3A_100 = arith.index_cast %swap3A_99 : i32 to index
    %swap3A_101 = arith.constant 64 : index
    %swap3A_102 = tpu.vector_load %arg8[%swap3A_100, %swap3A_101] {strides = array<i32>} : memref<8x128xf32, #tpu.memory_space<vmem>>, vector<1x16xf32>,
    %swap3A_103 = vector.shape_cast %swap3A_102 : vector<1x16xf32> to vector<16xf32>
    %swap3A_104 = vector.shape_cast %broadcast_in_dim3A_98 : vector<16xf32> to vector<1x16xf32>
    tpu.vector_store %arg8[%swap3A_100, %swap3A_101], %swap3A_104 {strides = array<i32>} : memref<8x128xf32, #tpu.memory_space<vmem>>, vector<1x16xf32>,
    %broadcast_in_dim3A_105 = arith.constant 0.000000e+00 : f32
    %broadcast_in_dim3A_106 = vector.broadcast %broadcast_in_dim3A_105 : f32 to vector<16xf32>
    %swap3A_107 = arith.constant 1 : i32
    %swap3A_108 = arith.index_cast %swap3A_107 : i32 to index
    %swap3A_109 = arith.constant 80 : index
    %swap3A_110 = tpu.vector_load %arg8[%swap3A_108, %swap3A_109] {strides = array<i32>} : memref<8x128xf32, #tpu.memory_space<vmem>>, vector<1x16xf32>,
    %swap3A_111 = vector.shape_cast %swap3A_110 : vector<1x16xf32> to vector<16xf32>
    %swap3A_112 = vector.shape_cast %broadcast_in_dim3A_106 : vector<16xf32> to vector<1x16xf32>
    tpu.vector_store %arg8[%swap3A_108, %swap3A_109], %swap3A_112 {strides = array<i32>} : memref<8x128xf32, #tpu.memory_space<vmem>>, vector<1x16xf32>,
    %broadcast_in_dim3A_113 = arith.constant 0.000000e+00 : f32
    %broadcast_in_dim3A_114 = vector.broadcast %broadcast_in_dim3A_113 : f32 to vector<16xf32>
    %swap3A_115 = arith.constant 1 : i32
    %swap3A_116 = arith.index_cast %swap3A_115 : i32 to index
    %swap3A_117 = arith.constant 96 : index
    %swap3A_118 = tpu.vector_load %arg8[%swap3A_116, %swap3A_117] {strides = array<i32>} : memref<8x128xf32, #tpu.memory_space<vmem>>, vector<1x16xf32>,
    %swap3A_119 = vector.shape_cast %swap3A_118 : vector<1x16xf32> to vector<16xf32>
    %swap3A_120 = vector.shape_cast %broadcast_in_dim3A_114 : vector<16xf32> to vector<1x16xf32>
    tpu.vector_store %arg8[%swap3A_116, %swap3A_117], %swap3A_120 {strides = array<i32>} : memref<8x128xf32, #tpu.memory_space<vmem>>, vector<1x16xf32>,
    %broadcast_in_dim3A_121 = arith.constant 0.000000e+00 : f32
    %broadcast_in_dim3A_122 = vector.broadcast %broadcast_in_dim3A_121 : f32 to vector<16xf32>
    %swap3A_123 = arith.constant 1 : i32
    %swap3A_124 = arith.index_cast %swap3A_123 : i32 to index
    %swap3A_125 = arith.constant 112 : index
    %swap3A_126 = tpu.vector_load %arg8[%swap3A_124, %swap3A_125] {strides = array<i32>} : memref<8x128xf32, #tpu.memory_space<vmem>>, vector<1x16xf32>,
    %swap3A_127 = vector.shape_cast %swap3A_126 : vector<1x16xf32> to vector<16xf32>
    %swap3A_128 = vector.shape_cast %broadcast_in_dim3A_122 : vector<16xf32> to vector<1x16xf32>
    tpu.vector_store %arg8[%swap3A_124, %swap3A_125], %swap3A_128 {strides = array<i32>} : memref<8x128xf32, #tpu.memory_space<vmem>>, vector<1x16xf32>,
    %broadcast_in_dim3A_129 = arith.constant 0.000000e+00 : f32
    %broadcast_in_dim3A_130 = vector.broadcast %broadcast_in_dim3A_129 : f32 to vector<16xf32>
    %swap3A_131 = arith.constant 2 : i32
    %swap3A_132 = arith.index_cast %swap3A_131 : i32 to index
    %swap3A_133 = arith.constant 0 : index
    %swap3A_134 = tpu.vector_load %arg8[%swap3A_132, %swap3A_133] {strides = array<i32>} : memref<8x128xf32, #tpu.memory_space<vmem>>, vector<1x16xf32>,
    %swap3A_135 = vector.shape_cast %swap3A_134 : vector<1x16xf32> to vector<16xf32>
    %swap3A_136 = vector.shape_cast %broadcast_in_dim3A_130 : vector<16xf32> to vector<1x16xf32>
    tpu.vector_store %arg8[%swap3A_132, %swap3A_133], %swap3A_136 {strides = array<i32>} : memref<8x128xf32, #tpu.memory_space<vmem>>, vector<1x16xf32>,
    %broadcast_in_dim3A_137 = arith.constant 0.000000e+00 : f32
    %broadcast_in_dim3A_138 = vector.broadcast %broadcast_in_dim3A_137 : f32 to vector<16xf32>
    %swap3A_139 = arith.constant 2 : i32
    %swap3A_140 = arith.index_cast %swap3A_139 : i32 to index
    %swap3A_141 = arith.constant 16 : index
    %swap3A_142 = tpu.vector_load %arg8[%swap3A_140, %swap3A_141] {strides = array<i32>} : memref<8x128xf32, #tpu.memory_space<vmem>>, vector<1x16xf32>,
    %swap3A_143 = vector.shape_cast %swap3A_142 : vector<1x16xf32> to vector<16xf32>
    %swap3A_144 = vector.shape_cast %broadcast_in_dim3A_138 : vector<16xf32> to vector<1x16xf32>
    tpu.vector_store %arg8[%swap3A_140, %swap3A_141], %swap3A_144 {strides = array<i32>} : memref<8x128xf32, #tpu.memory_space<vmem>>, vector<1x16xf32>,
    %broadcast_in_dim3A_145 = arith.constant 0.000000e+00 : f32
    %broadcast_in_dim3A_146 = vector.broadcast %broadcast_in_dim3A_145 : f32 to vector<16xf32>
    %swap3A_147 = arith.constant 2 : i32
    %swap3A_148 = arith.index_cast %swap3A_147 : i32 to index
    %swap3A_149 = arith.constant 32 : index
    %swap3A_150 = tpu.vector_load %arg8[%swap3A_148, %swap3A_149] {strides = array<i32>} : memref<8x128xf32, #tpu.memory_space<vmem>>, vector<1x16xf32>,
    %swap3A_151 = vector.shape_cast %swap3A_150 : vector<1x16xf32> to vector<16xf32>
    %swap3A_152 = vector.shape_cast %broadcast_in_dim3A_146 : vector<16xf32> to vector<1x16xf32>
    tpu.vector_store %arg8[%swap3A_148, %swap3A_149], %swap3A_152 {strides = array<i32>} : memref<8x128xf32, #tpu.memory_space<vmem>>, vector<1x16xf32>,
    %broadcast_in_dim3A_153 = arith.constant 0.000000e+00 : f32
    %broadcast_in_dim3A_154 = vector.broadcast %broadcast_in_dim3A_153 : f32 to vector<16xf32>
    %swap3A_155 = arith.constant 2 : i32
    %swap3A_156 = arith.index_cast %swap3A_155 : i32 to index
    %swap3A_157 = arith.constant 48 : index
    %swap3A_158 = tpu.vector_load %arg8[%swap3A_156, %swap3A_157] {strides = array<i32>} : memref<8x128xf32, #tpu.memory_space<vmem>>, vector<1x16xf32>,
    %swap3A_159 = vector.shape_cast %swap3A_158 : vector<1x16xf32> to vector<16xf32>
    %swap3A_160 = vector.shape_cast %broadcast_in_dim3A_154 : vector<16xf32> to vector<1x16xf32>
    tpu.vector_store %arg8[%swap3A_156, %swap3A_157], %swap3A_160 {strides = array<i32>} : memref<8x128xf32, #tpu.memory_space<vmem>>, vector<1x16xf32>,
    %broadcast_in_dim3A_161 = arith.constant 0.000000e+00 : f32
    %broadcast_in_dim3A_162 = vector.broadcast %broadcast_in_dim3A_161 : f32 to vector<16xf32>
    %swap3A_163 = arith.constant 2 : i32
    %swap3A_164 = arith.index_cast %swap3A_163 : i32 to index
    %swap3A_165 = arith.constant 64 : index
    %swap3A_166 = tpu.vector_load %arg8[%swap3A_164, %swap3A_165] {strides = array<i32>} : memref<8x128xf32, #tpu.memory_space<vmem>>, vector<1x16xf32>,
    %swap3A_167 = vector.shape_cast %swap3A_166 : vector<1x16xf32> to vector<16xf32>
    %swap3A_168 = vector.shape_cast %broadcast_in_dim3A_162 : vector<16xf32> to vector<1x16xf32>
    tpu.vector_store %arg8[%swap3A_164, %swap3A_165], %swap3A_168 {strides = array<i32>} : memref<8x128xf32, #tpu.memory_space<vmem>>, vector<1x16xf32>,
    %broadcast_in_dim3A_169 = arith.constant 0.000000e+00 : f32
    %broadcast_in_dim3A_170 = vector.broadcast %broadcast_in_dim3A_169 : f32 to vector<16xf32>
    %swap3A_171 = arith.constant 2 : i32
    %swap3A_172 = arith.index_cast %swap3A_171 : i32 to index
    %swap3A_173 = arith.constant 80 : index
    %swap3A_174 = tpu.vector_load %arg8[%swap3A_172, %swap3A_173] {strides = array<i32>} : memref<8x128xf32, #tpu.memory_space<vmem>>, vector<1x16xf32>,
    %swap3A_175 = vector.shape_cast %swap3A_174 : vector<1x16xf32> to vector<16xf32>
    %swap3A_176 = vector.shape_cast %broadcast_in_dim3A_170 : vector<16xf32> to vector<1x16xf32>
    tpu.vector_store %arg8[%swap3A_172, %swap3A_173], %swap3A_176 {strides = array<i32>} : memref<8x128xf32, #tpu.memory_space<vmem>>, vector<1x16xf32>,
    %broadcast_in_dim3A_177 = arith.constant 0.000000e+00 : f32
    %broadcast_in_dim3A_178 = vector.broadcast %broadcast_in_dim3A_177 : f32 to vector<16xf32>
    %swap3A_179 = arith.constant 2 : i32
    %swap3A_180 = arith.index_cast %swap3A_179 : i32 to index
    %swap3A_181 = arith.constant 96 : index
    %swap3A_182 = tpu.vector_load %arg8[%swap3A_180, %swap3A_181] {strides = array<i32>} : memref<8x128xf32, #tpu.memory_space<vmem>>, vector<1x16xf32>,
    %swap3A_183 = vector.shape_cast %swap3A_182 : vector<1x16xf32> to vector<16xf32>
    %swap3A_184 = vector.shape_cast %broadcast_in_dim3A_178 : vector<16xf32> to vector<1x16xf32>
    tpu.vector_store %arg8[%swap3A_180, %swap3A_181], %swap3A_184 {strides = array<i32>} : memref<8x128xf32, #tpu.memory_space<vmem>>, vector<1x16xf32>,
    %broadcast_in_dim3A_185 = arith.constant 0.000000e+00 : f32
    %broadcast_in_dim3A_186 = vector.broadcast %broadcast_in_dim3A_185 : f32 to vector<16xf32>
    %swap3A_187 = arith.constant 2 : i32
    %swap3A_188 = arith.index_cast %swap3A_187 : i32 to index
    %swap3A_189 = arith.constant 112 : index
    %swap3A_190 = tpu.vector_load %arg8[%swap3A_188, %swap3A_189] {strides = array<i32>} : memref<8x128xf32, #tpu.memory_space<vmem>>, vector<1x16xf32>,
    %swap3A_191 = vector.shape_cast %swap3A_190 : vector<1x16xf32> to vector<16xf32>
    %swap3A_192 = vector.shape_cast %broadcast_in_dim3A_186 : vector<16xf32> to vector<1x16xf32>
    tpu.vector_store %arg8[%swap3A_188, %swap3A_189], %swap3A_192 {strides = array<i32>} : memref<8x128xf32, #tpu.memory_space<vmem>>, vector<1x16xf32>,
    %broadcast_in_dim3A_193 = arith.constant 0.000000e+00 : f32
    %broadcast_in_dim3A_194 = vector.broadcast %broadcast_in_dim3A_193 : f32 to vector<16xf32>
    %swap3A_195 = arith.constant 3 : i32
    %swap3A_196 = arith.index_cast %swap3A_195 : i32 to index
    %swap3A_197 = arith.constant 0 : index
    %swap3A_198 = tpu.vector_load %arg8[%swap3A_196, %swap3A_197] {strides = array<i32>} : memref<8x128xf32, #tpu.memory_space<vmem>>, vector<1x16xf32>,
    %swap3A_199 = vector.shape_cast %swap3A_198 : vector<1x16xf32> to vector<16xf32>
    %swap3A_200 = vector.shape_cast %broadcast_in_dim3A_194 : vector<16xf32> to vector<1x16xf32>
    tpu.vector_store %arg8[%swap3A_196, %swap3A_197], %swap3A_200 {strides = array<i32>} : memref<8x128xf32, #tpu.memory_space<vmem>>, vector<1x16xf32>,
    %broadcast_in_dim3A_201 = arith.constant 0.000000e+00 : f32
    %broadcast_in_dim3A_202 = vector.broadcast %broadcast_in_dim3A_201 : f32 to vector<16xf32>
    %swap3A_203 = arith.constant 3 : i32
    %swap3A_204 = arith.index_cast %swap3A_203 : i32 to index
    %swap3A_205 = arith.constant 16 : index
    %swap3A_206 = tpu.vector_load %arg8[%swap3A_204, %swap3A_205] {strides = array<i32>} : memref<8x128xf32, #tpu.memory_space<vmem>>, vector<1x16xf32>,
    %swap3A_207 = vector.shape_cast %swap3A_206 : vector<1x16xf32> to vector<16xf32>
    %swap3A_208 = vector.shape_cast %broadcast_in_dim3A_202 : vector<16xf32> to vector<1x16xf32>
    tpu.vector_store %arg8[%swap3A_204, %swap3A_205], %swap3A_208 {strides = array<i32>} : memref<8x128xf32, #tpu.memory_space<vmem>>, vector<1x16xf32>,
    %broadcast_in_dim3A_209 = arith.constant 0.000000e+00 : f32
    %broadcast_in_dim3A_210 = vector.broadcast %broadcast_in_dim3A_209 : f32 to vector<16xf32>
    %swap3A_211 = arith.constant 3 : i32
    %swap3A_212 = arith.index_cast %swap3A_211 : i32 to index
    %swap3A_213 = arith.constant 32 : index
    %swap3A_214 = tpu.vector_load %arg8[%swap3A_212, %swap3A_213] {strides = array<i32>} : memref<8x128xf32, #tpu.memory_space<vmem>>, vector<1x16xf32>,
    %swap3A_215 = vector.shape_cast %swap3A_214 : vector<1x16xf32> to vector<16xf32>
    %swap3A_216 = vector.shape_cast %broadcast_in_dim3A_210 : vector<16xf32> to vector<1x16xf32>
    tpu.vector_store %arg8[%swap3A_212, %swap3A_213], %swap3A_216 {strides = array<i32>} : memref<8x128xf32, #tpu.memory_space<vmem>>, vector<1x16xf32>,
    %broadcast_in_dim3A_217 = arith.constant 0.000000e+00 : f32
    %broadcast_in_dim3A_218 = vector.broadcast %broadcast_in_dim3A_217 : f32 to vector<16xf32>
    %swap3A_219 = arith.constant 3 : i32
    %swap3A_220 = arith.index_cast %swap3A_219 : i32 to index
    %swap3A_221 = arith.constant 48 : index
    %swap3A_222 = tpu.vector_load %arg8[%swap3A_220, %swap3A_221] {strides = array<i32>} : memref<8x128xf32, #tpu.memory_space<vmem>>, vector<1x16xf32>,
    %swap3A_223 = vector.shape_cast %swap3A_222 : vector<1x16xf32> to vector<16xf32>
    %swap3A_224 = vector.shape_cast %broadcast_in_dim3A_218 : vector<16xf32> to vector<1x16xf32>
    tpu.vector_store %arg8[%swap3A_220, %swap3A_221], %swap3A_224 {strides = array<i32>} : memref<8x128xf32, #tpu.memory_space<vmem>>, vector<1x16xf32>,
    %broadcast_in_dim3A_225 = arith.constant 0.000000e+00 : f32
    %broadcast_in_dim3A_226 = vector.broadcast %broadcast_in_dim3A_225 : f32 to vector<16xf32>
    %swap3A_227 = arith.constant 3 : i32
    %swap3A_228 = arith.index_cast %swap3A_227 : i32 to index
    %swap3A_229 = arith.constant 64 : index
    %swap3A_230 = tpu.vector_load %arg8[%swap3A_228, %swap3A_229] {strides = array<i32>} : memref<8x128xf32, #tpu.memory_space<vmem>>, vector<1x16xf32>,
    %swap3A_231 = vector.shape_cast %swap3A_230 : vector<1x16xf32> to vector<16xf32>
    %swap3A_232 = vector.shape_cast %broadcast_in_dim3A_226 : vector<16xf32> to vector<1x16xf32>
    tpu.vector_store %arg8[%swap3A_228, %swap3A_229], %swap3A_232 {strides = array<i32>} : memref<8x128xf32, #tpu.memory_space<vmem>>, vector<1x16xf32>,
    %broadcast_in_dim3A_233 = arith.constant 0.000000e+00 : f32
    %broadcast_in_dim3A_234 = vector.broadcast %broadcast_in_dim3A_233 : f32 to vector<16xf32>
    %swap3A_235 = arith.constant 3 : i32
    %swap3A_236 = arith.index_cast %swap3A_235 : i32 to index
    %swap3A_237 = arith.constant 80 : index
    %swap3A_238 = tpu.vector_load %arg8[%swap3A_236, %swap3A_237] {strides = array<i32>} : memref<8x128xf32, #tpu.memory_space<vmem>>, vector<1x16xf32>,
    %swap3A_239 = vector.shape_cast %swap3A_238 : vector<1x16xf32> to vector<16xf32>
    %swap3A_240 = vector.shape_cast %broadcast_in_dim3A_234 : vector<16xf32> to vector<1x16xf32>
    tpu.vector_store %arg8[%swap3A_236, %swap3A_237], %swap3A_240 {strides = array<i32>} : memref<8x128xf32, #tpu.memory_space<vmem>>, vector<1x16xf32>,
    %broadcast_in_dim3A_241 = arith.constant 0.000000e+00 : f32
    %broadcast_in_dim3A_242 = vector.broadcast %broadcast_in_dim3A_241 : f32 to vector<16xf32>
    %swap3A_243 = arith.constant 3 : i32
    %swap3A_244 = arith.index_cast %swap3A_243 : i32 to index
    %swap3A_245 = arith.constant 96 : index
    %swap3A_246 = tpu.vector_load %arg8[%swap3A_244, %swap3A_245] {strides = array<i32>} : memref<8x128xf32, #tpu.memory_space<vmem>>, vector<1x16xf32>,
    %swap3A_247 = vector.shape_cast %swap3A_246 : vector<1x16xf32> to vector<16xf32>
    %swap3A_248 = vector.shape_cast %broadcast_in_dim3A_242 : vector<16xf32> to vector<1x16xf32>
    tpu.vector_store %arg8[%swap3A_244, %swap3A_245], %swap3A_248 {strides = array<i32>} : memref<8x128xf32, #tpu.memory_space<vmem>>, vector<1x16xf32>,
    %broadcast_in_dim3A_249 = arith.constant 0.000000e+00 : f32
    %broadcast_in_dim3A_250 = vector.broadcast %broadcast_in_dim3A_249 : f32 to vector<16xf32>
    %swap3A_251 = arith.constant 3 : i32
    %swap3A_252 = arith.index_cast %swap3A_251 : i32 to index
    %swap3A_253 = arith.constant 112 : index
    %swap3A_254 = tpu.vector_load %arg8[%swap3A_252, %swap3A_253] {strides = array<i32>} : memref<8x128xf32, #tpu.memory_space<vmem>>, vector<1x16xf32>,
    %swap3A_255 = vector.shape_cast %swap3A_254 : vector<1x16xf32> to vector<16xf32>
    %swap3A_256 = vector.shape_cast %broadcast_in_dim3A_250 : vector<16xf32> to vector<1x16xf32>
    tpu.vector_store %arg8[%swap3A_252, %swap3A_253], %swap3A_256 {strides = array<i32>} : memref<8x128xf32, #tpu.memory_space<vmem>>, vector<1x16xf32>,
    %broadcast_in_dim3A_257 = arith.constant 0.000000e+00 : f32
    %broadcast_in_dim3A_258 = vector.broadcast %broadcast_in_dim3A_257 : f32 to vector<16xf32>
    %swap3A_259 = arith.constant 4 : i32
    %swap3A_260 = arith.index_cast %swap3A_259 : i32 to index
    %swap3A_261 = arith.constant 0 : index
    %swap3A_262 = tpu.vector_load %arg8[%swap3A_260, %swap3A_261] {strides = array<i32>} : memref<8x128xf32, #tpu.memory_space<vmem>>, vector<1x16xf32>,
    %swap3A_263 = vector.shape_cast %swap3A_262 : vector<1x16xf32> to vector<16xf32>
    %swap3A_264 = vector.shape_cast %broadcast_in_dim3A_258 : vector<16xf32> to vector<1x16xf32>
    tpu.vector_store %arg8[%swap3A_260, %swap3A_261], %swap3A_264 {strides = array<i32>} : memref<8x128xf32, #tpu.memory_space<vmem>>, vector<1x16xf32>,
    %broadcast_in_dim3A_265 = arith.constant 0.000000e+00 : f32
    %broadcast_in_dim3A_266 = vector.broadcast %broadcast_in_dim3A_265 : f32 to vector<16xf32>
    %swap3A_267 = arith.constant 4 : i32
    %swap3A_268 = arith.index_cast %swap3A_267 : i32 to index
    %swap3A_269 = arith.constant 16 : index
    %swap3A_270 = tpu.vector_load %arg8[%swap3A_268, %swap3A_269] {strides = array<i32>} : memref<8x128xf32, #tpu.memory_space<vmem>>, vector<1x16xf32>,
    %swap3A_271 = vector.shape_cast %swap3A_270 : vector<1x16xf32> to vector<16xf32>
    %swap3A_272 = vector.shape_cast %broadcast_in_dim3A_266 : vector<16xf32> to vector<1x16xf32>
    tpu.vector_store %arg8[%swap3A_268, %swap3A_269], %swap3A_272 {strides = array<i32>} : memref<8x128xf32, #tpu.memory_space<vmem>>, vector<1x16xf32>,
    %broadcast_in_dim3A_273 = arith.constant 0.000000e+00 : f32
    %broadcast_in_dim3A_274 = vector.broadcast %broadcast_in_dim3A_273 : f32 to vector<16xf32>
    %swap3A_275 = arith.constant 4 : i32
    %swap3A_276 = arith.index_cast %swap3A_275 : i32 to index
    %swap3A_277 = arith.constant 32 : index
    %swap3A_278 = tpu.vector_load %arg8[%swap3A_276, %swap3A_277] {strides = array<i32>} : memref<8x128xf32, #tpu.memory_space<vmem>>, vector<1x16xf32>,
    %swap3A_279 = vector.shape_cast %swap3A_278 : vector<1x16xf32> to vector<16xf32>
    %swap3A_280 = vector.shape_cast %broadcast_in_dim3A_274 : vector<16xf32> to vector<1x16xf32>
    tpu.vector_store %arg8[%swap3A_276, %swap3A_277], %swap3A_280 {strides = array<i32>} : memref<8x128xf32, #tpu.memory_space<vmem>>, vector<1x16xf32>,
    %broadcast_in_dim3A_281 = arith.constant 0.000000e+00 : f32
    %broadcast_in_dim3A_282 = vector.broadcast %broadcast_in_dim3A_281 : f32 to vector<16xf32>
    %swap3A_283 = arith.constant 4 : i32
    %swap3A_284 = arith.index_cast %swap3A_283 : i32 to index
    %swap3A_285 = arith.constant 48 : index
    %swap3A_286 = tpu.vector_load %arg8[%swap3A_284, %swap3A_285] {strides = array<i32>} : memref<8x128xf32, #tpu.memory_space<vmem>>, vector<1x16xf32>,
    %swap3A_287 = vector.shape_cast %swap3A_286 : vector<1x16xf32> to vector<16xf32>
    %swap3A_288 = vector.shape_cast %broadcast_in_dim3A_282 : vector<16xf32> to vector<1x16xf32>
    tpu.vector_store %arg8[%swap3A_284, %swap3A_285], %swap3A_288 {strides = array<i32>} : memref<8x128xf32, #tpu.memory_space<vmem>>, vector<1x16xf32>,
    %broadcast_in_dim3A_289 = arith.constant 0.000000e+00 : f32
    %broadcast_in_dim3A_290 = vector.broadcast %broadcast_in_dim3A_289 : f32 to vector<16xf32>
    %swap3A_291 = arith.constant 4 : i32
    %swap3A_292 = arith.index_cast %swap3A_291 : i32 to index
    %swap3A_293 = arith.constant 64 : index
    %swap3A_294 = tpu.vector_load %arg8[%swap3A_292, %swap3A_293] {strides = array<i32>} : memref<8x128xf32, #tpu.memory_space<vmem>>, vector<1x16xf32>,
    %swap3A_295 = vector.shape_cast %swap3A_294 : vector<1x16xf32> to vector<16xf32>
    %swap3A_296 = vector.shape_cast %broadcast_in_dim3A_290 : vector<16xf32> to vector<1x16xf32>
    tpu.vector_store %arg8[%swap3A_292, %swap3A_293], %swap3A_296 {strides = array<i32>} : memref<8x128xf32, #tpu.memory_space<vmem>>, vector<1x16xf32>,
    %broadcast_in_dim3A_297 = arith.constant 0.000000e+00 : f32
    %broadcast_in_dim3A_298 = vector.broadcast %broadcast_in_dim3A_297 : f32 to vector<16xf32>
    %swap3A_299 = arith.constant 4 : i32
    %swap3A_300 = arith.index_cast %swap3A_299 : i32 to index
    %swap3A_301 = arith.constant 80 : index
    %swap3A_302 = tpu.vector_load %arg8[%swap3A_300, %swap3A_301] {strides = array<i32>} : memref<8x128xf32, #tpu.memory_space<vmem>>, vector<1x16xf32>,
    %swap3A_303 = vector.shape_cast %swap3A_302 : vector<1x16xf32> to vector<16xf32>
    %swap3A_304 = vector.shape_cast %broadcast_in_dim3A_298 : vector<16xf32> to vector<1x16xf32>
    tpu.vector_store %arg8[%swap3A_300, %swap3A_301], %swap3A_304 {strides = array<i32>} : memref<8x128xf32, #tpu.memory_space<vmem>>, vector<1x16xf32>,
    %broadcast_in_dim3A_305 = arith.constant 0.000000e+00 : f32
    %broadcast_in_dim3A_306 = vector.broadcast %broadcast_in_dim3A_305 : f32 to vector<16xf32>
    %swap3A_307 = arith.constant 4 : i32
    %swap3A_308 = arith.index_cast %swap3A_307 : i32 to index
    %swap3A_309 = arith.constant 96 : index
    %swap3A_310 = tpu.vector_load %arg8[%swap3A_308, %swap3A_309] {strides = array<i32>} : memref<8x128xf32, #tpu.memory_space<vmem>>, vector<1x16xf32>,
    %swap3A_311 = vector.shape_cast %swap3A_310 : vector<1x16xf32> to vector<16xf32>
    %swap3A_312 = vector.shape_cast %broadcast_in_dim3A_306 : vector<16xf32> to vector<1x16xf32>
    tpu.vector_store %arg8[%swap3A_308, %swap3A_309], %swap3A_312 {strides = array<i32>} : memref<8x128xf32, #tpu.memory_space<vmem>>, vector<1x16xf32>,
    %broadcast_in_dim3A_313 = arith.constant 0.000000e+00 : f32
    %broadcast_in_dim3A_314 = vector.broadcast %broadcast_in_dim3A_313 : f32 to vector<16xf32>
    %swap3A_315 = arith.constant 4 : i32
    %swap3A_316 = arith.index_cast %swap3A_315 : i32 to index
    %swap3A_317 = arith.constant 112 : index
    %swap3A_318 = tpu.vector_load %arg8[%swap3A_316, %swap3A_317] {strides = array<i32>} : memref<8x128xf32, #tpu.memory_space<vmem>>, vector<1x16xf32>,
    %swap3A_319 = vector.shape_cast %swap3A_318 : vector<1x16xf32> to vector<16xf32>
    %swap3A_320 = vector.shape_cast %broadcast_in_dim3A_314 : vector<16xf32> to vector<1x16xf32>
    tpu.vector_store %arg8[%swap3A_316, %swap3A_317], %swap3A_320 {strides = array<i32>} : memref<8x128xf32, #tpu.memory_space<vmem>>, vector<1x16xf32>,
    %broadcast_in_dim3A_321 = arith.constant 0.000000e+00 : f32
    %broadcast_in_dim3A_322 = vector.broadcast %broadcast_in_dim3A_321 : f32 to vector<16xf32>
    %swap3A_323 = arith.constant 5 : i32
    %swap3A_324 = arith.index_cast %swap3A_323 : i32 to index
    %swap3A_325 = arith.constant 0 : index
    %swap3A_326 = tpu.vector_load %arg8[%swap3A_324, %swap3A_325] {strides = array<i32>} : memref<8x128xf32, #tpu.memory_space<vmem>>, vector<1x16xf32>,
    %swap3A_327 = vector.shape_cast %swap3A_326 : vector<1x16xf32> to vector<16xf32>
    %swap3A_328 = vector.shape_cast %broadcast_in_dim3A_322 : vector<16xf32> to vector<1x16xf32>
    tpu.vector_store %arg8[%swap3A_324, %swap3A_325], %swap3A_328 {strides = array<i32>} : memref<8x128xf32, #tpu.memory_space<vmem>>, vector<1x16xf32>,
    %broadcast_in_dim3A_329 = arith.constant 0.000000e+00 : f32
    %broadcast_in_dim3A_330 = vector.broadcast %broadcast_in_dim3A_329 : f32 to vector<16xf32>
    %swap3A_331 = arith.constant 5 : i32
    %swap3A_332 = arith.index_cast %swap3A_331 : i32 to index
    %swap3A_333 = arith.constant 16 : index
    %swap3A_334 = tpu.vector_load %arg8[%swap3A_332, %swap3A_333] {strides = array<i32>} : memref<8x128xf32, #tpu.memory_space<vmem>>, vector<1x16xf32>,
    %swap3A_335 = vector.shape_cast %swap3A_334 : vector<1x16xf32> to vector<16xf32>
    %swap3A_336 = vector.shape_cast %broadcast_in_dim3A_330 : vector<16xf32> to vector<1x16xf32>
    tpu.vector_store %arg8[%swap3A_332, %swap3A_333], %swap3A_336 {strides = array<i32>} : memref<8x128xf32, #tpu.memory_space<vmem>>, vector<1x16xf32>,
    %broadcast_in_dim3A_337 = arith.constant 0.000000e+00 : f32
    %broadcast_in_dim3A_338 = vector.broadcast %broadcast_in_dim3A_337 : f32 to vector<16xf32>
    %swap3A_339 = arith.constant 5 : i32
    %swap3A_340 = arith.index_cast %swap3A_339 : i32 to index
    %swap3A_341 = arith.constant 32 : index
    %swap3A_342 = tpu.vector_load %arg8[%swap3A_340, %swap3A_341] {strides = array<i32>} : memref<8x128xf32, #tpu.memory_space<vmem>>, vector<1x16xf32>,
    %swap3A_343 = vector.shape_cast %swap3A_342 : vector<1x16xf32> to vector<16xf32>
    %swap3A_344 = vector.shape_cast %broadcast_in_dim3A_338 : vector<16xf32> to vector<1x16xf32>
    tpu.vector_store %arg8[%swap3A_340, %swap3A_341], %swap3A_344 {strides = array<i32>} : memref<8x128xf32, #tpu.memory_space<vmem>>, vector<1x16xf32>,
    %broadcast_in_dim3A_345 = arith.constant 0.000000e+00 : f32
    %broadcast_in_dim3A_346 = vector.broadcast %broadcast_in_dim3A_345 : f32 to vector<16xf32>
    %swap3A_347 = arith.constant 5 : i32
    %swap3A_348 = arith.index_cast %swap3A_347 : i32 to index
    %swap3A_349 = arith.constant 48 : index
    %swap3A_350 = tpu.vector_load %arg8[%swap3A_348, %swap3A_349] {strides = array<i32>} : memref<8x128xf32, #tpu.memory_space<vmem>>, vector<1x16xf32>,
    %swap3A_351 = vector.shape_cast %swap3A_350 : vector<1x16xf32> to vector<16xf32>
    %swap3A_352 = vector.shape_cast %broadcast_in_dim3A_346 : vector<16xf32> to vector<1x16xf32>
    tpu.vector_store %arg8[%swap3A_348, %swap3A_349], %swap3A_352 {strides = array<i32>} : memref<8x128xf32, #tpu.memory_space<vmem>>, vector<1x16xf32>,
    %broadcast_in_dim3A_353 = arith.constant 0.000000e+00 : f32
    %broadcast_in_dim3A_354 = vector.broadcast %broadcast_in_dim3A_353 : f32 to vector<16xf32>
    %swap3A_355 = arith.constant 5 : i32
    %swap3A_356 = arith.index_cast %swap3A_355 : i32 to index
    %swap3A_357 = arith.constant 64 : index
    %swap3A_358 = tpu.vector_load %arg8[%swap3A_356, %swap3A_357] {strides = array<i32>} : memref<8x128xf32, #tpu.memory_space<vmem>>, vector<1x16xf32>,
    %swap3A_359 = vector.shape_cast %swap3A_358 : vector<1x16xf32> to vector<16xf32>
    %swap3A_360 = vector.shape_cast %broadcast_in_dim3A_354 : vector<16xf32> to vector<1x16xf32>
    tpu.vector_store %arg8[%swap3A_356, %swap3A_357], %swap3A_360 {strides = array<i32>} : memref<8x128xf32, #tpu.memory_space<vmem>>, vector<1x16xf32>,
    %broadcast_in_dim3A_361 = arith.constant 0.000000e+00 : f32
    %broadcast_in_dim3A_362 = vector.broadcast %broadcast_in_dim3A_361 : f32 to vector<16xf32>
    %swap3A_363 = arith.constant 5 : i32
    %swap3A_364 = arith.index_cast %swap3A_363 : i32 to index
    %swap3A_365 = arith.constant 80 : index
    %swap3A_366 = tpu.vector_load %arg8[%swap3A_364, %swap3A_365] {strides = array<i32>} : memref<8x128xf32, #tpu.memory_space<vmem>>, vector<1x16xf32>,
    %swap3A_367 = vector.shape_cast %swap3A_366 : vector<1x16xf32> to vector<16xf32>
    %swap3A_368 = vector.shape_cast %broadcast_in_dim3A_362 : vector<16xf32> to vector<1x16xf32>
    tpu.vector_store %arg8[%swap3A_364, %swap3A_365], %swap3A_368 {strides = array<i32>} : memref<8x128xf32, #tpu.memory_space<vmem>>, vector<1x16xf32>,
    %broadcast_in_dim3A_369 = arith.constant 0.000000e+00 : f32
    %broadcast_in_dim3A_370 = vector.broadcast %broadcast_in_dim3A_369 : f32 to vector<16xf32>
    %swap3A_371 = arith.constant 5 : i32
    %swap3A_372 = arith.index_cast %swap3A_371 : i32 to index
    %swap3A_373 = arith.constant 96 : index
    %swap3A_374 = tpu.vector_load %arg8[%swap3A_372, %swap3A_373] {strides = array<i32>} : memref<8x128xf32, #tpu.memory_space<vmem>>, vector<1x16xf32>,
    %swap3A_375 = vector.shape_cast %swap3A_374 : vector<1x16xf32> to vector<16xf32>
    %swap3A_376 = vector.shape_cast %broadcast_in_dim3A_370 : vector<16xf32> to vector<1x16xf32>
    tpu.vector_store %arg8[%swap3A_372, %swap3A_373], %swap3A_376 {strides = array<i32>} : memref<8x128xf32, #tpu.memory_space<vmem>>, vector<1x16xf32>,
    %broadcast_in_dim3A_377 = arith.constant 0.000000e+00 : f32
    %broadcast_in_dim3A_378 = vector.broadcast %broadcast_in_dim3A_377 : f32 to vector<16xf32>
    %swap3A_379 = arith.constant 5 : i32
    %swap3A_380 = arith.index_cast %swap3A_379 : i32 to index
    %swap3A_381 = arith.constant 112 : index
    %swap3A_382 = tpu.vector_load %arg8[%swap3A_380, %swap3A_381] {strides = array<i32>} : memref<8x128xf32, #tpu.memory_space<vmem>>, vector<1x16xf32>,
    %swap3A_383 = vector.shape_cast %swap3A_382 : vector<1x16xf32> to vector<16xf32>
    %swap3A_384 = vector.shape_cast %broadcast_in_dim3A_378 : vector<16xf32> to vector<1x16xf32>
    tpu.vector_store %arg8[%swap3A_380, %swap3A_381], %swap3A_384 {strides = array<i32>} : memref<8x128xf32, #tpu.memory_space<vmem>>, vector<1x16xf32>,
    %broadcast_in_dim3A_385 = arith.constant 0.000000e+00 : f32
    %broadcast_in_dim3A_386 = vector.broadcast %broadcast_in_dim3A_385 : f32 to vector<16xf32>
    %swap3A_387 = arith.constant 6 : i32
    %swap3A_388 = arith.index_cast %swap3A_387 : i32 to index
    %swap3A_389 = arith.constant 0 : index
    %swap3A_390 = tpu.vector_load %arg8[%swap3A_388, %swap3A_389] {strides = array<i32>} : memref<8x128xf32, #tpu.memory_space<vmem>>, vector<1x16xf32>,
    %swap3A_391 = vector.shape_cast %swap3A_390 : vector<1x16xf32> to vector<16xf32>
    %swap3A_392 = vector.shape_cast %broadcast_in_dim3A_386 : vector<16xf32> to vector<1x16xf32>
    tpu.vector_store %arg8[%swap3A_388, %swap3A_389], %swap3A_392 {strides = array<i32>} : memref<8x128xf32, #tpu.memory_space<vmem>>, vector<1x16xf32>,
    %broadcast_in_dim3A_393 = arith.constant 0.000000e+00 : f32
    %broadcast_in_dim3A_394 = vector.broadcast %broadcast_in_dim3A_393 : f32 to vector<16xf32>
    %swap3A_395 = arith.constant 6 : i32
    %swap3A_396 = arith.index_cast %swap3A_395 : i32 to index
    %swap3A_397 = arith.constant 16 : index
    %swap3A_398 = tpu.vector_load %arg8[%swap3A_396, %swap3A_397] {strides = array<i32>} : memref<8x128xf32, #tpu.memory_space<vmem>>, vector<1x16xf32>,
    %swap3A_399 = vector.shape_cast %swap3A_398 : vector<1x16xf32> to vector<16xf32>
    %swap3A_400 = vector.shape_cast %broadcast_in_dim3A_394 : vector<16xf32> to vector<1x16xf32>
    tpu.vector_store %arg8[%swap3A_396, %swap3A_397], %swap3A_400 {strides = array<i32>} : memref<8x128xf32, #tpu.memory_space<vmem>>, vector<1x16xf32>,
    %broadcast_in_dim3A_401 = arith.constant 0.000000e+00 : f32
    %broadcast_in_dim3A_402 = vector.broadcast %broadcast_in_dim3A_401 : f32 to vector<16xf32>
    %swap3A_403 = arith.constant 6 : i32
    %swap3A_404 = arith.index_cast %swap3A_403 : i32 to index
    %swap3A_405 = arith.constant 32 : index
    %swap3A_406 = tpu.vector_load %arg8[%swap3A_404, %swap3A_405] {strides = array<i32>} : memref<8x128xf32, #tpu.memory_space<vmem>>, vector<1x16xf32>,
    %swap3A_407 = vector.shape_cast %swap3A_406 : vector<1x16xf32> to vector<16xf32>
    %swap3A_408 = vector.shape_cast %broadcast_in_dim3A_402 : vector<16xf32> to vector<1x16xf32>
    tpu.vector_store %arg8[%swap3A_404, %swap3A_405], %swap3A_408 {strides = array<i32>} : memref<8x128xf32, #tpu.memory_space<vmem>>, vector<1x16xf32>,
    %broadcast_in_dim3A_409 = arith.constant 0.000000e+00 : f32
    %broadcast_in_dim3A_410 = vector.broadcast %broadcast_in_dim3A_409 : f32 to vector<16xf32>
    %swap3A_411 = arith.constant 6 : i32
    %swap3A_412 = arith.index_cast %swap3A_411 : i32 to index
    %swap3A_413 = arith.constant 48 : index
    %swap3A_414 = tpu.vector_load %arg8[%swap3A_412, %swap3A_413] {strides = array<i32>} : memref<8x128xf32, #tpu.memory_space<vmem>>, vector<1x16xf32>,
    %swap3A_415 = vector.shape_cast %swap3A_414 : vector<1x16xf32> to vector<16xf32>
    %swap3A_416 = vector.shape_cast %broadcast_in_dim3A_410 : vector<16xf32> to vector<1x16xf32>
    tpu.vector_store %arg8[%swap3A_412, %swap3A_413], %swap3A_416 {strides = array<i32>} : memref<8x128xf32, #tpu.memory_space<vmem>>, vector<1x16xf32>,
    %broadcast_in_dim3A_417 = arith.constant 0.000000e+00 : f32
    %broadcast_in_dim3A_418 = vector.broadcast %broadcast_in_dim3A_417 : f32 to vector<16xf32>
    %swap3A_419 = arith.constant 6 : i32
    %swap3A_420 = arith.index_cast %swap3A_419 : i32 to index
    %swap3A_421 = arith.constant 64 : index
    %swap3A_422 = tpu.vector_load %arg8[%swap3A_420, %swap3A_421] {strides = array<i32>} : memref<8x128xf32, #tpu.memory_space<vmem>>, vector<1x16xf32>,
    %swap3A_423 = vector.shape_cast %swap3A_422 : vector<1x16xf32> to vector<16xf32>
    %swap3A_424 = vector.shape_cast %broadcast_in_dim3A_418 : vector<16xf32> to vector<1x16xf32>
    tpu.vector_store %arg8[%swap3A_420, %swap3A_421], %swap3A_424 {strides = array<i32>} : memref<8x128xf32, #tpu.memory_space<vmem>>, vector<1x16xf32>,
    %broadcast_in_dim3A_425 = arith.constant 0.000000e+00 : f32
    %broadcast_in_dim3A_426 = vector.broadcast %broadcast_in_dim3A_425 : f32 to vector<16xf32>
    %swap3A_427 = arith.constant 6 : i32
    %swap3A_428 = arith.index_cast %swap3A_427 : i32 to index
    %swap3A_429 = arith.constant 80 : index
    %swap3A_430 = tpu.vector_load %arg8[%swap3A_428, %swap3A_429] {strides = array<i32>} : memref<8x128xf32, #tpu.memory_space<vmem>>, vector<1x16xf32>,
    %swap3A_431 = vector.shape_cast %swap3A_430 : vector<1x16xf32> to vector<16xf32>
    %swap3A_432 = vector.shape_cast %broadcast_in_dim3A_426 : vector<16xf32> to vector<1x16xf32>
    tpu.vector_store %arg8[%swap3A_428, %swap3A_429], %swap3A_432 {strides = array<i32>} : memref<8x128xf32, #tpu.memory_space<vmem>>, vector<1x16xf32>,
    %broadcast_in_dim3A_433 = arith.constant 0.000000e+00 : f32
    %broadcast_in_dim3A_434 = vector.broadcast %broadcast_in_dim3A_433 : f32 to vector<16xf32>
    %swap3A_435 = arith.constant 6 : i32
    %swap3A_436 = arith.index_cast %swap3A_435 : i32 to index
    %swap3A_437 = arith.constant 96 : index
    %swap3A_438 = tpu.vector_load %arg8[%swap3A_436, %swap3A_437] {strides = array<i32>} : memref<8x128xf32, #tpu.memory_space<vmem>>, vector<1x16xf32>,
    %swap3A_439 = vector.shape_cast %swap3A_438 : vector<1x16xf32> to vector<16xf32>
    %swap3A_440 = vector.shape_cast %broadcast_in_dim3A_434 : vector<16xf32> to vector<1x16xf32>
    tpu.vector_store %arg8[%swap3A_436, %swap3A_437], %swap3A_440 {strides = array<i32>} : memref<8x128xf32, #tpu.memory_space<vmem>>, vector<1x16xf32>,
    %broadcast_in_dim3A_441 = arith.constant 0.000000e+00 : f32
    %broadcast_in_dim3A_442 = vector.broadcast %broadcast_in_dim3A_441 : f32 to vector<16xf32>
    %swap3A_443 = arith.constant 6 : i32
    %swap3A_444 = arith.index_cast %swap3A_443 : i32 to index
    %swap3A_445 = arith.constant 112 : index
    %swap3A_446 = tpu.vector_load %arg8[%swap3A_444, %swap3A_445] {strides = array<i32>} : memref<8x128xf32, #tpu.memory_space<vmem>>, vector<1x16xf32>,
    %swap3A_447 = vector.shape_cast %swap3A_446 : vector<1x16xf32> to vector<16xf32>
    %swap3A_448 = vector.shape_cast %broadcast_in_dim3A_442 : vector<16xf32> to vector<1x16xf32>
    tpu.vector_store %arg8[%swap3A_444, %swap3A_445], %swap3A_448 {strides = array<i32>} : memref<8x128xf32, #tpu.memory_space<vmem>>, vector<1x16xf32>,
    %broadcast_in_dim3A_449 = arith.constant 0.000000e+00 : f32
    %broadcast_in_dim3A_450 = vector.broadcast %broadcast_in_dim3A_449 : f32 to vector<16xf32>
    %swap3A_451 = arith.constant 7 : i32
    %swap3A_452 = arith.index_cast %swap3A_451 : i32 to index
    %swap3A_453 = arith.constant 0 : index
    %swap3A_454 = tpu.vector_load %arg8[%swap3A_452, %swap3A_453] {strides = array<i32>} : memref<8x128xf32, #tpu.memory_space<vmem>>, vector<1x16xf32>,
    %swap3A_455 = vector.shape_cast %swap3A_454 : vector<1x16xf32> to vector<16xf32>
    %swap3A_456 = vector.shape_cast %broadcast_in_dim3A_450 : vector<16xf32> to vector<1x16xf32>
    tpu.vector_store %arg8[%swap3A_452, %swap3A_453], %swap3A_456 {strides = array<i32>} : memref<8x128xf32, #tpu.memory_space<vmem>>, vector<1x16xf32>,
    %broadcast_in_dim3A_457 = arith.constant 0.000000e+00 : f32
    %broadcast_in_dim3A_458 = vector.broadcast %broadcast_in_dim3A_457 : f32 to vector<16xf32>
    %swap3A_459 = arith.constant 7 : i32
    %swap3A_460 = arith.index_cast %swap3A_459 : i32 to index
    %swap3A_461 = arith.constant 16 : index
    %swap3A_462 = tpu.vector_load %arg8[%swap3A_460, %swap3A_461] {strides = array<i32>} : memref<8x128xf32, #tpu.memory_space<vmem>>, vector<1x16xf32>,
    %swap3A_463 = vector.shape_cast %swap3A_462 : vector<1x16xf32> to vector<16xf32>
    %swap3A_464 = vector.shape_cast %broadcast_in_dim3A_458 : vector<16xf32> to vector<1x16xf32>
    tpu.vector_store %arg8[%swap3A_460, %swap3A_461], %swap3A_464 {strides = array<i32>} : memref<8x128xf32, #tpu.memory_space<vmem>>, vector<1x16xf32>,
    %broadcast_in_dim3A_465 = arith.constant 0.000000e+00 : f32
    %broadcast_in_dim3A_466 = vector.broadcast %broadcast_in_dim3A_465 : f32 to vector<16xf32>
    %swap3A_467 = arith.constant 7 : i32
    %swap3A_468 = arith.index_cast %swap3A_467 : i32 to index
    %swap3A_469 = arith.constant 32 : index
    %swap3A_470 = tpu.vector_load %arg8[%swap3A_468, %swap3A_469] {strides = array<i32>} : memref<8x128xf32, #tpu.memory_space<vmem>>, vector<1x16xf32>,
    %swap3A_471 = vector.shape_cast %swap3A_470 : vector<1x16xf32> to vector<16xf32>
    %swap3A_472 = vector.shape_cast %broadcast_in_dim3A_466 : vector<16xf32> to vector<1x16xf32>
    tpu.vector_store %arg8[%swap3A_468, %swap3A_469], %swap3A_472 {strides = array<i32>} : memref<8x128xf32, #tpu.memory_space<vmem>>, vector<1x16xf32>,
    %broadcast_in_dim3A_473 = arith.constant 0.000000e+00 : f32
    %broadcast_in_dim3A_474 = vector.broadcast %broadcast_in_dim3A_473 : f32 to vector<16xf32>
    %swap3A_475 = arith.constant 7 : i32
    %swap3A_476 = arith.index_cast %swap3A_475 : i32 to index
    %swap3A_477 = arith.constant 48 : index
    %swap3A_478 = tpu.vector_load %arg8[%swap3A_476, %swap3A_477] {strides = array<i32>} : memref<8x128xf32, #tpu.memory_space<vmem>>, vector<1x16xf32>,
    %swap3A_479 = vector.shape_cast %swap3A_478 : vector<1x16xf32> to vector<16xf32>
    %swap3A_480 = vector.shape_cast %broadcast_in_dim3A_474 : vector<16xf32> to vector<1x16xf32>
    tpu.vector_store %arg8[%swap3A_476, %swap3A_477], %swap3A_480 {strides = array<i32>} : memref<8x128xf32, #tpu.memory_space<vmem>>, vector<1x16xf32>,
    %broadcast_in_dim3A_481 = arith.constant 0.000000e+00 : f32
    %broadcast_in_dim3A_482 = vector.broadcast %broadcast_in_dim3A_481 : f32 to vector<16xf32>
    %swap3A_483 = arith.constant 7 : i32
    %swap3A_484 = arith.index_cast %swap3A_483 : i32 to index
    %swap3A_485 = arith.constant 64 : index
    %swap3A_486 = tpu.vector_load %arg8[%swap3A_484, %swap3A_485] {strides = array<i32>} : memref<8x128xf32, #tpu.memory_space<vmem>>, vector<1x16xf32>,
    %swap3A_487 = vector.shape_cast %swap3A_486 : vector<1x16xf32> to vector<16xf32>
    %swap3A_488 = vector.shape_cast %broadcast_in_dim3A_482 : vector<16xf32> to vector<1x16xf32>
    tpu.vector_store %arg8[%swap3A_484, %swap3A_485], %swap3A_488 {strides = array<i32>} : memref<8x128xf32, #tpu.memory_space<vmem>>, vector<1x16xf32>,
    %broadcast_in_dim3A_489 = arith.constant 0.000000e+00 : f32
    %broadcast_in_dim3A_490 = vector.broadcast %broadcast_in_dim3A_489 : f32 to vector<16xf32>
    %swap3A_491 = arith.constant 7 : i32
    %swap3A_492 = arith.index_cast %swap3A_491 : i32 to index
    %swap3A_493 = arith.constant 80 : index
    %swap3A_494 = tpu.vector_load %arg8[%swap3A_492, %swap3A_493] {strides = array<i32>} : memref<8x128xf32, #tpu.memory_space<vmem>>, vector<1x16xf32>,
    %swap3A_495 = vector.shape_cast %swap3A_494 : vector<1x16xf32> to vector<16xf32>
    %swap3A_496 = vector.shape_cast %broadcast_in_dim3A_490 : vector<16xf32> to vector<1x16xf32>
    tpu.vector_store %arg8[%swap3A_492, %swap3A_493], %swap3A_496 {strides = array<i32>} : memref<8x128xf32, #tpu.memory_space<vmem>>, vector<1x16xf32>,
    %broadcast_in_dim3A_497 = arith.constant 0.000000e+00 : f32
    %broadcast_in_dim3A_498 = vector.broadcast %broadcast_in_dim3A_497 : f32 to vector<16xf32>
    %swap3A_499 = arith.constant 7 : i32
    %swap3A_500 = arith.index_cast %swap3A_499 : i32 to index
    %swap3A_501 = arith.constant 96 : index
    %swap3A_502 = tpu.vector_load %arg8[%swap3A_500, %swap3A_501] {strides = array<i32>} : memref<8x128xf32, #tpu.memory_space<vmem>>, vector<1x16xf32>,
    %swap3A_503 = vector.shape_cast %swap3A_502 : vector<1x16xf32> to vector<16xf32>
    %swap3A_504 = vector.shape_cast %broadcast_in_dim3A_498 : vector<16xf32> to vector<1x16xf32>
    tpu.vector_store %arg8[%swap3A_500, %swap3A_501], %swap3A_504 {strides = array<i32>} : memref<8x128xf32, #tpu.memory_space<vmem>>, vector<1x16xf32>,
    %broadcast_in_dim3A_505 = arith.constant 0.000000e+00 : f32
    %broadcast_in_dim3A_506 = vector.broadcast %broadcast_in_dim3A_505 : f32 to vector<16xf32>
    %swap3A_507 = arith.constant 7 : i32
    %swap3A_508 = arith.index_cast %swap3A_507 : i32 to index
    %swap3A_509 = arith.constant 112 : index
    %swap3A_510 = tpu.vector_load %arg8[%swap3A_508, %swap3A_509] {strides = array<i32>} : memref<8x128xf32, #tpu.memory_space<vmem>>, vector<1x16xf32>,
    %swap3A_511 = vector.shape_cast %swap3A_510 : vector<1x16xf32> to vector<16xf32>
    %swap3A_512 = vector.shape_cast %broadcast_in_dim3A_506 : vector<16xf32> to vector<1x16xf32>
    tpu.vector_store %arg8[%swap3A_508, %swap3A_509], %swap3A_512 {strides = array<i32>} : memref<8x128xf32, #tpu.memory_space<vmem>>, vector<1x16xf32>,
    %scan3A = arith.constant 0 : i32
    %scan3A_513 = arith.constant 0 : i32
    %scan3A_514 = arith.constant 79 : i32
    %scan3A_515 = arith.addi %scan3A_513, %scan3A_514 : i32
    %scan3A_516 = arith.constant 1 : i32
    scf.for %scan3A_551 = %scan3A_513 to %scan3A_515 step %scan3A_516  : i32 {
      %mul3A_552 = arith.constant 8 : i32
      %mul3A_553 = arith.muli %scan3A_551, %mul3A_552 : i32
      %add3A_554 = arith.addi %mul3A_2, %mul3A_553 : i32
      "tpu.region"() ({
        %run_scoped3A = tpu.sem_alloc : memref<!tpu.dma_semaphore, #tpu.memory_space<semaphore_mem>>
        %dma_start3A = arith.constant 0 : i32
        %dma_start3A_555 = tpu.memref_slice %arg9[%add3A_554, %dma_start3A] : memref<10112x128xf32, #tpu.memory_space<vmem_shared>> -> memref<8x128xf32, #tpu.memory_space<vmem_shared>>
        %dma_start3A_556 = arith.constant 0 : i32
        %dma_start3A_557 = tpu.memref_slice %arg9[%add3A_554, %dma_start3A_556] : memref<10112x128xf32, #tpu.memory_space<vmem_shared>> -> memref<8x128xf32, #tpu.memory_space<vmem_shared>>
        tpu.enqueue_dma source(%arg8 : memref<8x128xf32, #tpu.memory_space<vmem>>) target(%dma_start3A_557 : memref<8x128xf32, #tpu.memory_space<vmem_shared>>) target_semaphore(%run_scoped3A : memref<!tpu.dma_semaphore, #tpu.memory_space<semaphore_mem>>)
        %dma_wait3A_558 = arith.constant 0 : i32
        %dma_wait3A_559 = tpu.memref_slice %arg9[%add3A_554, %dma_wait3A_558] : memref<10112x128xf32, #tpu.memory_space<vmem_shared>> -> memref<8x128xf32, #tpu.memory_space<vmem_shared>>
        %dma_wait3A_560 = arith.constant 0 : i32
        %dma_wait3A_561 = tpu.memref_slice %arg9[%add3A_554, %dma_wait3A_560] : memref<10112x128xf32, #tpu.memory_space<vmem_shared>> -> memref<8x128xf32, #tpu.memory_space<vmem_shared>>
        tpu.wait_dma2 semaphore(%run_scoped3A : memref<!tpu.dma_semaphore, #tpu.memory_space<semaphore_mem>>) src(%arg8 : memref<8x128xf32, #tpu.memory_space<vmem>>) dst(%dma_wait3A_561 : memref<8x128xf32, #tpu.memory_space<vmem_shared>>)
        tpu.yield
      }) : () -> ()
    }
    %scan3A_517 = arith.constant 79 : i32
    %barrier3A = arith.constant 0 : index
    tpu.barrier barrier_id(%barrier3A)
    %scan3A_518 = arith.constant 0 : i32
    %scan3A_519 = arith.constant 0 : i32
    %scan3A_520 = arith.constant 40 : i32
    %scan3A_521 = arith.addi %scan3A_519, %scan3A_520 : i32
    %scan3A_522 = arith.constant 1 : i32
    scf.for %scan3A_551 = %scan3A_519 to %scan3A_521 step %scan3A_522  : i32 {
      %mul3A_552 = arith.constant 2 : i32
      %mul3A_553 = arith.muli %mul3A_552, %scan3A_551 : i32
      %add3A_554 = arith.constant 1 : i32
      %add3A_555 = arith.addi %mul3A_553, %add3A_554 : i32
      %gt3A = arith.constant 0 : i32
      %gt3A_556 = arith.cmpi sgt, %scan3A_551, %gt3A : i32
      %convert_element_type3A_557 = arith.extui %gt3A_556 : i1 to i32
      %cond3A_558 = arith.constant 0 : i32
      %cond3A_559 = arith.cmpi ne, %convert_element_type3A_557, %cond3A_558 : i32
      scf.if %cond3A_559 {
        %dma_wait3A_968 = arith.constant 1 : i32
        %dma_wait3A_969 = arith.constant 0 : i32
        %dma_wait3A_970 = arith.constant 0 : i32
        %dma_wait3A_971 = tpu.memref_slice %arg7[%dma_wait3A_969, %dma_wait3A_970] : memref<256x128xf32, #tpu.memory_space<vmem>> -> memref<128x128xf32, #tpu.memory_space<vmem>>
        %dma_wait3A_972 = arith.constant 0 : i32
        %dma_wait3A_973 = tpu.memref_slice %arg6[%dma_wait3A_968, %dma_wait3A_972] : memref<4x128xi32, #tpu.memory_space<vmem>> -> memref<1x128xi32, #tpu.memory_space<vmem>>
        %dma_wait3A_974 = tpu.memref_squeeze %dma_wait3A_973 : memref<1x128xi32, #tpu.memory_space<vmem>> -> memref<128xi32, #tpu.memory_space<vmem>>
        %dma_wait3A_975 = arith.constant 0 : i32
        %dma_wait3A_976 = arith.constant 0 : i32
        %dma_wait3A_977 = tpu.memref_slice %arg9[%dma_wait3A_975, %dma_wait3A_976] : memref<10112x128xf32, #tpu.memory_space<vmem_shared>> -> memref<10112x128xf32, #tpu.memory_space<vmem_shared>>
        tpu.wait_indirect_dma semaphore(%arg10 : memref<!tpu.dma_semaphore, #tpu.memory_space<semaphore_mem>>) src(%dma_wait3A_971 : memref<128x128xf32, #tpu.memory_space<vmem>>) dst(%dma_wait3A_977 : memref<10112x128xf32, #tpu.memory_space<vmem_shared>>)
        %dma_wait3A_978 = arith.constant 3 : i32
        %dma_wait3A_979 = arith.constant 128 : i32
        %dma_wait3A_980 = arith.constant 0 : i32
        %dma_wait3A_981 = tpu.memref_slice %arg7[%dma_wait3A_979, %dma_wait3A_980] : memref<256x128xf32, #tpu.memory_space<vmem>> -> memref<128x128xf32, #tpu.memory_space<vmem>>
        %dma_wait3A_982 = arith.constant 0 : i32
        %dma_wait3A_983 = tpu.memref_slice %arg6[%dma_wait3A_978, %dma_wait3A_982] : memref<4x128xi32, #tpu.memory_space<vmem>> -> memref<1x128xi32, #tpu.memory_space<vmem>>
        %dma_wait3A_984 = tpu.memref_squeeze %dma_wait3A_983 : memref<1x128xi32, #tpu.memory_space<vmem>> -> memref<128xi32, #tpu.memory_space<vmem>>
        %dma_wait3A_985 = arith.constant 0 : i32
        %dma_wait3A_986 = arith.constant 0 : i32
        %dma_wait3A_987 = tpu.memref_slice %arg9[%dma_wait3A_985, %dma_wait3A_986] : memref<10112x128xf32, #tpu.memory_space<vmem_shared>> -> memref<10112x128xf32, #tpu.memory_space<vmem_shared>>
        tpu.wait_indirect_dma semaphore(%arg10 : memref<!tpu.dma_semaphore, #tpu.memory_space<semaphore_mem>>) src(%dma_wait3A_981 : memref<128x128xf32, #tpu.memory_space<vmem>>) dst(%dma_wait3A_987 : memref<10112x128xf32, #tpu.memory_space<vmem_shared>>)
      } else {
      }
      %get3A = arith.index_cast %mul3A_553 : i32 to index
      %get3A_560 = arith.constant 0 : index
      %get3A_561 = tpu.vector_load %arg5[%get3A, %get3A_560] {strides = array<i32>} : memref<80x128xi32, #tpu.memory_space<vmem>>, vector<1x16xi32>,
      %get3A_562 = vector.shape_cast %get3A_561 : vector<1x16xi32> to vector<16xi32>
      %and3A = arith.constant 65535 : i32
      %and3A_563 = vector.broadcast %and3A : i32 to vector<16xi32>
      %and3A_564 = arith.andi %get3A_562, %and3A_563 : vector<16xi32>
      %swap3A_565 = arith.constant 0 : i32
      %swap3A_566 = arith.index_cast %swap3A_565 : i32 to index
      %swap3A_567 = arith.constant 0 : index
      %swap3A_568 = tpu.vector_load %arg6[%swap3A_566, %swap3A_567] {strides = array<i32>} : memref<4x128xi32, #tpu.memory_space<vmem>>, vector<1x16xi32>,
      %swap3A_569 = vector.shape_cast %swap3A_568 : vector<1x16xi32> to vector<16xi32>
      %swap3A_570 = vector.shape_cast %and3A_564 : vector<16xi32> to vector<1x16xi32>
      tpu.vector_store %arg6[%swap3A_566, %swap3A_567], %swap3A_570 {strides = array<i32>} : memref<4x128xi32, #tpu.memory_space<vmem>>, vector<1x16xi32>,
      %shift_right_logical3A = arith.constant 16 : i32
      %shift_right_logical3A_571 = vector.broadcast %shift_right_logical3A : i32 to vector<16xi32>
      %shift_right_logical3A_572 = arith.shrui %get3A_562, %shift_right_logical3A_571 : vector<16xi32>
      %swap3A_573 = arith.constant 1 : i32
      %swap3A_574 = arith.index_cast %swap3A_573 : i32 to index
      %swap3A_575 = arith.constant 0 : index
      %swap3A_576 = tpu.vector_load %arg6[%swap3A_574, %swap3A_575] {strides = array<i32>} : memref<4x128xi32, #tpu.memory_space<vmem>>, vector<1x16xi32>,
      %swap3A_577 = vector.shape_cast %swap3A_576 : vector<1x16xi32> to vector<16xi32>
      %swap3A_578 = vector.shape_cast %shift_right_logical3A_572 : vector<16xi32> to vector<1x16xi32>
      tpu.vector_store %arg6[%swap3A_574, %swap3A_575], %swap3A_578 {strides = array<i32>} : memref<4x128xi32, #tpu.memory_space<vmem>>, vector<1x16xi32>,
      %get3A_579 = arith.index_cast %mul3A_553 : i32 to index
      %get3A_580 = arith.constant 16 : index
      %get3A_581 = tpu.vector_load %arg5[%get3A_579, %get3A_580] {strides = array<i32>} : memref<80x128xi32, #tpu.memory_space<vmem>>, vector<1x16xi32>,
      %get3A_582 = vector.shape_cast %get3A_581 : vector<1x16xi32> to vector<16xi32>
      %and3A_583 = arith.constant 65535 : i32
      %and3A_584 = vector.broadcast %and3A_583 : i32 to vector<16xi32>
      %and3A_585 = arith.andi %get3A_582, %and3A_584 : vector<16xi32>
      %swap3A_586 = arith.constant 0 : i32
      %swap3A_587 = arith.index_cast %swap3A_586 : i32 to index
      %swap3A_588 = arith.constant 16 : index
      %swap3A_589 = tpu.vector_load %arg6[%swap3A_587, %swap3A_588] {strides = array<i32>} : memref<4x128xi32, #tpu.memory_space<vmem>>, vector<1x16xi32>,
      %swap3A_590 = vector.shape_cast %swap3A_589 : vector<1x16xi32> to vector<16xi32>
      %swap3A_591 = vector.shape_cast %and3A_585 : vector<16xi32> to vector<1x16xi32>
      tpu.vector_store %arg6[%swap3A_587, %swap3A_588], %swap3A_591 {strides = array<i32>} : memref<4x128xi32, #tpu.memory_space<vmem>>, vector<1x16xi32>,
      %shift_right_logical3A_592 = arith.constant 16 : i32
      %shift_right_logical3A_593 = vector.broadcast %shift_right_logical3A_592 : i32 to vector<16xi32>
      %shift_right_logical3A_594 = arith.shrui %get3A_582, %shift_right_logical3A_593 : vector<16xi32>
      %swap3A_595 = arith.constant 1 : i32
      %swap3A_596 = arith.index_cast %swap3A_595 : i32 to index
      %swap3A_597 = arith.constant 16 : index
      %swap3A_598 = tpu.vector_load %arg6[%swap3A_596, %swap3A_597] {strides = array<i32>} : memref<4x128xi32, #tpu.memory_space<vmem>>, vector<1x16xi32>,
      %swap3A_599 = vector.shape_cast %swap3A_598 : vector<1x16xi32> to vector<16xi32>
      %swap3A_600 = vector.shape_cast %shift_right_logical3A_594 : vector<16xi32> to vector<1x16xi32>
      tpu.vector_store %arg6[%swap3A_596, %swap3A_597], %swap3A_600 {strides = array<i32>} : memref<4x128xi32, #tpu.memory_space<vmem>>, vector<1x16xi32>,
      %get3A_601 = arith.index_cast %mul3A_553 : i32 to index
      %get3A_602 = arith.constant 32 : index
      %get3A_603 = tpu.vector_load %arg5[%get3A_601, %get3A_602] {strides = array<i32>} : memref<80x128xi32, #tpu.memory_space<vmem>>, vector<1x16xi32>,
      %get3A_604 = vector.shape_cast %get3A_603 : vector<1x16xi32> to vector<16xi32>
      %and3A_605 = arith.constant 65535 : i32
      %and3A_606 = vector.broadcast %and3A_605 : i32 to vector<16xi32>
      %and3A_607 = arith.andi %get3A_604, %and3A_606 : vector<16xi32>
      %swap3A_608 = arith.constant 0 : i32
      %swap3A_609 = arith.index_cast %swap3A_608 : i32 to index
      %swap3A_610 = arith.constant 32 : index
      %swap3A_611 = tpu.vector_load %arg6[%swap3A_609, %swap3A_610] {strides = array<i32>} : memref<4x128xi32, #tpu.memory_space<vmem>>, vector<1x16xi32>,
      %swap3A_612 = vector.shape_cast %swap3A_611 : vector<1x16xi32> to vector<16xi32>
      %swap3A_613 = vector.shape_cast %and3A_607 : vector<16xi32> to vector<1x16xi32>
      tpu.vector_store %arg6[%swap3A_609, %swap3A_610], %swap3A_613 {strides = array<i32>} : memref<4x128xi32, #tpu.memory_space<vmem>>, vector<1x16xi32>,
      %shift_right_logical3A_614 = arith.constant 16 : i32
      %shift_right_logical3A_615 = vector.broadcast %shift_right_logical3A_614 : i32 to vector<16xi32>
      %shift_right_logical3A_616 = arith.shrui %get3A_604, %shift_right_logical3A_615 : vector<16xi32>
      %swap3A_617 = arith.constant 1 : i32
      %swap3A_618 = arith.index_cast %swap3A_617 : i32 to index
      %swap3A_619 = arith.constant 32 : index
      %swap3A_620 = tpu.vector_load %arg6[%swap3A_618, %swap3A_619] {strides = array<i32>} : memref<4x128xi32, #tpu.memory_space<vmem>>, vector<1x16xi32>,
      %swap3A_621 = vector.shape_cast %swap3A_620 : vector<1x16xi32> to vector<16xi32>
      %swap3A_622 = vector.shape_cast %shift_right_logical3A_616 : vector<16xi32> to vector<1x16xi32>
      tpu.vector_store %arg6[%swap3A_618, %swap3A_619], %swap3A_622 {strides = array<i32>} : memref<4x128xi32, #tpu.memory_space<vmem>>, vector<1x16xi32>,
      %get3A_623 = arith.index_cast %mul3A_553 : i32 to index
      %get3A_624 = arith.constant 48 : index
      %get3A_625 = tpu.vector_load %arg5[%get3A_623, %get3A_624] {strides = array<i32>} : memref<80x128xi32, #tpu.memory_space<vmem>>, vector<1x16xi32>,
      %get3A_626 = vector.shape_cast %get3A_625 : vector<1x16xi32> to vector<16xi32>
      %and3A_627 = arith.constant 65535 : i32
      %and3A_628 = vector.broadcast %and3A_627 : i32 to vector<16xi32>
      %and3A_629 = arith.andi %get3A_626, %and3A_628 : vector<16xi32>
      %swap3A_630 = arith.constant 0 : i32
      %swap3A_631 = arith.index_cast %swap3A_630 : i32 to index
      %swap3A_632 = arith.constant 48 : index
      %swap3A_633 = tpu.vector_load %arg6[%swap3A_631, %swap3A_632] {strides = array<i32>} : memref<4x128xi32, #tpu.memory_space<vmem>>, vector<1x16xi32>,
      %swap3A_634 = vector.shape_cast %swap3A_633 : vector<1x16xi32> to vector<16xi32>
      %swap3A_635 = vector.shape_cast %and3A_629 : vector<16xi32> to vector<1x16xi32>
      tpu.vector_store %arg6[%swap3A_631, %swap3A_632], %swap3A_635 {strides = array<i32>} : memref<4x128xi32, #tpu.memory_space<vmem>>, vector<1x16xi32>,
      %shift_right_logical3A_636 = arith.constant 16 : i32
      %shift_right_logical3A_637 = vector.broadcast %shift_right_logical3A_636 : i32 to vector<16xi32>
      %shift_right_logical3A_638 = arith.shrui %get3A_626, %shift_right_logical3A_637 : vector<16xi32>
      %swap3A_639 = arith.constant 1 : i32
      %swap3A_640 = arith.index_cast %swap3A_639 : i32 to index
      %swap3A_641 = arith.constant 48 : index
      %swap3A_642 = tpu.vector_load %arg6[%swap3A_640, %swap3A_641] {strides = array<i32>} : memref<4x128xi32, #tpu.memory_space<vmem>>, vector<1x16xi32>,
      %swap3A_643 = vector.shape_cast %swap3A_642 : vector<1x16xi32> to vector<16xi32>
      %swap3A_644 = vector.shape_cast %shift_right_logical3A_638 : vector<16xi32> to vector<1x16xi32>
      tpu.vector_store %arg6[%swap3A_640, %swap3A_641], %swap3A_644 {strides = array<i32>} : memref<4x128xi32, #tpu.memory_space<vmem>>, vector<1x16xi32>,
      %get3A_645 = arith.index_cast %mul3A_553 : i32 to index
      %get3A_646 = arith.constant 64 : index
      %get3A_647 = tpu.vector_load %arg5[%get3A_645, %get3A_646] {strides = array<i32>} : memref<80x128xi32, #tpu.memory_space<vmem>>, vector<1x16xi32>,
      %get3A_648 = vector.shape_cast %get3A_647 : vector<1x16xi32> to vector<16xi32>
      %and3A_649 = arith.constant 65535 : i32
      %and3A_650 = vector.broadcast %and3A_649 : i32 to vector<16xi32>
      %and3A_651 = arith.andi %get3A_648, %and3A_650 : vector<16xi32>
      %swap3A_652 = arith.constant 0 : i32
      %swap3A_653 = arith.index_cast %swap3A_652 : i32 to index
      %swap3A_654 = arith.constant 64 : index
      %swap3A_655 = tpu.vector_load %arg6[%swap3A_653, %swap3A_654] {strides = array<i32>} : memref<4x128xi32, #tpu.memory_space<vmem>>, vector<1x16xi32>,
      %swap3A_656 = vector.shape_cast %swap3A_655 : vector<1x16xi32> to vector<16xi32>
      %swap3A_657 = vector.shape_cast %and3A_651 : vector<16xi32> to vector<1x16xi32>
      tpu.vector_store %arg6[%swap3A_653, %swap3A_654], %swap3A_657 {strides = array<i32>} : memref<4x128xi32, #tpu.memory_space<vmem>>, vector<1x16xi32>,
      %shift_right_logical3A_658 = arith.constant 16 : i32
      %shift_right_logical3A_659 = vector.broadcast %shift_right_logical3A_658 : i32 to vector<16xi32>
      %shift_right_logical3A_660 = arith.shrui %get3A_648, %shift_right_logical3A_659 : vector<16xi32>
      %swap3A_661 = arith.constant 1 : i32
      %swap3A_662 = arith.index_cast %swap3A_661 : i32 to index
      %swap3A_663 = arith.constant 64 : index
      %swap3A_664 = tpu.vector_load %arg6[%swap3A_662, %swap3A_663] {strides = array<i32>} : memref<4x128xi32, #tpu.memory_space<vmem>>, vector<1x16xi32>,
      %swap3A_665 = vector.shape_cast %swap3A_664 : vector<1x16xi32> to vector<16xi32>
      %swap3A_666 = vector.shape_cast %shift_right_logical3A_660 : vector<16xi32> to vector<1x16xi32>
      tpu.vector_store %arg6[%swap3A_662, %swap3A_663], %swap3A_666 {strides = array<i32>} : memref<4x128xi32, #tpu.memory_space<vmem>>, vector<1x16xi32>,
      %get3A_667 = arith.index_cast %mul3A_553 : i32 to index
      %get3A_668 = arith.constant 80 : index
      %get3A_669 = tpu.vector_load %arg5[%get3A_667, %get3A_668] {strides = array<i32>} : memref<80x128xi32, #tpu.memory_space<vmem>>, vector<1x16xi32>,
      %get3A_670 = vector.shape_cast %get3A_669 : vector<1x16xi32> to vector<16xi32>
      %and3A_671 = arith.constant 65535 : i32
      %and3A_672 = vector.broadcast %and3A_671 : i32 to vector<16xi32>
      %and3A_673 = arith.andi %get3A_670, %and3A_672 : vector<16xi32>
      %swap3A_674 = arith.constant 0 : i32
      %swap3A_675 = arith.index_cast %swap3A_674 : i32 to index
      %swap3A_676 = arith.constant 80 : index
      %swap3A_677 = tpu.vector_load %arg6[%swap3A_675, %swap3A_676] {strides = array<i32>} : memref<4x128xi32, #tpu.memory_space<vmem>>, vector<1x16xi32>,
      %swap3A_678 = vector.shape_cast %swap3A_677 : vector<1x16xi32> to vector<16xi32>
      %swap3A_679 = vector.shape_cast %and3A_673 : vector<16xi32> to vector<1x16xi32>
      tpu.vector_store %arg6[%swap3A_675, %swap3A_676], %swap3A_679 {strides = array<i32>} : memref<4x128xi32, #tpu.memory_space<vmem>>, vector<1x16xi32>,
      %shift_right_logical3A_680 = arith.constant 16 : i32
      %shift_right_logical3A_681 = vector.broadcast %shift_right_logical3A_680 : i32 to vector<16xi32>
      %shift_right_logical3A_682 = arith.shrui %get3A_670, %shift_right_logical3A_681 : vector<16xi32>
      %swap3A_683 = arith.constant 1 : i32
      %swap3A_684 = arith.index_cast %swap3A_683 : i32 to index
      %swap3A_685 = arith.constant 80 : index
      %swap3A_686 = tpu.vector_load %arg6[%swap3A_684, %swap3A_685] {strides = array<i32>} : memref<4x128xi32, #tpu.memory_space<vmem>>, vector<1x16xi32>,
      %swap3A_687 = vector.shape_cast %swap3A_686 : vector<1x16xi32> to vector<16xi32>
      %swap3A_688 = vector.shape_cast %shift_right_logical3A_682 : vector<16xi32> to vector<1x16xi32>
      tpu.vector_store %arg6[%swap3A_684, %swap3A_685], %swap3A_688 {strides = array<i32>} : memref<4x128xi32, #tpu.memory_space<vmem>>, vector<1x16xi32>,
      %get3A_689 = arith.index_cast %mul3A_553 : i32 to index
      %get3A_690 = arith.constant 96 : index
      %get3A_691 = tpu.vector_load %arg5[%get3A_689, %get3A_690] {strides = array<i32>} : memref<80x128xi32, #tpu.memory_space<vmem>>, vector<1x16xi32>,
      %get3A_692 = vector.shape_cast %get3A_691 : vector<1x16xi32> to vector<16xi32>
      %and3A_693 = arith.constant 65535 : i32
      %and3A_694 = vector.broadcast %and3A_693 : i32 to vector<16xi32>
      %and3A_695 = arith.andi %get3A_692, %and3A_694 : vector<16xi32>
      %swap3A_696 = arith.constant 0 : i32
      %swap3A_697 = arith.index_cast %swap3A_696 : i32 to index
      %swap3A_698 = arith.constant 96 : index
      %swap3A_699 = tpu.vector_load %arg6[%swap3A_697, %swap3A_698] {strides = array<i32>} : memref<4x128xi32, #tpu.memory_space<vmem>>, vector<1x16xi32>,
      %swap3A_700 = vector.shape_cast %swap3A_699 : vector<1x16xi32> to vector<16xi32>
      %swap3A_701 = vector.shape_cast %and3A_695 : vector<16xi32> to vector<1x16xi32>
      tpu.vector_store %arg6[%swap3A_697, %swap3A_698], %swap3A_701 {strides = array<i32>} : memref<4x128xi32, #tpu.memory_space<vmem>>, vector<1x16xi32>,
      %shift_right_logical3A_702 = arith.constant 16 : i32
      %shift_right_logical3A_703 = vector.broadcast %shift_right_logical3A_702 : i32 to vector<16xi32>
      %shift_right_logical3A_704 = arith.shrui %get3A_692, %shift_right_logical3A_703 : vector<16xi32>
      %swap3A_705 = arith.constant 1 : i32
      %swap3A_706 = arith.index_cast %swap3A_705 : i32 to index
      %swap3A_707 = arith.constant 96 : index
      %swap3A_708 = tpu.vector_load %arg6[%swap3A_706, %swap3A_707] {strides = array<i32>} : memref<4x128xi32, #tpu.memory_space<vmem>>, vector<1x16xi32>,
      %swap3A_709 = vector.shape_cast %swap3A_708 : vector<1x16xi32> to vector<16xi32>
      %swap3A_710 = vector.shape_cast %shift_right_logical3A_704 : vector<16xi32> to vector<1x16xi32>
      tpu.vector_store %arg6[%swap3A_706, %swap3A_707], %swap3A_710 {strides = array<i32>} : memref<4x128xi32, #tpu.memory_space<vmem>>, vector<1x16xi32>,
      %get3A_711 = arith.index_cast %mul3A_553 : i32 to index
      %get3A_712 = arith.constant 112 : index
      %get3A_713 = tpu.vector_load %arg5[%get3A_711, %get3A_712] {strides = array<i32>} : memref<80x128xi32, #tpu.memory_space<vmem>>, vector<1x16xi32>,
      %get3A_714 = vector.shape_cast %get3A_713 : vector<1x16xi32> to vector<16xi32>
      %and3A_715 = arith.constant 65535 : i32
      %and3A_716 = vector.broadcast %and3A_715 : i32 to vector<16xi32>
      %and3A_717 = arith.andi %get3A_714, %and3A_716 : vector<16xi32>
      %swap3A_718 = arith.constant 0 : i32
      %swap3A_719 = arith.index_cast %swap3A_718 : i32 to index
      %swap3A_720 = arith.constant 112 : index
      %swap3A_721 = tpu.vector_load %arg6[%swap3A_719, %swap3A_720] {strides = array<i32>} : memref<4x128xi32, #tpu.memory_space<vmem>>, vector<1x16xi32>,
      %swap3A_722 = vector.shape_cast %swap3A_721 : vector<1x16xi32> to vector<16xi32>
      %swap3A_723 = vector.shape_cast %and3A_717 : vector<16xi32> to vector<1x16xi32>
      tpu.vector_store %arg6[%swap3A_719, %swap3A_720], %swap3A_723 {strides = array<i32>} : memref<4x128xi32, #tpu.memory_space<vmem>>, vector<1x16xi32>,
      %shift_right_logical3A_724 = arith.constant 16 : i32
      %shift_right_logical3A_725 = vector.broadcast %shift_right_logical3A_724 : i32 to vector<16xi32>
      %shift_right_logical3A_726 = arith.shrui %get3A_714, %shift_right_logical3A_725 : vector<16xi32>
      %swap3A_727 = arith.constant 1 : i32
      %swap3A_728 = arith.index_cast %swap3A_727 : i32 to index
      %swap3A_729 = arith.constant 112 : index
      %swap3A_730 = tpu.vector_load %arg6[%swap3A_728, %swap3A_729] {strides = array<i32>} : memref<4x128xi32, #tpu.memory_space<vmem>>, vector<1x16xi32>,
      %swap3A_731 = vector.shape_cast %swap3A_730 : vector<1x16xi32> to vector<16xi32>
      %swap3A_732 = vector.shape_cast %shift_right_logical3A_726 : vector<16xi32> to vector<1x16xi32>
      tpu.vector_store %arg6[%swap3A_728, %swap3A_729], %swap3A_732 {strides = array<i32>} : memref<4x128xi32, #tpu.memory_space<vmem>>, vector<1x16xi32>,
      %dma_start3A = arith.constant 0 : i32
      %dma_start3A_733 = arith.constant 0 : i32
      %dma_start3A_734 = arith.constant 0 : i32
      %dma_start3A_735 = tpu.memref_slice %arg7[%dma_start3A_733, %dma_start3A_734] : memref<256x128xf32, #tpu.memory_space<vmem>> -> memref<128x128xf32, #tpu.memory_space<vmem>>
      %dma_start3A_736 = arith.constant 0 : i32
      %dma_start3A_737 = tpu.memref_slice %arg6[%dma_start3A, %dma_start3A_736] : memref<4x128xi32, #tpu.memory_space<vmem>> -> memref<1x128xi32, #tpu.memory_space<vmem>>
      %dma_start3A_738 = tpu.memref_squeeze %dma_start3A_737 : memref<1x128xi32, #tpu.memory_space<vmem>> -> memref<128xi32, #tpu.memory_space<vmem>>
      %dma_start3A_739 = arith.constant 0 : i32
      %dma_start3A_740 = arith.constant 0 : i32
      %dma_start3A_741 = tpu.memref_slice %arg2[%dma_start3A_739, %dma_start3A_740] : memref<10000x128xf32, #tpu.memory_space<hbm>> -> memref<10000x128xf32, #tpu.memory_space<hbm>>
      tpu.enqueue_indirect_dma source(%dma_start3A_741 : memref<10000x128xf32, #tpu.memory_space<hbm>>) target(%dma_start3A_735 : memref<128x128xf32, #tpu.memory_space<vmem>>) offsets(%dma_start3A_738 : memref<128xi32, #tpu.memory_space<vmem>>) semaphore(%arg10 : memref<!tpu.dma_semaphore, #tpu.memory_space<semaphore_mem>>)
      %get3A_742 = arith.index_cast %add3A_555 : i32 to index
      %get3A_743 = arith.constant 0 : index
      %get3A_744 = tpu.vector_load %arg5[%get3A_742, %get3A_743] {strides = array<i32>} : memref<80x128xi32, #tpu.memory_space<vmem>>, vector<1x16xi32>,
      %get3A_745 = vector.shape_cast %get3A_744 : vector<1x16xi32> to vector<16xi32>
      %and3A_746 = arith.constant 65535 : i32
      %and3A_747 = vector.broadcast %and3A_746 : i32 to vector<16xi32>
      %and3A_748 = arith.andi %get3A_745, %and3A_747 : vector<16xi32>
      %swap3A_749 = arith.constant 2 : i32
      %swap3A_750 = arith.index_cast %swap3A_749 : i32 to index
      %swap3A_751 = arith.constant 0 : index
      %swap3A_752 = tpu.vector_load %arg6[%swap3A_750, %swap3A_751] {strides = array<i32>} : memref<4x128xi32, #tpu.memory_space<vmem>>, vector<1x16xi32>,
      %swap3A_753 = vector.shape_cast %swap3A_752 : vector<1x16xi32> to vector<16xi32>
      %swap3A_754 = vector.shape_cast %and3A_748 : vector<16xi32> to vector<1x16xi32>
      tpu.vector_store %arg6[%swap3A_750, %swap3A_751], %swap3A_754 {strides = array<i32>} : memref<4x128xi32, #tpu.memory_space<vmem>>, vector<1x16xi32>,
      %shift_right_logical3A_755 = arith.constant 16 : i32
      %shift_right_logical3A_756 = vector.broadcast %shift_right_logical3A_755 : i32 to vector<16xi32>
      %shift_right_logical3A_757 = arith.shrui %get3A_745, %shift_right_logical3A_756 : vector<16xi32>
      %swap3A_758 = arith.constant 3 : i32
      %swap3A_759 = arith.index_cast %swap3A_758 : i32 to index
      %swap3A_760 = arith.constant 0 : index
      %swap3A_761 = tpu.vector_load %arg6[%swap3A_759, %swap3A_760] {strides = array<i32>} : memref<4x128xi32, #tpu.memory_space<vmem>>, vector<1x16xi32>,
      %swap3A_762 = vector.shape_cast %swap3A_761 : vector<1x16xi32> to vector<16xi32>
      %swap3A_763 = vector.shape_cast %shift_right_logical3A_757 : vector<16xi32> to vector<1x16xi32>
      tpu.vector_store %arg6[%swap3A_759, %swap3A_760], %swap3A_763 {strides = array<i32>} : memref<4x128xi32, #tpu.memory_space<vmem>>, vector<1x16xi32>,
      %get3A_764 = arith.index_cast %add3A_555 : i32 to index
      %get3A_765 = arith.constant 16 : index
      %get3A_766 = tpu.vector_load %arg5[%get3A_764, %get3A_765] {strides = array<i32>} : memref<80x128xi32, #tpu.memory_space<vmem>>, vector<1x16xi32>,
      %get3A_767 = vector.shape_cast %get3A_766 : vector<1x16xi32> to vector<16xi32>
      %and3A_768 = arith.constant 65535 : i32
      %and3A_769 = vector.broadcast %and3A_768 : i32 to vector<16xi32>
      %and3A_770 = arith.andi %get3A_767, %and3A_769 : vector<16xi32>
      %swap3A_771 = arith.constant 2 : i32
      %swap3A_772 = arith.index_cast %swap3A_771 : i32 to index
      %swap3A_773 = arith.constant 16 : index
      %swap3A_774 = tpu.vector_load %arg6[%swap3A_772, %swap3A_773] {strides = array<i32>} : memref<4x128xi32, #tpu.memory_space<vmem>>, vector<1x16xi32>,
      %swap3A_775 = vector.shape_cast %swap3A_774 : vector<1x16xi32> to vector<16xi32>
      %swap3A_776 = vector.shape_cast %and3A_770 : vector<16xi32> to vector<1x16xi32>
      tpu.vector_store %arg6[%swap3A_772, %swap3A_773], %swap3A_776 {strides = array<i32>} : memref<4x128xi32, #tpu.memory_space<vmem>>, vector<1x16xi32>,
      %shift_right_logical3A_777 = arith.constant 16 : i32
      %shift_right_logical3A_778 = vector.broadcast %shift_right_logical3A_777 : i32 to vector<16xi32>
      %shift_right_logical3A_779 = arith.shrui %get3A_767, %shift_right_logical3A_778 : vector<16xi32>
      %swap3A_780 = arith.constant 3 : i32
      %swap3A_781 = arith.index_cast %swap3A_780 : i32 to index
      %swap3A_782 = arith.constant 16 : index
      %swap3A_783 = tpu.vector_load %arg6[%swap3A_781, %swap3A_782] {strides = array<i32>} : memref<4x128xi32, #tpu.memory_space<vmem>>, vector<1x16xi32>,
      %swap3A_784 = vector.shape_cast %swap3A_783 : vector<1x16xi32> to vector<16xi32>
      %swap3A_785 = vector.shape_cast %shift_right_logical3A_779 : vector<16xi32> to vector<1x16xi32>
      tpu.vector_store %arg6[%swap3A_781, %swap3A_782], %swap3A_785 {strides = array<i32>} : memref<4x128xi32, #tpu.memory_space<vmem>>, vector<1x16xi32>,
      %get3A_786 = arith.index_cast %add3A_555 : i32 to index
      %get3A_787 = arith.constant 32 : index
      %get3A_788 = tpu.vector_load %arg5[%get3A_786, %get3A_787] {strides = array<i32>} : memref<80x128xi32, #tpu.memory_space<vmem>>, vector<1x16xi32>,
      %get3A_789 = vector.shape_cast %get3A_788 : vector<1x16xi32> to vector<16xi32>
      %and3A_790 = arith.constant 65535 : i32
      %and3A_791 = vector.broadcast %and3A_790 : i32 to vector<16xi32>
      %and3A_792 = arith.andi %get3A_789, %and3A_791 : vector<16xi32>
      %swap3A_793 = arith.constant 2 : i32
      %swap3A_794 = arith.index_cast %swap3A_793 : i32 to index
      %swap3A_795 = arith.constant 32 : index
      %swap3A_796 = tpu.vector_load %arg6[%swap3A_794, %swap3A_795] {strides = array<i32>} : memref<4x128xi32, #tpu.memory_space<vmem>>, vector<1x16xi32>,
      %swap3A_797 = vector.shape_cast %swap3A_796 : vector<1x16xi32> to vector<16xi32>
      %swap3A_798 = vector.shape_cast %and3A_792 : vector<16xi32> to vector<1x16xi32>
      tpu.vector_store %arg6[%swap3A_794, %swap3A_795], %swap3A_798 {strides = array<i32>} : memref<4x128xi32, #tpu.memory_space<vmem>>, vector<1x16xi32>,
      %shift_right_logical3A_799 = arith.constant 16 : i32
      %shift_right_logical3A_800 = vector.broadcast %shift_right_logical3A_799 : i32 to vector<16xi32>
      %shift_right_logical3A_801 = arith.shrui %get3A_789, %shift_right_logical3A_800 : vector<16xi32>
      %swap3A_802 = arith.constant 3 : i32
      %swap3A_803 = arith.index_cast %swap3A_802 : i32 to index
      %swap3A_804 = arith.constant 32 : index
      %swap3A_805 = tpu.vector_load %arg6[%swap3A_803, %swap3A_804] {strides = array<i32>} : memref<4x128xi32, #tpu.memory_space<vmem>>, vector<1x16xi32>,
      %swap3A_806 = vector.shape_cast %swap3A_805 : vector<1x16xi32> to vector<16xi32>
      %swap3A_807 = vector.shape_cast %shift_right_logical3A_801 : vector<16xi32> to vector<1x16xi32>
      tpu.vector_store %arg6[%swap3A_803, %swap3A_804], %swap3A_807 {strides = array<i32>} : memref<4x128xi32, #tpu.memory_space<vmem>>, vector<1x16xi32>,
      %get3A_808 = arith.index_cast %add3A_555 : i32 to index
      %get3A_809 = arith.constant 48 : index
      %get3A_810 = tpu.vector_load %arg5[%get3A_808, %get3A_809] {strides = array<i32>} : memref<80x128xi32, #tpu.memory_space<vmem>>, vector<1x16xi32>,
      %get3A_811 = vector.shape_cast %get3A_810 : vector<1x16xi32> to vector<16xi32>
      %and3A_812 = arith.constant 65535 : i32
      %and3A_813 = vector.broadcast %and3A_812 : i32 to vector<16xi32>
      %and3A_814 = arith.andi %get3A_811, %and3A_813 : vector<16xi32>
      %swap3A_815 = arith.constant 2 : i32
      %swap3A_816 = arith.index_cast %swap3A_815 : i32 to index
      %swap3A_817 = arith.constant 48 : index
      %swap3A_818 = tpu.vector_load %arg6[%swap3A_816, %swap3A_817] {strides = array<i32>} : memref<4x128xi32, #tpu.memory_space<vmem>>, vector<1x16xi32>,
      %swap3A_819 = vector.shape_cast %swap3A_818 : vector<1x16xi32> to vector<16xi32>
      %swap3A_820 = vector.shape_cast %and3A_814 : vector<16xi32> to vector<1x16xi32>
      tpu.vector_store %arg6[%swap3A_816, %swap3A_817], %swap3A_820 {strides = array<i32>} : memref<4x128xi32, #tpu.memory_space<vmem>>, vector<1x16xi32>,
      %shift_right_logical3A_821 = arith.constant 16 : i32
      %shift_right_logical3A_822 = vector.broadcast %shift_right_logical3A_821 : i32 to vector<16xi32>
      %shift_right_logical3A_823 = arith.shrui %get3A_811, %shift_right_logical3A_822 : vector<16xi32>
      %swap3A_824 = arith.constant 3 : i32
      %swap3A_825 = arith.index_cast %swap3A_824 : i32 to index
      %swap3A_826 = arith.constant 48 : index
      %swap3A_827 = tpu.vector_load %arg6[%swap3A_825, %swap3A_826] {strides = array<i32>} : memref<4x128xi32, #tpu.memory_space<vmem>>, vector<1x16xi32>,
      %swap3A_828 = vector.shape_cast %swap3A_827 : vector<1x16xi32> to vector<16xi32>
      %swap3A_829 = vector.shape_cast %shift_right_logical3A_823 : vector<16xi32> to vector<1x16xi32>
      tpu.vector_store %arg6[%swap3A_825, %swap3A_826], %swap3A_829 {strides = array<i32>} : memref<4x128xi32, #tpu.memory_space<vmem>>, vector<1x16xi32>,
      %get3A_830 = arith.index_cast %add3A_555 : i32 to index
      %get3A_831 = arith.constant 64 : index
      %get3A_832 = tpu.vector_load %arg5[%get3A_830, %get3A_831] {strides = array<i32>} : memref<80x128xi32, #tpu.memory_space<vmem>>, vector<1x16xi32>,
      %get3A_833 = vector.shape_cast %get3A_832 : vector<1x16xi32> to vector<16xi32>
      %and3A_834 = arith.constant 65535 : i32
      %and3A_835 = vector.broadcast %and3A_834 : i32 to vector<16xi32>
      %and3A_836 = arith.andi %get3A_833, %and3A_835 : vector<16xi32>
      %swap3A_837 = arith.constant 2 : i32
      %swap3A_838 = arith.index_cast %swap3A_837 : i32 to index
      %swap3A_839 = arith.constant 64 : index
      %swap3A_840 = tpu.vector_load %arg6[%swap3A_838, %swap3A_839] {strides = array<i32>} : memref<4x128xi32, #tpu.memory_space<vmem>>, vector<1x16xi32>,
      %swap3A_841 = vector.shape_cast %swap3A_840 : vector<1x16xi32> to vector<16xi32>
      %swap3A_842 = vector.shape_cast %and3A_836 : vector<16xi32> to vector<1x16xi32>
      tpu.vector_store %arg6[%swap3A_838, %swap3A_839], %swap3A_842 {strides = array<i32>} : memref<4x128xi32, #tpu.memory_space<vmem>>, vector<1x16xi32>,
      %shift_right_logical3A_843 = arith.constant 16 : i32
      %shift_right_logical3A_844 = vector.broadcast %shift_right_logical3A_843 : i32 to vector<16xi32>
      %shift_right_logical3A_845 = arith.shrui %get3A_833, %shift_right_logical3A_844 : vector<16xi32>
      %swap3A_846 = arith.constant 3 : i32
      %swap3A_847 = arith.index_cast %swap3A_846 : i32 to index
      %swap3A_848 = arith.constant 64 : index
      %swap3A_849 = tpu.vector_load %arg6[%swap3A_847, %swap3A_848] {strides = array<i32>} : memref<4x128xi32, #tpu.memory_space<vmem>>, vector<1x16xi32>,
      %swap3A_850 = vector.shape_cast %swap3A_849 : vector<1x16xi32> to vector<16xi32>
      %swap3A_851 = vector.shape_cast %shift_right_logical3A_845 : vector<16xi32> to vector<1x16xi32>
      tpu.vector_store %arg6[%swap3A_847, %swap3A_848], %swap3A_851 {strides = array<i32>} : memref<4x128xi32, #tpu.memory_space<vmem>>, vector<1x16xi32>,
      %get3A_852 = arith.index_cast %add3A_555 : i32 to index
      %get3A_853 = arith.constant 80 : index
      %get3A_854 = tpu.vector_load %arg5[%get3A_852, %get3A_853] {strides = array<i32>} : memref<80x128xi32, #tpu.memory_space<vmem>>, vector<1x16xi32>,
      %get3A_855 = vector.shape_cast %get3A_854 : vector<1x16xi32> to vector<16xi32>
      %and3A_856 = arith.constant 65535 : i32
      %and3A_857 = vector.broadcast %and3A_856 : i32 to vector<16xi32>
      %and3A_858 = arith.andi %get3A_855, %and3A_857 : vector<16xi32>
      %swap3A_859 = arith.constant 2 : i32
      %swap3A_860 = arith.index_cast %swap3A_859 : i32 to index
      %swap3A_861 = arith.constant 80 : index
      %swap3A_862 = tpu.vector_load %arg6[%swap3A_860, %swap3A_861] {strides = array<i32>} : memref<4x128xi32, #tpu.memory_space<vmem>>, vector<1x16xi32>,
      %swap3A_863 = vector.shape_cast %swap3A_862 : vector<1x16xi32> to vector<16xi32>
      %swap3A_864 = vector.shape_cast %and3A_858 : vector<16xi32> to vector<1x16xi32>
      tpu.vector_store %arg6[%swap3A_860, %swap3A_861], %swap3A_864 {strides = array<i32>} : memref<4x128xi32, #tpu.memory_space<vmem>>, vector<1x16xi32>,
      %shift_right_logical3A_865 = arith.constant 16 : i32
      %shift_right_logical3A_866 = vector.broadcast %shift_right_logical3A_865 : i32 to vector<16xi32>
      %shift_right_logical3A_867 = arith.shrui %get3A_855, %shift_right_logical3A_866 : vector<16xi32>
      %swap3A_868 = arith.constant 3 : i32
      %swap3A_869 = arith.index_cast %swap3A_868 : i32 to index
      %swap3A_870 = arith.constant 80 : index
      %swap3A_871 = tpu.vector_load %arg6[%swap3A_869, %swap3A_870] {strides = array<i32>} : memref<4x128xi32, #tpu.memory_space<vmem>>, vector<1x16xi32>,
      %swap3A_872 = vector.shape_cast %swap3A_871 : vector<1x16xi32> to vector<16xi32>
      %swap3A_873 = vector.shape_cast %shift_right_logical3A_867 : vector<16xi32> to vector<1x16xi32>
      tpu.vector_store %arg6[%swap3A_869, %swap3A_870], %swap3A_873 {strides = array<i32>} : memref<4x128xi32, #tpu.memory_space<vmem>>, vector<1x16xi32>,
      %get3A_874 = arith.index_cast %add3A_555 : i32 to index
      %get3A_875 = arith.constant 96 : index
      %get3A_876 = tpu.vector_load %arg5[%get3A_874, %get3A_875] {strides = array<i32>} : memref<80x128xi32, #tpu.memory_space<vmem>>, vector<1x16xi32>,
      %get3A_877 = vector.shape_cast %get3A_876 : vector<1x16xi32> to vector<16xi32>
      %and3A_878 = arith.constant 65535 : i32
      %and3A_879 = vector.broadcast %and3A_878 : i32 to vector<16xi32>
      %and3A_880 = arith.andi %get3A_877, %and3A_879 : vector<16xi32>
      %swap3A_881 = arith.constant 2 : i32
      %swap3A_882 = arith.index_cast %swap3A_881 : i32 to index
      %swap3A_883 = arith.constant 96 : index
      %swap3A_884 = tpu.vector_load %arg6[%swap3A_882, %swap3A_883] {strides = array<i32>} : memref<4x128xi32, #tpu.memory_space<vmem>>, vector<1x16xi32>,
      %swap3A_885 = vector.shape_cast %swap3A_884 : vector<1x16xi32> to vector<16xi32>
      %swap3A_886 = vector.shape_cast %and3A_880 : vector<16xi32> to vector<1x16xi32>
      tpu.vector_store %arg6[%swap3A_882, %swap3A_883], %swap3A_886 {strides = array<i32>} : memref<4x128xi32, #tpu.memory_space<vmem>>, vector<1x16xi32>,
      %shift_right_logical3A_887 = arith.constant 16 : i32
      %shift_right_logical3A_888 = vector.broadcast %shift_right_logical3A_887 : i32 to vector<16xi32>
      %shift_right_logical3A_889 = arith.shrui %get3A_877, %shift_right_logical3A_888 : vector<16xi32>
      %swap3A_890 = arith.constant 3 : i32
      %swap3A_891 = arith.index_cast %swap3A_890 : i32 to index
      %swap3A_892 = arith.constant 96 : index
      %swap3A_893 = tpu.vector_load %arg6[%swap3A_891, %swap3A_892] {strides = array<i32>} : memref<4x128xi32, #tpu.memory_space<vmem>>, vector<1x16xi32>,
      %swap3A_894 = vector.shape_cast %swap3A_893 : vector<1x16xi32> to vector<16xi32>
      %swap3A_895 = vector.shape_cast %shift_right_logical3A_889 : vector<16xi32> to vector<1x16xi32>
      tpu.vector_store %arg6[%swap3A_891, %swap3A_892], %swap3A_895 {strides = array<i32>} : memref<4x128xi32, #tpu.memory_space<vmem>>, vector<1x16xi32>,
      %get3A_896 = arith.index_cast %add3A_555 : i32 to index
      %get3A_897 = arith.constant 112 : index
      %get3A_898 = tpu.vector_load %arg5[%get3A_896, %get3A_897] {strides = array<i32>} : memref<80x128xi32, #tpu.memory_space<vmem>>, vector<1x16xi32>,
      %get3A_899 = vector.shape_cast %get3A_898 : vector<1x16xi32> to vector<16xi32>
      %and3A_900 = arith.constant 65535 : i32
      %and3A_901 = vector.broadcast %and3A_900 : i32 to vector<16xi32>
      %and3A_902 = arith.andi %get3A_899, %and3A_901 : vector<16xi32>
      %swap3A_903 = arith.constant 2 : i32
      %swap3A_904 = arith.index_cast %swap3A_903 : i32 to index
      %swap3A_905 = arith.constant 112 : index
      %swap3A_906 = tpu.vector_load %arg6[%swap3A_904, %swap3A_905] {strides = array<i32>} : memref<4x128xi32, #tpu.memory_space<vmem>>, vector<1x16xi32>,
      %swap3A_907 = vector.shape_cast %swap3A_906 : vector<1x16xi32> to vector<16xi32>
      %swap3A_908 = vector.shape_cast %and3A_902 : vector<16xi32> to vector<1x16xi32>
      tpu.vector_store %arg6[%swap3A_904, %swap3A_905], %swap3A_908 {strides = array<i32>} : memref<4x128xi32, #tpu.memory_space<vmem>>, vector<1x16xi32>,
      %shift_right_logical3A_909 = arith.constant 16 : i32
      %shift_right_logical3A_910 = vector.broadcast %shift_right_logical3A_909 : i32 to vector<16xi32>
      %shift_right_logical3A_911 = arith.shrui %get3A_899, %shift_right_logical3A_910 : vector<16xi32>
      %swap3A_912 = arith.constant 3 : i32
      %swap3A_913 = arith.index_cast %swap3A_912 : i32 to index
      %swap3A_914 = arith.constant 112 : index
      %swap3A_915 = tpu.vector_load %arg6[%swap3A_913, %swap3A_914] {strides = array<i32>} : memref<4x128xi32, #tpu.memory_space<vmem>>, vector<1x16xi32>,
      %swap3A_916 = vector.shape_cast %swap3A_915 : vector<1x16xi32> to vector<16xi32>
      %swap3A_917 = vector.shape_cast %shift_right_logical3A_911 : vector<16xi32> to vector<1x16xi32>
      tpu.vector_store %arg6[%swap3A_913, %swap3A_914], %swap3A_917 {strides = array<i32>} : memref<4x128xi32, #tpu.memory_space<vmem>>, vector<1x16xi32>,
      %dma_start3A_918 = arith.constant 2 : i32
      %dma_start3A_919 = arith.constant 128 : i32
      %dma_start3A_920 = arith.constant 0 : i32
      %dma_start3A_921 = tpu.memref_slice %arg7[%dma_start3A_919, %dma_start3A_920] : memref<256x128xf32, #tpu.memory_space<vmem>> -> memref<128x128xf32, #tpu.memory_space<vmem>>
      %dma_start3A_922 = arith.constant 0 : i32
      %dma_start3A_923 = tpu.memref_slice %arg6[%dma_start3A_918, %dma_start3A_922] : memref<4x128xi32, #tpu.memory_space<vmem>> -> memref<1x128xi32, #tpu.memory_space<vmem>>
      %dma_start3A_924 = tpu.memref_squeeze %dma_start3A_923 : memref<1x128xi32, #tpu.memory_space<vmem>> -> memref<128xi32, #tpu.memory_space<vmem>>
      %dma_start3A_925 = arith.constant 0 : i32
      %dma_start3A_926 = arith.constant 0 : i32
      %dma_start3A_927 = tpu.memref_slice %arg2[%dma_start3A_925, %dma_start3A_926] : memref<10000x128xf32, #tpu.memory_space<hbm>> -> memref<10000x128xf32, #tpu.memory_space<hbm>>
      tpu.enqueue_indirect_dma source(%dma_start3A_927 : memref<10000x128xf32, #tpu.memory_space<hbm>>) target(%dma_start3A_921 : memref<128x128xf32, #tpu.memory_space<vmem>>) offsets(%dma_start3A_924 : memref<128xi32, #tpu.memory_space<vmem>>) semaphore(%arg10 : memref<!tpu.dma_semaphore, #tpu.memory_space<semaphore_mem>>)
      %dma_wait3A_928 = arith.constant 0 : i32
      %dma_wait3A_929 = arith.constant 0 : i32
      %dma_wait3A_930 = arith.constant 0 : i32
      %dma_wait3A_931 = tpu.memref_slice %arg7[%dma_wait3A_929, %dma_wait3A_930] : memref<256x128xf32, #tpu.memory_space<vmem>> -> memref<128x128xf32, #tpu.memory_space<vmem>>
      %dma_wait3A_932 = arith.constant 0 : i32
      %dma_wait3A_933 = tpu.memref_slice %arg6[%dma_wait3A_928, %dma_wait3A_932] : memref<4x128xi32, #tpu.memory_space<vmem>> -> memref<1x128xi32, #tpu.memory_space<vmem>>
      %dma_wait3A_934 = tpu.memref_squeeze %dma_wait3A_933 : memref<1x128xi32, #tpu.memory_space<vmem>> -> memref<128xi32, #tpu.memory_space<vmem>>
      %dma_wait3A_935 = arith.constant 0 : i32
      %dma_wait3A_936 = arith.constant 0 : i32
      %dma_wait3A_937 = tpu.memref_slice %arg2[%dma_wait3A_935, %dma_wait3A_936] : memref<10000x128xf32, #tpu.memory_space<hbm>> -> memref<10000x128xf32, #tpu.memory_space<hbm>>
      tpu.wait_indirect_dma semaphore(%arg10 : memref<!tpu.dma_semaphore, #tpu.memory_space<semaphore_mem>>) src(%dma_wait3A_937 : memref<10000x128xf32, #tpu.memory_space<hbm>>) dst(%dma_wait3A_931 : memref<128x128xf32, #tpu.memory_space<vmem>>)
      %dma_wait3A_938 = arith.constant 2 : i32
      %dma_wait3A_939 = arith.constant 128 : i32
      %dma_wait3A_940 = arith.constant 0 : i32
      %dma_wait3A_941 = tpu.memref_slice %arg7[%dma_wait3A_939, %dma_wait3A_940] : memref<256x128xf32, #tpu.memory_space<vmem>> -> memref<128x128xf32, #tpu.memory_space<vmem>>
      %dma_wait3A_942 = arith.constant 0 : i32
      %dma_wait3A_943 = tpu.memref_slice %arg6[%dma_wait3A_938, %dma_wait3A_942] : memref<4x128xi32, #tpu.memory_space<vmem>> -> memref<1x128xi32, #tpu.memory_space<vmem>>
      %dma_wait3A_944 = tpu.memref_squeeze %dma_wait3A_943 : memref<1x128xi32, #tpu.memory_space<vmem>> -> memref<128xi32, #tpu.memory_space<vmem>>
      %dma_wait3A_945 = arith.constant 0 : i32
      %dma_wait3A_946 = arith.constant 0 : i32
      %dma_wait3A_947 = tpu.memref_slice %arg2[%dma_wait3A_945, %dma_wait3A_946] : memref<10000x128xf32, #tpu.memory_space<hbm>> -> memref<10000x128xf32, #tpu.memory_space<hbm>>
      tpu.wait_indirect_dma semaphore(%arg10 : memref<!tpu.dma_semaphore, #tpu.memory_space<semaphore_mem>>) src(%dma_wait3A_947 : memref<10000x128xf32, #tpu.memory_space<hbm>>) dst(%dma_wait3A_941 : memref<128x128xf32, #tpu.memory_space<vmem>>)
      %dma_start3A_948 = arith.constant 1 : i32
      %dma_start3A_949 = arith.constant 0 : i32
      %dma_start3A_950 = arith.constant 0 : i32
      %dma_start3A_951 = tpu.memref_slice %arg7[%dma_start3A_949, %dma_start3A_950] : memref<256x128xf32, #tpu.memory_space<vmem>> -> memref<128x128xf32, #tpu.memory_space<vmem>>
      %dma_start3A_952 = arith.constant 0 : i32
      %dma_start3A_953 = tpu.memref_slice %arg6[%dma_start3A_948, %dma_start3A_952] : memref<4x128xi32, #tpu.memory_space<vmem>> -> memref<1x128xi32, #tpu.memory_space<vmem>>
      %dma_start3A_954 = tpu.memref_squeeze %dma_start3A_953 : memref<1x128xi32, #tpu.memory_space<vmem>> -> memref<128xi32, #tpu.memory_space<vmem>>
      %dma_start3A_955 = arith.constant 0 : i32
      %dma_start3A_956 = arith.constant 0 : i32
      %dma_start3A_957 = tpu.memref_slice %arg9[%dma_start3A_955, %dma_start3A_956] : memref<10112x128xf32, #tpu.memory_space<vmem_shared>> -> memref<10112x128xf32, #tpu.memory_space<vmem_shared>>
      tpu.enqueue_indirect_dma source(%dma_start3A_951 : memref<128x128xf32, #tpu.memory_space<vmem>>) target(%dma_start3A_957 : memref<10112x128xf32, #tpu.memory_space<vmem_shared>>) offsets(%dma_start3A_954 : memref<128xi32, #tpu.memory_space<vmem>>) semaphore(%arg10 : memref<!tpu.dma_semaphore, #tpu.memory_space<semaphore_mem>>) {add = true}
      %dma_start3A_958 = arith.constant 3 : i32
      %dma_start3A_959 = arith.constant 128 : i32
      %dma_start3A_960 = arith.constant 0 : i32
      %dma_start3A_961 = tpu.memref_slice %arg7[%dma_start3A_959, %dma_start3A_960] : memref<256x128xf32, #tpu.memory_space<vmem>> -> memref<128x128xf32, #tpu.memory_space<vmem>>
      %dma_start3A_962 = arith.constant 0 : i32
      %dma_start3A_963 = tpu.memref_slice %arg6[%dma_start3A_958, %dma_start3A_962] : memref<4x128xi32, #tpu.memory_space<vmem>> -> memref<1x128xi32, #tpu.memory_space<vmem>>
      %dma_start3A_964 = tpu.memref_squeeze %dma_start3A_963 : memref<1x128xi32, #tpu.memory_space<vmem>> -> memref<128xi32, #tpu.memory_space<vmem>>
      %dma_start3A_965 = arith.constant 0 : i32
      %dma_start3A_966 = arith.constant 0 : i32
      %dma_start3A_967 = tpu.memref_slice %arg9[%dma_start3A_965, %dma_start3A_966] : memref<10112x128xf32, #tpu.memory_space<vmem_shared>> -> memref<10112x128xf32, #tpu.memory_space<vmem_shared>>
      tpu.enqueue_indirect_dma source(%dma_start3A_961 : memref<128x128xf32, #tpu.memory_space<vmem>>) target(%dma_start3A_967 : memref<10112x128xf32, #tpu.memory_space<vmem_shared>>) offsets(%dma_start3A_964 : memref<128xi32, #tpu.memory_space<vmem>>) semaphore(%arg10 : memref<!tpu.dma_semaphore, #tpu.memory_space<semaphore_mem>>) {add = true}
    }
    %scan3A_523 = arith.constant 40 : i32
    %dma_wait3A = arith.constant 1 : i32
    %dma_wait3A_524 = arith.constant 0 : i32
    %dma_wait3A_525 = arith.constant 0 : i32
    %dma_wait3A_526 = tpu.memref_slice %arg7[%dma_wait3A_524, %dma_wait3A_525] : memref<256x128xf32, #tpu.memory_space<vmem>> -> memref<128x128xf32, #tpu.memory_space<vmem>>
    %dma_wait3A_527 = arith.constant 0 : i32
    %dma_wait3A_528 = tpu.memref_slice %arg6[%dma_wait3A, %dma_wait3A_527] : memref<4x128xi32, #tpu.memory_space<vmem>> -> memref<1x128xi32, #tpu.memory_space<vmem>>
    %dma_wait3A_529 = tpu.memref_squeeze %dma_wait3A_528 : memref<1x128xi32, #tpu.memory_space<vmem>> -> memref<128xi32, #tpu.memory_space<vmem>>
    %dma_wait3A_530 = arith.constant 0 : i32
    %dma_wait3A_531 = arith.constant 0 : i32
    %dma_wait3A_532 = tpu.memref_slice %arg9[%dma_wait3A_530, %dma_wait3A_531] : memref<10112x128xf32, #tpu.memory_space<vmem_shared>> -> memref<10112x128xf32, #tpu.memory_space<vmem_shared>>
    tpu.wait_indirect_dma semaphore(%arg10 : memref<!tpu.dma_semaphore, #tpu.memory_space<semaphore_mem>>) src(%dma_wait3A_526 : memref<128x128xf32, #tpu.memory_space<vmem>>) dst(%dma_wait3A_532 : memref<10112x128xf32, #tpu.memory_space<vmem_shared>>)
    %dma_wait3A_533 = arith.constant 3 : i32
    %dma_wait3A_534 = arith.constant 128 : i32
    %dma_wait3A_535 = arith.constant 0 : i32
    %dma_wait3A_536 = tpu.memref_slice %arg7[%dma_wait3A_534, %dma_wait3A_535] : memref<256x128xf32, #tpu.memory_space<vmem>> -> memref<128x128xf32, #tpu.memory_space<vmem>>
    %dma_wait3A_537 = arith.constant 0 : i32
    %dma_wait3A_538 = tpu.memref_slice %arg6[%dma_wait3A_533, %dma_wait3A_537] : memref<4x128xi32, #tpu.memory_space<vmem>> -> memref<1x128xi32, #tpu.memory_space<vmem>>
    %dma_wait3A_539 = tpu.memref_squeeze %dma_wait3A_538 : memref<1x128xi32, #tpu.memory_space<vmem>> -> memref<128xi32, #tpu.memory_space<vmem>>
    %dma_wait3A_540 = arith.constant 0 : i32
    %dma_wait3A_541 = arith.constant 0 : i32
    %dma_wait3A_542 = tpu.memref_slice %arg9[%dma_wait3A_540, %dma_wait3A_541] : memref<10112x128xf32, #tpu.memory_space<vmem_shared>> -> memref<10112x128xf32, #tpu.memory_space<vmem_shared>>
    tpu.wait_indirect_dma semaphore(%arg10 : memref<!tpu.dma_semaphore, #tpu.memory_space<semaphore_mem>>) src(%dma_wait3A_536 : memref<128x128xf32, #tpu.memory_space<vmem>>) dst(%dma_wait3A_542 : memref<10112x128xf32, #tpu.memory_space<vmem_shared>>)
    %barrier3A_543 = arith.constant 0 : index
    tpu.barrier barrier_id(%barrier3A_543)
    %eq3A = arith.constant 0 : i32
    %eq3A_544 = arith.cmpi eq, %arg0, %eq3A : i32
    %convert_element_type3A = arith.extui %eq3A_544 : i1 to i32
    %cond3A = arith.constant 0 : i32
    %cond3A_545 = arith.cmpi ne, %convert_element_type3A, %cond3A : i32
    scf.if %cond3A_545 {
      %run_scoped3A = arith.constant 0 : i32
      "tpu.region"() ({
        %run_scoped3A_551 = tpu.sem_alloc : memref<!tpu.dma_semaphore, #tpu.memory_space<semaphore_mem>>
        %dma_start3A = arith.constant 0 : i32
        %dma_start3A_552 = tpu.memref_slice %arg4[%run_scoped3A, %mul3A_2, %dma_start3A] : memref<2x10112x128xf32, #tpu.memory_space<hbm>> -> memref<1x632x128xf32, #tpu.memory_space<hbm>>
        %dma_start3A_553 = tpu.memref_squeeze %dma_start3A_552 : memref<1x632x128xf32, #tpu.memory_space<hbm>> -> memref<632x128xf32, #tpu.memory_space<hbm>>
        %dma_start3A_554 = arith.constant 0 : i32
        %dma_start3A_555 = tpu.memref_slice %arg9[%mul3A_2, %dma_start3A_554] : memref<10112x128xf32, #tpu.memory_space<vmem_shared>> -> memref<632x128xf32, #tpu.memory_space<vmem_shared>>
        tpu.enqueue_dma source(%dma_start3A_555 : memref<632x128xf32, #tpu.memory_space<vmem_shared>>) target(%dma_start3A_553 : memref<632x128xf32, #tpu.memory_space<hbm>>) target_semaphore(%run_scoped3A_551 : memref<!tpu.dma_semaphore, #tpu.memory_space<semaphore_mem>>)
        %dma_wait3A_556 = arith.constant 0 : i32
        %dma_wait3A_557 = tpu.memref_slice %arg4[%run_scoped3A, %mul3A_2, %dma_wait3A_556] : memref<2x10112x128xf32, #tpu.memory_space<hbm>> -> memref<1x632x128xf32, #tpu.memory_space<hbm>>
        %dma_wait3A_558 = tpu.memref_squeeze %dma_wait3A_557 : memref<1x632x128xf32, #tpu.memory_space<hbm>> -> memref<632x128xf32, #tpu.memory_space<hbm>>
        %dma_wait3A_559 = arith.constant 0 : i32
        %dma_wait3A_560 = tpu.memref_slice %arg9[%mul3A_2, %dma_wait3A_559] : memref<10112x128xf32, #tpu.memory_space<vmem_shared>> -> memref<632x128xf32, #tpu.memory_space<vmem_shared>>
        tpu.wait_dma2 semaphore(%run_scoped3A_551 : memref<!tpu.dma_semaphore, #tpu.memory_space<semaphore_mem>>) src(%dma_wait3A_560 : memref<632x128xf32, #tpu.memory_space<vmem_shared>>) dst(%dma_wait3A_558 : memref<632x128xf32, #tpu.memory_space<hbm>>)
        tpu.yield
      }) : () -> ()
    } else {
    }
    %eq3A_546 = arith.constant 1 : i32
    %eq3A_547 = arith.cmpi eq, %arg0, %eq3A_546 : i32
    %convert_element_type3A_548 = arith.extui %eq3A_547 : i1 to i32
    %cond3A_549 = arith.constant 0 : i32
    %cond3A_550 = arith.cmpi ne, %convert_element_type3A_548, %cond3A_549 : i32
    scf.if %cond3A_550 {
      %run_scoped3A = arith.constant 1 : i32
      "tpu.region"() ({
        %run_scoped3A_551 = tpu.sem_alloc : memref<!tpu.dma_semaphore, #tpu.memory_space<semaphore_mem>>
        %dma_start3A = arith.constant 0 : i32
        %dma_start3A_552 = tpu.memref_slice %arg4[%run_scoped3A, %mul3A_2, %dma_start3A] : memref<2x10112x128xf32, #tpu.memory_space<hbm>> -> memref<1x632x128xf32, #tpu.memory_space<hbm>>
        %dma_start3A_553 = tpu.memref_squeeze %dma_start3A_552 : memref<1x632x128xf32, #tpu.memory_space<hbm>> -> memref<632x128xf32, #tpu.memory_space<hbm>>
        %dma_start3A_554 = arith.constant 0 : i32
        %dma_start3A_555 = tpu.memref_slice %arg9[%mul3A_2, %dma_start3A_554] : memref<10112x128xf32, #tpu.memory_space<vmem_shared>> -> memref<632x128xf32, #tpu.memory_space<vmem_shared>>
        tpu.enqueue_dma source(%dma_start3A_555 : memref<632x128xf32, #tpu.memory_space<vmem_shared>>) target(%dma_start3A_553 : memref<632x128xf32, #tpu.memory_space<hbm>>) target_semaphore(%run_scoped3A_551 : memref<!tpu.dma_semaphore, #tpu.memory_space<semaphore_mem>>)
        %dma_wait3A_556 = arith.constant 0 : i32
        %dma_wait3A_557 = tpu.memref_slice %arg4[%run_scoped3A, %mul3A_2, %dma_wait3A_556] : memref<2x10112x128xf32, #tpu.memory_space<hbm>> -> memref<1x632x128xf32, #tpu.memory_space<hbm>>
        %dma_wait3A_558 = tpu.memref_squeeze %dma_wait3A_557 : memref<1x632x128xf32, #tpu.memory_space<hbm>> -> memref<632x128xf32, #tpu.memory_space<hbm>>
        %dma_wait3A_559 = arith.constant 0 : i32
        %dma_wait3A_560 = tpu.memref_slice %arg9[%mul3A_2, %dma_wait3A_559] : memref<10112x128xf32, #tpu.memory_space<vmem_shared>> -> memref<632x128xf32, #tpu.memory_space<vmem_shared>>
        tpu.wait_dma2 semaphore(%run_scoped3A_551 : memref<!tpu.dma_semaphore, #tpu.memory_space<semaphore_mem>>) src(%dma_wait3A_560 : memref<632x128xf32, #tpu.memory_space<vmem_shared>>) dst(%dma_wait3A_558 : memref<632x128xf32, #tpu.memory_space<hbm>>)
        tpu.yield
      }) : () -> ()
    } else {
    }
    return
  }
}

module attributes {stable_mosaic.version = 14 : i64} {
  func.func @_tc0_body(%arg0: i32, %arg1: memref<128x128xf32, #tpu.memory_space<vmem>>) attributes {dimension_semantics = [#tpu.dimension_semantics<arbitrary>], iteration_bounds = array<i64: 1>, scalar_prefetch = 0 : i64, scratch_operands = 0 : i64, tpu.core_type = #tpu.core_type<tc>, window_params = [{pipeline_mode = #tpu.pipeline_mode<synchronous>, transform_indices = @transform_0, window_bounds = array<i64: 128, 128>}]} {
    %broadcast_in_dim3A = arith.constant 1.000000e+00 : f32
    %broadcast_in_dim3A_0 = vector.broadcast %broadcast_in_dim3A : f32 to vector<128x128xf32>
    %swap3A = arith.constant 0 : index
    %swap3A_1 = arith.constant 0 : index
    %swap3A_2 = vector.load %arg1[%swap3A, %swap3A_1] : memref<128x128xf32, #tpu.memory_space<vmem>>, vector<128x128xf32>
    tpu.vector_store %arg1[%swap3A, %swap3A_1], %broadcast_in_dim3A_0 {strides = array<i32>} : memref<128x128xf32, #tpu.memory_space<vmem>>, vector<128x128xf32>,
    return
  }
  func.func @transform_0(%arg0: i32) -> (i32, i32) {
    %c0_i32 = arith.constant 0 : i32
    %c0_i32_0 = arith.constant 0 : i32
    %c0_i32_1 = arith.constant 0 : i32
    return %c0_i32, %c0_i32_0 : i32, i32
  }
}

module attributes {stable_mosaic.version = 14 : i64} {
  func.func @_tc2_body(%arg0: i32, %arg1: memref<2x1000x128xf32, #tpu.memory_space<vmem>>, %arg2: memref<2x2x1000x128xf32, #tpu.memory_space<vmem>>, %arg3: memref<1000x128xf32, #tpu.memory_space<vmem>>, %arg4: memref<1000x128xf32, #tpu.memory_space<vmem>>, %arg5: memref<1x256xf32, #tpu.memory_space<vmem>>, %arg6: memref<256x128xf32, #tpu.memory_space<vmem>>, %arg7: memref<1000x128xf32, #tpu.memory_space<vmem>>) attributes {dimension_semantics = [#tpu.dimension_semantics<arbitrary>], iteration_bounds = array<i64: 10>, scalar_prefetch = 0 : i64, scratch_operands = 0 : i64, tpu.core_type = #tpu.core_type<tc>, window_params = [{transform_indices = @transform_0, window_bounds = array<i64: 2, 1000, 128>}, {transform_indices = @transform_1, window_bounds = array<i64: 2, 2, 1000, 128>}, {transform_indices = @transform_2, window_bounds = array<i64: 1000, 128>}, {transform_indices = @transform_3, window_bounds = array<i64: 1000, 128>}, {pipeline_mode = #tpu.pipeline_mode<synchronous>, transform_indices = @transform_4, window_bounds = array<i64: 1, 256>}, {pipeline_mode = #tpu.pipeline_mode<synchronous>, transform_indices = @transform_5, window_bounds = array<i64: 256, 128>}, {transform_indices = @transform_6, window_bounds = array<i64: 1000, 128>}]} {
    %get3A = arith.constant 0 : index
    %get3A_0 = arith.constant 0 : index
    %get3A_1 = arith.constant 0 : index
    %get3A_2 = vector.load %arg1[%get3A, %get3A_0, %get3A_1] : memref<2x1000x128xf32, #tpu.memory_space<vmem>>, vector<1x1000x1xf32>
    %get3A_3 = vector.shape_cast %get3A_2 : vector<1x1000x1xf32> to vector<1000x1xf32>
    %get3A_4 = arith.constant 1 : index
    %get3A_5 = arith.constant 0 : index
    %get3A_6 = arith.constant 0 : index
    %get3A_7 = vector.load %arg1[%get3A_4, %get3A_5, %get3A_6] : memref<2x1000x128xf32, #tpu.memory_space<vmem>>, vector<1x1000x1xf32>
    %get3A_8 = vector.shape_cast %get3A_7 : vector<1x1000x1xf32> to vector<1000x1xf32>
    %add3A = arith.addf %get3A_3, %get3A_8 : vector<1000x1xf32>
    %add3A_9 = arith.constant 1.000000e+00 : f32
    %add3A_10 = vector.broadcast %add3A_9 : f32 to vector<1000x1xf32>
    %add3A_11 = arith.addf %add3A, %add3A_10 : vector<1000x1xf32>
    %rsqrt3A = math.rsqrt %add3A_11 : vector<1000x1xf32>
    %get3A_12 = arith.constant 0 : index
    %get3A_13 = arith.constant 0 : index
    %get3A_14 = arith.constant 0 : index
    %get3A_15 = arith.constant 0 : index
    %get3A_16 = vector.load %arg2[%get3A_12, %get3A_13, %get3A_14, %get3A_15] : memref<2x2x1000x128xf32, #tpu.memory_space<vmem>>, vector<1x1x1000x128xf32>
    %get3A_17 = vector.shape_cast %get3A_16 : vector<1x1x1000x128xf32> to vector<1000x128xf32>
    %get3A_18 = arith.constant 0 : index
    %get3A_19 = arith.constant 1 : index
    %get3A_20 = arith.constant 0 : index
    %get3A_21 = arith.constant 0 : index
    %get3A_22 = vector.load %arg2[%get3A_18, %get3A_19, %get3A_20, %get3A_21] : memref<2x2x1000x128xf32, #tpu.memory_space<vmem>>, vector<1x1x1000x128xf32>
    %get3A_23 = vector.shape_cast %get3A_22 : vector<1x1x1000x128xf32> to vector<1000x128xf32>
    %add3A_24 = arith.addf %get3A_17, %get3A_23 : vector<1000x128xf32>
    %get3A_25 = arith.constant 0 : index
    %get3A_26 = arith.constant 0 : index
    %get3A_27 = vector.load %arg3[%get3A_25, %get3A_26] : memref<1000x128xf32, #tpu.memory_space<vmem>>, vector<1000x128xf32>
    %add3A_28 = arith.addf %add3A_24, %get3A_27 : vector<1000x128xf32>
    %get3A_29 = arith.constant 1 : index
    %get3A_30 = arith.constant 0 : index
    %get3A_31 = arith.constant 0 : index
    %get3A_32 = arith.constant 0 : index
    %get3A_33 = vector.load %arg2[%get3A_29, %get3A_30, %get3A_31, %get3A_32] : memref<2x2x1000x128xf32, #tpu.memory_space<vmem>>, vector<1x1x1000x128xf32>
    %get3A_34 = vector.shape_cast %get3A_33 : vector<1x1x1000x128xf32> to vector<1000x128xf32>
    %get3A_35 = arith.constant 1 : index
    %get3A_36 = arith.constant 1 : index
    %get3A_37 = arith.constant 0 : index
    %get3A_38 = arith.constant 0 : index
    %get3A_39 = vector.load %arg2[%get3A_35, %get3A_36, %get3A_37, %get3A_38] : memref<2x2x1000x128xf32, #tpu.memory_space<vmem>>, vector<1x1x1000x128xf32>
    %get3A_40 = vector.shape_cast %get3A_39 : vector<1x1x1000x128xf32> to vector<1000x128xf32>
    %add3A_41 = arith.addf %get3A_34, %get3A_40 : vector<1000x128xf32>
    %get3A_42 = arith.constant 0 : index
    %get3A_43 = arith.constant 0 : index
    %get3A_44 = vector.load %arg4[%get3A_42, %get3A_43] : memref<1000x128xf32, #tpu.memory_space<vmem>>, vector<1000x128xf32>
    %add3A_45 = arith.addf %add3A_41, %get3A_44 : vector<1000x128xf32>
    %concatenate3A = tpu.concatenate %add3A_28, %add3A_45 in 1 : vector<1000x128xf32>, vector<1000x128xf32> -> vector<1000x256xf32>
    %mul3A = vector.broadcast %rsqrt3A : vector<1000x1xf32> to vector<1000x256xf32>
    %mul3A_46 = arith.mulf %concatenate3A, %mul3A : vector<1000x256xf32>
    %get3A_47 = arith.constant 0 : index
    %get3A_48 = arith.constant 0 : index
    %get3A_49 = vector.load %arg5[%get3A_47, %get3A_48] : memref<1x256xf32, #tpu.memory_space<vmem>>, vector<1x256xf32>
    %add3A_50 = vector.broadcast %get3A_49 : vector<1x256xf32> to vector<1000x256xf32>
    %add3A_51 = arith.addf %mul3A_46, %add3A_50 : vector<1000x256xf32>
    %max3A = arith.constant 0.000000e+00 : f32
    %max3A_52 = vector.broadcast %max3A : f32 to vector<1000x256xf32>
    %max3A_53 = arith.maximumf %add3A_51, %max3A_52 : vector<1000x256xf32>
    %get3A_54 = arith.constant 0 : index
    %get3A_55 = arith.constant 0 : index
    %get3A_56 = vector.load %arg6[%get3A_54, %get3A_55] : memref<256x128xf32, #tpu.memory_space<vmem>>, vector<256x128xf32>
    %dot_general3A = arith.constant dense<0.000000e+00> : vector<1000x128xf32>
    %dot_general3A_57 = tpu.matmul %max3A_53, %get3A_56, %dot_general3A {dimension_numbers = #tpu.dot_dimension_numbers<[1], [0], [0], [1], [0, 0, 1, 1], [], []>, transpose_lhs_hint = false} : vector<1000x256xf32>, vector<256x128xf32>, vector<1000x128xf32> -> vector<1000x128xf32>
    %mul3A_58 = vector.broadcast %rsqrt3A : vector<1000x1xf32> to vector<1000x128xf32>
    %mul3A_59 = arith.mulf %dot_general3A_57, %mul3A_58 : vector<1000x128xf32>
    %swap3A = arith.constant 0 : index
    %swap3A_60 = arith.constant 0 : index
    %swap3A_61 = vector.load %arg7[%swap3A, %swap3A_60] : memref<1000x128xf32, #tpu.memory_space<vmem>>, vector<1000x128xf32>
    tpu.vector_store %arg7[%swap3A, %swap3A_60], %mul3A_59 {strides = array<i32>} : memref<1000x128xf32, #tpu.memory_space<vmem>>, vector<1000x128xf32>,
    return
  }
  func.func @transform_0(%arg0: i32) -> (i32, i32, i32) {
    %c0_i32 = arith.constant 0 : i32
    %c0_i32_0 = arith.constant 0 : i32
    %c0_i32_1 = arith.constant 0 : i32
    return %c0_i32, %arg0, %c0_i32_0 : i32, i32, i32
  }
  func.func @transform_1(%arg0: i32) -> (i32, i32, i32, i32) {
    %c0_i32 = arith.constant 0 : i32
    %c0_i32_0 = arith.constant 0 : i32
    %c0_i32_1 = arith.constant 0 : i32
    %c0_i32_2 = arith.constant 0 : i32
    return %c0_i32, %c0_i32_0, %arg0, %c0_i32_1 : i32, i32, i32, i32
  }
  func.func @transform_2(%arg0: i32) -> (i32, i32) {
    %c0_i32 = arith.constant 0 : i32
    %c0_i32_0 = arith.constant 0 : i32
    return %arg0, %c0_i32 : i32, i32
  }
  func.func @transform_3(%arg0: i32) -> (i32, i32) {
    %c0_i32 = arith.constant 0 : i32
    %c0_i32_0 = arith.constant 0 : i32
    return %arg0, %c0_i32 : i32, i32
  }
  func.func @transform_4(%arg0: i32) -> (i32, i32) {
    %c0_i32 = arith.constant 0 : i32
    %c0_i32_0 = arith.constant 0 : i32
    %c0_i32_1 = arith.constant 0 : i32
    return %c0_i32, %c0_i32_0 : i32, i32
  }
  func.func @transform_5(%arg0: i32) -> (i32, i32) {
    %c0_i32 = arith.constant 0 : i32
    %c0_i32_0 = arith.constant 0 : i32
    %c0_i32_1 = arith.constant 0 : i32
    return %c0_i32, %c0_i32_0 : i32, i32
  }
  func.func @transform_6(%arg0: i32) -> (i32, i32) {
    %c0_i32 = arith.constant 0 : i32
    %c0_i32_0 = arith.constant 0 : i32
    return %arg0, %c0_i32 : i32, i32
  }
}

module attributes {stable_mosaic.version = 14 : i64} {
  func.func @_tc1_body(%arg0: i32, %arg1: memref<2x1000x128xf32, #tpu.memory_space<vmem>>, %arg2: memref<1000x128xf32, #tpu.memory_space<vmem>>, %arg3: memref<128x256xf32, #tpu.memory_space<vmem>>, %arg4: memref<1000x128xf32, #tpu.memory_space<vmem>>, %arg5: memref<1000x128xf32, #tpu.memory_space<vmem>>) attributes {dimension_semantics = [#tpu.dimension_semantics<arbitrary>], iteration_bounds = array<i64: 10>, scalar_prefetch = 0 : i64, scratch_operands = 0 : i64, tpu.core_type = #tpu.core_type<tc>, window_params = [{transform_indices = @transform_0, window_bounds = array<i64: 2, 1000, 128>}, {transform_indices = @transform_1, window_bounds = array<i64: 1000, 128>}, {pipeline_mode = #tpu.pipeline_mode<synchronous>, transform_indices = @transform_2, window_bounds = array<i64: 128, 256>}, {transform_indices = @transform_3, window_bounds = array<i64: 1000, 128>}, {transform_indices = @transform_4, window_bounds = array<i64: 1000, 128>}]} {
    %get3A = arith.constant 0 : index
    %get3A_0 = arith.constant 0 : index
    %get3A_1 = arith.constant 0 : index
    %get3A_2 = vector.load %arg1[%get3A, %get3A_0, %get3A_1] : memref<2x1000x128xf32, #tpu.memory_space<vmem>>, vector<1x1000x1xf32>
    %get3A_3 = vector.shape_cast %get3A_2 : vector<1x1000x1xf32> to vector<1000x1xf32>
    %get3A_4 = arith.constant 1 : index
    %get3A_5 = arith.constant 0 : index
    %get3A_6 = arith.constant 0 : index
    %get3A_7 = vector.load %arg1[%get3A_4, %get3A_5, %get3A_6] : memref<2x1000x128xf32, #tpu.memory_space<vmem>>, vector<1x1000x1xf32>
    %get3A_8 = vector.shape_cast %get3A_7 : vector<1x1000x1xf32> to vector<1000x1xf32>
    %add3A = arith.addf %get3A_3, %get3A_8 : vector<1000x1xf32>
    %add3A_9 = arith.constant 1.000000e+00 : f32
    %add3A_10 = vector.broadcast %add3A_9 : f32 to vector<1000x1xf32>
    %add3A_11 = arith.addf %add3A, %add3A_10 : vector<1000x1xf32>
    %rsqrt3A = math.rsqrt %add3A_11 : vector<1000x1xf32>
    %get3A_12 = arith.constant 0 : index
    %get3A_13 = arith.constant 0 : index
    %get3A_14 = vector.load %arg2[%get3A_12, %get3A_13] : memref<1000x128xf32, #tpu.memory_space<vmem>>, vector<1000x128xf32>
    %get3A_15 = arith.constant 0 : index
    %get3A_16 = arith.constant 0 : index
    %get3A_17 = vector.load %arg3[%get3A_15, %get3A_16] : memref<128x256xf32, #tpu.memory_space<vmem>>, vector<128x256xf32>
    %dot_general3A = arith.constant dense<0.000000e+00> : vector<1000x256xf32>
    %dot_general3A_18 = tpu.matmul %get3A_14, %get3A_17, %dot_general3A {dimension_numbers = #tpu.dot_dimension_numbers<[1], [0], [0], [1], [0, 0, 1, 1], [], []>, transpose_lhs_hint = false} : vector<1000x128xf32>, vector<128x256xf32>, vector<1000x256xf32> -> vector<1000x256xf32>
    %mul3A = vector.broadcast %rsqrt3A : vector<1000x1xf32> to vector<1000x256xf32>
    %mul3A_19 = arith.mulf %dot_general3A_18, %mul3A : vector<1000x256xf32>
    %slice3A = vector.extract_strided_slice %mul3A_19 {offsets = [0, 0], sizes = [1000, 128], strides = [1, 1]} : vector<1000x256xf32> to vector<1000x128xf32>
    %swap3A = arith.constant 0 : index
    %swap3A_20 = arith.constant 0 : index
    %swap3A_21 = vector.load %arg4[%swap3A, %swap3A_20] : memref<1000x128xf32, #tpu.memory_space<vmem>>, vector<1000x128xf32>
    tpu.vector_store %arg4[%swap3A, %swap3A_20], %slice3A {strides = array<i32>} : memref<1000x128xf32, #tpu.memory_space<vmem>>, vector<1000x128xf32>,
    %slice3A_22 = vector.extract_strided_slice %mul3A_19 {offsets = [0, 128], sizes = [1000, 128], strides = [1, 1]} : vector<1000x256xf32> to vector<1000x128xf32>
    %swap3A_23 = arith.constant 0 : index
    %swap3A_24 = arith.constant 0 : index
    %swap3A_25 = vector.load %arg5[%swap3A_23, %swap3A_24] : memref<1000x128xf32, #tpu.memory_space<vmem>>, vector<1000x128xf32>
    tpu.vector_store %arg5[%swap3A_23, %swap3A_24], %slice3A_22 {strides = array<i32>} : memref<1000x128xf32, #tpu.memory_space<vmem>>, vector<1000x128xf32>,
    return
  }
  func.func @transform_0(%arg0: i32) -> (i32, i32, i32) {
    %c0_i32 = arith.constant 0 : i32
    %c0_i32_0 = arith.constant 0 : i32
    %c0_i32_1 = arith.constant 0 : i32
    return %c0_i32, %arg0, %c0_i32_0 : i32, i32, i32
  }
  func.func @transform_1(%arg0: i32) -> (i32, i32) {
    %c0_i32 = arith.constant 0 : i32
    %c0_i32_0 = arith.constant 0 : i32
    return %arg0, %c0_i32 : i32, i32
  }
  func.func @transform_2(%arg0: i32) -> (i32, i32) {
    %c0_i32 = arith.constant 0 : i32
    %c0_i32_0 = arith.constant 0 : i32
    %c0_i32_1 = arith.constant 0 : i32
    return %c0_i32, %c0_i32_0 : i32, i32
  }
  func.func @transform_3(%arg0: i32) -> (i32, i32) {
    %c0_i32 = arith.constant 0 : i32
    %c0_i32_0 = arith.constant 0 : i32
    return %arg0, %c0_i32 : i32, i32
  }
  func.func @transform_4(%arg0: i32) -> (i32, i32) {
    %c0_i32 = arith.constant 0 : i32
    %c0_i32_0 = arith.constant 0 : i32
    return %arg0, %c0_i32 : i32, i32
  }
}

module attributes {stable_mosaic.version = 14 : i64} {
  func.func @_tc3_body(%arg0: i32, %arg1: memref<2x1000x128xf32, #tpu.memory_space<vmem>>, %arg2: memref<2x1000x128xf32, #tpu.memory_space<vmem>>, %arg3: memref<1000x128xf32, #tpu.memory_space<vmem>>, %arg4: memref<1x128xf32, #tpu.memory_space<vmem>>, %arg5: memref<128x32xf32, #tpu.memory_space<vmem>>, %arg6: memref<1x32xf32, #tpu.memory_space<vmem>>, %arg7: memref<32x256xf32, #tpu.memory_space<vmem>>, %arg8: memref<1x256xf32, #tpu.memory_space<vmem>>, %arg9: memref<1000x128xf32, #tpu.memory_space<vmem>>, %arg10: memref<1000x128xf32, #tpu.memory_space<vmem>>, %arg11: memref<1000x128xf32, #tpu.memory_space<vmem>>, %arg12: memref<1000x128xf32, #tpu.memory_space<vmem>>, %arg13: memref<1000x128xf32, #tpu.memory_space<vmem>>) attributes {dimension_semantics = [#tpu.dimension_semantics<arbitrary>], iteration_bounds = array<i64: 10>, scalar_prefetch = 0 : i64, scratch_operands = 0 : i64, tpu.core_type = #tpu.core_type<tc>, window_params = [{transform_indices = @transform_0, window_bounds = array<i64: 2, 1000, 128>}, {transform_indices = @transform_1, window_bounds = array<i64: 2, 1000, 128>}, {transform_indices = @transform_2, window_bounds = array<i64: 1000, 128>}, {pipeline_mode = #tpu.pipeline_mode<synchronous>, transform_indices = @transform_3, window_bounds = array<i64: 1, 128>}, {pipeline_mode = #tpu.pipeline_mode<synchronous>, transform_indices = @transform_4, window_bounds = array<i64: 128, 32>}, {pipeline_mode = #tpu.pipeline_mode<synchronous>, transform_indices = @transform_5, window_bounds = array<i64: 1, 32>}, {pipeline_mode = #tpu.pipeline_mode<synchronous>, transform_indices = @transform_6, window_bounds = array<i64: 32, 256>}, {pipeline_mode = #tpu.pipeline_mode<synchronous>, transform_indices = @transform_7, window_bounds = array<i64: 1, 256>}, {transform_indices = @transform_8, window_bounds = array<i64: 1000, 128>}, {transform_indices = @transform_9, window_bounds = array<i64: 1000, 128>}, {transform_indices = @transform_10, window_bounds = array<i64: 1000, 128>}, {transform_indices = @transform_11, window_bounds = array<i64: 1000, 128>}, {transform_indices = @transform_12, window_bounds = array<i64: 1000, 128>}]} {
    %get3A = arith.constant 0 : index
    %get3A_0 = arith.constant 0 : index
    %get3A_1 = arith.constant 0 : index
    %get3A_2 = vector.load %arg1[%get3A, %get3A_0, %get3A_1] : memref<2x1000x128xf32, #tpu.memory_space<vmem>>, vector<1x1000x1xf32>
    %get3A_3 = vector.shape_cast %get3A_2 : vector<1x1000x1xf32> to vector<1000x1xf32>
    %get3A_4 = arith.constant 1 : index
    %get3A_5 = arith.constant 0 : index
    %get3A_6 = arith.constant 0 : index
    %get3A_7 = vector.load %arg1[%get3A_4, %get3A_5, %get3A_6] : memref<2x1000x128xf32, #tpu.memory_space<vmem>>, vector<1x1000x1xf32>
    %get3A_8 = vector.shape_cast %get3A_7 : vector<1x1000x1xf32> to vector<1000x1xf32>
    %add3A = arith.addf %get3A_3, %get3A_8 : vector<1000x1xf32>
    %add3A_9 = arith.constant 1.000000e+00 : f32
    %add3A_10 = vector.broadcast %add3A_9 : f32 to vector<1000x1xf32>
    %add3A_11 = arith.addf %add3A, %add3A_10 : vector<1000x1xf32>
    %rsqrt3A = math.rsqrt %add3A_11 : vector<1000x1xf32>
    %get3A_12 = arith.constant 0 : index
    %get3A_13 = arith.constant 0 : index
    %get3A_14 = arith.constant 0 : index
    %get3A_15 = vector.load %arg2[%get3A_12, %get3A_13, %get3A_14] : memref<2x1000x128xf32, #tpu.memory_space<vmem>>, vector<1x1000x128xf32>
    %get3A_16 = vector.shape_cast %get3A_15 : vector<1x1000x128xf32> to vector<1000x128xf32>
    %get3A_17 = arith.constant 1 : index
    %get3A_18 = arith.constant 0 : index
    %get3A_19 = arith.constant 0 : index
    %get3A_20 = vector.load %arg2[%get3A_17, %get3A_18, %get3A_19] : memref<2x1000x128xf32, #tpu.memory_space<vmem>>, vector<1x1000x128xf32>
    %get3A_21 = vector.shape_cast %get3A_20 : vector<1x1000x128xf32> to vector<1000x128xf32>
    %add3A_22 = arith.addf %get3A_16, %get3A_21 : vector<1000x128xf32>
    %get3A_23 = arith.constant 0 : index
    %get3A_24 = arith.constant 0 : index
    %get3A_25 = vector.load %arg3[%get3A_23, %get3A_24] : memref<1000x128xf32, #tpu.memory_space<vmem>>, vector<1000x128xf32>
    %add3A_26 = arith.addf %add3A_22, %get3A_25 : vector<1000x128xf32>
    %mul3A = vector.broadcast %rsqrt3A : vector<1000x1xf32> to vector<1000x128xf32>
    %mul3A_27 = arith.mulf %add3A_26, %mul3A : vector<1000x128xf32>
    %get3A_28 = arith.constant 0 : index
    %get3A_29 = arith.constant 0 : index
    %get3A_30 = vector.load %arg4[%get3A_28, %get3A_29] : memref<1x128xf32, #tpu.memory_space<vmem>>, vector<1x128xf32>
    %add3A_31 = vector.broadcast %get3A_30 : vector<1x128xf32> to vector<1000x128xf32>
    %add3A_32 = arith.addf %mul3A_27, %add3A_31 : vector<1000x128xf32>
    %get3A_33 = arith.constant 0 : index
    %get3A_34 = arith.constant 0 : index
    %get3A_35 = vector.load %arg5[%get3A_33, %get3A_34] : memref<128x32xf32, #tpu.memory_space<vmem>>, vector<128x32xf32>
    %dot_general3A = arith.constant dense<0.000000e+00> : vector<1000x32xf32>
    %dot_general3A_36 = tpu.matmul %add3A_32, %get3A_35, %dot_general3A {dimension_numbers = #tpu.dot_dimension_numbers<[1], [0], [0], [1], [0, 0, 1, 1], [], []>, transpose_lhs_hint = false} : vector<1000x128xf32>, vector<128x32xf32>, vector<1000x32xf32> -> vector<1000x32xf32>
    %get3A_37 = arith.constant 0 : index
    %get3A_38 = arith.constant 0 : index
    %get3A_39 = vector.load %arg6[%get3A_37, %get3A_38] : memref<1x32xf32, #tpu.memory_space<vmem>>, vector<1x32xf32>
    %add3A_40 = vector.broadcast %get3A_39 : vector<1x32xf32> to vector<1000x32xf32>
    %add3A_41 = arith.addf %dot_general3A_36, %add3A_40 : vector<1000x32xf32>
    %max3A = arith.constant 0.000000e+00 : f32
    %max3A_42 = vector.broadcast %max3A : f32 to vector<1000x32xf32>
    %max3A_43 = arith.maximumf %add3A_41, %max3A_42 : vector<1000x32xf32>
    %get3A_44 = arith.constant 0 : index
    %get3A_45 = arith.constant 0 : index
    %get3A_46 = vector.load %arg7[%get3A_44, %get3A_45] : memref<32x256xf32, #tpu.memory_space<vmem>>, vector<32x256xf32>
    %dot_general3A_47 = arith.constant dense<0.000000e+00> : vector<1000x256xf32>
    %dot_general3A_48 = tpu.matmul %max3A_43, %get3A_46, %dot_general3A_47 {dimension_numbers = #tpu.dot_dimension_numbers<[1], [0], [0], [1], [0, 0, 1, 1], [], []>, transpose_lhs_hint = false} : vector<1000x32xf32>, vector<32x256xf32>, vector<1000x256xf32> -> vector<1000x256xf32>
    %get3A_49 = arith.constant 0 : index
    %get3A_50 = arith.constant 0 : index
    %get3A_51 = vector.load %arg8[%get3A_49, %get3A_50] : memref<1x256xf32, #tpu.memory_space<vmem>>, vector<1x256xf32>
    %add3A_52 = vector.broadcast %get3A_51 : vector<1x256xf32> to vector<1000x256xf32>
    %add3A_53 = arith.addf %dot_general3A_48, %add3A_52 : vector<1000x256xf32>
    %slice3A = vector.extract_strided_slice %add3A_53 {offsets = [0, 0], sizes = [1000, 128], strides = [1, 1]} : vector<1000x256xf32> to vector<1000x128xf32>
    %slice3A_54 = vector.extract_strided_slice %add3A_53 {offsets = [0, 128], sizes = [1000, 128], strides = [1, 1]} : vector<1000x256xf32> to vector<1000x128xf32>
    %swap3A = arith.constant 0 : index
    %swap3A_55 = arith.constant 0 : index
    %swap3A_56 = vector.load %arg10[%swap3A, %swap3A_55] : memref<1000x128xf32, #tpu.memory_space<vmem>>, vector<1000x128xf32>
    tpu.vector_store %arg10[%swap3A, %swap3A_55], %add3A_32 {strides = array<i32>} : memref<1000x128xf32, #tpu.memory_space<vmem>>, vector<1000x128xf32>,
    %swap3A_57 = arith.constant 0 : index
    %swap3A_58 = arith.constant 0 : index
    %swap3A_59 = vector.load %arg11[%swap3A_57, %swap3A_58] : memref<1000x128xf32, #tpu.memory_space<vmem>>, vector<1000x128xf32>
    tpu.vector_store %arg11[%swap3A_57, %swap3A_58], %slice3A {strides = array<i32>} : memref<1000x128xf32, #tpu.memory_space<vmem>>, vector<1000x128xf32>,
    %swap3A_60 = arith.constant 0 : index
    %swap3A_61 = arith.constant 0 : index
    %swap3A_62 = vector.load %arg12[%swap3A_60, %swap3A_61] : memref<1000x128xf32, #tpu.memory_space<vmem>>, vector<1000x128xf32>
    tpu.vector_store %arg12[%swap3A_60, %swap3A_61], %slice3A_54 {strides = array<i32>} : memref<1000x128xf32, #tpu.memory_space<vmem>>, vector<1000x128xf32>,
    %get3A_63 = arith.constant 0 : index
    %get3A_64 = arith.constant 0 : index
    %get3A_65 = vector.load %arg9[%get3A_63, %get3A_64] : memref<1000x128xf32, #tpu.memory_space<vmem>>, vector<1000x128xf32>
    %mul3A_66 = arith.constant 5.000000e-01 : f32
    %mul3A_67 = vector.broadcast %mul3A_66 : f32 to vector<1000x128xf32>
    %mul3A_68 = arith.mulf %slice3A_54, %mul3A_67 : vector<1000x128xf32>
    %exp3A = math.exp %mul3A_68 : vector<1000x128xf32>
    %mul3A_69 = arith.mulf %get3A_65, %exp3A : vector<1000x128xf32>
    %add3A_70 = arith.addf %slice3A, %mul3A_69 : vector<1000x128xf32>
    %swap3A_71 = arith.constant 0 : index
    %swap3A_72 = arith.constant 0 : index
    %swap3A_73 = vector.load %arg13[%swap3A_71, %swap3A_72] : memref<1000x128xf32, #tpu.memory_space<vmem>>, vector<1000x128xf32>
    tpu.vector_store %arg13[%swap3A_71, %swap3A_72], %add3A_70 {strides = array<i32>} : memref<1000x128xf32, #tpu.memory_space<vmem>>, vector<1000x128xf32>,
    return
  }
  func.func @transform_0(%arg0: i32) -> (i32, i32, i32) {
    %c0_i32 = arith.constant 0 : i32
    %c0_i32_0 = arith.constant 0 : i32
    %c0_i32_1 = arith.constant 0 : i32
    return %c0_i32, %arg0, %c0_i32_0 : i32, i32, i32
  }
  func.func @transform_1(%arg0: i32) -> (i32, i32, i32) {
    %c0_i32 = arith.constant 0 : i32
    %c0_i32_0 = arith.constant 0 : i32
    %c0_i32_1 = arith.constant 0 : i32
    return %c0_i32, %arg0, %c0_i32_0 : i32, i32, i32
  }
  func.func @transform_2(%arg0: i32) -> (i32, i32) {
    %c0_i32 = arith.constant 0 : i32
    %c0_i32_0 = arith.constant 0 : i32
    return %arg0, %c0_i32 : i32, i32
  }
  func.func @transform_3(%arg0: i32) -> (i32, i32) {
    %c0_i32 = arith.constant 0 : i32
    %c0_i32_0 = arith.constant 0 : i32
    %c0_i32_1 = arith.constant 0 : i32
    return %c0_i32, %c0_i32_0 : i32, i32
  }
  func.func @transform_4(%arg0: i32) -> (i32, i32) {
    %c0_i32 = arith.constant 0 : i32
    %c0_i32_0 = arith.constant 0 : i32
    %c0_i32_1 = arith.constant 0 : i32
    return %c0_i32, %c0_i32_0 : i32, i32
  }
  func.func @transform_5(%arg0: i32) -> (i32, i32) {
    %c0_i32 = arith.constant 0 : i32
    %c0_i32_0 = arith.constant 0 : i32
    %c0_i32_1 = arith.constant 0 : i32
    return %c0_i32, %c0_i32_0 : i32, i32
  }
  func.func @transform_6(%arg0: i32) -> (i32, i32) {
    %c0_i32 = arith.constant 0 : i32
    %c0_i32_0 = arith.constant 0 : i32
    %c0_i32_1 = arith.constant 0 : i32
    return %c0_i32, %c0_i32_0 : i32, i32
  }
  func.func @transform_7(%arg0: i32) -> (i32, i32) {
    %c0_i32 = arith.constant 0 : i32
    %c0_i32_0 = arith.constant 0 : i32
    %c0_i32_1 = arith.constant 0 : i32
    return %c0_i32, %c0_i32_0 : i32, i32
  }
  func.func @transform_8(%arg0: i32) -> (i32, i32) {
    %c0_i32 = arith.constant 0 : i32
    %c0_i32_0 = arith.constant 0 : i32
    return %arg0, %c0_i32 : i32, i32
  }
  func.func @transform_9(%arg0: i32) -> (i32, i32) {
    %c0_i32 = arith.constant 0 : i32
    %c0_i32_0 = arith.constant 0 : i32
    return %arg0, %c0_i32 : i32, i32
  }
  func.func @transform_10(%arg0: i32) -> (i32, i32) {
    %c0_i32 = arith.constant 0 : i32
    %c0_i32_0 = arith.constant 0 : i32
    return %arg0, %c0_i32 : i32, i32
  }
  func.func @transform_11(%arg0: i32) -> (i32, i32) {
    %c0_i32 = arith.constant 0 : i32
    %c0_i32_0 = arith.constant 0 : i32
    return %arg0, %c0_i32 : i32, i32
  }
  func.func @transform_12(%arg0: i32) -> (i32, i32) {
    %c0_i32 = arith.constant 0 : i32
    %c0_i32_0 = arith.constant 0 : i32
    return %arg0, %c0_i32 : i32, i32
  }
}

</mosaic_0001>

<sc_bundles>
// kernel: kernel.11.cloned.1.call-start
scs
__scs_entry_jumppad:
0x0: {  	(pc) =	sbr.rel $0x88, $3  }
0x1: {  	(tag) =	ssettag $0x0;
	lr =	simm.s32 $0x1  }
0x2: {  	[smem:$0x3F97] =	sst lr;
	_ =	strace $0xD0000000  }
0x3: {  	_ = 	snop  }
0x4: {  	_ = 	snop  }
0x5: {  	_ = 	snop  }
0x6: {  	_ = 	snop  }
0x7: {  	_ = 	snop  }
__scs_overlays_trampoline_lowered:
0x8: {  	[smem:$0x3FA6] =	sst s0  }
0x9: {  	[smem:$0x3FA7] =	sst s1  }
0xa: {  	[smem:$0x3FA8] =	sst s2  }
0xb: {  	[smem:$0x3FA9] =	sst s3  }
0xc: {  	[smem:$0x3FAA] =	sst s4  }
0xd: {  	[smem:$0x3FAB] =	sst s5  }
0xe: {  	[smem:$0x3FAC] =	sst s6  }
0xf: {  	[smem:$0x3FAD] =	sst s7  }
0x10: {  	[smem:$0x3FAE] =	sst s8  }
0x11: {  	[smem:$0x3FAF] =	sst s9;
	s0 =	simm.s32 @!p0 $0x0  }
0x12: {  	s1 =	sld [smem:$0x3F95];
	s0 =	simm.s32 @p0 $0x1  }
0x13: {  	[smem:$0x3FB0] =	sst s0;
	s0 =	simm.s32 @!p1 $0x0  }
0x14: {  	s2 =	sld [smem:$0x3F94];
	s0 =	simm.s32 @p1 $0x1  }
0x15: {  	[smem:$0x3FB1] =	sst s0;
	s0 =	simm.s32 @!p2 $0x0  }
0x16: {  	s3 =	sld [smem:$0x3FDB];
	s0 =	simm.s32 @p2 $0x1  }
0x17: {  	s4 =	simm.s32 $0x1BF5;
	[smem:$0x3FB3] =	sst s0  }
0x18: {  	s0 =	sld [smem:$0x3F96];
	_ =	swait.ge [sflag:s4], $0x0  }
0x19: {  	s7 =	sld [smem:$0x3F97]  }
0x1a: {  	s8 =	sadd.s32 $0xFFFFE003, lr  }
0x1b: {  	s9 =	sadd.s32 $0xFFFFFEF7, lr;
	s5 =	simm.s32 $0xFFFFFFFF;
	p2 =	slt.u32 s8, $0xFFFFF086  }
0x1c: {  	p1 =	slt.u32 s9, $0xF7A;
	s5 =	simm.s32 @!p2 $0x0  }
0x1d: {  	s5 =	simm.s32 @p1 $0x1;
	p0 =	seq.s32 s7, s2  }
0x1e: {  	s7 =	smul.u32 @!p0 $0xF7A, s2;
	p2 =	seq.s32 @!p0 s5, $0x0  }
0x1f: {  	s9 =	smul.u32 $0xF7A, s1;
	s8 =	simm.s32 @!p0 $0x1BF5;
	p2 =	por !p2, p0  }
0x20: {  	[sflag:s8] =	ssyncset.s32 @!p0 $0xFFFFF086;
	s6 =	sadd.s32 @!p0 s3, s7;
	s7 =	simm.s32 @!p0 $0x108  }
0x21: {  	s3 =	sadd.s32 s3, s9;
	s6 =	sadd.s32 @!p0 $0x88, s6;
	s7 =	simm.s32 @p2 $0x1082  }
0x22: {  	[simem:s7], [sflag:s8] =	dma.local @!p0 [hbm:s6], $0xF7A  }
0x23: {  	s9 =	sor.u32 $0xD0000000, s2;
	s6 =	simm.s32 $0x108;
	_ =	swait.ge @!p0 [sflag:s8], $0x0  }
0x24: {  	s3 =	sadd.s32 $0x88, s3;
	s6 =	simm.s32 @!p1 $0x1082;
	[sflag:s4] =	ssyncset.s32 $0xFFFFF086  }
0x25: {  	[simem:s6], [sflag:s4] =	dma.local [hbm:s3], $0xF7A  }
0x26: {  	[smem:$0x3F97] =	sst s1;
	(tag) =	ssettag s2;
	_ =	strace s9  }
0x27: {  	s1 =	sld [smem:$0x3FA7]  }
0x28: {  	s2 =	sld [smem:$0x3FA8]  }
0x29: {  	s4 =	sld [smem:$0x3FAA]  }
0x2a: {  	p0 =	seq.s32 s5, $0x0;
	s5 =	sld [smem:$0x3FAB]  }
0x2b: {  	s6 =	sld [smem:$0x3FAC]  }
0x2c: {  	s7 =	sld [smem:$0x3FAD]  }
0x2d: {  	s3 =	simm.s32 $0x108;
	s8 =	sld [smem:$0x3FAE]  }
0x2e: {  	s3 =	simm.s32 @!p0 $0x1082;
	s9 =	sld [smem:$0x3FAF]  }
0x2f: {  	lr =	sadd.s32 s0, s3;
	s0 =	sld [smem:$0x3FA6]  }
0x30: {  	s3 =	sld [smem:$0x3FA9]  }
0x31: {  	[smem:$0x3FB2] =	sst s10  }
0x32: {  	s10 =	sld [smem:$0x3FB0];
	_ =	sdelay $0x3  }
0x33: {  	p0 =	seq.s32 s10, $0x1;
	s10 =	sld [smem:$0x3FB2];
	_ =	sdelay $0x3  }
0x34: {  	[smem:$0x3FB2] =	sst s10  }
0x35: {  	s10 =	sld [smem:$0x3FB1];
	_ =	sdelay $0x3  }
0x36: {  	p1 =	seq.s32 s10, $0x1;
	s10 =	sld [smem:$0x3FB2];
	_ =	sdelay $0x3  }
0x37: {  	[smem:$0x3FB2] =	sst s10  }
0x38: {  	s10 =	sld [smem:$0x3FB3]  }
0x39: {  	_ = 	snop;
	(pc) =	sbr.ind lr, $3  }
0x3a: {  	_ = 	snop  }
0x3b: {  	_ = 	snop  }
0x3c: {  	p2 =	seq.s32 s10, $0x1;
	s10 =	sld [smem:$0x3FB2]  }
0x3d: {  	_ =	shalt  }
0x3e: {  	_ =	shalt  }
0x3f: {  	_ =	shalt  }
0x40: {  	_ =	shalt  }
0x41: {  	_ =	shalt  }
0x42: {  	_ =	shalt  }
0x43: {  	_ =	shalt  }
0x44: {  	_ =	shalt  }
0x45: {  	_ =	shalt  }
0x46: {  	_ =	shalt  }
0x47: {  	_ =	shalt  }
0x48: {  	_ =	shalt  }
0x49: {  	_ =	shalt  }
0x4a: {  	_ =	shalt  }
0x4b: {  	_ =	shalt  }
0x4c: {  	_ =	shalt  }
0x4d: {  	_ =	shalt  }
0x4e: {  	_ =	shalt  }
0x4f: {  	_ =	shalt  }
0x50: {  	_ =	shalt  }
0x51: {  	_ =	shalt  }
0x52: {  	_ =	shalt  }
0x53: {  	_ =	shalt  }
0x54: {  	_ =	shalt  }
0x55: {  	_ =	shalt  }
0x56: {  	_ =	shalt  }
0x57: {  	_ =	shalt  }
0x58: {  	_ =	shalt  }
0x59: {  	_ =	shalt  }
0x5a: {  	_ =	shalt  }
0x5b: {  	_ =	shalt  }
0x5c: {  	_ =	shalt  }
0x5d: {  	_ =	shalt  }
0x5e: {  	_ =	shalt  }
0x5f: {  	_ =	shalt  }
0x60: {  	_ =	shalt  }
0x61: {  	_ =	shalt  }
0x62: {  	_ =	shalt  }
0x63: {  	_ =	shalt  }
0x64: {  	_ =	shalt  }
0x65: {  	_ =	shalt  }
0x66: {  	_ =	shalt  }
0x67: {  	_ =	shalt  }
0x68: {  	_ =	shalt  }
0x69: {  	_ =	shalt  }
0x6a: {  	_ =	shalt  }
0x6b: {  	_ =	shalt  }
0x6c: {  	_ =	shalt  }
0x6d: {  	_ =	shalt  }
0x6e: {  	_ =	shalt  }
0x6f: {  	_ =	shalt  }
0x70: {  	_ =	shalt  }
0x71: {  	_ =	shalt  }
0x72: {  	_ =	shalt  }
0x73: {  	_ =	shalt  }
0x74: {  	_ =	shalt  }
0x75: {  	_ =	shalt  }
0x76: {  	_ =	shalt  }
0x77: {  	_ =	shalt  }
0x78: {  	_ =	shalt  }
0x79: {  	_ =	shalt  }
0x7a: {  	_ =	shalt  }
0x7b: {  	_ =	shalt  }
0x7c: {  	_ =	shalt  }
0x7d: {  	_ =	shalt  }
0x7e: {  	_ =	shalt  }
0x7f: {  	_ =	shalt  }
0x80: {  	_ =	shalt  }
0x81: {  	_ =	shalt  }
0x82: {  	_ =	shalt  }
0x83: {  	_ =	shalt  }
0x84: {  	_ =	shalt  }
0x85: {  	_ =	shalt  }
0x86: {  	_ =	shalt  }
0x87: {  	_ =	shalt  }
.Lfunc_end0:
.L_simem_size_0:
called_computation_lowered:
.L_overlay_start_0:
0x88: {  	s2 =	sld [smem:$0x3FD9]  }
0x89: {  	s3 =	sld [smem:$0x3FFE];
	_ =	sdelay $0x1  }
0x8a: {  	s1 =	srdreg.scid  }
0x8b: {  	s0 =	sand.u32 $0x1, s1  }
0x8c: {  	s14 =	sshll.u32 s0, $0xA;
	s2 =	sadd.s32 s3, s2  }
0x8d: {  	s2 =	sadd.s32 s2, s14  }
0x8e: {  	[smem:$0x3FBE] =	sst s2  }
0x8f: {  	_ = 	snop  }
0x90: {  	s2 =	sld [smem:$0x3FD0];
	_ =	sdelay $0x2  }
0x91: {  	s15 =	simm.s32 $0xA;
	s4 =	simm.s32 $0x10  }
0x92: {  	[smem:s4], [sflag:s15] =	dma.local [hbm:s2], $0x1  }
0x93: {  	_ =	swait.eq [sflag:s15], $0x1  }
0x94: {  	[sflag:s15] =	ssyncset.done $0x0  }
0x95: {  	s16 =	sld [smem:$0x12];
	[sflag:s15] =	ssyncadd.s32 $0xFFFFFFFF  }
0x96: {  	s17 =	sld [smem:$0x13];
	(tm) =	ssettm $0x1  }
0x97: {  	s18 =	sld [smem:$0x3FFB];
	_ =	sdelay $0x3  }
0x98: {  	_ =	strace s18  }
0x99: {  	s4 =	sld [smem:$0x3FFC];
	_ =	sdelay $0x3  }
0x9a: {  	_ =	strace s4  }
0x9b: {  	s4 =	sld [smem:$0x3FFD];
	_ =	sdelay $0x3  }
0x9c: {  	_ =	strace s4  }
0x9d: {  	_ =	strace $0x8FFFFFFF  }
0x9e: {  	s19 =	sld [smem:$0x3FDB];
	_ =	sdelay $0x1  }
0x9f: {  	s5 =	simm.s32 $_scs_section_size  }
0xa0: {  	s6 =	simm.s32 $_size__tile_overlayer_lowered;
	s7 =	simm.s32 $_tile_overlayer_lowered  }
0xa1: {  	s22 =	simm.s32 $0x1BFF;
	s21 =	sshll.u32 s7, $0x1;
	s4 =	sadd.s32 s5, s19  }
0xa2: {  	s8 =	simm.s32 $0x0;
	s20 =	sshll.u32 s6, $0x1;
	s6 =	sadd.s32 s21, s4  }
0xa3: {  	[timem:s8], [sflag:s22] =	dma.local [hbm:s6], s20  }
0xa4: {  	_ =	swait.ge [sflag:s22], s20  }
0xa5: {  	s5 =	ssub.s32 $0x0, s20;
	[sflag:s22] =	ssyncset.done $0x0  }
0xa6: {  	[sflag:s22] =	ssyncadd.s32 s5;
	_ =	sdelay $0x1  }
0xa7: {  	s23 =	simm.s32 $0x1B8B  }
0xa8: {  	_ =	swait.ge [sflag:s23], $0x1  }
0xa9: {  	[sflag:s23] =	ssyncset.done $0x0  }
0xaa: {  	s25 =	simm.s32 $0x1B8E;
	s24 =	sld [smem:$0x3FFE];
	[sflag:s23] =	ssyncadd.s32 $0xFFFFFFFF  }
0xab: {  	s26 =	simm.s32 $execute0_lowered;
	[smem:$0x3FD2] =	sst s25  }
0xac: {  	s6 =	sshll.u32 s26, $0x1;
	_ =	strace $0x80000046;
	[dreg:$0x1] =	wrdreg $0xFFFFFFFF  }
0xad: {  	s28 =	simm.s32 $_size_execute0_lowered;
	s4 =	sadd.s32 s4, s6;
	[dreg:$0x0] =	wrdreg $0x0  }
0xae: {  	s6 =	sshll.u32 s28, $0x1;
	[dreg:$0x2] =	wrdreg s4  }
0xaf: {  	[dreg:$0x3] =	wrdreg s6  }
0xb0: {  	[dreg:$0x4] =	wrdreg $0xC0  }
0xb1: {  	_ =	task [dreg:s8], $0x5FFFF  }
0xb2: {  	[dreg:$0x1] =	wrdreg $0xFFFFFFFF  }
0xb3: {  	[dreg:$0x0] =	wrdreg $0x60  }
0xb4: {  	[dreg:$0x2] =	wrdreg s16  }
0xb5: {  	[dreg:$0x3] =	wrdreg s17  }
0xb6: {  	[dreg:$0x4] =	wrdreg s24  }
0xb7: {  	[dreg:$0x5] =	wrdreg $0x6C000  }
0xb8: {  	[dreg:$0x6] =	wrdreg $0x9  }
0xb9: {  	_ =	task.clear_ibuf [dreg:s8], $0x7FFFF;
	_ =	strace $0x90000046  }
0xba: {  	s29 =	simm.s32 $0x9;
	_ =	strace $0x80000048  }
0xbb: {  	_ =	swait.ge [sflag:s29], $0x1  }
0xbc: {  	[sflag:s29] =	ssyncadd.s32 $0xFFFFFFFF  }
0xbd: {  	_ =	strace $0x90000048  }
0xbe: {  	_ =	sfence  }
0xbf: {  	s30 =	sld [smem:$0x0];
	_ =	sdelay $0x2  }
0xc0: {  	s31 =	sshll.u32 s1, $0xD;
	s1 =	sshrl.u32 s1, $0x2  }
0xc1: {  	s3 =	sand.u32 $0x4000, s31;
	s1 =	sadd.s32 s1, s30  }
0xc2: {  	s0 =	sor.u32 s3, s0;
	s1 =	sshll.u32 s1, $0x11  }
0xc3: {  	s0 =	sor.u32 s1, s0  }
0xc4: {  	s0 =	sadd.s32 $0x8F2B, s0  }
0xc5: {  	[sflag:s0] =	ssyncadd.remote.s32 $0x1  }
0xc6: {  	_ =	sfence.sel $0xFFFF  }
0xc7: {  	[dreg:$0x0] =	wrdreg $0xFFFFFFFF;
	(pc) =	sbr.abs _section_cstart, $3  }
0xc8: {  	[dreg:$0x1] =	wrdreg $0xFFFFFFFF  }
0xc9: {  	_ =	task.clear_ibuf [dreg:s8], $0x2FFFF;
	_ =	strace $0x9FFFFFFF  }
0xca: {  	(tm) =	ssettm $0x7FFFFFFF  }
0xcb: {  	_ =	shalt  }
tec
execute0_lowered:
.L_overlay_start_1:
0x0: {  	(tag) =	ssettag $0x1  }
0x1: {  	s1 =	rddreg [dreg:$0x0]  }
0x2: {  	s5 =	rddreg [dreg:$0x1]  }
0x3: {  	s6 =	rddreg [dreg:$0x2]  }
0x4: {  	s3 =	rddreg [dreg:$0x3]  }
0x5: {  	s0 =	rddreg [dreg:$0x4];
	s2 =	stileid.u32  }
0x6: {  	s4 =	simm.s32 $0x0;
	s7 =	srdreg.scid;
	s11 =	simm.s32 $0x6800  }
0x7: {  	s12 =	simm.s32 $0x80;
	s13 =	simm.s32 $0x1;
	s8 =	smul.u32 $0x13C00, s2  }
0x8: {  	s16 =	simm.s32 $0x0;
	[smem:$0x7FF] =	sst s4;
	s10 =	smul.u32 $0x2780, s2  }
0x9: {  	s7 =	sand.u32 $0x1, s7;
	s9 =	sshll.u32 s2, $0x1;
	s29 =	smul.u32 $0x4F000, s2  }
0xa: {  	s14 =	sshll.u32 s2, $0x6;
	s9 =	sor.u32 s7, s9;
	p0 =	seq.s32 s7, $0x1  }
0xb: {  	s7 =	ssub.s32 $0x2, s7;
	_ =	strace $0x80000047;
	s14 =	sor.u32 $0x1C02, s14  }
0xc: {  	s8 =	sshrl.u32 s8, $0x3;
	s9 =	smul.u32 $0x500, s9;
	s30 =	sshrl.u32 s7, $0x1  }
0xd: {  	s31 =	sshrl.u32 s29, $0x2;
	s8 =	sadd.s32 $0x27800, s8;
	s7 =	ssub.s32 s7, s30  }
0xe: {  	s10 =	smov.u32 @p0 s8;
	s5 =	sadd.s32 s5, s9;
	s7 =	smax.u32 s7, $0x1  }
0xf: {  	s9 =	simm.s32 $0x2;
	s10 =	sadd.s32 s10, s6;
	s6 =	sadd.s32 s31, s3  }
0x10: {  	v0 =	vimm.f32 $0.0e+00;
	s8 =	sadd.s32 $0x3E00, s10;
	s10 =	simm.s32 $0x2800;
	s15 =	sshrl.u32 s6, $0x3  }
.LBB2_1:
0x11: {  	[tilespmem:s4], [sflag:$0x2] =	stream.linear.gather [hbm4b:s5+s4], $0x2800, $0x38;
	[tilespmem:$0x1A800] =	vst v63  }
0x12: {  	_ =	swait.ge [sflag:s9], $0x2800  }
0x13: {  	[sflag:s9] =	ssyncset.done $0x0  }
0x14: {  	[sflag:s9] =	ssyncadd.s32 $0xFFFFD800  }
0x15: {  	[tilespmem:s10], [sflag:$0x2] =	stream.linear.gather [hbm4b:s1+s4], $0x4000, $0x38;
	[tilespmem:$0x1A800] =	vst v63  }
0x16: {  	_ =	swait.ge [sflag:s9], $0x4000  }
0x17: {  	[sflag:s9] =	ssyncset.done $0x0  }
0x18: {  	[sflag:s9] =	ssyncadd.s32 $0xFFFFC000  }
0x19: {  	[tilespmem:$0x6800] =	vst v0  }
0x1a: {  	[tilespmem:$0x6810] =	vst v0  }
0x1b: {  	[tilespmem:$0x6820] =	vst v0  }
0x1c: {  	[tilespmem:$0x6830] =	vst v0  }
0x1d: {  	[tilespmem:$0x6840] =	vst v0  }
0x1e: {  	[tilespmem:$0x6850] =	vst v0  }
0x1f: {  	[tilespmem:$0x6860] =	vst v0  }
0x20: {  	[tilespmem:$0x6870] =	vst v0  }
0x21: {  	[tilespmem:$0x6880] =	vst v0  }
0x22: {  	[tilespmem:$0x6890] =	vst v0  }
0x23: {  	[tilespmem:$0x68A0] =	vst v0  }
0x24: {  	[tilespmem:$0x68B0] =	vst v0  }
0x25: {  	[tilespmem:$0x68C0] =	vst v0  }
0x26: {  	[tilespmem:$0x68D0] =	vst v0  }
0x27: {  	[tilespmem:$0x68E0] =	vst v0  }
0x28: {  	[tilespmem:$0x68F0] =	vst v0  }
0x29: {  	[tilespmem:$0x6900] =	vst v0  }
0x2a: {  	[tilespmem:$0x6910] =	vst v0  }
0x2b: {  	[tilespmem:$0x6920] =	vst v0  }
0x2c: {  	[tilespmem:$0x6930] =	vst v0  }
0x2d: {  	[tilespmem:$0x6940] =	vst v0  }
0x2e: {  	[tilespmem:$0x6950] =	vst v0  }
0x2f: {  	[tilespmem:$0x6960] =	vst v0  }
0x30: {  	[tilespmem:$0x6970] =	vst v0  }
0x31: {  	[tilespmem:$0x6980] =	vst v0  }
0x32: {  	[tilespmem:$0x6990] =	vst v0  }
0x33: {  	[tilespmem:$0x69A0] =	vst v0  }
0x34: {  	[tilespmem:$0x69B0] =	vst v0  }
0x35: {  	[tilespmem:$0x69C0] =	vst v0  }
0x36: {  	[tilespmem:$0x69D0] =	vst v0  }
0x37: {  	[tilespmem:$0x69E0] =	vst v0  }
0x38: {  	[tilespmem:$0x69F0] =	vst v0  }
0x39: {  	[tilespmem:$0x6A00] =	vst v0  }
0x3a: {  	[tilespmem:$0x6A10] =	vst v0  }
0x3b: {  	[tilespmem:$0x6A20] =	vst v0  }
0x3c: {  	[tilespmem:$0x6A30] =	vst v0  }
0x3d: {  	[tilespmem:$0x6A40] =	vst v0  }
0x3e: {  	[tilespmem:$0x6A50] =	vst v0  }
0x3f: {  	[tilespmem:$0x6A60] =	vst v0  }
0x40: {  	[tilespmem:$0x6A70] =	vst v0  }
0x41: {  	[tilespmem:$0x6A80] =	vst v0  }
0x42: {  	[tilespmem:$0x6A90] =	vst v0  }
0x43: {  	[tilespmem:$0x6AA0] =	vst v0  }
0x44: {  	[tilespmem:$0x6AB0] =	vst v0  }
0x45: {  	[tilespmem:$0x6AC0] =	vst v0  }
0x46: {  	[tilespmem:$0x6AD0] =	vst v0  }
0x47: {  	[tilespmem:$0x6AE0] =	vst v0  }
0x48: {  	[tilespmem:$0x6AF0] =	vst v0  }
0x49: {  	[tilespmem:$0x6B00] =	vst v0  }
0x4a: {  	[tilespmem:$0x6B10] =	vst v0  }
0x4b: {  	[tilespmem:$0x6B20] =	vst v0  }
0x4c: {  	[tilespmem:$0x6B30] =	vst v0  }
0x4d: {  	[tilespmem:$0x6B40] =	vst v0  }
0x4e: {  	[tilespmem:$0x6B50] =	vst v0  }
0x4f: {  	[tilespmem:$0x6B60] =	vst v0  }
0x50: {  	[tilespmem:$0x6B70] =	vst v0  }
0x51: {  	[tilespmem:$0x6B80] =	vst v0  }
0x52: {  	[tilespmem:$0x6B90] =	vst v0  }
0x53: {  	[tilespmem:$0x6BA0] =	vst v0  }
0x54: {  	[tilespmem:$0x6BB0] =	vst v0  }
0x55: {  	[tilespmem:$0x6BC0] =	vst v0  }
0x56: {  	[tilespmem:$0x6BD0] =	vst v0  }
0x57: {  	[tilespmem:$0x6BE0] =	vst v0  }
0x58: {  	s17 =	sadd.s32 $0x0, s6;
	[tilespmem:$0x6BF0] =	vst v0  }
0x59: {  	[spmem:s17] =	stream.linear.scatter [tilespmem:s11], [sflag:$0x2], $0x400, $0x38;
	[tilespmem:$0x1A800] =	vst v63  }
0x5a: {  	s17 =	simm.s32 $0x1000;
	_ =	swait.ge [sflag:s9], $0x400  }
.LBB2_2:
0x5b: {  	s18 =	sshra.s32 s17, $0x2;
	[sflag:s9] =	ssyncset.done $0x0;
	p0 =	sne.s32 s17, $0x4E000  }
.Ltmp0:
0x5c: {  	s18 =	sadd.s32 s18, s6;
	[sflag:s9] =	ssyncadd.s32 $0xFFFFFC00;
	(pc) =	sbr.rel @p0 .LBB2_2-.Ltmp0, $3  }
0x5d: {  	[spmem:s18] =	stream.linear.scatter [tilespmem:s11], [sflag:$0x2], $0x400, $0x38;
	[tilespmem:$0x1A800] =	vst v63  }
0x5e: {  	s17 =	sadd.s32 $0x1000, s17;
	_ =	sdelay $0x1  }
0x5f: {  	_ =	swait.ge [sflag:s9], $0x400  }
0x60: {  	[sflag:s9] =	ssyncset.done $0x0  }
0x61: {  	[sflag:s9] =	ssyncadd.s32 $0xFFFFFC00  }
0x62: {  	[bflag:$0x0] =	sbarrier.arrive $0xFFFF  }
0x63: {  	[spmem:s3] =	stream.indirect.scatter.add.f32 [tilespmem:s10], [sflag:$0x1], $0x80, s4, s12, $0xb8;
	[tilespmem:$0x1A800] =	vst v63  }
0x64: {  	_ = 	snop  }
0x65: {  	[spmem:s3] =	stream.indirect.scatter.add.f32 [tilespmem:s10], [sflag:$0x1], $0x80, s12, s12, $0xb8;
	[tilespmem:$0x1A800] =	vst v63  }
0x66: {  	_ =	swait.ge [sflag:s13], $0x4000  }
0x67: {  	[sflag:s13] =	ssyncset.done $0x0  }
0x68: {  	s17 =	simm.s32 $0x600;
	s18 =	simm.s32 $0x100;
	[sflag:s13] =	ssyncadd.s32 $0xFFFFC000  }
.LBB2_4:
0x69: {  	[spmem:s3] =	stream.indirect.scatter.add.f32 [tilespmem:s10], [sflag:$0x1], $0x80, s18, s12, $0xb8;
	[tilespmem:$0x1A800] =	vst v63  }
0x6a: {  	s18 =	smov.u32 s17;
	p0 =	sne.s32 s17, $0x9E00  }
.Ltmp1:
0x6b: {  	s17 =	sadd.s32 $0x200, s17;
	(pc) =	sbr.rel @p0 .LBB2_4-.Ltmp1, $4  }
0x6c: {  	_ = 	snop  }
0x6d: {  	_ =	swait.ge [sflag:s13], $0x4000  }
0x6e: {  	[sflag:s13] =	ssyncset.done $0x0  }
0x6f: {  	s18 =	sshra.s32 s18, $0x2;
	[sflag:s13] =	ssyncadd.s32 $0xFFFFC000  }
0x70: {  	[spmem:s3] =	stream.indirect.scatter.add.f32 [tilespmem:s10], [sflag:$0x1], $0x80, s18, s12, $0xb8;
	[tilespmem:$0x1A800] =	vst v63  }
0x71: {  	_ =	swait.ge [sflag:s13], $0x4000  }
0x72: {  	[sflag:s13] =	ssyncset.done $0x0  }
0x73: {  	[sflag:s13] =	ssyncadd.s32 $0xFFFFC000  }
0x74: {  	_ =	swait.ge [sflag:s13], $0x4000  }
0x75: {  	s16 =	sadd.s32 $0x1, s16;
	[sflag:s13] =	ssyncset.done $0x0  }
0x76: {  	p0 =	sne.s32 s16, s7;
	[sflag:s13] =	ssyncadd.s32 $0xFFFFC000  }
.Ltmp2:
0x77: {  	[bflag:$0x0] =	sbarrier.arrive $0xFFFF;
	(pc) =	sbr.rel @p0 .LBB2_1-.Ltmp2, $4  }
0x78: {  	[hbm:s8], [sflag:s14] =	dma.local [spmem:s15], $0x2780  }
0x79: {  	_ =	swait.ge [sflag:s9], $0x2780  }
0x7a: {  	[sflag:s9] =	ssyncset.done $0x0  }
0x7b: {  	[sflag:s9] =	ssyncadd.s32 $0xFFFFD880  }
0x7c: {  	_ =	sfence.sel $0x180000  }
0x7d: {  	[bflag:$0x0] =	sbarrier.arrive $0xFFFF  }
0x7e: {  	p0 =	sne.s32 s2, $0x0;
	_ =	strace $0x90000047  }
0x7f: {  	s0 =	sadd.s32 @!p0 $0x100000, s0;
	[bflag:$0x2] =	sbarrier.arrive $0xFFFF  }
0x80: {  	[sflag:s0] =	ssyncadd.tile.s32 @!p0 $0x1;
	_ =	shalt  }
.Lfunc_end2:
_tile_overlayer_lowered:
.L_overlay_start_2:
0x81: {  	(tag) =	ssettag $0x2  }
0x82: {  	s0 =	rddreg [dreg:$0x0];
	s2 =	stileid.u32  }
0x83: {  	s1 =	rddreg [dreg:$0x1];
	p0 =	sne.s32 s2, $0x0  }
0x84: {  	s3 =	rddreg [dreg:$0x2];
	[bflag:$0x3] =	sbarrier.arrive $0xFFFF;
	s2 =	simm.s32 @!p0 $0x1C02  }
0x85: {  	[timem:s3], [sflag:s2] =	dma.local @!p0 [hbm:s0], s1  }
0x86: {  	s0 =	simm.s32 @!p0 $0x2  }
0x87: {  	_ =	swait.ge @!p0 [sflag:s0], s1  }
0x88: {  	s1 =	ssub.s32 @!p0 $0x0, s1;
	[sflag:s0] =	ssyncset.done @!p0 $0x0  }
0x89: {  	[sflag:s0] =	ssyncadd.s32 @!p0 s1  }
0x8a: {  	[bflag:$0x3] =	sbarrier.arrive $0xFFFF  }
0x8b: {  	_ =	shalt  }

// kernel: kernel.14.cloned.1.call-start
scs
__scs_entry_jumppad:
0x0: {  	(pc) =	sbr.rel $0x88, $3  }
0x1: {  	(tag) =	ssettag $0x0;
	lr =	simm.s32 $0x1  }
0x2: {  	[smem:$0x3F97] =	sst lr;
	_ =	strace $0xD0000000  }
0x3: {  	_ = 	snop  }
0x4: {  	_ = 	snop  }
0x5: {  	_ = 	snop  }
0x6: {  	_ = 	snop  }
0x7: {  	_ = 	snop  }
__scs_overlays_trampoline_lowered:
0x8: {  	[smem:$0x3FA6] =	sst s0  }
0x9: {  	[smem:$0x3FA7] =	sst s1  }
0xa: {  	[smem:$0x3FA8] =	sst s2  }
0xb: {  	[smem:$0x3FA9] =	sst s3  }
0xc: {  	[smem:$0x3FAA] =	sst s4  }
0xd: {  	[smem:$0x3FAB] =	sst s5  }
0xe: {  	[smem:$0x3FAC] =	sst s6  }
0xf: {  	[smem:$0x3FAD] =	sst s7  }
0x10: {  	[smem:$0x3FAE] =	sst s8  }
0x11: {  	[smem:$0x3FAF] =	sst s9;
	s0 =	simm.s32 @!p0 $0x0  }
0x12: {  	s1 =	sld [smem:$0x3F95];
	s0 =	simm.s32 @p0 $0x1  }
0x13: {  	[smem:$0x3FB0] =	sst s0;
	s0 =	simm.s32 @!p1 $0x0  }
0x14: {  	s2 =	sld [smem:$0x3F94];
	s0 =	simm.s32 @p1 $0x1  }
0x15: {  	[smem:$0x3FB1] =	sst s0;
	s0 =	simm.s32 @!p2 $0x0  }
0x16: {  	s3 =	sld [smem:$0x3FDB];
	s0 =	simm.s32 @p2 $0x1  }
0x17: {  	s4 =	simm.s32 $0x1BF5;
	[smem:$0x3FB3] =	sst s0  }
0x18: {  	s0 =	sld [smem:$0x3F96];
	_ =	swait.ge [sflag:s4], $0x0  }
0x19: {  	s7 =	sld [smem:$0x3F97]  }
0x1a: {  	s8 =	sadd.s32 $0xFFFFE003, lr  }
0x1b: {  	s9 =	sadd.s32 $0xFFFFFEF7, lr;
	s5 =	simm.s32 $0xFFFFFFFF;
	p2 =	slt.u32 s8, $0xFFFFF086  }
0x1c: {  	p1 =	slt.u32 s9, $0xF7A;
	s5 =	simm.s32 @!p2 $0x0  }
0x1d: {  	s5 =	simm.s32 @p1 $0x1;
	p0 =	seq.s32 s7, s2  }
0x1e: {  	s7 =	smul.u32 @!p0 $0xF7A, s2;
	p2 =	seq.s32 @!p0 s5, $0x0  }
0x1f: {  	s9 =	smul.u32 $0xF7A, s1;
	s8 =	simm.s32 @!p0 $0x1BF5;
	p2 =	por !p2, p0  }
0x20: {  	[sflag:s8] =	ssyncset.s32 @!p0 $0xFFFFF086;
	s6 =	sadd.s32 @!p0 s3, s7;
	s7 =	simm.s32 @!p0 $0x108  }
0x21: {  	s3 =	sadd.s32 s3, s9;
	s6 =	sadd.s32 @!p0 $0x88, s6;
	s7 =	simm.s32 @p2 $0x1082  }
0x22: {  	[simem:s7], [sflag:s8] =	dma.local @!p0 [hbm:s6], $0xF7A  }
0x23: {  	s9 =	sor.u32 $0xD0000000, s2;
	s6 =	simm.s32 $0x108;
	_ =	swait.ge @!p0 [sflag:s8], $0x0  }
0x24: {  	s3 =	sadd.s32 $0x88, s3;
	s6 =	simm.s32 @!p1 $0x1082;
	[sflag:s4] =	ssyncset.s32 $0xFFFFF086  }
0x25: {  	[simem:s6], [sflag:s4] =	dma.local [hbm:s3], $0xF7A  }
0x26: {  	[smem:$0x3F97] =	sst s1;
	(tag) =	ssettag s2;
	_ =	strace s9  }
0x27: {  	s1 =	sld [smem:$0x3FA7]  }
0x28: {  	s2 =	sld [smem:$0x3FA8]  }
0x29: {  	s4 =	sld [smem:$0x3FAA]  }
0x2a: {  	p0 =	seq.s32 s5, $0x0;
	s5 =	sld [smem:$0x3FAB]  }
0x2b: {  	s6 =	sld [smem:$0x3FAC]  }
0x2c: {  	s7 =	sld [smem:$0x3FAD]  }
0x2d: {  	s3 =	simm.s32 $0x108;
	s8 =	sld [smem:$0x3FAE]  }
0x2e: {  	s3 =	simm.s32 @!p0 $0x1082;
	s9 =	sld [smem:$0x3FAF]  }
0x2f: {  	lr =	sadd.s32 s0, s3;
	s0 =	sld [smem:$0x3FA6]  }
0x30: {  	s3 =	sld [smem:$0x3FA9]  }
0x31: {  	[smem:$0x3FB2] =	sst s10  }
0x32: {  	s10 =	sld [smem:$0x3FB0];
	_ =	sdelay $0x3  }
0x33: {  	p0 =	seq.s32 s10, $0x1;
	s10 =	sld [smem:$0x3FB2];
	_ =	sdelay $0x3  }
0x34: {  	[smem:$0x3FB2] =	sst s10  }
0x35: {  	s10 =	sld [smem:$0x3FB1];
	_ =	sdelay $0x3  }
0x36: {  	p1 =	seq.s32 s10, $0x1;
	s10 =	sld [smem:$0x3FB2];
	_ =	sdelay $0x3  }
0x37: {  	[smem:$0x3FB2] =	sst s10  }
0x38: {  	s10 =	sld [smem:$0x3FB3]  }
0x39: {  	_ = 	snop;
	(pc) =	sbr.ind lr, $3  }
0x3a: {  	_ = 	snop  }
0x3b: {  	_ = 	snop  }
0x3c: {  	p2 =	seq.s32 s10, $0x1;
	s10 =	sld [smem:$0x3FB2]  }
0x3d: {  	_ =	shalt  }
0x3e: {  	_ =	shalt  }
0x3f: {  	_ =	shalt  }
0x40: {  	_ =	shalt  }
0x41: {  	_ =	shalt  }
0x42: {  	_ =	shalt  }
0x43: {  	_ =	shalt  }
0x44: {  	_ =	shalt  }
0x45: {  	_ =	shalt  }
0x46: {  	_ =	shalt  }
0x47: {  	_ =	shalt  }
0x48: {  	_ =	shalt  }
0x49: {  	_ =	shalt  }
0x4a: {  	_ =	shalt  }
0x4b: {  	_ =	shalt  }
0x4c: {  	_ =	shalt  }
0x4d: {  	_ =	shalt  }
0x4e: {  	_ =	shalt  }
0x4f: {  	_ =	shalt  }
0x50: {  	_ =	shalt  }
0x51: {  	_ =	shalt  }
0x52: {  	_ =	shalt  }
0x53: {  	_ =	shalt  }
0x54: {  	_ =	shalt  }
0x55: {  	_ =	shalt  }
0x56: {  	_ =	shalt  }
0x57: {  	_ =	shalt  }
0x58: {  	_ =	shalt  }
0x59: {  	_ =	shalt  }
0x5a: {  	_ =	shalt  }
0x5b: {  	_ =	shalt  }
0x5c: {  	_ =	shalt  }
0x5d: {  	_ =	shalt  }
0x5e: {  	_ =	shalt  }
0x5f: {  	_ =	shalt  }
0x60: {  	_ =	shalt  }
0x61: {  	_ =	shalt  }
0x62: {  	_ =	shalt  }
0x63: {  	_ =	shalt  }
0x64: {  	_ =	shalt  }
0x65: {  	_ =	shalt  }
0x66: {  	_ =	shalt  }
0x67: {  	_ =	shalt  }
0x68: {  	_ =	shalt  }
0x69: {  	_ =	shalt  }
0x6a: {  	_ =	shalt  }
0x6b: {  	_ =	shalt  }
0x6c: {  	_ =	shalt  }
0x6d: {  	_ =	shalt  }
0x6e: {  	_ =	shalt  }
0x6f: {  	_ =	shalt  }
0x70: {  	_ =	shalt  }
0x71: {  	_ =	shalt  }
0x72: {  	_ =	shalt  }
0x73: {  	_ =	shalt  }
0x74: {  	_ =	shalt  }
0x75: {  	_ =	shalt  }
0x76: {  	_ =	shalt  }
0x77: {  	_ =	shalt  }
0x78: {  	_ =	shalt  }
0x79: {  	_ =	shalt  }
0x7a: {  	_ =	shalt  }
0x7b: {  	_ =	shalt  }
0x7c: {  	_ =	shalt  }
0x7d: {  	_ =	shalt  }
0x7e: {  	_ =	shalt  }
0x7f: {  	_ =	shalt  }
0x80: {  	_ =	shalt  }
0x81: {  	_ =	shalt  }
0x82: {  	_ =	shalt  }
0x83: {  	_ =	shalt  }
0x84: {  	_ =	shalt  }
0x85: {  	_ =	shalt  }
0x86: {  	_ =	shalt  }
0x87: {  	_ =	shalt  }
.Lfunc_end0:
.L_simem_size_0:
called_computation.1_lowered:
.L_overlay_start_0:
0x88: {  	s2 =	sld [smem:$0x3FD9]  }
0x89: {  	s3 =	sld [smem:$0x3FFE];
	_ =	sdelay $0x1  }
0x8a: {  	s1 =	srdreg.scid  }
0x8b: {  	s0 =	sand.u32 $0x1, s1  }
0x8c: {  	s14 =	sshll.u32 s0, $0xA;
	s2 =	sadd.s32 s3, s2  }
0x8d: {  	s2 =	sadd.s32 s2, s14  }
0x8e: {  	[smem:$0x3FBE] =	sst s2  }
0x8f: {  	_ = 	snop  }
0x90: {  	s2 =	sld [smem:$0x3FD0];
	_ =	sdelay $0x2  }
0x91: {  	s15 =	simm.s32 $0xA;
	s4 =	simm.s32 $0x10  }
0x92: {  	[smem:s4], [sflag:s15] =	dma.local [hbm:s2], $0x1  }
0x93: {  	_ =	swait.eq [sflag:s15], $0x1  }
0x94: {  	s16 =	sld [smem:$0x11];
	[sflag:s15] =	ssyncset.done $0x0  }
0x95: {  	s17 =	sld [smem:$0x12];
	[sflag:s15] =	ssyncadd.s32 $0xFFFFFFFF  }
0x96: {  	s18 =	sld [smem:$0x13];
	(tm) =	ssettm $0x1  }
0x97: {  	s5 =	sld [smem:$0x3FFB];
	_ =	sdelay $0x3  }
0x98: {  	_ =	strace s5  }
0x99: {  	s5 =	sld [smem:$0x3FFC];
	_ =	sdelay $0x3  }
0x9a: {  	_ =	strace s5  }
0x9b: {  	s5 =	sld [smem:$0x3FFD];
	_ =	sdelay $0x3  }
0x9c: {  	_ =	strace s5  }
0x9d: {  	_ =	strace $0x8FFFFFFF  }
0x9e: {  	s19 =	sld [smem:$0x3FDB];
	_ =	sdelay $0x1  }
0x9f: {  	s6 =	simm.s32 $_scs_section_size  }
0xa0: {  	s7 =	simm.s32 $_size__tile_overlayer_lowered;
	s8 =	simm.s32 $_tile_overlayer_lowered  }
0xa1: {  	s22 =	simm.s32 $0x1BFF;
	s21 =	sshll.u32 s8, $0x1;
	s5 =	sadd.s32 s6, s19  }
0xa2: {  	s9 =	simm.s32 $0x0;
	s20 =	sshll.u32 s7, $0x1;
	s7 =	sadd.s32 s21, s5  }
0xa3: {  	[timem:s9], [sflag:s22] =	dma.local [hbm:s7], s20  }
0xa4: {  	_ =	swait.ge [sflag:s22], s20  }
0xa5: {  	s6 =	ssub.s32 $0x0, s20;
	[sflag:s22] =	ssyncset.done $0x0  }
0xa6: {  	[sflag:s22] =	ssyncadd.s32 s6;
	_ =	sdelay $0x1  }
0xa7: {  	s23 =	simm.s32 $0x1B8B  }
0xa8: {  	_ =	swait.ge [sflag:s23], $0x1  }
0xa9: {  	[sflag:s23] =	ssyncset.done $0x0  }
0xaa: {  	s25 =	simm.s32 $0x1B8E;
	s24 =	sld [smem:$0x3FFE];
	[sflag:s23] =	ssyncadd.s32 $0xFFFFFFFF  }
0xab: {  	s26 =	simm.s32 $execute0_lowered;
	[smem:$0x3FD2] =	sst s25  }
0xac: {  	s7 =	sshll.u32 s26, $0x1;
	_ =	strace $0x80000049;
	[dreg:$0x1] =	wrdreg $0xFFFFFFFF  }
0xad: {  	s28 =	simm.s32 $_size_execute0_lowered;
	s5 =	sadd.s32 s5, s7;
	[dreg:$0x0] =	wrdreg $0x0  }
0xae: {  	s7 =	sshll.u32 s28, $0x1;
	[dreg:$0x2] =	wrdreg s5  }
0xaf: {  	[dreg:$0x3] =	wrdreg s7  }
0xb0: {  	[dreg:$0x4] =	wrdreg $0xC0  }
0xb1: {  	_ =	task [dreg:s9], $0x5FFFF  }
0xb2: {  	[dreg:$0x1] =	wrdreg $0xFFFFFFFF  }
0xb3: {  	[dreg:$0x0] =	wrdreg $0x60  }
0xb4: {  	[dreg:$0x2] =	wrdreg s18  }
0xb5: {  	[dreg:$0x3] =	wrdreg s17  }
0xb6: {  	[dreg:$0x4] =	wrdreg s16  }
0xb7: {  	[dreg:$0x5] =	wrdreg s24  }
0xb8: {  	[dreg:$0x6] =	wrdreg $0xAE000  }
0xb9: {  	[dreg:$0x7] =	wrdreg $0x9  }
0xba: {  	_ =	task.clear_ibuf [dreg:s9], $0x8FFFF;
	_ =	strace $0x90000049  }
0xbb: {  	s29 =	simm.s32 $0x9;
	_ =	strace $0x8000004B  }
0xbc: {  	_ =	swait.ge [sflag:s29], $0x1  }
0xbd: {  	[sflag:s29] =	ssyncadd.s32 $0xFFFFFFFF  }
0xbe: {  	_ =	strace $0x9000004B  }
0xbf: {  	_ =	sfence  }
0xc0: {  	s30 =	sld [smem:$0x0];
	_ =	sdelay $0x2  }
0xc1: {  	s31 =	sshll.u32 s1, $0xD;
	s1 =	sshrl.u32 s1, $0x2  }
0xc2: {  	s3 =	sand.u32 $0x4000, s31;
	s1 =	sadd.s32 s1, s30  }
0xc3: {  	s0 =	sor.u32 s3, s0;
	s1 =	sshll.u32 s1, $0x11  }
0xc4: {  	s0 =	sor.u32 s1, s0  }
0xc5: {  	s0 =	sadd.s32 $0x8F2B, s0  }
0xc6: {  	[sflag:s0] =	ssyncadd.remote.s32 $0x1  }
0xc7: {  	_ =	sfence.sel $0xFFFF  }
0xc8: {  	[dreg:$0x0] =	wrdreg $0xFFFFFFFF;
	(pc) =	sbr.abs _section_cstart, $3  }
0xc9: {  	[dreg:$0x1] =	wrdreg $0xFFFFFFFF  }
0xca: {  	_ =	task.clear_ibuf [dreg:s9], $0x2FFFF;
	_ =	strace $0x9FFFFFFF  }
0xcb: {  	(tm) =	ssettm $0x7FFFFFFF  }
tec
execute0_lowered:
.L_overlay_start_1:
0x0: {  	(tag) =	ssettag $0x1  }
0x1: {  	s1 =	rddreg [dreg:$0x0]  }
0x2: {  	s2 =	rddreg [dreg:$0x1]  }
0x3: {  	s6 =	rddreg [dreg:$0x2]  }
0x4: {  	s7 =	rddreg [dreg:$0x3]  }
0x5: {  	s4 =	rddreg [dreg:$0x4]  }
0x6: {  	s0 =	rddreg [dreg:$0x5]  }
0x7: {  	s8 =	srdreg.scid;
	s3 =	stileid.u32  }
0x8: {  	s5 =	simm.s32 $0x0;
	s13 =	simm.s32 $0x278000;
	s15 =	simm.s32 $0x2A00  }
0x9: {  	s16 =	simm.s32 $0x2900;
	s17 =	simm.s32 $0x6A00;
	s18 =	simm.s32 $0x1  }
0xa: {  	s19 =	simm.s32 $0x2880;
	s20 =	simm.s32 $0x2980;
	s23 =	simm.s32 $0x0  }
0xb: {  	s8 =	sand.u32 $0x1, s8;
	s9 =	sshll.u32 s3, $0x1;
	s28 =	smul.u32 $0x13C00, s3  }
0xc: {  	[smem:$0x7FF] =	sst s5;
	s12 =	sadd.s32 $0x52E00, s7;
	s29 =	smul.u32 $0x4F000, s3  }
0xd: {  	s21 =	sshll.u32 s3, $0x6;
	s10 =	ssub.s32 $0x2, s8;
	s9 =	sor.u32 s8, s9  }
0xe: {  	_ =	strace $0x8000004A;
	p0 =	seq.s32 s8, $0x0;
	s21 =	sor.u32 $0x1C02, s21  }
0xf: {  	s11 =	sshrl.u32 s10, $0x1;
	s9 =	smul.u32 $0x500, s9;
	s30 =	sshrl.u32 s28, $0x3  }
0x10: {  	s7 =	sshrl.u32 s29, $0x2;
	s13 =	simm.s32 @!p0 $0x3B4000;
	s10 =	ssub.s32 s10, s11  }
0x11: {  	s14 =	sadd.s32 $0x27800, s30;
	s7 =	sadd.s32 s7, s4;
	s11 =	sadd.s32 s13, s28  }
0x12: {  	s13 =	simm.s32 $0x80;
	s6 =	sadd.s32 s6, s9;
	s9 =	smul.u32 $0x2780, s3  }
0x13: {  	s8 =	smax.u32 s10, $0x1;
	s31 =	sshrl.u32 s11, $0x3;
	s11 =	simm.s32 $0x2  }
0x14: {  	s22 =	sshrl.u32 s7, $0x3;
	s10 =	sadd.s32 s12, s31;
	s14 =	smov.u32 @p0 s9  }
0x15: {  	v0 =	vimm.f32 $0.0e+00;
	s9 =	sadd.s32 s12, s14;
	s12 =	simm.s32 $0xAA00;
	s14 =	simm.s32 $0x2800  }
.LBB2_1:
0x16: {  	[tilespmem:s5], [sflag:$0x2] =	stream.linear.gather [hbm4b:s6+s5], $0x2800, $0x38;
	[tilespmem:$0x1EA00] =	vst v63  }
0x17: {  	_ =	swait.ge [sflag:s11], $0x2800  }
0x18: {  	[sflag:s11] =	ssyncset.done $0x0  }
0x19: {  	[sflag:s11] =	ssyncadd.s32 $0xFFFFD800  }
0x1a: {  	[tilespmem:$0xAA00] =	vst v0  }
0x1b: {  	[tilespmem:$0xAA10] =	vst v0  }
0x1c: {  	[tilespmem:$0xAA20] =	vst v0  }
0x1d: {  	[tilespmem:$0xAA30] =	vst v0  }
0x1e: {  	[tilespmem:$0xAA40] =	vst v0  }
0x1f: {  	[tilespmem:$0xAA50] =	vst v0  }
0x20: {  	[tilespmem:$0xAA60] =	vst v0  }
0x21: {  	[tilespmem:$0xAA70] =	vst v0  }
0x22: {  	[tilespmem:$0xAA80] =	vst v0  }
0x23: {  	[tilespmem:$0xAA90] =	vst v0  }
0x24: {  	[tilespmem:$0xAAA0] =	vst v0  }
0x25: {  	[tilespmem:$0xAAB0] =	vst v0  }
0x26: {  	[tilespmem:$0xAAC0] =	vst v0  }
0x27: {  	[tilespmem:$0xAAD0] =	vst v0  }
0x28: {  	[tilespmem:$0xAAE0] =	vst v0  }
0x29: {  	[tilespmem:$0xAAF0] =	vst v0  }
0x2a: {  	[tilespmem:$0xAB00] =	vst v0  }
0x2b: {  	[tilespmem:$0xAB10] =	vst v0  }
0x2c: {  	[tilespmem:$0xAB20] =	vst v0  }
0x2d: {  	[tilespmem:$0xAB30] =	vst v0  }
0x2e: {  	[tilespmem:$0xAB40] =	vst v0  }
0x2f: {  	[tilespmem:$0xAB50] =	vst v0  }
0x30: {  	[tilespmem:$0xAB60] =	vst v0  }
0x31: {  	[tilespmem:$0xAB70] =	vst v0  }
0x32: {  	[tilespmem:$0xAB80] =	vst v0  }
0x33: {  	[tilespmem:$0xAB90] =	vst v0  }
0x34: {  	[tilespmem:$0xABA0] =	vst v0  }
0x35: {  	[tilespmem:$0xABB0] =	vst v0  }
0x36: {  	[tilespmem:$0xABC0] =	vst v0  }
0x37: {  	[tilespmem:$0xABD0] =	vst v0  }
0x38: {  	[tilespmem:$0xABE0] =	vst v0  }
0x39: {  	[tilespmem:$0xABF0] =	vst v0  }
0x3a: {  	[tilespmem:$0xAC00] =	vst v0  }
0x3b: {  	[tilespmem:$0xAC10] =	vst v0  }
0x3c: {  	[tilespmem:$0xAC20] =	vst v0  }
0x3d: {  	[tilespmem:$0xAC30] =	vst v0  }
0x3e: {  	[tilespmem:$0xAC40] =	vst v0  }
0x3f: {  	[tilespmem:$0xAC50] =	vst v0  }
0x40: {  	[tilespmem:$0xAC60] =	vst v0  }
0x41: {  	[tilespmem:$0xAC70] =	vst v0  }
0x42: {  	[tilespmem:$0xAC80] =	vst v0  }
0x43: {  	[tilespmem:$0xAC90] =	vst v0  }
0x44: {  	[tilespmem:$0xACA0] =	vst v0  }
0x45: {  	[tilespmem:$0xACB0] =	vst v0  }
0x46: {  	[tilespmem:$0xACC0] =	vst v0  }
0x47: {  	[tilespmem:$0xACD0] =	vst v0  }
0x48: {  	[tilespmem:$0xACE0] =	vst v0  }
0x49: {  	[tilespmem:$0xACF0] =	vst v0  }
0x4a: {  	[tilespmem:$0xAD00] =	vst v0  }
0x4b: {  	[tilespmem:$0xAD10] =	vst v0  }
0x4c: {  	[tilespmem:$0xAD20] =	vst v0  }
0x4d: {  	[tilespmem:$0xAD30] =	vst v0  }
0x4e: {  	[tilespmem:$0xAD40] =	vst v0  }
0x4f: {  	[tilespmem:$0xAD50] =	vst v0  }
0x50: {  	[tilespmem:$0xAD60] =	vst v0  }
0x51: {  	[tilespmem:$0xAD70] =	vst v0  }
0x52: {  	[tilespmem:$0xAD80] =	vst v0  }
0x53: {  	[tilespmem:$0xAD90] =	vst v0  }
0x54: {  	[tilespmem:$0xADA0] =	vst v0  }
0x55: {  	[tilespmem:$0xADB0] =	vst v0  }
0x56: {  	[tilespmem:$0xADC0] =	vst v0  }
0x57: {  	[tilespmem:$0xADD0] =	vst v0  }
0x58: {  	[tilespmem:$0xADE0] =	vst v0  }
0x59: {  	s24 =	sadd.s32 $0x0, s7;
	[tilespmem:$0xADF0] =	vst v0  }
0x5a: {  	[spmem:s24] =	stream.linear.scatter [tilespmem:s12], [sflag:$0x2], $0x400, $0x38;
	[tilespmem:$0x1EA00] =	vst v63  }
0x5b: {  	s24 =	simm.s32 $0x1000;
	_ =	swait.ge [sflag:s11], $0x400  }
.LBB2_2:
0x5c: {  	s25 =	sshra.s32 s24, $0x2;
	[sflag:s11] =	ssyncset.done $0x0;
	p0 =	sne.s32 s24, $0x4E000  }
.Ltmp0:
0x5d: {  	s25 =	sadd.s32 s25, s7;
	[sflag:s11] =	ssyncadd.s32 $0xFFFFFC00;
	(pc) =	sbr.rel @p0 .LBB2_2-.Ltmp0, $3  }
0x5e: {  	[spmem:s25] =	stream.linear.scatter [tilespmem:s12], [sflag:$0x2], $0x400, $0x38;
	[tilespmem:$0x1EA00] =	vst v63  }
0x5f: {  	s24 =	sadd.s32 $0x1000, s24;
	_ =	sdelay $0x1  }
0x60: {  	_ =	swait.ge [sflag:s11], $0x400  }
0x61: {  	[sflag:s11] =	ssyncset.done $0x0  }
0x62: {  	p0 =	por $0x1, $0x1;
	[sflag:s11] =	ssyncadd.s32 $0xFFFFFC00  }
0x63: {  	s24 =	simm.s32 @!p0 $0x1;
	[bflag:$0x0] =	sbarrier.arrive $0xFFFF  }
0x64: {  	_ =	swait.ge @!p0 [sflag:s24], $0x4000  }
0x65: {  	[sflag:s24] =	ssyncset.done @!p0 $0x0  }
0x66: {  	[sflag:s24] =	ssyncadd.s32 @!p0 $0xFFFFC000  }
0x67: {  	_ =	swait.ge @!p0 [sflag:s24], $0x4000  }
0x68: {  	[sflag:s24] =	ssyncset.done @!p0 $0x0  }
0x69: {  	[sflag:s24] =	ssyncadd.s32 @!p0 $0xFFFFC000;
	s24 =	simm.s32 $0x0  }
0x6a: {  	v1 =	vld [tilespmem:s24+$0x0];
	_ =	sdelay $0x4  }
0x6b: {  	v2 =	vand.u32 $0xFFFF, v1  }
0x6c: {  	v1 =	vshrl.u32 v1, $0x10;
	[tilespmem:$0x2800] =	vst v2  }
0x6d: {  	[tilespmem:$0x2880] =	vst v1  }
0x6e: {  	v1 =	vld [tilespmem:s24+$0x10];
	_ =	sdelay $0x4  }
0x6f: {  	v2 =	vand.u32 $0xFFFF, v1  }
0x70: {  	v1 =	vshrl.u32 v1, $0x10;
	[tilespmem:$0x2810] =	vst v2  }
0x71: {  	[tilespmem:$0x2890] =	vst v1  }
0x72: {  	v1 =	vld [tilespmem:s24+$0x20];
	_ =	sdelay $0x4  }
0x73: {  	v2 =	vand.u32 $0xFFFF, v1  }
0x74: {  	v1 =	vshrl.u32 v1, $0x10;
	[tilespmem:$0x2820] =	vst v2  }
0x75: {  	[tilespmem:$0x28A0] =	vst v1  }
0x76: {  	v1 =	vld [tilespmem:s24+$0x30];
	_ =	sdelay $0x4  }
0x77: {  	v2 =	vand.u32 $0xFFFF, v1  }
0x78: {  	v1 =	vshrl.u32 v1, $0x10;
	[tilespmem:$0x2830] =	vst v2  }
0x79: {  	[tilespmem:$0x28B0] =	vst v1  }
0x7a: {  	v1 =	vld [tilespmem:s24+$0x40];
	_ =	sdelay $0x4  }
0x7b: {  	v2 =	vand.u32 $0xFFFF, v1  }
0x7c: {  	v1 =	vshrl.u32 v1, $0x10;
	[tilespmem:$0x2840] =	vst v2  }
0x7d: {  	[tilespmem:$0x28C0] =	vst v1  }
0x7e: {  	v1 =	vld [tilespmem:s24+$0x50];
	_ =	sdelay $0x4  }
0x7f: {  	v2 =	vand.u32 $0xFFFF, v1  }
0x80: {  	v1 =	vshrl.u32 v1, $0x10;
	[tilespmem:$0x2850] =	vst v2  }
0x81: {  	[tilespmem:$0x28D0] =	vst v1  }
0x82: {  	v1 =	vld [tilespmem:s24+$0x60];
	_ =	sdelay $0x4  }
0x83: {  	v2 =	vand.u32 $0xFFFF, v1  }
0x84: {  	v1 =	vshrl.u32 v1, $0x10;
	[tilespmem:$0x2860] =	vst v2  }
0x85: {  	[tilespmem:$0x28E0] =	vst v1  }
0x86: {  	v1 =	vld [tilespmem:s24+$0x70];
	_ =	sdelay $0x4  }
0x87: {  	v2 =	vand.u32 $0xFFFF, v1  }
0x88: {  	v1 =	vshrl.u32 v1, $0x10;
	[tilespmem:$0x2870] =	vst v2  }
0x89: {  	[tilespmem:$0x28F0] =	vst v1  }
0x8a: {  	[tilespmem:s15], [sflag:$0x1] =	stream.indirect.gather [hbm4b:s1+s13], $0x80, s14, s13, $0xb8;
	[tilespmem:$0x1EA00] =	vst v63  }
0x8b: {  	v1 =	vld [tilespmem:s24+$0x80];
	_ =	sdelay $0x4  }
0x8c: {  	v2 =	vand.u32 $0xFFFF, v1  }
0x8d: {  	v1 =	vshrl.u32 v1, $0x10;
	[tilespmem:$0x2900] =	vst v2  }
0x8e: {  	[tilespmem:$0x2980] =	vst v1  }
0x8f: {  	v1 =	vld [tilespmem:s24+$0x90];
	_ =	sdelay $0x4  }
0x90: {  	v2 =	vand.u32 $0xFFFF, v1  }
0x91: {  	v1 =	vshrl.u32 v1, $0x10;
	[tilespmem:$0x2910] =	vst v2  }
0x92: {  	[tilespmem:$0x2990] =	vst v1  }
0x93: {  	v1 =	vld [tilespmem:s24+$0xA0];
	_ =	sdelay $0x4  }
0x94: {  	v2 =	vand.u32 $0xFFFF, v1  }
0x95: {  	v1 =	vshrl.u32 v1, $0x10;
	[tilespmem:$0x2920] =	vst v2  }
0x96: {  	[tilespmem:$0x29A0] =	vst v1  }
0x97: {  	v1 =	vld [tilespmem:s24+$0xB0];
	_ =	sdelay $0x4  }
0x98: {  	v2 =	vand.u32 $0xFFFF, v1  }
0x99: {  	v1 =	vshrl.u32 v1, $0x10;
	[tilespmem:$0x2930] =	vst v2  }
0x9a: {  	[tilespmem:$0x29B0] =	vst v1  }
0x9b: {  	v1 =	vld [tilespmem:s24+$0xC0];
	_ =	sdelay $0x4  }
0x9c: {  	v2 =	vand.u32 $0xFFFF, v1  }
0x9d: {  	v1 =	vshrl.u32 v1, $0x10;
	[tilespmem:$0x2940] =	vst v2  }
0x9e: {  	[tilespmem:$0x29C0] =	vst v1  }
0x9f: {  	v1 =	vld [tilespmem:s24+$0xD0];
	_ =	sdelay $0x4  }
0xa0: {  	v2 =	vand.u32 $0xFFFF, v1  }
0xa1: {  	v1 =	vshrl.u32 v1, $0x10;
	[tilespmem:$0x2950] =	vst v2  }
0xa2: {  	[tilespmem:$0x29D0] =	vst v1  }
0xa3: {  	v1 =	vld [tilespmem:s24+$0xE0];
	_ =	sdelay $0x4  }
0xa4: {  	v2 =	vand.u32 $0xFFFF, v1  }
0xa5: {  	s25 =	simm.s32 $0x400;
	v1 =	vshrl.u32 v1, $0x10;
	[tilespmem:$0x2960] =	vst v2  }
.LBB2_4:
0xa6: {  	[tilespmem:$0x29E0] =	vst v1;
	s26 =	smov.u32 s25;
	s25 =	sadd.s32 $0x400, s25  }
0xa7: {  	p0 =	sne.s32 s25, $0xA000;
	v1 =	vld [tilespmem:s24+$0xF0];
	_ =	sdelay $0x4  }
0xa8: {  	v2 =	vand.u32 $0xFFFF, v1;
	v1 =	vshrl.u32 v1, $0x10  }
0xa9: {  	[tilespmem:$0x2970] =	vst v2  }
0xaa: {  	[tilespmem:$0x29F0] =	vst v1  }
0xab: {  	[tilespmem:s17], [sflag:$0x1] =	stream.indirect.gather [hbm4b:s1+s13], $0x80, s16, s13, $0xb8;
	[tilespmem:$0x1EA00] =	vst v63  }
0xac: {  	_ =	swait.ge [sflag:s18], $0x4000  }
0xad: {  	[sflag:s18] =	ssyncset.done $0x0  }
0xae: {  	[sflag:s18] =	ssyncadd.s32 $0xFFFFC000  }
0xaf: {  	_ =	swait.ge [sflag:s18], $0x4000  }
0xb0: {  	[sflag:s18] =	ssyncset.done $0x0  }
0xb1: {  	p1 =	seq.s32 s26, $0x0;
	[sflag:s18] =	ssyncadd.s32 $0xFFFFC000  }
0xb2: {  	[spmem:s4] =	stream.indirect.scatter.add.f32 [tilespmem:s15], [sflag:$0x1], $0x80, s19, s13, $0xb8;
	[tilespmem:$0x1EA00] =	vst v63  }
0xb3: {  	s24 =	simm.s32 @!p1 $0x1  }
0xb4: {  	[spmem:s4] =	stream.indirect.scatter.add.f32 [tilespmem:s17], [sflag:$0x1], $0x80, s20, s13, $0xb8;
	[tilespmem:$0x1EA00] =	vst v63  }
0xb5: {  	_ =	swait.ge @!p1 [sflag:s24], $0x4000  }
0xb6: {  	[sflag:s24] =	ssyncset.done @!p1 $0x0  }
0xb7: {  	[sflag:s24] =	ssyncadd.s32 @!p1 $0xFFFFC000  }
0xb8: {  	_ =	swait.ge @!p1 [sflag:s24], $0x4000  }
0xb9: {  	[sflag:s24] =	ssyncset.done @!p1 $0x0  }
0xba: {  	[sflag:s24] =	ssyncadd.s32 @!p1 $0xFFFFC000;
	s24 =	sshra.s32 s26, $0x2  }
0xbb: {  	v1 =	vld [tilespmem:s24+$0x0];
	_ =	sdelay $0x4  }
0xbc: {  	v2 =	vand.u32 $0xFFFF, v1;
	v1 =	vshrl.u32 v1, $0x10  }
0xbd: {  	[tilespmem:$0x2800] =	vst v2  }
0xbe: {  	[tilespmem:$0x2880] =	vst v1  }
0xbf: {  	v1 =	vld [tilespmem:s24+$0x10];
	_ =	sdelay $0x4  }
0xc0: {  	v2 =	vand.u32 $0xFFFF, v1;
	v1 =	vshrl.u32 v1, $0x10  }
0xc1: {  	[tilespmem:$0x2810] =	vst v2  }
0xc2: {  	[tilespmem:$0x2890] =	vst v1  }
0xc3: {  	v1 =	vld [tilespmem:s24+$0x20];
	_ =	sdelay $0x4  }
0xc4: {  	v2 =	vand.u32 $0xFFFF, v1;
	v1 =	vshrl.u32 v1, $0x10  }
0xc5: {  	[tilespmem:$0x2820] =	vst v2  }
0xc6: {  	[tilespmem:$0x28A0] =	vst v1  }
0xc7: {  	v1 =	vld [tilespmem:s24+$0x30];
	_ =	sdelay $0x4  }
0xc8: {  	v2 =	vand.u32 $0xFFFF, v1;
	v1 =	vshrl.u32 v1, $0x10  }
0xc9: {  	[tilespmem:$0x2830] =	vst v2  }
0xca: {  	[tilespmem:$0x28B0] =	vst v1  }
0xcb: {  	v1 =	vld [tilespmem:s24+$0x40];
	_ =	sdelay $0x4  }
0xcc: {  	v2 =	vand.u32 $0xFFFF, v1;
	v1 =	vshrl.u32 v1, $0x10  }
0xcd: {  	[tilespmem:$0x2840] =	vst v2  }
0xce: {  	[tilespmem:$0x28C0] =	vst v1  }
0xcf: {  	v1 =	vld [tilespmem:s24+$0x50];
	_ =	sdelay $0x4  }
0xd0: {  	v2 =	vand.u32 $0xFFFF, v1;
	v1 =	vshrl.u32 v1, $0x10  }
0xd1: {  	[tilespmem:$0x2850] =	vst v2  }
0xd2: {  	[tilespmem:$0x28D0] =	vst v1  }
0xd3: {  	v1 =	vld [tilespmem:s24+$0x60];
	_ =	sdelay $0x4  }
0xd4: {  	v2 =	vand.u32 $0xFFFF, v1;
	v1 =	vshrl.u32 v1, $0x10  }
0xd5: {  	[tilespmem:$0x2860] =	vst v2  }
0xd6: {  	[tilespmem:$0x28E0] =	vst v1  }
0xd7: {  	v1 =	vld [tilespmem:s24+$0x70];
	_ =	sdelay $0x4  }
0xd8: {  	v2 =	vand.u32 $0xFFFF, v1;
	v1 =	vshrl.u32 v1, $0x10  }
0xd9: {  	[tilespmem:$0x2870] =	vst v2  }
0xda: {  	[tilespmem:$0x28F0] =	vst v1  }
0xdb: {  	[tilespmem:s15], [sflag:$0x1] =	stream.indirect.gather [hbm4b:s1+s13], $0x80, s14, s13, $0xb8;
	[tilespmem:$0x1EA00] =	vst v63  }
0xdc: {  	v1 =	vld [tilespmem:s24+$0x80];
	_ =	sdelay $0x4  }
0xdd: {  	v2 =	vand.u32 $0xFFFF, v1;
	v1 =	vshrl.u32 v1, $0x10  }
0xde: {  	[tilespmem:$0x2900] =	vst v2  }
0xdf: {  	[tilespmem:$0x2980] =	vst v1  }
0xe0: {  	v1 =	vld [tilespmem:s24+$0x90];
	_ =	sdelay $0x4  }
0xe1: {  	v2 =	vand.u32 $0xFFFF, v1;
	v1 =	vshrl.u32 v1, $0x10  }
0xe2: {  	[tilespmem:$0x2910] =	vst v2  }
0xe3: {  	[tilespmem:$0x2990] =	vst v1  }
0xe4: {  	v1 =	vld [tilespmem:s24+$0xA0];
	_ =	sdelay $0x4  }
0xe5: {  	v2 =	vand.u32 $0xFFFF, v1;
	v1 =	vshrl.u32 v1, $0x10  }
0xe6: {  	[tilespmem:$0x2920] =	vst v2  }
0xe7: {  	[tilespmem:$0x29A0] =	vst v1  }
0xe8: {  	v1 =	vld [tilespmem:s24+$0xB0];
	_ =	sdelay $0x4  }
0xe9: {  	v2 =	vand.u32 $0xFFFF, v1;
	v1 =	vshrl.u32 v1, $0x10  }
0xea: {  	[tilespmem:$0x2930] =	vst v2  }
0xeb: {  	[tilespmem:$0x29B0] =	vst v1  }
0xec: {  	v1 =	vld [tilespmem:s24+$0xC0];
	_ =	sdelay $0x4  }
0xed: {  	v2 =	vand.u32 $0xFFFF, v1;
	v1 =	vshrl.u32 v1, $0x10  }
0xee: {  	[tilespmem:$0x2940] =	vst v2  }
0xef: {  	[tilespmem:$0x29C0] =	vst v1  }
0xf0: {  	v1 =	vld [tilespmem:s24+$0xD0];
	_ =	sdelay $0x4  }
0xf1: {  	v2 =	vand.u32 $0xFFFF, v1;
	v1 =	vshrl.u32 v1, $0x10  }
0xf2: {  	[tilespmem:$0x2950] =	vst v2  }
0xf3: {  	[tilespmem:$0x29D0] =	vst v1  }
0xf4: {  	v1 =	vld [tilespmem:s24+$0xE0];
	_ =	sdelay $0x1  }
.Ltmp1:
0xf5: {  	(pc) =	sbr.rel @p0 .LBB2_4-.Ltmp1, $3  }
0xf6: {  	_ =	sdelay $0x1  }
0xf7: {  	v2 =	vand.u32 $0xFFFF, v1;
	v1 =	vshrl.u32 v1, $0x10  }
0xf8: {  	[tilespmem:$0x2960] =	vst v2  }
0xf9: {  	[tilespmem:$0x29E0] =	vst v1  }
0xfa: {  	v1 =	vld [tilespmem:s24+$0xF0];
	_ =	sdelay $0x4  }
0xfb: {  	v2 =	vand.u32 $0xFFFF, v1  }
0xfc: {  	v1 =	vshrl.u32 v1, $0x10;
	[tilespmem:$0x2970] =	vst v2  }
0xfd: {  	[tilespmem:$0x29F0] =	vst v1  }
0xfe: {  	[tilespmem:s17], [sflag:$0x1] =	stream.indirect.gather [hbm4b:s1+s13], $0x80, s16, s13, $0xb8;
	[tilespmem:$0x1EA00] =	vst v63  }
0xff: {  	_ =	swait.ge [sflag:s18], $0x4000  }
0x100: {  	[sflag:s18] =	ssyncset.done $0x0  }
0x101: {  	[sflag:s18] =	ssyncadd.s32 $0xFFFFC000  }
0x102: {  	_ =	swait.ge [sflag:s18], $0x4000  }
0x103: {  	[sflag:s18] =	ssyncset.done $0x0  }
0x104: {  	[sflag:s18] =	ssyncadd.s32 $0xFFFFC000  }
0x105: {  	[spmem:s4] =	stream.indirect.scatter.add.f32 [tilespmem:s15], [sflag:$0x1], $0x80, s19, s13, $0xb8;
	[tilespmem:$0x1EA00] =	vst v63  }
0x106: {  	_ = 	snop  }
0x107: {  	[spmem:s4] =	stream.indirect.scatter.add.f32 [tilespmem:s17], [sflag:$0x1], $0x80, s20, s13, $0xb8;
	[tilespmem:$0x1EA00] =	vst v63  }
0x108: {  	_ =	swait.ge [sflag:s18], $0x4000  }
0x109: {  	[sflag:s18] =	ssyncset.done $0x0  }
0x10a: {  	[sflag:s18] =	ssyncadd.s32 $0xFFFFC000  }
0x10b: {  	_ =	swait.ge [sflag:s18], $0x4000  }
0x10c: {  	[sflag:s18] =	ssyncset.done $0x0  }
0x10d: {  	[sflag:s18] =	ssyncadd.s32 $0xFFFFC000  }
0x10e: {  	[bflag:$0x0] =	sbarrier.arrive $0xFFFF  }
0x10f: {  	[hbm:s9], [sflag:s21] =	dma.local [spmem:s22], $0x2780  }
0x110: {  	_ =	swait.ge [sflag:s11], $0x2780  }
0x111: {  	[sflag:s11] =	ssyncset.done $0x0  }
0x112: {  	s31 =	sadd.s32 $0x0, s7;
	[sflag:s11] =	ssyncadd.s32 $0xFFFFD880  }
0x113: {  	[spmem:s31] =	stream.linear.scatter [tilespmem:s12], [sflag:$0x2], $0x400, $0x38;
	[tilespmem:$0x1EA00] =	vst v63  }
0x114: {  	s24 =	simm.s32 $0x1000;
	_ =	swait.ge [sflag:s11], $0x400  }
.LBB2_6:
0x115: {  	s25 =	sshra.s32 s24, $0x2;
	[sflag:s11] =	ssyncset.done $0x0;
	p0 =	sne.s32 s24, $0x4E000  }
.Ltmp2:
0x116: {  	s25 =	sadd.s32 s25, s7;
	[sflag:s11] =	ssyncadd.s32 $0xFFFFFC00;
	(pc) =	sbr.rel @p0 .LBB2_6-.Ltmp2, $3  }
0x117: {  	[spmem:s25] =	stream.linear.scatter [tilespmem:s12], [sflag:$0x2], $0x400, $0x38;
	[tilespmem:$0x1EA00] =	vst v63  }
0x118: {  	s24 =	sadd.s32 $0x1000, s24;
	_ =	sdelay $0x1  }
0x119: {  	_ =	swait.ge [sflag:s11], $0x400  }
0x11a: {  	[sflag:s11] =	ssyncset.done $0x0  }
0x11b: {  	p0 =	por $0x1, $0x1;
	[sflag:s11] =	ssyncadd.s32 $0xFFFFFC00  }
0x11c: {  	s24 =	simm.s32 @!p0 $0x1;
	[bflag:$0x0] =	sbarrier.arrive $0xFFFF  }
0x11d: {  	_ =	swait.ge @!p0 [sflag:s24], $0x4000  }
0x11e: {  	[sflag:s24] =	ssyncset.done @!p0 $0x0  }
0x11f: {  	[sflag:s24] =	ssyncadd.s32 @!p0 $0xFFFFC000  }
0x120: {  	_ =	swait.ge @!p0 [sflag:s24], $0x4000  }
0x121: {  	[sflag:s24] =	ssyncset.done @!p0 $0x0  }
0x122: {  	[sflag:s24] =	ssyncadd.s32 @!p0 $0xFFFFC000;
	s24 =	simm.s32 $0x0  }
0x123: {  	v1 =	vld [tilespmem:s24+$0x0];
	_ =	sdelay $0x4  }
0x124: {  	v2 =	vand.u32 $0xFFFF, v1  }
0x125: {  	v1 =	vshrl.u32 v1, $0x10;
	[tilespmem:$0x2800] =	vst v2  }
0x126: {  	[tilespmem:$0x2880] =	vst v1  }
0x127: {  	v1 =	vld [tilespmem:s24+$0x10];
	_ =	sdelay $0x4  }
0x128: {  	v2 =	vand.u32 $0xFFFF, v1  }
0x129: {  	v1 =	vshrl.u32 v1, $0x10;
	[tilespmem:$0x2810] =	vst v2  }
0x12a: {  	[tilespmem:$0x2890] =	vst v1  }
0x12b: {  	v1 =	vld [tilespmem:s24+$0x20];
	_ =	sdelay $0x4  }
0x12c: {  	v2 =	vand.u32 $0xFFFF, v1  }
0x12d: {  	v1 =	vshrl.u32 v1, $0x10;
	[tilespmem:$0x2820] =	vst v2  }
0x12e: {  	[tilespmem:$0x28A0] =	vst v1  }
0x12f: {  	v1 =	vld [tilespmem:s24+$0x30];
	_ =	sdelay $0x4  }
0x130: {  	v2 =	vand.u32 $0xFFFF, v1  }
0x131: {  	v1 =	vshrl.u32 v1, $0x10;
	[tilespmem:$0x2830] =	vst v2  }
0x132: {  	[tilespmem:$0x28B0] =	vst v1  }
0x133: {  	v1 =	vld [tilespmem:s24+$0x40];
	_ =	sdelay $0x4  }
0x134: {  	v2 =	vand.u32 $0xFFFF, v1  }
0x135: {  	v1 =	vshrl.u32 v1, $0x10;
	[tilespmem:$0x2840] =	vst v2  }
0x136: {  	[tilespmem:$0x28C0] =	vst v1  }
0x137: {  	v1 =	vld [tilespmem:s24+$0x50];
	_ =	sdelay $0x4  }
0x138: {  	v2 =	vand.u32 $0xFFFF, v1  }
0x139: {  	v1 =	vshrl.u32 v1, $0x10;
	[tilespmem:$0x2850] =	vst v2  }
0x13a: {  	[tilespmem:$0x28D0] =	vst v1  }
0x13b: {  	v1 =	vld [tilespmem:s24+$0x60];
	_ =	sdelay $0x4  }
0x13c: {  	v2 =	vand.u32 $0xFFFF, v1  }
0x13d: {  	v1 =	vshrl.u32 v1, $0x10;
	[tilespmem:$0x2860] =	vst v2  }
0x13e: {  	[tilespmem:$0x28E0] =	vst v1  }
0x13f: {  	v1 =	vld [tilespmem:s24+$0x70];
	_ =	sdelay $0x4  }
0x140: {  	v2 =	vand.u32 $0xFFFF, v1  }
0x141: {  	v1 =	vshrl.u32 v1, $0x10;
	[tilespmem:$0x2870] =	vst v2  }
0x142: {  	[tilespmem:$0x28F0] =	vst v1  }
0x143: {  	[tilespmem:s15], [sflag:$0x1] =	stream.indirect.gather [hbm4b:s2+s13], $0x80, s14, s13, $0xb8;
	[tilespmem:$0x1EA00] =	vst v63  }
0x144: {  	v1 =	vld [tilespmem:s24+$0x80];
	_ =	sdelay $0x4  }
0x145: {  	v2 =	vand.u32 $0xFFFF, v1  }
0x146: {  	v1 =	vshrl.u32 v1, $0x10;
	[tilespmem:$0x2900] =	vst v2  }
0x147: {  	[tilespmem:$0x2980] =	vst v1  }
0x148: {  	v1 =	vld [tilespmem:s24+$0x90];
	_ =	sdelay $0x4  }
0x149: {  	v2 =	vand.u32 $0xFFFF, v1  }
0x14a: {  	v1 =	vshrl.u32 v1, $0x10;
	[tilespmem:$0x2910] =	vst v2  }
0x14b: {  	[tilespmem:$0x2990] =	vst v1  }
0x14c: {  	v1 =	vld [tilespmem:s24+$0xA0];
	_ =	sdelay $0x4  }
0x14d: {  	v2 =	vand.u32 $0xFFFF, v1  }
0x14e: {  	v1 =	vshrl.u32 v1, $0x10;
	[tilespmem:$0x2920] =	vst v2  }
0x14f: {  	[tilespmem:$0x29A0] =	vst v1  }
0x150: {  	v1 =	vld [tilespmem:s24+$0xB0];
	_ =	sdelay $0x4  }
0x151: {  	v2 =	vand.u32 $0xFFFF, v1  }
0x152: {  	v1 =	vshrl.u32 v1, $0x10;
	[tilespmem:$0x2930] =	vst v2  }
0x153: {  	[tilespmem:$0x29B0] =	vst v1  }
0x154: {  	v1 =	vld [tilespmem:s24+$0xC0];
	_ =	sdelay $0x4  }
0x155: {  	v2 =	vand.u32 $0xFFFF, v1  }
0x156: {  	v1 =	vshrl.u32 v1, $0x10;
	[tilespmem:$0x2940] =	vst v2  }
0x157: {  	[tilespmem:$0x29C0] =	vst v1  }
0x158: {  	v1 =	vld [tilespmem:s24+$0xD0];
	_ =	sdelay $0x4  }
0x159: {  	v2 =	vand.u32 $0xFFFF, v1  }
0x15a: {  	v1 =	vshrl.u32 v1, $0x10;
	[tilespmem:$0x2950] =	vst v2  }
0x15b: {  	[tilespmem:$0x29D0] =	vst v1  }
0x15c: {  	v1 =	vld [tilespmem:s24+$0xE0];
	_ =	sdelay $0x4  }
0x15d: {  	v2 =	vand.u32 $0xFFFF, v1  }
0x15e: {  	s25 =	simm.s32 $0x400;
	v1 =	vshrl.u32 v1, $0x10;
	[tilespmem:$0x2960] =	vst v2  }
.LBB2_8:
0x15f: {  	[tilespmem:$0x29E0] =	vst v1;
	s26 =	smov.u32 s25;
	s25 =	sadd.s32 $0x400, s25  }
0x160: {  	p0 =	sne.s32 s25, $0xA000;
	v1 =	vld [tilespmem:s24+$0xF0];
	_ =	sdelay $0x4  }
0x161: {  	v2 =	vand.u32 $0xFFFF, v1;
	v1 =	vshrl.u32 v1, $0x10  }
0x162: {  	[tilespmem:$0x2970] =	vst v2  }
0x163: {  	[tilespmem:$0x29F0] =	vst v1  }
0x164: {  	[tilespmem:s17], [sflag:$0x1] =	stream.indirect.gather [hbm4b:s2+s13], $0x80, s16, s13, $0xb8;
	[tilespmem:$0x1EA00] =	vst v63  }
0x165: {  	_ =	swait.ge [sflag:s18], $0x4000  }
0x166: {  	[sflag:s18] =	ssyncset.done $0x0  }
0x167: {  	[sflag:s18] =	ssyncadd.s32 $0xFFFFC000  }
0x168: {  	_ =	swait.ge [sflag:s18], $0x4000  }
0x169: {  	[sflag:s18] =	ssyncset.done $0x0  }
0x16a: {  	p1 =	seq.s32 s26, $0x0;
	[sflag:s18] =	ssyncadd.s32 $0xFFFFC000  }
0x16b: {  	[spmem:s4] =	stream.indirect.scatter.add.f32 [tilespmem:s15], [sflag:$0x1], $0x80, s19, s13, $0xb8;
	[tilespmem:$0x1EA00] =	vst v63  }
0x16c: {  	s24 =	simm.s32 @!p1 $0x1  }
0x16d: {  	[spmem:s4] =	stream.indirect.scatter.add.f32 [tilespmem:s17], [sflag:$0x1], $0x80, s20, s13, $0xb8;
	[tilespmem:$0x1EA00] =	vst v63  }
0x16e: {  	_ =	swait.ge @!p1 [sflag:s24], $0x4000  }
0x16f: {  	[sflag:s24] =	ssyncset.done @!p1 $0x0  }
0x170: {  	[sflag:s24] =	ssyncadd.s32 @!p1 $0xFFFFC000  }
0x171: {  	_ =	swait.ge @!p1 [sflag:s24], $0x4000  }
0x172: {  	[sflag:s24] =	ssyncset.done @!p1 $0x0  }
0x173: {  	[sflag:s24] =	ssyncadd.s32 @!p1 $0xFFFFC000;
	s24 =	sshra.s32 s26, $0x2  }
0x174: {  	v1 =	vld [tilespmem:s24+$0x0];
	_ =	sdelay $0x4  }
0x175: {  	v2 =	vand.u32 $0xFFFF, v1;
	v1 =	vshrl.u32 v1, $0x10  }
0x176: {  	[tilespmem:$0x2800] =	vst v2  }
0x177: {  	[tilespmem:$0x2880] =	vst v1  }
0x178: {  	v1 =	vld [tilespmem:s24+$0x10];
	_ =	sdelay $0x4  }
0x179: {  	v2 =	vand.u32 $0xFFFF, v1;
	v1 =	vshrl.u32 v1, $0x10  }
0x17a: {  	[tilespmem:$0x2810] =	vst v2  }
0x17b: {  	[tilespmem:$0x2890] =	vst v1  }
0x17c: {  	v1 =	vld [tilespmem:s24+$0x20];
	_ =	sdelay $0x4  }
0x17d: {  	v2 =	vand.u32 $0xFFFF, v1;
	v1 =	vshrl.u32 v1, $0x10  }
0x17e: {  	[tilespmem:$0x2820] =	vst v2  }
0x17f: {  	[tilespmem:$0x28A0] =	vst v1  }
0x180: {  	v1 =	vld [tilespmem:s24+$0x30];
	_ =	sdelay $0x4  }
0x181: {  	v2 =	vand.u32 $0xFFFF, v1;
	v1 =	vshrl.u32 v1, $0x10  }
0x182: {  	[tilespmem:$0x2830] =	vst v2  }
0x183: {  	[tilespmem:$0x28B0] =	vst v1  }
0x184: {  	v1 =	vld [tilespmem:s24+$0x40];
	_ =	sdelay $0x4  }
0x185: {  	v2 =	vand.u32 $0xFFFF, v1;
	v1 =	vshrl.u32 v1, $0x10  }
0x186: {  	[tilespmem:$0x2840] =	vst v2  }
0x187: {  	[tilespmem:$0x28C0] =	vst v1  }
0x188: {  	v1 =	vld [tilespmem:s24+$0x50];
	_ =	sdelay $0x4  }
0x189: {  	v2 =	vand.u32 $0xFFFF, v1;
	v1 =	vshrl.u32 v1, $0x10  }
0x18a: {  	[tilespmem:$0x2850] =	vst v2  }
0x18b: {  	[tilespmem:$0x28D0] =	vst v1  }
0x18c: {  	v1 =	vld [tilespmem:s24+$0x60];
	_ =	sdelay $0x4  }
0x18d: {  	v2 =	vand.u32 $0xFFFF, v1;
	v1 =	vshrl.u32 v1, $0x10  }
0x18e: {  	[tilespmem:$0x2860] =	vst v2  }
0x18f: {  	[tilespmem:$0x28E0] =	vst v1  }
0x190: {  	v1 =	vld [tilespmem:s24+$0x70];
	_ =	sdelay $0x4  }
0x191: {  	v2 =	vand.u32 $0xFFFF, v1;
	v1 =	vshrl.u32 v1, $0x10  }
0x192: {  	[tilespmem:$0x2870] =	vst v2  }
0x193: {  	[tilespmem:$0x28F0] =	vst v1  }
0x194: {  	[tilespmem:s15], [sflag:$0x1] =	stream.indirect.gather [hbm4b:s2+s13], $0x80, s14, s13, $0xb8;
	[tilespmem:$0x1EA00] =	vst v63  }
0x195: {  	v1 =	vld [tilespmem:s24+$0x80];
	_ =	sdelay $0x4  }
0x196: {  	v2 =	vand.u32 $0xFFFF, v1;
	v1 =	vshrl.u32 v1, $0x10  }
0x197: {  	[tilespmem:$0x2900] =	vst v2  }
0x198: {  	[tilespmem:$0x2980] =	vst v1  }
0x199: {  	v1 =	vld [tilespmem:s24+$0x90];
	_ =	sdelay $0x4  }
0x19a: {  	v2 =	vand.u32 $0xFFFF, v1;
	v1 =	vshrl.u32 v1, $0x10  }
0x19b: {  	[tilespmem:$0x2910] =	vst v2  }
0x19c: {  	[tilespmem:$0x2990] =	vst v1  }
0x19d: {  	v1 =	vld [tilespmem:s24+$0xA0];
	_ =	sdelay $0x4  }
0x19e: {  	v2 =	vand.u32 $0xFFFF, v1;
	v1 =	vshrl.u32 v1, $0x10  }
0x19f: {  	[tilespmem:$0x2920] =	vst v2  }
0x1a0: {  	[tilespmem:$0x29A0] =	vst v1  }
0x1a1: {  	v1 =	vld [tilespmem:s24+$0xB0];
	_ =	sdelay $0x4  }
0x1a2: {  	v2 =	vand.u32 $0xFFFF, v1;
	v1 =	vshrl.u32 v1, $0x10  }
0x1a3: {  	[tilespmem:$0x2930] =	vst v2  }
0x1a4: {  	[tilespmem:$0x29B0] =	vst v1  }
0x1a5: {  	v1 =	vld [tilespmem:s24+$0xC0];
	_ =	sdelay $0x4  }
0x1a6: {  	v2 =	vand.u32 $0xFFFF, v1;
	v1 =	vshrl.u32 v1, $0x10  }
0x1a7: {  	[tilespmem:$0x2940] =	vst v2  }
0x1a8: {  	[tilespmem:$0x29C0] =	vst v1  }
0x1a9: {  	v1 =	vld [tilespmem:s24+$0xD0];
	_ =	sdelay $0x4  }
0x1aa: {  	v2 =	vand.u32 $0xFFFF, v1;
	v1 =	vshrl.u32 v1, $0x10  }
0x1ab: {  	[tilespmem:$0x2950] =	vst v2  }
0x1ac: {  	[tilespmem:$0x29D0] =	vst v1  }
0x1ad: {  	v1 =	vld [tilespmem:s24+$0xE0];
	_ =	sdelay $0x1  }
.Ltmp3:
0x1ae: {  	(pc) =	sbr.rel @p0 .LBB2_8-.Ltmp3, $3  }
0x1af: {  	_ =	sdelay $0x1  }
0x1b0: {  	v2 =	vand.u32 $0xFFFF, v1;
	v1 =	vshrl.u32 v1, $0x10  }
0x1b1: {  	[tilespmem:$0x2960] =	vst v2  }
0x1b2: {  	[tilespmem:$0x29E0] =	vst v1  }
0x1b3: {  	v1 =	vld [tilespmem:s24+$0xF0];
	_ =	sdelay $0x4  }
0x1b4: {  	v2 =	vand.u32 $0xFFFF, v1  }
0x1b5: {  	v1 =	vshrl.u32 v1, $0x10;
	[tilespmem:$0x2970] =	vst v2  }
0x1b6: {  	[tilespmem:$0x29F0] =	vst v1  }
0x1b7: {  	[tilespmem:s17], [sflag:$0x1] =	stream.indirect.gather [hbm4b:s2+s13], $0x80, s16, s13, $0xb8;
	[tilespmem:$0x1EA00] =	vst v63  }
0x1b8: {  	_ =	swait.ge [sflag:s18], $0x4000  }
0x1b9: {  	[sflag:s18] =	ssyncset.done $0x0  }
0x1ba: {  	[sflag:s18] =	ssyncadd.s32 $0xFFFFC000  }
0x1bb: {  	_ =	swait.ge [sflag:s18], $0x4000  }
0x1bc: {  	[sflag:s18] =	ssyncset.done $0x0  }
0x1bd: {  	[sflag:s18] =	ssyncadd.s32 $0xFFFFC000  }
0x1be: {  	[spmem:s4] =	stream.indirect.scatter.add.f32 [tilespmem:s15], [sflag:$0x1], $0x80, s19, s13, $0xb8;
	[tilespmem:$0x1EA00] =	vst v63  }
0x1bf: {  	_ = 	snop  }
0x1c0: {  	[spmem:s4] =	stream.indirect.scatter.add.f32 [tilespmem:s17], [sflag:$0x1], $0x80, s20, s13, $0xb8;
	[tilespmem:$0x1EA00] =	vst v63  }
0x1c1: {  	_ =	swait.ge [sflag:s18], $0x4000  }
0x1c2: {  	[sflag:s18] =	ssyncset.done $0x0  }
0x1c3: {  	[sflag:s18] =	ssyncadd.s32 $0xFFFFC000  }
0x1c4: {  	_ =	swait.ge [sflag:s18], $0x4000  }
0x1c5: {  	s23 =	sadd.s32 $0x1, s23;
	[sflag:s18] =	ssyncset.done $0x0  }
0x1c6: {  	p0 =	sne.s32 s23, s8;
	[sflag:s18] =	ssyncadd.s32 $0xFFFFC000  }
.Ltmp4:
0x1c7: {  	[bflag:$0x0] =	sbarrier.arrive $0xFFFF;
	(pc) =	sbr.rel @p0 .LBB2_1-.Ltmp4, $4  }
0x1c8: {  	[hbm:s10], [sflag:s21] =	dma.local [spmem:s22], $0x2780  }
0x1c9: {  	_ =	swait.ge [sflag:s11], $0x2780  }
0x1ca: {  	[sflag:s11] =	ssyncset.done $0x0  }
0x1cb: {  	[sflag:s11] =	ssyncadd.s32 $0xFFFFD880  }
0x1cc: {  	_ =	sfence.sel $0x180000  }
0x1cd: {  	[bflag:$0x0] =	sbarrier.arrive $0xFFFF  }
0x1ce: {  	p0 =	sne.s32 s3, $0x0;
	_ =	strace $0x9000004A  }
0x1cf: {  	s0 =	sadd.s32 @!p0 $0x100000, s0;
	[bflag:$0x2] =	sbarrier.arrive $0xFFFF  }
0x1d0: {  	[sflag:s0] =	ssyncadd.tile.s32 @!p0 $0x1;
	_ =	shalt  }
.Lfunc_end2:
_tile_overlayer_lowered:
.L_overlay_start_2:
0x1d1: {  	(tag) =	ssettag $0x2  }
0x1d2: {  	s0 =	rddreg [dreg:$0x0];
	s2 =	stileid.u32  }
0x1d3: {  	s1 =	rddreg [dreg:$0x1];
	p0 =	sne.s32 s2, $0x0  }
0x1d4: {  	s3 =	rddreg [dreg:$0x2];
	[bflag:$0x3] =	sbarrier.arrive $0xFFFF;
	s2 =	simm.s32 @!p0 $0x1C02  }
0x1d5: {  	[timem:s3], [sflag:s2] =	dma.local @!p0 [hbm:s0], s1  }
0x1d6: {  	s0 =	simm.s32 @!p0 $0x2  }
0x1d7: {  	_ =	swait.ge @!p0 [sflag:s0], s1  }
0x1d8: {  	s1 =	ssub.s32 @!p0 $0x0, s1;
	[sflag:s0] =	ssyncset.done @!p0 $0x0  }
0x1d9: {  	[sflag:s0] =	ssyncadd.s32 @!p0 s1  }
0x1da: {  	[bflag:$0x3] =	sbarrier.arrive $0xFFFF  }
0x1db: {  	_ =	shalt  }

// kernel: kernel.17.cloned.1.call-start
scs
__scs_entry_jumppad:
0x0: {  	(pc) =	sbr.rel $0x88, $3  }
0x1: {  	(tag) =	ssettag $0x0;
	lr =	simm.s32 $0x1  }
0x2: {  	[smem:$0x3F97] =	sst lr;
	_ =	strace $0xD0000000  }
0x3: {  	_ = 	snop  }
0x4: {  	_ = 	snop  }
0x5: {  	_ = 	snop  }
0x6: {  	_ = 	snop  }
0x7: {  	_ = 	snop  }
__scs_overlays_trampoline_lowered:
0x8: {  	[smem:$0x3FA6] =	sst s0  }
0x9: {  	[smem:$0x3FA7] =	sst s1  }
0xa: {  	[smem:$0x3FA8] =	sst s2  }
0xb: {  	[smem:$0x3FA9] =	sst s3  }
0xc: {  	[smem:$0x3FAA] =	sst s4  }
0xd: {  	[smem:$0x3FAB] =	sst s5  }
0xe: {  	[smem:$0x3FAC] =	sst s6  }
0xf: {  	[smem:$0x3FAD] =	sst s7  }
0x10: {  	[smem:$0x3FAE] =	sst s8  }
0x11: {  	[smem:$0x3FAF] =	sst s9;
	s0 =	simm.s32 @!p0 $0x0  }
0x12: {  	s1 =	sld [smem:$0x3F95];
	s0 =	simm.s32 @p0 $0x1  }
0x13: {  	[smem:$0x3FB0] =	sst s0;
	s0 =	simm.s32 @!p1 $0x0  }
0x14: {  	s2 =	sld [smem:$0x3F94];
	s0 =	simm.s32 @p1 $0x1  }
0x15: {  	[smem:$0x3FB1] =	sst s0;
	s0 =	simm.s32 @!p2 $0x0  }
0x16: {  	s3 =	sld [smem:$0x3FDB];
	s0 =	simm.s32 @p2 $0x1  }
0x17: {  	s4 =	simm.s32 $0x1BF5;
	[smem:$0x3FB3] =	sst s0  }
0x18: {  	s0 =	sld [smem:$0x3F96];
	_ =	swait.ge [sflag:s4], $0x0  }
0x19: {  	s7 =	sld [smem:$0x3F97]  }
0x1a: {  	s8 =	sadd.s32 $0xFFFFE003, lr  }
0x1b: {  	s9 =	sadd.s32 $0xFFFFFEF7, lr;
	s5 =	simm.s32 $0xFFFFFFFF;
	p2 =	slt.u32 s8, $0xFFFFF086  }
0x1c: {  	p1 =	slt.u32 s9, $0xF7A;
	s5 =	simm.s32 @!p2 $0x0  }
0x1d: {  	s5 =	simm.s32 @p1 $0x1;
	p0 =	seq.s32 s7, s2  }
0x1e: {  	s7 =	smul.u32 @!p0 $0xF7A, s2;
	p2 =	seq.s32 @!p0 s5, $0x0  }
0x1f: {  	s9 =	smul.u32 $0xF7A, s1;
	s8 =	simm.s32 @!p0 $0x1BF5;
	p2 =	por !p2, p0  }
0x20: {  	[sflag:s8] =	ssyncset.s32 @!p0 $0xFFFFF086;
	s6 =	sadd.s32 @!p0 s3, s7;
	s7 =	simm.s32 @!p0 $0x108  }
0x21: {  	s3 =	sadd.s32 s3, s9;
	s6 =	sadd.s32 @!p0 $0x88, s6;
	s7 =	simm.s32 @p2 $0x1082  }
0x22: {  	[simem:s7], [sflag:s8] =	dma.local @!p0 [hbm:s6], $0xF7A  }
0x23: {  	s9 =	sor.u32 $0xD0000000, s2;
	s6 =	simm.s32 $0x108;
	_ =	swait.ge @!p0 [sflag:s8], $0x0  }
0x24: {  	s3 =	sadd.s32 $0x88, s3;
	s6 =	simm.s32 @!p1 $0x1082;
	[sflag:s4] =	ssyncset.s32 $0xFFFFF086  }
0x25: {  	[simem:s6], [sflag:s4] =	dma.local [hbm:s3], $0xF7A  }
0x26: {  	[smem:$0x3F97] =	sst s1;
	(tag) =	ssettag s2;
	_ =	strace s9  }
0x27: {  	s1 =	sld [smem:$0x3FA7]  }
0x28: {  	s2 =	sld [smem:$0x3FA8]  }
0x29: {  	s4 =	sld [smem:$0x3FAA]  }
0x2a: {  	p0 =	seq.s32 s5, $0x0;
	s5 =	sld [smem:$0x3FAB]  }
0x2b: {  	s6 =	sld [smem:$0x3FAC]  }
0x2c: {  	s7 =	sld [smem:$0x3FAD]  }
0x2d: {  	s3 =	simm.s32 $0x108;
	s8 =	sld [smem:$0x3FAE]  }
0x2e: {  	s3 =	simm.s32 @!p0 $0x1082;
	s9 =	sld [smem:$0x3FAF]  }
0x2f: {  	lr =	sadd.s32 s0, s3;
	s0 =	sld [smem:$0x3FA6]  }
0x30: {  	s3 =	sld [smem:$0x3FA9]  }
0x31: {  	[smem:$0x3FB2] =	sst s10  }
0x32: {  	s10 =	sld [smem:$0x3FB0];
	_ =	sdelay $0x3  }
0x33: {  	p0 =	seq.s32 s10, $0x1;
	s10 =	sld [smem:$0x3FB2];
	_ =	sdelay $0x3  }
0x34: {  	[smem:$0x3FB2] =	sst s10  }
0x35: {  	s10 =	sld [smem:$0x3FB1];
	_ =	sdelay $0x3  }
0x36: {  	p1 =	seq.s32 s10, $0x1;
	s10 =	sld [smem:$0x3FB2];
	_ =	sdelay $0x3  }
0x37: {  	[smem:$0x3FB2] =	sst s10  }
0x38: {  	s10 =	sld [smem:$0x3FB3]  }
0x39: {  	_ = 	snop;
	(pc) =	sbr.ind lr, $3  }
0x3a: {  	_ = 	snop  }
0x3b: {  	_ = 	snop  }
0x3c: {  	p2 =	seq.s32 s10, $0x1;
	s10 =	sld [smem:$0x3FB2]  }
0x3d: {  	_ =	shalt  }
0x3e: {  	_ =	shalt  }
0x3f: {  	_ =	shalt  }
0x40: {  	_ =	shalt  }
0x41: {  	_ =	shalt  }
0x42: {  	_ =	shalt  }
0x43: {  	_ =	shalt  }
0x44: {  	_ =	shalt  }
0x45: {  	_ =	shalt  }
0x46: {  	_ =	shalt  }
0x47: {  	_ =	shalt  }
0x48: {  	_ =	shalt  }
0x49: {  	_ =	shalt  }
0x4a: {  	_ =	shalt  }
0x4b: {  	_ =	shalt  }
0x4c: {  	_ =	shalt  }
0x4d: {  	_ =	shalt  }
0x4e: {  	_ =	shalt  }
0x4f: {  	_ =	shalt  }
0x50: {  	_ =	shalt  }
0x51: {  	_ =	shalt  }
0x52: {  	_ =	shalt  }
0x53: {  	_ =	shalt  }
0x54: {  	_ =	shalt  }
0x55: {  	_ =	shalt  }
0x56: {  	_ =	shalt  }
0x57: {  	_ =	shalt  }
0x58: {  	_ =	shalt  }
0x59: {  	_ =	shalt  }
0x5a: {  	_ =	shalt  }
0x5b: {  	_ =	shalt  }
0x5c: {  	_ =	shalt  }
0x5d: {  	_ =	shalt  }
0x5e: {  	_ =	shalt  }
0x5f: {  	_ =	shalt  }
0x60: {  	_ =	shalt  }
0x61: {  	_ =	shalt  }
0x62: {  	_ =	shalt  }
0x63: {  	_ =	shalt  }
0x64: {  	_ =	shalt  }
0x65: {  	_ =	shalt  }
0x66: {  	_ =	shalt  }
0x67: {  	_ =	shalt  }
0x68: {  	_ =	shalt  }
0x69: {  	_ =	shalt  }
0x6a: {  	_ =	shalt  }
0x6b: {  	_ =	shalt  }
0x6c: {  	_ =	shalt  }
0x6d: {  	_ =	shalt  }
0x6e: {  	_ =	shalt  }
0x6f: {  	_ =	shalt  }
0x70: {  	_ =	shalt  }
0x71: {  	_ =	shalt  }
0x72: {  	_ =	shalt  }
0x73: {  	_ =	shalt  }
0x74: {  	_ =	shalt  }
0x75: {  	_ =	shalt  }
0x76: {  	_ =	shalt  }
0x77: {  	_ =	shalt  }
0x78: {  	_ =	shalt  }
0x79: {  	_ =	shalt  }
0x7a: {  	_ =	shalt  }
0x7b: {  	_ =	shalt  }
0x7c: {  	_ =	shalt  }
0x7d: {  	_ =	shalt  }
0x7e: {  	_ =	shalt  }
0x7f: {  	_ =	shalt  }
0x80: {  	_ =	shalt  }
0x81: {  	_ =	shalt  }
0x82: {  	_ =	shalt  }
0x83: {  	_ =	shalt  }
0x84: {  	_ =	shalt  }
0x85: {  	_ =	shalt  }
0x86: {  	_ =	shalt  }
0x87: {  	_ =	shalt  }
.Lfunc_end0:
.L_simem_size_0:
called_computation.2_lowered:
.L_overlay_start_0:
0x88: {  	s2 =	sld [smem:$0x3FD9]  }
0x89: {  	s3 =	sld [smem:$0x3FFE];
	_ =	sdelay $0x1  }
0x8a: {  	s1 =	srdreg.scid  }
0x8b: {  	s0 =	sand.u32 $0x1, s1  }
0x8c: {  	s14 =	sshll.u32 s0, $0xA;
	s2 =	sadd.s32 s3, s2  }
0x8d: {  	s2 =	sadd.s32 s2, s14  }
0x8e: {  	[smem:$0x3FBE] =	sst s2  }
0x8f: {  	_ = 	snop  }
0x90: {  	s2 =	sld [smem:$0x3FD0];
	_ =	sdelay $0x2  }
0x91: {  	s15 =	simm.s32 $0xA;
	s4 =	simm.s32 $0x10  }
0x92: {  	[smem:s4], [sflag:s15] =	dma.local [hbm:s2], $0x1  }
0x93: {  	_ =	swait.eq [sflag:s15], $0x1  }
0x94: {  	[sflag:s15] =	ssyncset.done $0x0  }
0x95: {  	s16 =	sld [smem:$0x11];
	[sflag:s15] =	ssyncadd.s32 $0xFFFFFFFF  }
0x96: {  	s17 =	sld [smem:$0x13];
	(tm) =	ssettm $0x1  }
0x97: {  	s18 =	sld [smem:$0x3FFB];
	_ =	sdelay $0x3  }
0x98: {  	_ =	strace s18  }
0x99: {  	s4 =	sld [smem:$0x3FFC];
	_ =	sdelay $0x3  }
0x9a: {  	_ =	strace s4  }
0x9b: {  	s4 =	sld [smem:$0x3FFD];
	_ =	sdelay $0x3  }
0x9c: {  	_ =	strace s4  }
0x9d: {  	_ =	strace $0x8FFFFFFF  }
0x9e: {  	s19 =	sld [smem:$0x3FDB];
	_ =	sdelay $0x1  }
0x9f: {  	s5 =	simm.s32 $_scs_section_size  }
0xa0: {  	s6 =	simm.s32 $_size__tile_overlayer_lowered;
	s7 =	simm.s32 $_tile_overlayer_lowered  }
0xa1: {  	s22 =	simm.s32 $0x1BFF;
	s21 =	sshll.u32 s7, $0x1;
	s4 =	sadd.s32 s5, s19  }
0xa2: {  	s8 =	simm.s32 $0x0;
	s20 =	sshll.u32 s6, $0x1;
	s6 =	sadd.s32 s21, s4  }
0xa3: {  	[timem:s8], [sflag:s22] =	dma.local [hbm:s6], s20  }
0xa4: {  	_ =	swait.ge [sflag:s22], s20  }
0xa5: {  	s5 =	ssub.s32 $0x0, s20;
	[sflag:s22] =	ssyncset.done $0x0  }
0xa6: {  	[sflag:s22] =	ssyncadd.s32 s5;
	_ =	sdelay $0x1  }
0xa7: {  	s23 =	simm.s32 $0x1B8B  }
0xa8: {  	_ =	swait.ge [sflag:s23], $0x1  }
0xa9: {  	[sflag:s23] =	ssyncset.done $0x0  }
0xaa: {  	s25 =	simm.s32 $0x1B8E;
	s24 =	sld [smem:$0x3FFE];
	[sflag:s23] =	ssyncadd.s32 $0xFFFFFFFF  }
0xab: {  	s26 =	simm.s32 $execute0_lowered;
	[smem:$0x3FD2] =	sst s25  }
0xac: {  	s6 =	sshll.u32 s26, $0x1;
	_ =	strace $0x8000004C;
	[dreg:$0x1] =	wrdreg $0xFFFFFFFF  }
0xad: {  	s28 =	simm.s32 $_size_execute0_lowered;
	s4 =	sadd.s32 s4, s6;
	[dreg:$0x0] =	wrdreg $0x0  }
0xae: {  	s6 =	sshll.u32 s28, $0x1;
	[dreg:$0x2] =	wrdreg s4  }
0xaf: {  	[dreg:$0x3] =	wrdreg s6  }
0xb0: {  	[dreg:$0x4] =	wrdreg $0xC0  }
0xb1: {  	_ =	task [dreg:s8], $0x5FFFF  }
0xb2: {  	[dreg:$0x1] =	wrdreg $0xFFFFFFFF  }
0xb3: {  	[dreg:$0x0] =	wrdreg $0x60  }
0xb4: {  	[dreg:$0x2] =	wrdreg s17  }
0xb5: {  	[dreg:$0x3] =	wrdreg s16  }
0xb6: {  	[dreg:$0x4] =	wrdreg s24  }
0xb7: {  	[dreg:$0x5] =	wrdreg $0xAE000  }
0xb8: {  	[dreg:$0x6] =	wrdreg $0x9  }
0xb9: {  	_ =	task.clear_ibuf [dreg:s8], $0x7FFFF;
	_ =	strace $0x9000004C  }
0xba: {  	s29 =	simm.s32 $0x9;
	_ =	strace $0x8000004E  }
0xbb: {  	_ =	swait.ge [sflag:s29], $0x1  }
0xbc: {  	[sflag:s29] =	ssyncadd.s32 $0xFFFFFFFF  }
0xbd: {  	_ =	strace $0x9000004E  }
0xbe: {  	_ =	sfence  }
0xbf: {  	s30 =	sld [smem:$0x0];
	_ =	sdelay $0x2  }
0xc0: {  	s31 =	sshll.u32 s1, $0xD;
	s1 =	sshrl.u32 s1, $0x2  }
0xc1: {  	s3 =	sand.u32 $0x4000, s31;
	s1 =	sadd.s32 s1, s30  }
0xc2: {  	s0 =	sor.u32 s3, s0;
	s1 =	sshll.u32 s1, $0x11  }
0xc3: {  	s0 =	sor.u32 s1, s0  }
0xc4: {  	s0 =	sadd.s32 $0x8F2B, s0  }
0xc5: {  	[sflag:s0] =	ssyncadd.remote.s32 $0x1  }
0xc6: {  	_ =	sfence.sel $0xFFFF  }
0xc7: {  	[dreg:$0x0] =	wrdreg $0xFFFFFFFF;
	(pc) =	sbr.abs _section_cstart, $3  }
0xc8: {  	[dreg:$0x1] =	wrdreg $0xFFFFFFFF  }
0xc9: {  	_ =	task.clear_ibuf [dreg:s8], $0x2FFFF;
	_ =	strace $0x9FFFFFFF  }
0xca: {  	(tm) =	ssettm $0x7FFFFFFF  }
0xcb: {  	_ =	shalt  }
tec
execute0_lowered:
.L_overlay_start_1:
0x0: {  	(tag) =	ssettag $0x1  }
0x1: {  	s1 =	rddreg [dreg:$0x0]  }
0x2: {  	s5 =	rddreg [dreg:$0x1]  }
0x3: {  	s6 =	rddreg [dreg:$0x2]  }
0x4: {  	s3 =	rddreg [dreg:$0x3]  }
0x5: {  	s0 =	rddreg [dreg:$0x4]  }
0x6: {  	s2 =	stileid.u32;
	s4 =	simm.s32 $0x0;
	s7 =	srdreg.scid  }
0x7: {  	s12 =	simm.s32 $0x2800;
	s13 =	simm.s32 $0x2A00;
	s14 =	simm.s32 $0x2900  }
0x8: {  	s15 =	simm.s32 $0x6A00;
	s16 =	simm.s32 $0x1;
	s17 =	simm.s32 $0x2880  }
0x9: {  	s18 =	simm.s32 $0x2980;
	s21 =	simm.s32 $0x0;
	s8 =	smul.u32 $0x13C00, s2  }
0xa: {  	[smem:$0x7FF] =	sst s4;
	s7 =	sand.u32 $0x1, s7;
	s9 =	smul.u32 $0x2780, s2  }
0xb: {  	s10 =	sshll.u32 s2, $0x1;
	s29 =	smul.u32 $0x4F000, s2;
	s19 =	sshll.u32 s2, $0x6  }
0xc: {  	_ =	strace $0x8000004D;
	p0 =	seq.s32 s7, $0x1;
	s11 =	ssub.s32 $0x2, s7  }
0xd: {  	s7 =	sor.u32 s7, s10;
	s10 =	simm.s32 $0xAA00;
	s8 =	sshrl.u32 s8, $0x3  }
0xe: {  	s19 =	sor.u32 $0x1C02, s19;
	s7 =	smul.u32 $0x500, s7;
	s8 =	sadd.s32 $0x27800, s8  }
0xf: {  	s30 =	sshrl.u32 s11, $0x1;
	s31 =	sshrl.u32 s29, $0x2;
	s9 =	smov.u32 @p0 s8  }
0x10: {  	s8 =	ssub.s32 s11, s30;
	s5 =	sadd.s32 s5, s7;
	s11 =	simm.s32 $0x80  }
0x11: {  	s9 =	sadd.s32 s9, s6;
	s6 =	sadd.s32 s31, s3;
	s7 =	smax.u32 s8, $0x1  }
0x12: {  	v0 =	vimm.f32 $0.0e+00;
	s8 =	sadd.s32 $0x52E00, s9;
	s9 =	simm.s32 $0x2;
	s20 =	sshrl.u32 s6, $0x3  }
.LBB2_1:
0x13: {  	[tilespmem:s4], [sflag:$0x2] =	stream.linear.gather [hbm4b:s5+s4], $0x2800, $0x38;
	[tilespmem:$0x1EA00] =	vst v63  }
0x14: {  	_ =	swait.ge [sflag:s9], $0x2800  }
0x15: {  	[sflag:s9] =	ssyncset.done $0x0  }
0x16: {  	[sflag:s9] =	ssyncadd.s32 $0xFFFFD800  }
0x17: {  	[tilespmem:$0xAA00] =	vst v0  }
0x18: {  	[tilespmem:$0xAA10] =	vst v0  }
0x19: {  	[tilespmem:$0xAA20] =	vst v0  }
0x1a: {  	[tilespmem:$0xAA30] =	vst v0  }
0x1b: {  	[tilespmem:$0xAA40] =	vst v0  }
0x1c: {  	[tilespmem:$0xAA50] =	vst v0  }
0x1d: {  	[tilespmem:$0xAA60] =	vst v0  }
0x1e: {  	[tilespmem:$0xAA70] =	vst v0  }
0x1f: {  	[tilespmem:$0xAA80] =	vst v0  }
0x20: {  	[tilespmem:$0xAA90] =	vst v0  }
0x21: {  	[tilespmem:$0xAAA0] =	vst v0  }
0x22: {  	[tilespmem:$0xAAB0] =	vst v0  }
0x23: {  	[tilespmem:$0xAAC0] =	vst v0  }
0x24: {  	[tilespmem:$0xAAD0] =	vst v0  }
0x25: {  	[tilespmem:$0xAAE0] =	vst v0  }
0x26: {  	[tilespmem:$0xAAF0] =	vst v0  }
0x27: {  	[tilespmem:$0xAB00] =	vst v0  }
0x28: {  	[tilespmem:$0xAB10] =	vst v0  }
0x29: {  	[tilespmem:$0xAB20] =	vst v0  }
0x2a: {  	[tilespmem:$0xAB30] =	vst v0  }
0x2b: {  	[tilespmem:$0xAB40] =	vst v0  }
0x2c: {  	[tilespmem:$0xAB50] =	vst v0  }
0x2d: {  	[tilespmem:$0xAB60] =	vst v0  }
0x2e: {  	[tilespmem:$0xAB70] =	vst v0  }
0x2f: {  	[tilespmem:$0xAB80] =	vst v0  }
0x30: {  	[tilespmem:$0xAB90] =	vst v0  }
0x31: {  	[tilespmem:$0xABA0] =	vst v0  }
0x32: {  	[tilespmem:$0xABB0] =	vst v0  }
0x33: {  	[tilespmem:$0xABC0] =	vst v0  }
0x34: {  	[tilespmem:$0xABD0] =	vst v0  }
0x35: {  	[tilespmem:$0xABE0] =	vst v0  }
0x36: {  	[tilespmem:$0xABF0] =	vst v0  }
0x37: {  	[tilespmem:$0xAC00] =	vst v0  }
0x38: {  	[tilespmem:$0xAC10] =	vst v0  }
0x39: {  	[tilespmem:$0xAC20] =	vst v0  }
0x3a: {  	[tilespmem:$0xAC30] =	vst v0  }
0x3b: {  	[tilespmem:$0xAC40] =	vst v0  }
0x3c: {  	[tilespmem:$0xAC50] =	vst v0  }
0x3d: {  	[tilespmem:$0xAC60] =	vst v0  }
0x3e: {  	[tilespmem:$0xAC70] =	vst v0  }
0x3f: {  	[tilespmem:$0xAC80] =	vst v0  }
0x40: {  	[tilespmem:$0xAC90] =	vst v0  }
0x41: {  	[tilespmem:$0xACA0] =	vst v0  }
0x42: {  	[tilespmem:$0xACB0] =	vst v0  }
0x43: {  	[tilespmem:$0xACC0] =	vst v0  }
0x44: {  	[tilespmem:$0xACD0] =	vst v0  }
0x45: {  	[tilespmem:$0xACE0] =	vst v0  }
0x46: {  	[tilespmem:$0xACF0] =	vst v0  }
0x47: {  	[tilespmem:$0xAD00] =	vst v0  }
0x48: {  	[tilespmem:$0xAD10] =	vst v0  }
0x49: {  	[tilespmem:$0xAD20] =	vst v0  }
0x4a: {  	[tilespmem:$0xAD30] =	vst v0  }
0x4b: {  	[tilespmem:$0xAD40] =	vst v0  }
0x4c: {  	[tilespmem:$0xAD50] =	vst v0  }
0x4d: {  	[tilespmem:$0xAD60] =	vst v0  }
0x4e: {  	[tilespmem:$0xAD70] =	vst v0  }
0x4f: {  	[tilespmem:$0xAD80] =	vst v0  }
0x50: {  	[tilespmem:$0xAD90] =	vst v0  }
0x51: {  	[tilespmem:$0xADA0] =	vst v0  }
0x52: {  	[tilespmem:$0xADB0] =	vst v0  }
0x53: {  	[tilespmem:$0xADC0] =	vst v0  }
0x54: {  	[tilespmem:$0xADD0] =	vst v0  }
0x55: {  	[tilespmem:$0xADE0] =	vst v0  }
0x56: {  	s22 =	sadd.s32 $0x0, s6;
	[tilespmem:$0xADF0] =	vst v0  }
0x57: {  	[spmem:s22] =	stream.linear.scatter [tilespmem:s10], [sflag:$0x2], $0x400, $0x38;
	[tilespmem:$0x1EA00] =	vst v63  }
0x58: {  	s22 =	simm.s32 $0x1000;
	_ =	swait.ge [sflag:s9], $0x400  }
.LBB2_2:
0x59: {  	s23 =	sshra.s32 s22, $0x2;
	[sflag:s9] =	ssyncset.done $0x0;
	p0 =	sne.s32 s22, $0x4E000  }
.Ltmp0:
0x5a: {  	s23 =	sadd.s32 s23, s6;
	[sflag:s9] =	ssyncadd.s32 $0xFFFFFC00;
	(pc) =	sbr.rel @p0 .LBB2_2-.Ltmp0, $3  }
0x5b: {  	[spmem:s23] =	stream.linear.scatter [tilespmem:s10], [sflag:$0x2], $0x400, $0x38;
	[tilespmem:$0x1EA00] =	vst v63  }
0x5c: {  	s22 =	sadd.s32 $0x1000, s22;
	_ =	sdelay $0x1  }
0x5d: {  	_ =	swait.ge [sflag:s9], $0x400  }
0x5e: {  	[sflag:s9] =	ssyncset.done $0x0  }
0x5f: {  	p0 =	por $0x1, $0x1;
	[sflag:s9] =	ssyncadd.s32 $0xFFFFFC00  }
0x60: {  	s22 =	simm.s32 @!p0 $0x1;
	[bflag:$0x0] =	sbarrier.arrive $0xFFFF  }
0x61: {  	_ =	swait.ge @!p0 [sflag:s22], $0x4000  }
0x62: {  	[sflag:s22] =	ssyncset.done @!p0 $0x0  }
0x63: {  	[sflag:s22] =	ssyncadd.s32 @!p0 $0xFFFFC000  }
0x64: {  	_ =	swait.ge @!p0 [sflag:s22], $0x4000  }
0x65: {  	[sflag:s22] =	ssyncset.done @!p0 $0x0  }
0x66: {  	[sflag:s22] =	ssyncadd.s32 @!p0 $0xFFFFC000;
	s22 =	simm.s32 $0x0  }
0x67: {  	v1 =	vld [tilespmem:s22+$0x0];
	_ =	sdelay $0x4  }
0x68: {  	v2 =	vand.u32 $0xFFFF, v1  }
0x69: {  	v1 =	vshrl.u32 v1, $0x10;
	[tilespmem:$0x2800] =	vst v2  }
0x6a: {  	[tilespmem:$0x2880] =	vst v1  }
0x6b: {  	v1 =	vld [tilespmem:s22+$0x10];
	_ =	sdelay $0x4  }
0x6c: {  	v2 =	vand.u32 $0xFFFF, v1  }
0x6d: {  	v1 =	vshrl.u32 v1, $0x10;
	[tilespmem:$0x2810] =	vst v2  }
0x6e: {  	[tilespmem:$0x2890] =	vst v1  }
0x6f: {  	v1 =	vld [tilespmem:s22+$0x20];
	_ =	sdelay $0x4  }
0x70: {  	v2 =	vand.u32 $0xFFFF, v1  }
0x71: {  	v1 =	vshrl.u32 v1, $0x10;
	[tilespmem:$0x2820] =	vst v2  }
0x72: {  	[tilespmem:$0x28A0] =	vst v1  }
0x73: {  	v1 =	vld [tilespmem:s22+$0x30];
	_ =	sdelay $0x4  }
0x74: {  	v2 =	vand.u32 $0xFFFF, v1  }
0x75: {  	v1 =	vshrl.u32 v1, $0x10;
	[tilespmem:$0x2830] =	vst v2  }
0x76: {  	[tilespmem:$0x28B0] =	vst v1  }
0x77: {  	v1 =	vld [tilespmem:s22+$0x40];
	_ =	sdelay $0x4  }
0x78: {  	v2 =	vand.u32 $0xFFFF, v1  }
0x79: {  	v1 =	vshrl.u32 v1, $0x10;
	[tilespmem:$0x2840] =	vst v2  }
0x7a: {  	[tilespmem:$0x28C0] =	vst v1  }
0x7b: {  	v1 =	vld [tilespmem:s22+$0x50];
	_ =	sdelay $0x4  }
0x7c: {  	v2 =	vand.u32 $0xFFFF, v1  }
0x7d: {  	v1 =	vshrl.u32 v1, $0x10;
	[tilespmem:$0x2850] =	vst v2  }
0x7e: {  	[tilespmem:$0x28D0] =	vst v1  }
0x7f: {  	v1 =	vld [tilespmem:s22+$0x60];
	_ =	sdelay $0x4  }
0x80: {  	v2 =	vand.u32 $0xFFFF, v1  }
0x81: {  	v1 =	vshrl.u32 v1, $0x10;
	[tilespmem:$0x2860] =	vst v2  }
0x82: {  	[tilespmem:$0x28E0] =	vst v1  }
0x83: {  	v1 =	vld [tilespmem:s22+$0x70];
	_ =	sdelay $0x4  }
0x84: {  	v2 =	vand.u32 $0xFFFF, v1  }
0x85: {  	v1 =	vshrl.u32 v1, $0x10;
	[tilespmem:$0x2870] =	vst v2  }
0x86: {  	[tilespmem:$0x28F0] =	vst v1  }
0x87: {  	[tilespmem:s13], [sflag:$0x1] =	stream.indirect.gather [hbm4b:s1+s11], $0x80, s12, s11, $0xb8;
	[tilespmem:$0x1EA00] =	vst v63  }
0x88: {  	v1 =	vld [tilespmem:s22+$0x80];
	_ =	sdelay $0x4  }
0x89: {  	v2 =	vand.u32 $0xFFFF, v1  }
0x8a: {  	v1 =	vshrl.u32 v1, $0x10;
	[tilespmem:$0x2900] =	vst v2  }
0x8b: {  	[tilespmem:$0x2980] =	vst v1  }
0x8c: {  	v1 =	vld [tilespmem:s22+$0x90];
	_ =	sdelay $0x4  }
0x8d: {  	v2 =	vand.u32 $0xFFFF, v1  }
0x8e: {  	v1 =	vshrl.u32 v1, $0x10;
	[tilespmem:$0x2910] =	vst v2  }
0x8f: {  	[tilespmem:$0x2990] =	vst v1  }
0x90: {  	v1 =	vld [tilespmem:s22+$0xA0];
	_ =	sdelay $0x4  }
0x91: {  	v2 =	vand.u32 $0xFFFF, v1  }
0x92: {  	v1 =	vshrl.u32 v1, $0x10;
	[tilespmem:$0x2920] =	vst v2  }
0x93: {  	[tilespmem:$0x29A0] =	vst v1  }
0x94: {  	v1 =	vld [tilespmem:s22+$0xB0];
	_ =	sdelay $0x4  }
0x95: {  	v2 =	vand.u32 $0xFFFF, v1  }
0x96: {  	v1 =	vshrl.u32 v1, $0x10;
	[tilespmem:$0x2930] =	vst v2  }
0x97: {  	[tilespmem:$0x29B0] =	vst v1  }
0x98: {  	v1 =	vld [tilespmem:s22+$0xC0];
	_ =	sdelay $0x4  }
0x99: {  	v2 =	vand.u32 $0xFFFF, v1  }
0x9a: {  	v1 =	vshrl.u32 v1, $0x10;
	[tilespmem:$0x2940] =	vst v2  }
0x9b: {  	[tilespmem:$0x29C0] =	vst v1  }
0x9c: {  	v1 =	vld [tilespmem:s22+$0xD0];
	_ =	sdelay $0x4  }
0x9d: {  	v2 =	vand.u32 $0xFFFF, v1  }
0x9e: {  	v1 =	vshrl.u32 v1, $0x10;
	[tilespmem:$0x2950] =	vst v2  }
0x9f: {  	[tilespmem:$0x29D0] =	vst v1  }
0xa0: {  	v1 =	vld [tilespmem:s22+$0xE0];
	_ =	sdelay $0x4  }
0xa1: {  	v2 =	vand.u32 $0xFFFF, v1  }
0xa2: {  	s23 =	simm.s32 $0x400;
	v1 =	vshrl.u32 v1, $0x10;
	[tilespmem:$0x2960] =	vst v2  }
.LBB2_4:
0xa3: {  	[tilespmem:$0x29E0] =	vst v1;
	s24 =	smov.u32 s23;
	s23 =	sadd.s32 $0x400, s23  }
0xa4: {  	p0 =	sne.s32 s23, $0xA000;
	v1 =	vld [tilespmem:s22+$0xF0];
	_ =	sdelay $0x4  }
0xa5: {  	v2 =	vand.u32 $0xFFFF, v1;
	v1 =	vshrl.u32 v1, $0x10  }
0xa6: {  	[tilespmem:$0x2970] =	vst v2  }
0xa7: {  	[tilespmem:$0x29F0] =	vst v1  }
0xa8: {  	[tilespmem:s15], [sflag:$0x1] =	stream.indirect.gather [hbm4b:s1+s11], $0x80, s14, s11, $0xb8;
	[tilespmem:$0x1EA00] =	vst v63  }
0xa9: {  	_ =	swait.ge [sflag:s16], $0x4000  }
0xaa: {  	[sflag:s16] =	ssyncset.done $0x0  }
0xab: {  	[sflag:s16] =	ssyncadd.s32 $0xFFFFC000  }
0xac: {  	_ =	swait.ge [sflag:s16], $0x4000  }
0xad: {  	[sflag:s16] =	ssyncset.done $0x0  }
0xae: {  	p1 =	seq.s32 s24, $0x0;
	[sflag:s16] =	ssyncadd.s32 $0xFFFFC000  }
0xaf: {  	[spmem:s3] =	stream.indirect.scatter.add.f32 [tilespmem:s13], [sflag:$0x1], $0x80, s17, s11, $0xb8;
	[tilespmem:$0x1EA00] =	vst v63  }
0xb0: {  	s22 =	simm.s32 @!p1 $0x1  }
0xb1: {  	[spmem:s3] =	stream.indirect.scatter.add.f32 [tilespmem:s15], [sflag:$0x1], $0x80, s18, s11, $0xb8;
	[tilespmem:$0x1EA00] =	vst v63  }
0xb2: {  	_ =	swait.ge @!p1 [sflag:s22], $0x4000  }
0xb3: {  	[sflag:s22] =	ssyncset.done @!p1 $0x0  }
0xb4: {  	[sflag:s22] =	ssyncadd.s32 @!p1 $0xFFFFC000  }
0xb5: {  	_ =	swait.ge @!p1 [sflag:s22], $0x4000  }
0xb6: {  	[sflag:s22] =	ssyncset.done @!p1 $0x0  }
0xb7: {  	[sflag:s22] =	ssyncadd.s32 @!p1 $0xFFFFC000;
	s22 =	sshra.s32 s24, $0x2  }
0xb8: {  	v1 =	vld [tilespmem:s22+$0x0];
	_ =	sdelay $0x4  }
0xb9: {  	v2 =	vand.u32 $0xFFFF, v1;
	v1 =	vshrl.u32 v1, $0x10  }
0xba: {  	[tilespmem:$0x2800] =	vst v2  }
0xbb: {  	[tilespmem:$0x2880] =	vst v1  }
0xbc: {  	v1 =	vld [tilespmem:s22+$0x10];
	_ =	sdelay $0x4  }
0xbd: {  	v2 =	vand.u32 $0xFFFF, v1;
	v1 =	vshrl.u32 v1, $0x10  }
0xbe: {  	[tilespmem:$0x2810] =	vst v2  }
0xbf: {  	[tilespmem:$0x2890] =	vst v1  }
0xc0: {  	v1 =	vld [tilespmem:s22+$0x20];
	_ =	sdelay $0x4  }
0xc1: {  	v2 =	vand.u32 $0xFFFF, v1;
	v1 =	vshrl.u32 v1, $0x10  }
0xc2: {  	[tilespmem:$0x2820] =	vst v2  }
0xc3: {  	[tilespmem:$0x28A0] =	vst v1  }
0xc4: {  	v1 =	vld [tilespmem:s22+$0x30];
	_ =	sdelay $0x4  }
0xc5: {  	v2 =	vand.u32 $0xFFFF, v1;
	v1 =	vshrl.u32 v1, $0x10  }
0xc6: {  	[tilespmem:$0x2830] =	vst v2  }
0xc7: {  	[tilespmem:$0x28B0] =	vst v1  }
0xc8: {  	v1 =	vld [tilespmem:s22+$0x40];
	_ =	sdelay $0x4  }
0xc9: {  	v2 =	vand.u32 $0xFFFF, v1;
	v1 =	vshrl.u32 v1, $0x10  }
0xca: {  	[tilespmem:$0x2840] =	vst v2  }
0xcb: {  	[tilespmem:$0x28C0] =	vst v1  }
0xcc: {  	v1 =	vld [tilespmem:s22+$0x50];
	_ =	sdelay $0x4  }
0xcd: {  	v2 =	vand.u32 $0xFFFF, v1;
	v1 =	vshrl.u32 v1, $0x10  }
0xce: {  	[tilespmem:$0x2850] =	vst v2  }
0xcf: {  	[tilespmem:$0x28D0] =	vst v1  }
0xd0: {  	v1 =	vld [tilespmem:s22+$0x60];
	_ =	sdelay $0x4  }
0xd1: {  	v2 =	vand.u32 $0xFFFF, v1;
	v1 =	vshrl.u32 v1, $0x10  }
0xd2: {  	[tilespmem:$0x2860] =	vst v2  }
0xd3: {  	[tilespmem:$0x28E0] =	vst v1  }
0xd4: {  	v1 =	vld [tilespmem:s22+$0x70];
	_ =	sdelay $0x4  }
0xd5: {  	v2 =	vand.u32 $0xFFFF, v1;
	v1 =	vshrl.u32 v1, $0x10  }
0xd6: {  	[tilespmem:$0x2870] =	vst v2  }
0xd7: {  	[tilespmem:$0x28F0] =	vst v1  }
0xd8: {  	[tilespmem:s13], [sflag:$0x1] =	stream.indirect.gather [hbm4b:s1+s11], $0x80, s12, s11, $0xb8;
	[tilespmem:$0x1EA00] =	vst v63  }
0xd9: {  	v1 =	vld [tilespmem:s22+$0x80];
	_ =	sdelay $0x4  }
0xda: {  	v2 =	vand.u32 $0xFFFF, v1;
	v1 =	vshrl.u32 v1, $0x10  }
0xdb: {  	[tilespmem:$0x2900] =	vst v2  }
0xdc: {  	[tilespmem:$0x2980] =	vst v1  }
0xdd: {  	v1 =	vld [tilespmem:s22+$0x90];
	_ =	sdelay $0x4  }
0xde: {  	v2 =	vand.u32 $0xFFFF, v1;
	v1 =	vshrl.u32 v1, $0x10  }
0xdf: {  	[tilespmem:$0x2910] =	vst v2  }
0xe0: {  	[tilespmem:$0x2990] =	vst v1  }
0xe1: {  	v1 =	vld [tilespmem:s22+$0xA0];
	_ =	sdelay $0x4  }
0xe2: {  	v2 =	vand.u32 $0xFFFF, v1;
	v1 =	vshrl.u32 v1, $0x10  }
0xe3: {  	[tilespmem:$0x2920] =	vst v2  }
0xe4: {  	[tilespmem:$0x29A0] =	vst v1  }
0xe5: {  	v1 =	vld [tilespmem:s22+$0xB0];
	_ =	sdelay $0x4  }
0xe6: {  	v2 =	vand.u32 $0xFFFF, v1;
	v1 =	vshrl.u32 v1, $0x10  }
0xe7: {  	[tilespmem:$0x2930] =	vst v2  }
0xe8: {  	[tilespmem:$0x29B0] =	vst v1  }
0xe9: {  	v1 =	vld [tilespmem:s22+$0xC0];
	_ =	sdelay $0x4  }
0xea: {  	v2 =	vand.u32 $0xFFFF, v1;
	v1 =	vshrl.u32 v1, $0x10  }
0xeb: {  	[tilespmem:$0x2940] =	vst v2  }
0xec: {  	[tilespmem:$0x29C0] =	vst v1  }
0xed: {  	v1 =	vld [tilespmem:s22+$0xD0];
	_ =	sdelay $0x4  }
0xee: {  	v2 =	vand.u32 $0xFFFF, v1;
	v1 =	vshrl.u32 v1, $0x10  }
0xef: {  	[tilespmem:$0x2950] =	vst v2  }
0xf0: {  	[tilespmem:$0x29D0] =	vst v1  }
0xf1: {  	v1 =	vld [tilespmem:s22+$0xE0];
	_ =	sdelay $0x1  }
.Ltmp1:
0xf2: {  	(pc) =	sbr.rel @p0 .LBB2_4-.Ltmp1, $3  }
0xf3: {  	_ =	sdelay $0x1  }
0xf4: {  	v2 =	vand.u32 $0xFFFF, v1;
	v1 =	vshrl.u32 v1, $0x10  }
0xf5: {  	[tilespmem:$0x2960] =	vst v2  }
0xf6: {  	[tilespmem:$0x29E0] =	vst v1  }
0xf7: {  	v1 =	vld [tilespmem:s22+$0xF0];
	_ =	sdelay $0x4  }
0xf8: {  	v2 =	vand.u32 $0xFFFF, v1  }
0xf9: {  	v1 =	vshrl.u32 v1, $0x10;
	[tilespmem:$0x2970] =	vst v2  }
0xfa: {  	[tilespmem:$0x29F0] =	vst v1  }
0xfb: {  	[tilespmem:s15], [sflag:$0x1] =	stream.indirect.gather [hbm4b:s1+s11], $0x80, s14, s11, $0xb8;
	[tilespmem:$0x1EA00] =	vst v63  }
0xfc: {  	_ =	swait.ge [sflag:s16], $0x4000  }
0xfd: {  	[sflag:s16] =	ssyncset.done $0x0  }
0xfe: {  	[sflag:s16] =	ssyncadd.s32 $0xFFFFC000  }
0xff: {  	_ =	swait.ge [sflag:s16], $0x4000  }
0x100: {  	[sflag:s16] =	ssyncset.done $0x0  }
0x101: {  	[sflag:s16] =	ssyncadd.s32 $0xFFFFC000  }
0x102: {  	[spmem:s3] =	stream.indirect.scatter.add.f32 [tilespmem:s13], [sflag:$0x1], $0x80, s17, s11, $0xb8;
	[tilespmem:$0x1EA00] =	vst v63  }
0x103: {  	_ = 	snop  }
0x104: {  	[spmem:s3] =	stream.indirect.scatter.add.f32 [tilespmem:s15], [sflag:$0x1], $0x80, s18, s11, $0xb8;
	[tilespmem:$0x1EA00] =	vst v63  }
0x105: {  	_ =	swait.ge [sflag:s16], $0x4000  }
0x106: {  	[sflag:s16] =	ssyncset.done $0x0  }
0x107: {  	[sflag:s16] =	ssyncadd.s32 $0xFFFFC000  }
0x108: {  	_ =	swait.ge [sflag:s16], $0x4000  }
0x109: {  	s21 =	sadd.s32 $0x1, s21;
	[sflag:s16] =	ssyncset.done $0x0  }
0x10a: {  	p0 =	sne.s32 s21, s7;
	[sflag:s16] =	ssyncadd.s32 $0xFFFFC000  }
.Ltmp2:
0x10b: {  	[bflag:$0x0] =	sbarrier.arrive $0xFFFF;
	(pc) =	sbr.rel @p0 .LBB2_1-.Ltmp2, $4  }
0x10c: {  	[hbm:s8], [sflag:s19] =	dma.local [spmem:s20], $0x2780  }
0x10d: {  	_ =	swait.ge [sflag:s9], $0x2780  }
0x10e: {  	[sflag:s9] =	ssyncset.done $0x0  }
0x10f: {  	[sflag:s9] =	ssyncadd.s32 $0xFFFFD880  }
0x110: {  	_ =	sfence.sel $0x180000  }
0x111: {  	[bflag:$0x0] =	sbarrier.arrive $0xFFFF  }
0x112: {  	p0 =	sne.s32 s2, $0x0;
	_ =	strace $0x9000004D  }
0x113: {  	s0 =	sadd.s32 @!p0 $0x100000, s0;
	[bflag:$0x2] =	sbarrier.arrive $0xFFFF  }
0x114: {  	[sflag:s0] =	ssyncadd.tile.s32 @!p0 $0x1;
	_ =	shalt  }
.Lfunc_end2:
_tile_overlayer_lowered:
.L_overlay_start_2:
0x115: {  	(tag) =	ssettag $0x2  }
0x116: {  	s0 =	rddreg [dreg:$0x0];
	s2 =	stileid.u32  }
0x117: {  	s1 =	rddreg [dreg:$0x1];
	p0 =	sne.s32 s2, $0x0  }
0x118: {  	s3 =	rddreg [dreg:$0x2];
	[bflag:$0x3] =	sbarrier.arrive $0xFFFF;
	s2 =	simm.s32 @!p0 $0x1C02  }
0x119: {  	[timem:s3], [sflag:s2] =	dma.local @!p0 [hbm:s0], s1  }
0x11a: {  	s0 =	simm.s32 @!p0 $0x2  }
0x11b: {  	_ =	swait.ge @!p0 [sflag:s0], s1  }
0x11c: {  	s1 =	ssub.s32 @!p0 $0x0, s1;
	[sflag:s0] =	ssyncset.done @!p0 $0x0  }
0x11d: {  	[sflag:s0] =	ssyncadd.s32 @!p0 s1  }
0x11e: {  	[bflag:$0x3] =	sbarrier.arrive $0xFFFF  }
0x11f: {  	_ =	shalt  }

</sc_bundles>
